<compile_context>
chip_gen: v7x
topology: tpu7x:2x2x1
jax: 0.10.2.dev20260603
libtpu: 0.0.44.dev20260713+nightly
codegen_flags: <defaults>
</compile_context>

<pallas_src>
import functools

import jax
import jax.numpy as jnp
from jax import lax
from jax.experimental import pallas as pl
from jax.experimental.pallas import tpu as pltpu
from jax.experimental.pallas import tpu_sc as plsc

B, C, N, O = 8, 4, 2048, 64
KMAX = 40
RCOLS = 128
T_C = 256
NC, NS = 2, 16
NW = NC * NS
NGRP = (B * N) // 16
GPT = NGRP // NW
G1, G2 = 128, 8


def _pairwise_kernel(xt_ref, xc_ref, p_ref, gm_ref, sg_ref):
    xt = xt_ref[0]
    xc = xc_ref[0]
    m = lax.dot_general(xt, xc, (((1,), (0,)), ((), ())),
                        preferred_element_type=jnp.float32)
    xsq_t = jnp.sum(xt * xt, axis=1, keepdims=True)
    xsq_r = jnp.sum(xc * xc, axis=0, keepdims=True)
    p = (2.0 * m - xsq_t) - xsq_r
    p_ref[0, 0] = p
    gm = jnp.max(p.reshape(G1, 16, RCOLS), axis=1)
    gm_ref[0, 0] = gm
    sg_ref[0, 0] = jnp.max(gm.reshape(G2, 16, RCOLS), axis=1)


def _pairwise(xt, x, hb):
    return pl.pallas_call(
        _pairwise_kernel,
        grid=(hb, N // RCOLS),
        in_specs=[
            pl.BlockSpec((1, N, C), lambda b, i: (b, 0, 0)),
            pl.BlockSpec((1, C, RCOLS), lambda b, i: (b, 0, i)),
        ],
        out_specs=[
            pl.BlockSpec((1, 1, N, RCOLS), lambda b, i: (b, i, 0, 0)),
            pl.BlockSpec((1, 1, G1, RCOLS), lambda b, i: (b, i, 0, 0)),
            pl.BlockSpec((1, 1, G2, RCOLS), lambda b, i: (b, i, 0, 0)),
        ],
        out_shape=[
            jax.ShapeDtypeStruct((hb, N // RCOLS, N, RCOLS), jnp.float32),
            jax.ShapeDtypeStruct((hb, N // RCOLS, G1, RCOLS), jnp.float32),
            jax.ShapeDtypeStruct((hb, N // RCOLS, G2, RCOLS), jnp.float32),
        ],
    )(xt, x)


_mesh = plsc.VectorSubcoreMesh(core_axis_name="c", subcore_axis_name="s")


def _make_topk(hb):
  gpt = (hb * N // 16) // NW

  @functools.partial(
      pl.kernel,
      mesh=_mesh,
      compiler_params=pltpu.CompilerParams(use_tc_tiling_on_sc=False,
                                           needs_layout_passes=False),
      out_type=jax.ShapeDtypeStruct((hb, C, KMAX, N), jnp.float32),
      scratch_types=[
          pltpu.VMEM((N, 16), jnp.float32),
          pltpu.VMEM((N, 16), jnp.float32),
          pltpu.VMEM((C, N), jnp.float32),
          pltpu.VMEM((G1, 16), jnp.float32),
          pltpu.VMEM((G1, 16), jnp.float32),
          pltpu.VMEM((G2, 16), jnp.float32),
          pltpu.VMEM((G2, 16), jnp.float32),
          pltpu.VMEM((C, KMAX, 16), jnp.float32),
          pltpu.SemaphoreType.DMA,
          pltpu.SemaphoreType.DMA,
      ],
  )
  def _topk_gather(pt_hbm, gm_hbm, sg_hbm, x_hbm, xg_hbm,
                   ptv0, ptv1, xv, gmv0, gmv1, sgv0, sgv1, xgv, sem0, sem1):
    wid = lax.axis_index("c") * NS + lax.axis_index("s")
    lane = lax.iota(jnp.int32, 16)
    neg = jnp.full((16,), -jnp.inf, jnp.float32)

    b_tec = wid // ((N // 16) // gpt)
    pltpu.sync_copy(x_hbm.at[b_tec], xv)

    def addr(g):
        grp = wid * gpt + jnp.minimum(g, gpt - 1)
        b = grp // (N // 16)
        rem = grp % (N // 16)
        return b, rem // 8, (rem % 8) * 16

    def start_fetch(g, ptv, gmv, sgv, sem):
        b, gi, r0 = addr(g)
        pltpu.async_copy(pt_hbm.at[b, gi, :, pl.ds(r0, 16)], ptv, sem)
        pltpu.async_copy(gm_hbm.at[b, gi, :, pl.ds(r0, 16)], gmv, sem)
        pltpu.async_copy(sg_hbm.at[b, gi, :, pl.ds(r0, 16)], sgv, sem)

    def drain(ptv, gmv, sgv, sem):
        pltpu.make_async_copy(pt_hbm.at[0, 0, :, pl.ds(0, 16)], ptv, sem).wait()
        pltpu.make_async_copy(gm_hbm.at[0, 0, :, pl.ds(0, 16)], gmv, sem).wait()
        pltpu.make_async_copy(sg_hbm.at[0, 0, :, pl.ds(0, 16)], sgv, sem).wait()

    def process(g, ptv, gmv, sgv):
        grp = wid * gpt + g
        b = grp // (N // 16)
        i0 = (grp % (N // 16)) * 16

        def ex_body(t, c1):
            m0 = plsc.load_gather(sgv, [jnp.zeros((16,), jnp.int32), lane])
            sidx = jnp.zeros((16,), jnp.int32)
            for s in range(1, G2):
                sv = jnp.full((16,), s, jnp.int32)
                v = plsc.load_gather(sgv, [sv, lane])
                cm = v > m0
                m0 = jnp.where(cm, v, m0)
                sidx = jnp.where(cm, sv, sidx)
            gbase = sidx * 16
            gvals = []
            m1 = plsc.load_gather(gmv, [gbase, lane])
            gidx = gbase
            gvals.append((gbase, m1))
            for t2 in range(1, 16):
                gv = gbase + t2
                v = plsc.load_gather(gmv, [gv, lane])
                gvals.append((gv, v))
                cm = v > m1
                m1 = jnp.where(cm, v, m1)
                gidx = jnp.where(cm, gv, gidx)
            jbase = gidx * 16
            evals = []
            m2 = plsc.load_gather(ptv, [jbase, lane])
            jidx = jbase
            evals.append((jbase, m2))
            for t3 in range(1, 16):
                jv = jbase + t3
                v = plsc.load_gather(ptv, [jv, lane])
                evals.append((jv, v))
                cm = v > m2
                m2 = jnp.where(cm, v, m2)
                jidx = jnp.where(cm, jv, jidx)
            tt = jnp.full((16,), t, jnp.int32)
            for cc in range(C):
                ccv = jnp.full((16,), cc, jnp.int32)
                xval = plsc.load_gather(xv, [ccv, jidx])
                plsc.store_scatter(xgv, [ccv, tt, lane], xval)
            plsc.store_scatter(ptv, [jidx, lane], neg)
            ngm = neg
            for (jv, v) in evals:
                ngm = jnp.maximum(ngm, jnp.where(jv == jidx, neg, v))
            plsc.store_scatter(gmv, [gidx, lane], ngm)
            nsg = neg
            for (gv, v) in gvals:
                nsg = jnp.maximum(nsg, jnp.where(gv == gidx, ngm, v))
            plsc.store_scatter(sgv, [sidx, lane], nsg)
            return c1
        lax.fori_loop(0, KMAX, ex_body, 0)

        pltpu.sync_copy(xgv, xg_hbm.at[b, :, :, pl.ds(i0, 16)])

    start_fetch(0, ptv0, gmv0, sgv0, sem0)

    def pair_body(h, carry):
        g = h * 2
        start_fetch(g + 1, ptv1, gmv1, sgv1, sem1)
        drain(ptv0, gmv0, sgv0, sem0)
        process(g, ptv0, gmv0, sgv0)
        start_fetch(g + 2, ptv0, gmv0, sgv0, sem0)
        drain(ptv1, gmv1, sgv1, sem1)
        process(g + 1, ptv1, gmv1, sgv1)
        return carry
    lax.fori_loop(0, gpt // 2, pair_body, 0)

    drain(ptv0, gmv0, sgv0, sem0)

  return _topk_gather


_topk_half = _make_topk(B // 2)


def _leaky(h):
    return jnp.where(h >= 0, h, 0.2 * h)


def _scales_kernel(xg_ref, x_ref, acat_ref, dcat_ref, bcat_ref,
                   wa1_ref, ba1_ref, wa2_ref, ba2_ref,
                   fused_ref, w_ref):
    x = x_ref[0]
    acat = acat_ref[...]
    zcat = jnp.dot(dcat_ref[...], x, preferred_element_type=jnp.float32) \
        + bcat_ref[...]

    feats = []
    m = None
    for kk in range(KMAX):
        y = jnp.dot(acat, xg_ref[0, :, kk, :],
                    preferred_element_type=jnp.float32)
        m = y if m is None else jnp.maximum(m, y)
        if kk == 9:
            feats.append(_leaky(m[0:O] + zcat[0:O]))
        elif kk == 19:
            feats.append(_leaky(m[O:2 * O] + zcat[O:2 * O]))
        elif kk == 39:
            feats.append(_leaky(m[2 * O:3 * O] + zcat[2 * O:3 * O]))

    cc = jnp.concatenate(feats, axis=0)
    a = jnp.dot(wa1_ref[...], cc, preferred_element_type=jnp.float32) + ba1_ref[...]
    a = jnp.maximum(a, 0.0)
    logits = jnp.dot(wa2_ref[...], a, preferred_element_type=jnp.float32) + ba2_ref[...]
    lmax = jnp.max(logits, axis=0, keepdims=True)
    ex = jnp.exp(logits - lmax)
    w = ex / jnp.sum(ex, axis=0, keepdims=True)
    w_ref[0] = w
    fused = w[0:1] * feats[0] + w[1:2] * feats[1] + w[2:3] * feats[2]
    fused_ref[0] = fused


def _scales(xg, x, acat, dcat, bcat, wa1p, ba1p, wa2, ba2, hb):
    return pl.pallas_call(
        _scales_kernel,
        grid=(hb, N // T_C),
        in_specs=[
            pl.BlockSpec((1, C, KMAX, T_C), lambda b, t: (b, 0, 0, t)),
            pl.BlockSpec((1, C, T_C), lambda b, t: (b, 0, t)),
            pl.BlockSpec((3 * O, C), lambda b, t: (0, 0)),
            pl.BlockSpec((3 * O, C), lambda b, t: (0, 0)),
            pl.BlockSpec((3 * O, 1), lambda b, t: (0, 0)),
            pl.BlockSpec((O, 3 * O), lambda b, t: (0, 0)),
            pl.BlockSpec((O, 1), lambda b, t: (0, 0)),
            pl.BlockSpec((3, O), lambda b, t: (0, 0)),
            pl.BlockSpec((3, 1), lambda b, t: (0, 0)),
        ],
        out_specs=[
            pl.BlockSpec((1, O, T_C), lambda b, t: (b, 0, t)),
            pl.BlockSpec((1, 3, T_C), lambda b, t: (b, 0, t)),
        ],
        out_shape=[
            jax.ShapeDtypeStruct((hb, O, N), jnp.float32),
            jax.ShapeDtypeStruct((hb, 3, N), jnp.float32),
        ],
    )(xg, x, acat, dcat, bcat, wa1p, ba1p, wa2, ba2)


def kernel(x, W0, g0, b0, W1, g1, b1, W2, g2, b2, Wa1, ba1, ga, bba, Wa2, ba2):
    acat = jnp.concatenate([g0[:, None] * W0[:, :C],
                            g1[:, None] * W1[:, :C],
                            g2[:, None] * W2[:, :C]], axis=0)
    dcat = jnp.concatenate([g0[:, None] * (W0[:, C:] - W0[:, :C]),
                            g1[:, None] * (W1[:, C:] - W1[:, :C]),
                            g2[:, None] * (W2[:, C:] - W2[:, :C])], axis=0)
    bcat = jnp.concatenate([b0, b1, b2], axis=0)[:, None]
    wa1p = ga[:, None] * Wa1
    ba1p = (ga * ba1 + bba)[:, None]
    ba2c = ba2[:, None]

    xt = jnp.transpose(x, (0, 2, 1))
    hb = B // 2
    outs = []
    for h in range(2):
        xh = x[h * hb:(h + 1) * hb]
        xth = xt[h * hb:(h + 1) * hb]
        pt, gm, sg = _pairwise(xth, xh, hb)
        xg = _topk_half(pt, gm, sg, xh)
        outs.append(_scales(xg, xh, acat, dcat, bcat, wa1p, ba1p, Wa2, ba2c,
                            hb))
    fused = jnp.concatenate([outs[0][0], outs[1][0]], axis=0)
    w = jnp.concatenate([outs[0][1], outs[1][1]], axis=0)
    return fused, w

# --- scband reference (transcript-rebuilt; emitter-appended) ---
"""Pipeline reference for scband-dn-ms-liquid-net-v2-torch-89283780149959 (READ-ONLY COPY).

The authoritative reference and input builder live on the scoring server;
editing this copy changes nothing except your own understanding.
"""

import jax, jax.numpy as jnp
import numpy as np

K_SCALES = [10, 20, 40]


def knn(x, k):
    # x: [B, C, N]
    xt = jnp.transpose(x, (0, 2, 1))
    inner = -2.0 * jnp.matmul(xt, x)
    xx = jnp.sum(x ** 2, axis=1, keepdims=True)
    pairwise = -xx - inner - jnp.transpose(xx, (0, 2, 1))
    _, idx = jax.lax.top_k(pairwise, k)
    return idx  # [B, N, k]


def get_graph_feature(x, k):
    idx = knn(x, k)
    x_t = jnp.transpose(x, (0, 2, 1))  # [B, N, C]
    neighbor = jax.vmap(lambda xt_b, i_b: xt_b[i_b])(x_t, idx)  # [B, N, k, C]
    center = jnp.broadcast_to(x_t[:, :, None, :], neighbor.shape)
    edge = jnp.concatenate([neighbor - center, center], axis=-1)  # [B, N, k, 2C]
    return jnp.transpose(edge, (0, 3, 1, 2))  # [B, 2C, N, k]


def _leaky(h):
    return jnp.where(h >= 0, h, 0.2 * h)


def _scale_branch(x, k, W, g, b):
    ef = get_graph_feature(x, k)                       # [B, 2C, N, k]
    h = jnp.einsum('bcnk,oc->bonk', ef, W)             # 1x1 conv2d, no bias
    h = g[None, :, None, None] * h + b[None, :, None, None]  # eval-mode BN (rm=0, rv=1)
    h = _leaky(h)
    return jnp.max(h, axis=-1)                         # [B, O, N]


def setup_inputs(seed: int = 0) -> dict:
    key = jax.random.key(seed)
    ks = jax.random.split(key, 8)
    B, C, N, O = 8, 4, 2048, 64
    inp = {}
    inp['x'] = jax.random.normal(ks[0], (B, C, N), dtype=jnp.float32)
    for i in range(3):
        inp[f'W{i}'] = jax.random.normal(ks[1 + i], (O, 2 * C), dtype=jnp.float32) * 0.1
        inp[f'g{i}'] = jnp.ones((O,), jnp.float32)
        inp[f'b{i}'] = jnp.zeros((O,), jnp.float32)
    inp['Wa1'] = jax.random.normal(ks[4], (O, 3 * O), dtype=jnp.float32) * 0.05
    inp['ba1'] = jnp.zeros((O,), jnp.float32)
    inp['ga'] = jnp.ones((O,), jnp.float32)
    inp['bba'] = jnp.zeros((O,), jnp.float32)
    inp['Wa2'] = jax.random.normal(ks[5], (3, O), dtype=jnp.float32) * 0.05
    inp['ba2'] = jnp.zeros((3,), jnp.float32)
    return inp


def reference(x, W0, g0, b0, W1, g1, b1, W2, g2, b2, Wa1, ba1, ga, bba, Wa2, ba2):
    # MultiScaleEdgeConv: per-scale knn graph feature + 1x1 conv + BN + LeakyReLU + max-pool over k
    params = [(W0, g0, b0), (W1, g1, b1), (W2, g2, b2)]
    feats = [_scale_branch(x, k, W, g, b) for k, (W, g, b) in zip(K_SCALES, params)]
    # AdaptiveScaleFusion
    concat = jnp.concatenate(feats, axis=1)                     # [B, 3O, N]
    a = jnp.einsum('bcn,oc->bon', concat, Wa1) + ba1[None, :, None]
    a = ga[None, :, None] * a + bba[None, :, None]              # eval-mode BN
    a = jax.nn.relu(a)
    logits = jnp.einsum('bcn,oc->bon', a, Wa2) + ba2[None, :, None]  # [B, 3, N]
    w = jax.nn.softmax(logits, axis=1)
    fused = jnp.zeros_like(feats[0])
    for i in range(3):
        fused = fused + w[:, i:i + 1, :] * feats[i]
    return fused, w

if __name__ == "__main__":
    import jax
    _d = setup_inputs()
    print(jax.jit(kernel)(*tuple(_d.values())))

</pallas_src>

<mosaic_0001>
#map = affine_map<(d0, d1) -> (0, 0, 0, 0)>
#map1 = affine_map<(d0, d1) -> (0, 0, 0)>
module attributes {stable_mosaic.version = 14 : i64} {
  func.func @_topk_gather(%arg0: i32, %arg1: i32, %arg2: memref<4x16x2048x128xf32, #tpu.memory_space<hbm>>, %arg3: memref<4x16x128x128xf32, #tpu.memory_space<hbm>>, %arg4: memref<4x16x8x128xf32, #tpu.memory_space<hbm>>, %arg5: memref<4x4x2048xf32, #tpu.memory_space<hbm>>, %arg6: memref<4x4x40x2048xf32, #tpu.memory_space<hbm>>, %arg7: memref<2048x16xf32, #tpu.memory_space<vmem>>, %arg8: memref<2048x16xf32, #tpu.memory_space<vmem>>, %arg9: memref<4x2048xf32, #tpu.memory_space<vmem>>, %arg10: memref<128x16xf32, #tpu.memory_space<vmem>>, %arg11: memref<128x16xf32, #tpu.memory_space<vmem>>, %arg12: memref<8x16xf32, #tpu.memory_space<vmem>>, %arg13: memref<8x16xf32, #tpu.memory_space<vmem>>, %arg14: memref<4x40x16xf32, #tpu.memory_space<vmem>>, %arg15: memref<!tpu.dma_semaphore, #tpu.memory_space<semaphore_mem>>, %arg16: memref<!tpu.dma_semaphore, #tpu.memory_space<semaphore_mem>>) attributes {dimension_semantics = [#tpu.dimension_semantics<core_parallel>, #tpu.dimension_semantics<subcore_parallel>], iteration_bounds = array<i64: 2, 16>, scalar_prefetch = 0 : i64, scratch_operands = 10 : i64, tpu.core_type = #tpu.core_type<sc_vector_subcore>, window_params = [{transform_indices = #map}, {transform_indices = #map}, {transform_indices = #map}, {transform_indices = #map1}, {transform_indices = #map}]} {
    %mul3A = arith.constant 16 : i32
    %mul3A_0 = arith.muli %arg0, %mul3A : i32
    %add3A = arith.addi %mul3A_0, %arg1 : i32
    %iota3A = tpu.iota {dimensions = array<i32: 0>} : vector<16xi32>
    %broadcast_in_dim3A = arith.constant 0xFF800000 : f32
    %broadcast_in_dim3A_1 = vector.broadcast %broadcast_in_dim3A : f32 to vector<16xf32>
    %jit3A = arith.constant 8 : i32
    %div3A = arith.divsi %add3A, %jit3A : i32
    %sign3A = arith.constant 0 : i32
    %sign3A_2 = arith.cmpi sgt, %add3A, %sign3A : i32
    %sign3A_3 = arith.extui %sign3A_2 : i1 to i32
    %sign3A_4 = arith.constant 0 : i32
    %sign3A_5 = arith.cmpi slt, %add3A, %sign3A_4 : i32
    %sign3A_6 = arith.extui %sign3A_5 : i1 to i32
    %sign3A_7 = arith.subi %sign3A_3, %sign3A_6 : i32
    %sign3A_8 = arith.constant 0 : i32
    %sign3A_9 = arith.cmpi sgt, %jit3A, %sign3A_8 : i32
    %sign3A_10 = arith.extui %sign3A_9 : i1 to i32
    %sign3A_11 = arith.constant 0 : i32
    %sign3A_12 = arith.cmpi slt, %jit3A, %sign3A_11 : i32
    %sign3A_13 = arith.extui %sign3A_12 : i1 to i32
    %sign3A_14 = arith.subi %sign3A_10, %sign3A_13 : i32
    %ne3A = arith.cmpi ne, %sign3A_7, %sign3A_14 : i32
    %rem3A = arith.remsi %add3A, %jit3A : i32
    %ne3A_15 = arith.constant 0 : i32
    %ne3A_16 = arith.cmpi ne, %rem3A, %ne3A_15 : i32
    %and3A = arith.andi %ne3A, %ne3A_16 : i1
    %sub3A = arith.constant 1 : i32
    %sub3A_17 = arith.subi %div3A, %sub3A : i32
    %select_n3A = arith.select %and3A, %sub3A_17, %div3A : i32
    "tpu.region"() ({
      %run_scoped3A = tpu.sem_alloc : memref<!tpu.dma_semaphore, #tpu.memory_space<semaphore_mem>>
      %dma_start3A_154 = arith.constant 0 : i32
      %dma_start3A_155 = arith.constant 0 : i32
      %dma_start3A_156 = tpu.memref_slice %arg5[%select_n3A, %dma_start3A_154, %dma_start3A_155] : memref<4x4x2048xf32, #tpu.memory_space<hbm>> -> memref<1x4x2048xf32, #tpu.memory_space<hbm>>
      %dma_start3A_157 = tpu.memref_squeeze %dma_start3A_156 : memref<1x4x2048xf32, #tpu.memory_space<hbm>> -> memref<4x2048xf32, #tpu.memory_space<hbm>>
      %dma_start3A_158 = arith.constant 0 : i32
      %dma_start3A_159 = arith.constant 0 : i32
      %dma_start3A_160 = tpu.memref_slice %arg5[%select_n3A, %dma_start3A_158, %dma_start3A_159] : memref<4x4x2048xf32, #tpu.memory_space<hbm>> -> memref<1x4x2048xf32, #tpu.memory_space<hbm>>
      %dma_start3A_161 = tpu.memref_squeeze %dma_start3A_160 : memref<1x4x2048xf32, #tpu.memory_space<hbm>> -> memref<4x2048xf32, #tpu.memory_space<hbm>>
      tpu.enqueue_dma source(%dma_start3A_161 : memref<4x2048xf32, #tpu.memory_space<hbm>>) target(%arg9 : memref<4x2048xf32, #tpu.memory_space<vmem>>) target_semaphore(%run_scoped3A : memref<!tpu.dma_semaphore, #tpu.memory_space<semaphore_mem>>)
      %dma_wait3A_162 = arith.constant 0 : i32
      %dma_wait3A_163 = arith.constant 0 : i32
      %dma_wait3A_164 = tpu.memref_slice %arg5[%select_n3A, %dma_wait3A_162, %dma_wait3A_163] : memref<4x4x2048xf32, #tpu.memory_space<hbm>> -> memref<1x4x2048xf32, #tpu.memory_space<hbm>>
      %dma_wait3A_165 = tpu.memref_squeeze %dma_wait3A_164 : memref<1x4x2048xf32, #tpu.memory_space<hbm>> -> memref<4x2048xf32, #tpu.memory_space<hbm>>
      %dma_wait3A_166 = arith.constant 0 : i32
      %dma_wait3A_167 = arith.constant 0 : i32
      %dma_wait3A_168 = tpu.memref_slice %arg5[%select_n3A, %dma_wait3A_166, %dma_wait3A_167] : memref<4x4x2048xf32, #tpu.memory_space<hbm>> -> memref<1x4x2048xf32, #tpu.memory_space<hbm>>
      %dma_wait3A_169 = tpu.memref_squeeze %dma_wait3A_168 : memref<1x4x2048xf32, #tpu.memory_space<hbm>> -> memref<4x2048xf32, #tpu.memory_space<hbm>>
      tpu.wait_dma2 semaphore(%run_scoped3A : memref<!tpu.dma_semaphore, #tpu.memory_space<semaphore_mem>>) src(%dma_wait3A_169 : memref<4x2048xf32, #tpu.memory_space<hbm>>) dst(%arg9 : memref<4x2048xf32, #tpu.memory_space<vmem>>)
      tpu.yield
    }) : () -> ()
    %mul3A_18 = arith.constant 16 : i32
    %mul3A_19 = arith.muli %add3A, %mul3A_18 : i32
    %min3A = arith.constant 0 : i32
    %min3A_20 = arith.constant 15 : i32
    %min3A_21 = arith.minsi %min3A, %min3A_20 : i32
    %add3A_22 = arith.addi %mul3A_19, %min3A_21 : i32
    %jit3A_23 = arith.constant 128 : i32
    %div3A_24 = arith.divsi %add3A_22, %jit3A_23 : i32
    %sign3A_25 = arith.constant 0 : i32
    %sign3A_26 = arith.cmpi sgt, %add3A_22, %sign3A_25 : i32
    %sign3A_27 = arith.extui %sign3A_26 : i1 to i32
    %sign3A_28 = arith.constant 0 : i32
    %sign3A_29 = arith.cmpi slt, %add3A_22, %sign3A_28 : i32
    %sign3A_30 = arith.extui %sign3A_29 : i1 to i32
    %sign3A_31 = arith.subi %sign3A_27, %sign3A_30 : i32
    %sign3A_32 = arith.constant 0 : i32
    %sign3A_33 = arith.cmpi sgt, %jit3A_23, %sign3A_32 : i32
    %sign3A_34 = arith.extui %sign3A_33 : i1 to i32
    %sign3A_35 = arith.constant 0 : i32
    %sign3A_36 = arith.cmpi slt, %jit3A_23, %sign3A_35 : i32
    %sign3A_37 = arith.extui %sign3A_36 : i1 to i32
    %sign3A_38 = arith.subi %sign3A_34, %sign3A_37 : i32
    %ne3A_39 = arith.cmpi ne, %sign3A_31, %sign3A_38 : i32
    %rem3A_40 = arith.remsi %add3A_22, %jit3A_23 : i32
    %ne3A_41 = arith.constant 0 : i32
    %ne3A_42 = arith.cmpi ne, %rem3A_40, %ne3A_41 : i32
    %and3A_43 = arith.andi %ne3A_39, %ne3A_42 : i1
    %sub3A_44 = arith.constant 1 : i32
    %sub3A_45 = arith.subi %div3A_24, %sub3A_44 : i32
    %select_n3A_46 = arith.select %and3A_43, %sub3A_45, %div3A_24 : i32
    %jit3A_47 = arith.constant 128 : i32
    %eq3A = arith.constant 0 : i32
    %eq3A_48 = arith.cmpi eq, %jit3A_47, %eq3A : i32
    %jit3A_49 = arith.constant 1 : i32
    %select_n3A_50 = arith.select %eq3A_48, %jit3A_49, %jit3A_47 : i32
    %rem3A_51 = arith.remsi %add3A_22, %select_n3A_50 : i32
    %ne3A_52 = arith.constant 0 : i32
    %ne3A_53 = arith.cmpi ne, %rem3A_51, %ne3A_52 : i32
    %lt3A = arith.constant 0 : i32
    %lt3A_54 = arith.cmpi slt, %rem3A_51, %lt3A : i32
    %lt3A_55 = arith.constant 0 : i32
    %lt3A_56 = arith.cmpi slt, %select_n3A_50, %lt3A_55 : i32
    %ne3A_57 = arith.xori %lt3A_54, %lt3A_56 : i1
    %and3A_58 = arith.andi %ne3A_57, %ne3A_53 : i1
    %add3A_59 = arith.addi %rem3A_51, %select_n3A_50 : i32
    %select_n3A_60 = arith.select %and3A_58, %add3A_59, %rem3A_51 : i32
    %jit3A_61 = arith.constant 8 : i32
    %div3A_62 = arith.divsi %select_n3A_60, %jit3A_61 : i32
    %sign3A_63 = arith.constant 0 : i32
    %sign3A_64 = arith.cmpi sgt, %select_n3A_60, %sign3A_63 : i32
    %sign3A_65 = arith.extui %sign3A_64 : i1 to i32
    %sign3A_66 = arith.constant 0 : i32
    %sign3A_67 = arith.cmpi slt, %select_n3A_60, %sign3A_66 : i32
    %sign3A_68 = arith.extui %sign3A_67 : i1 to i32
    %sign3A_69 = arith.subi %sign3A_65, %sign3A_68 : i32
    %sign3A_70 = arith.constant 0 : i32
    %sign3A_71 = arith.cmpi sgt, %jit3A_61, %sign3A_70 : i32
    %sign3A_72 = arith.extui %sign3A_71 : i1 to i32
    %sign3A_73 = arith.constant 0 : i32
    %sign3A_74 = arith.cmpi slt, %jit3A_61, %sign3A_73 : i32
    %sign3A_75 = arith.extui %sign3A_74 : i1 to i32
    %sign3A_76 = arith.subi %sign3A_72, %sign3A_75 : i32
    %ne3A_77 = arith.cmpi ne, %sign3A_69, %sign3A_76 : i32
    %rem3A_78 = arith.remsi %select_n3A_60, %jit3A_61 : i32
    %ne3A_79 = arith.constant 0 : i32
    %ne3A_80 = arith.cmpi ne, %rem3A_78, %ne3A_79 : i32
    %and3A_81 = arith.andi %ne3A_77, %ne3A_80 : i1
    %sub3A_82 = arith.constant 1 : i32
    %sub3A_83 = arith.subi %div3A_62, %sub3A_82 : i32
    %select_n3A_84 = arith.select %and3A_81, %sub3A_83, %div3A_62 : i32
    %jit3A_85 = arith.constant 8 : i32
    %eq3A_86 = arith.constant 0 : i32
    %eq3A_87 = arith.cmpi eq, %jit3A_85, %eq3A_86 : i32
    %jit3A_88 = arith.constant 1 : i32
    %select_n3A_89 = arith.select %eq3A_87, %jit3A_88, %jit3A_85 : i32
    %rem3A_90 = arith.remsi %select_n3A_60, %select_n3A_89 : i32
    %ne3A_91 = arith.constant 0 : i32
    %ne3A_92 = arith.cmpi ne, %rem3A_90, %ne3A_91 : i32
    %lt3A_93 = arith.constant 0 : i32
    %lt3A_94 = arith.cmpi slt, %rem3A_90, %lt3A_93 : i32
    %lt3A_95 = arith.constant 0 : i32
    %lt3A_96 = arith.cmpi slt, %select_n3A_89, %lt3A_95 : i32
    %ne3A_97 = arith.xori %lt3A_94, %lt3A_96 : i1
    %and3A_98 = arith.andi %ne3A_97, %ne3A_92 : i1
    %add3A_99 = arith.addi %rem3A_90, %select_n3A_89 : i32
    %select_n3A_100 = arith.select %and3A_98, %add3A_99, %rem3A_90 : i32
    %mul3A_101 = arith.constant 16 : i32
    %mul3A_102 = arith.muli %select_n3A_100, %mul3A_101 : i32
    %dma_start3A = arith.constant 0 : i32
    %dma_start3A_103 = tpu.memref_slice %arg2[%select_n3A_46, %select_n3A_84, %dma_start3A, %mul3A_102] : memref<4x16x2048x128xf32, #tpu.memory_space<hbm>> -> memref<1x1x2048x16xf32, #tpu.memory_space<hbm>>
    %dma_start3A_104 = tpu.memref_squeeze %dma_start3A_103 : memref<1x1x2048x16xf32, #tpu.memory_space<hbm>> -> memref<2048x16xf32, #tpu.memory_space<hbm>>
    %dma_start3A_105 = arith.constant 0 : i32
    %dma_start3A_106 = tpu.memref_slice %arg2[%select_n3A_46, %select_n3A_84, %dma_start3A_105, %mul3A_102] : memref<4x16x2048x128xf32, #tpu.memory_space<hbm>> -> memref<1x1x2048x16xf32, #tpu.memory_space<hbm>>
    %dma_start3A_107 = tpu.memref_squeeze %dma_start3A_106 : memref<1x1x2048x16xf32, #tpu.memory_space<hbm>> -> memref<2048x16xf32, #tpu.memory_space<hbm>>
    tpu.enqueue_dma source(%dma_start3A_107 : memref<2048x16xf32, #tpu.memory_space<hbm>>) target(%arg7 : memref<2048x16xf32, #tpu.memory_space<vmem>>) target_semaphore(%arg15 : memref<!tpu.dma_semaphore, #tpu.memory_space<semaphore_mem>>)
    %dma_start3A_108 = arith.constant 0 : i32
    %dma_start3A_109 = tpu.memref_slice %arg3[%select_n3A_46, %select_n3A_84, %dma_start3A_108, %mul3A_102] : memref<4x16x128x128xf32, #tpu.memory_space<hbm>> -> memref<1x1x128x16xf32, #tpu.memory_space<hbm>>
    %dma_start3A_110 = tpu.memref_squeeze %dma_start3A_109 : memref<1x1x128x16xf32, #tpu.memory_space<hbm>> -> memref<128x16xf32, #tpu.memory_space<hbm>>
    %dma_start3A_111 = arith.constant 0 : i32
    %dma_start3A_112 = tpu.memref_slice %arg3[%select_n3A_46, %select_n3A_84, %dma_start3A_111, %mul3A_102] : memref<4x16x128x128xf32, #tpu.memory_space<hbm>> -> memref<1x1x128x16xf32, #tpu.memory_space<hbm>>
    %dma_start3A_113 = tpu.memref_squeeze %dma_start3A_112 : memref<1x1x128x16xf32, #tpu.memory_space<hbm>> -> memref<128x16xf32, #tpu.memory_space<hbm>>
    tpu.enqueue_dma source(%dma_start3A_113 : memref<128x16xf32, #tpu.memory_space<hbm>>) target(%arg10 : memref<128x16xf32, #tpu.memory_space<vmem>>) target_semaphore(%arg15 : memref<!tpu.dma_semaphore, #tpu.memory_space<semaphore_mem>>)
    %dma_start3A_114 = arith.constant 0 : i32
    %dma_start3A_115 = tpu.memref_slice %arg4[%select_n3A_46, %select_n3A_84, %dma_start3A_114, %mul3A_102] : memref<4x16x8x128xf32, #tpu.memory_space<hbm>> -> memref<1x1x8x16xf32, #tpu.memory_space<hbm>>
    %dma_start3A_116 = tpu.memref_squeeze %dma_start3A_115 : memref<1x1x8x16xf32, #tpu.memory_space<hbm>> -> memref<8x16xf32, #tpu.memory_space<hbm>>
    %dma_start3A_117 = arith.constant 0 : i32
    %dma_start3A_118 = tpu.memref_slice %arg4[%select_n3A_46, %select_n3A_84, %dma_start3A_117, %mul3A_102] : memref<4x16x8x128xf32, #tpu.memory_space<hbm>> -> memref<1x1x8x16xf32, #tpu.memory_space<hbm>>
    %dma_start3A_119 = tpu.memref_squeeze %dma_start3A_118 : memref<1x1x8x16xf32, #tpu.memory_space<hbm>> -> memref<8x16xf32, #tpu.memory_space<hbm>>
    tpu.enqueue_dma source(%dma_start3A_119 : memref<8x16xf32, #tpu.memory_space<hbm>>) target(%arg12 : memref<8x16xf32, #tpu.memory_space<vmem>>) target_semaphore(%arg15 : memref<!tpu.dma_semaphore, #tpu.memory_space<semaphore_mem>>)
    %scan3A = arith.constant 0 : i32
    %scan3A_120 = arith.constant 0 : i32
    %scan3A_121 = arith.constant 8 : i32
    %scan3A_122 = arith.addi %scan3A_120, %scan3A_121 : i32
    %scan3A_123 = arith.constant 1 : i32
    scf.for %scan3A_154 = %scan3A_120 to %scan3A_122 step %scan3A_123  : i32 {
      %mul3A_155 = arith.constant 2 : i32
      %mul3A_156 = arith.muli %scan3A_154, %mul3A_155 : i32
      %add3A_157 = arith.constant 1 : i32
      %add3A_158 = arith.addi %mul3A_156, %add3A_157 : i32
      %mul3A_159 = arith.constant 16 : i32
      %mul3A_160 = arith.muli %add3A, %mul3A_159 : i32
      %min3A_161 = arith.constant 15 : i32
      %min3A_162 = arith.minsi %add3A_158, %min3A_161 : i32
      %add3A_163 = arith.addi %mul3A_160, %min3A_162 : i32
      %jit3A_164 = arith.constant 128 : i32
      %div3A_165 = arith.divsi %add3A_163, %jit3A_164 : i32
      %sign3A_166 = arith.constant 0 : i32
      %sign3A_167 = arith.cmpi sgt, %add3A_163, %sign3A_166 : i32
      %sign3A_168 = arith.extui %sign3A_167 : i1 to i32
      %sign3A_169 = arith.constant 0 : i32
      %sign3A_170 = arith.cmpi slt, %add3A_163, %sign3A_169 : i32
      %sign3A_171 = arith.extui %sign3A_170 : i1 to i32
      %sign3A_172 = arith.subi %sign3A_168, %sign3A_171 : i32
      %sign3A_173 = arith.constant 0 : i32
      %sign3A_174 = arith.cmpi sgt, %jit3A_164, %sign3A_173 : i32
      %sign3A_175 = arith.extui %sign3A_174 : i1 to i32
      %sign3A_176 = arith.constant 0 : i32
      %sign3A_177 = arith.cmpi slt, %jit3A_164, %sign3A_176 : i32
      %sign3A_178 = arith.extui %sign3A_177 : i1 to i32
      %sign3A_179 = arith.subi %sign3A_175, %sign3A_178 : i32
      %ne3A_180 = arith.cmpi ne, %sign3A_172, %sign3A_179 : i32
      %rem3A_181 = arith.remsi %add3A_163, %jit3A_164 : i32
      %ne3A_182 = arith.constant 0 : i32
      %ne3A_183 = arith.cmpi ne, %rem3A_181, %ne3A_182 : i32
      %and3A_184 = arith.andi %ne3A_180, %ne3A_183 : i1
      %sub3A_185 = arith.constant 1 : i32
      %sub3A_186 = arith.subi %div3A_165, %sub3A_185 : i32
      %select_n3A_187 = arith.select %and3A_184, %sub3A_186, %div3A_165 : i32
      %jit3A_188 = arith.constant 128 : i32
      %eq3A_189 = arith.constant 0 : i32
      %eq3A_190 = arith.cmpi eq, %jit3A_188, %eq3A_189 : i32
      %jit3A_191 = arith.constant 1 : i32
      %select_n3A_192 = arith.select %eq3A_190, %jit3A_191, %jit3A_188 : i32
      %rem3A_193 = arith.remsi %add3A_163, %select_n3A_192 : i32
      %ne3A_194 = arith.constant 0 : i32
      %ne3A_195 = arith.cmpi ne, %rem3A_193, %ne3A_194 : i32
      %lt3A_196 = arith.constant 0 : i32
      %lt3A_197 = arith.cmpi slt, %rem3A_193, %lt3A_196 : i32
      %lt3A_198 = arith.constant 0 : i32
      %lt3A_199 = arith.cmpi slt, %select_n3A_192, %lt3A_198 : i32
      %ne3A_200 = arith.xori %lt3A_197, %lt3A_199 : i1
      %and3A_201 = arith.andi %ne3A_200, %ne3A_195 : i1
      %add3A_202 = arith.addi %rem3A_193, %select_n3A_192 : i32
      %select_n3A_203 = arith.select %and3A_201, %add3A_202, %rem3A_193 : i32
      %jit3A_204 = arith.constant 8 : i32
      %div3A_205 = arith.divsi %select_n3A_203, %jit3A_204 : i32
      %sign3A_206 = arith.constant 0 : i32
      %sign3A_207 = arith.cmpi sgt, %select_n3A_203, %sign3A_206 : i32
      %sign3A_208 = arith.extui %sign3A_207 : i1 to i32
      %sign3A_209 = arith.constant 0 : i32
      %sign3A_210 = arith.cmpi slt, %select_n3A_203, %sign3A_209 : i32
      %sign3A_211 = arith.extui %sign3A_210 : i1 to i32
      %sign3A_212 = arith.subi %sign3A_208, %sign3A_211 : i32
      %sign3A_213 = arith.constant 0 : i32
      %sign3A_214 = arith.cmpi sgt, %jit3A_204, %sign3A_213 : i32
      %sign3A_215 = arith.extui %sign3A_214 : i1 to i32
      %sign3A_216 = arith.constant 0 : i32
      %sign3A_217 = arith.cmpi slt, %jit3A_204, %sign3A_216 : i32
      %sign3A_218 = arith.extui %sign3A_217 : i1 to i32
      %sign3A_219 = arith.subi %sign3A_215, %sign3A_218 : i32
      %ne3A_220 = arith.cmpi ne, %sign3A_212, %sign3A_219 : i32
      %rem3A_221 = arith.remsi %select_n3A_203, %jit3A_204 : i32
      %ne3A_222 = arith.constant 0 : i32
      %ne3A_223 = arith.cmpi ne, %rem3A_221, %ne3A_222 : i32
      %and3A_224 = arith.andi %ne3A_220, %ne3A_223 : i1
      %sub3A_225 = arith.constant 1 : i32
      %sub3A_226 = arith.subi %div3A_205, %sub3A_225 : i32
      %select_n3A_227 = arith.select %and3A_224, %sub3A_226, %div3A_205 : i32
      %jit3A_228 = arith.constant 8 : i32
      %eq3A_229 = arith.constant 0 : i32
      %eq3A_230 = arith.cmpi eq, %jit3A_228, %eq3A_229 : i32
      %jit3A_231 = arith.constant 1 : i32
      %select_n3A_232 = arith.select %eq3A_230, %jit3A_231, %jit3A_228 : i32
      %rem3A_233 = arith.remsi %select_n3A_203, %select_n3A_232 : i32
      %ne3A_234 = arith.constant 0 : i32
      %ne3A_235 = arith.cmpi ne, %rem3A_233, %ne3A_234 : i32
      %lt3A_236 = arith.constant 0 : i32
      %lt3A_237 = arith.cmpi slt, %rem3A_233, %lt3A_236 : i32
      %lt3A_238 = arith.constant 0 : i32
      %lt3A_239 = arith.cmpi slt, %select_n3A_232, %lt3A_238 : i32
      %ne3A_240 = arith.xori %lt3A_237, %lt3A_239 : i1
      %and3A_241 = arith.andi %ne3A_240, %ne3A_235 : i1
      %add3A_242 = arith.addi %rem3A_233, %select_n3A_232 : i32
      %select_n3A_243 = arith.select %and3A_241, %add3A_242, %rem3A_233 : i32
      %mul3A_244 = arith.constant 16 : i32
      %mul3A_245 = arith.muli %select_n3A_243, %mul3A_244 : i32
      %dma_start3A_246 = arith.constant 0 : i32
      %dma_start3A_247 = tpu.memref_slice %arg2[%select_n3A_187, %select_n3A_227, %dma_start3A_246, %mul3A_245] : memref<4x16x2048x128xf32, #tpu.memory_space<hbm>> -> memref<1x1x2048x16xf32, #tpu.memory_space<hbm>>
      %dma_start3A_248 = tpu.memref_squeeze %dma_start3A_247 : memref<1x1x2048x16xf32, #tpu.memory_space<hbm>> -> memref<2048x16xf32, #tpu.memory_space<hbm>>
      %dma_start3A_249 = arith.constant 0 : i32
      %dma_start3A_250 = tpu.memref_slice %arg2[%select_n3A_187, %select_n3A_227, %dma_start3A_249, %mul3A_245] : memref<4x16x2048x128xf32, #tpu.memory_space<hbm>> -> memref<1x1x2048x16xf32, #tpu.memory_space<hbm>>
      %dma_start3A_251 = tpu.memref_squeeze %dma_start3A_250 : memref<1x1x2048x16xf32, #tpu.memory_space<hbm>> -> memref<2048x16xf32, #tpu.memory_space<hbm>>
      tpu.enqueue_dma source(%dma_start3A_251 : memref<2048x16xf32, #tpu.memory_space<hbm>>) target(%arg8 : memref<2048x16xf32, #tpu.memory_space<vmem>>) target_semaphore(%arg16 : memref<!tpu.dma_semaphore, #tpu.memory_space<semaphore_mem>>)
      %dma_start3A_252 = arith.constant 0 : i32
      %dma_start3A_253 = tpu.memref_slice %arg3[%select_n3A_187, %select_n3A_227, %dma_start3A_252, %mul3A_245] : memref<4x16x128x128xf32, #tpu.memory_space<hbm>> -> memref<1x1x128x16xf32, #tpu.memory_space<hbm>>
      %dma_start3A_254 = tpu.memref_squeeze %dma_start3A_253 : memref<1x1x128x16xf32, #tpu.memory_space<hbm>> -> memref<128x16xf32, #tpu.memory_space<hbm>>
      %dma_start3A_255 = arith.constant 0 : i32
      %dma_start3A_256 = tpu.memref_slice %arg3[%select_n3A_187, %select_n3A_227, %dma_start3A_255, %mul3A_245] : memref<4x16x128x128xf32, #tpu.memory_space<hbm>> -> memref<1x1x128x16xf32, #tpu.memory_space<hbm>>
      %dma_start3A_257 = tpu.memref_squeeze %dma_start3A_256 : memref<1x1x128x16xf32, #tpu.memory_space<hbm>> -> memref<128x16xf32, #tpu.memory_space<hbm>>
      tpu.enqueue_dma source(%dma_start3A_257 : memref<128x16xf32, #tpu.memory_space<hbm>>) target(%arg11 : memref<128x16xf32, #tpu.memory_space<vmem>>) target_semaphore(%arg16 : memref<!tpu.dma_semaphore, #tpu.memory_space<semaphore_mem>>)
      %dma_start3A_258 = arith.constant 0 : i32
      %dma_start3A_259 = tpu.memref_slice %arg4[%select_n3A_187, %select_n3A_227, %dma_start3A_258, %mul3A_245] : memref<4x16x8x128xf32, #tpu.memory_space<hbm>> -> memref<1x1x8x16xf32, #tpu.memory_space<hbm>>
      %dma_start3A_260 = tpu.memref_squeeze %dma_start3A_259 : memref<1x1x8x16xf32, #tpu.memory_space<hbm>> -> memref<8x16xf32, #tpu.memory_space<hbm>>
      %dma_start3A_261 = arith.constant 0 : i32
      %dma_start3A_262 = tpu.memref_slice %arg4[%select_n3A_187, %select_n3A_227, %dma_start3A_261, %mul3A_245] : memref<4x16x8x128xf32, #tpu.memory_space<hbm>> -> memref<1x1x8x16xf32, #tpu.memory_space<hbm>>
      %dma_start3A_263 = tpu.memref_squeeze %dma_start3A_262 : memref<1x1x8x16xf32, #tpu.memory_space<hbm>> -> memref<8x16xf32, #tpu.memory_space<hbm>>
      tpu.enqueue_dma source(%dma_start3A_263 : memref<8x16xf32, #tpu.memory_space<hbm>>) target(%arg13 : memref<8x16xf32, #tpu.memory_space<vmem>>) target_semaphore(%arg16 : memref<!tpu.dma_semaphore, #tpu.memory_space<semaphore_mem>>)
      %dma_wait3A_264 = arith.constant 0 : i32
      %dma_wait3A_265 = arith.constant 0 : i32
      %dma_wait3A_266 = arith.constant 0 : i32
      %dma_wait3A_267 = arith.constant 0 : i32
      %dma_wait3A_268 = tpu.memref_slice %arg2[%dma_wait3A_264, %dma_wait3A_265, %dma_wait3A_266, %dma_wait3A_267] : memref<4x16x2048x128xf32, #tpu.memory_space<hbm>> -> memref<1x1x2048x16xf32, #tpu.memory_space<hbm>>
      %dma_wait3A_269 = tpu.memref_squeeze %dma_wait3A_268 : memref<1x1x2048x16xf32, #tpu.memory_space<hbm>> -> memref<2048x16xf32, #tpu.memory_space<hbm>>
      %dma_wait3A_270 = arith.constant 0 : i32
      %dma_wait3A_271 = arith.constant 0 : i32
      %dma_wait3A_272 = tpu.memref_slice %arg2[%dma_wait3A_264, %dma_wait3A_265, %dma_wait3A_270, %dma_wait3A_271] : memref<4x16x2048x128xf32, #tpu.memory_space<hbm>> -> memref<1x1x2048x16xf32, #tpu.memory_space<hbm>>
      %dma_wait3A_273 = tpu.memref_squeeze %dma_wait3A_272 : memref<1x1x2048x16xf32, #tpu.memory_space<hbm>> -> memref<2048x16xf32, #tpu.memory_space<hbm>>
      tpu.wait_dma2 semaphore(%arg15 : memref<!tpu.dma_semaphore, #tpu.memory_space<semaphore_mem>>) src(%dma_wait3A_273 : memref<2048x16xf32, #tpu.memory_space<hbm>>) dst(%arg7 : memref<2048x16xf32, #tpu.memory_space<vmem>>)
      %dma_wait3A_274 = arith.constant 0 : i32
      %dma_wait3A_275 = arith.constant 0 : i32
      %dma_wait3A_276 = arith.constant 0 : i32
      %dma_wait3A_277 = arith.constant 0 : i32
      %dma_wait3A_278 = tpu.memref_slice %arg3[%dma_wait3A_274, %dma_wait3A_275, %dma_wait3A_276, %dma_wait3A_277] : memref<4x16x128x128xf32, #tpu.memory_space<hbm>> -> memref<1x1x128x16xf32, #tpu.memory_space<hbm>>
      %dma_wait3A_279 = tpu.memref_squeeze %dma_wait3A_278 : memref<1x1x128x16xf32, #tpu.memory_space<hbm>> -> memref<128x16xf32, #tpu.memory_space<hbm>>
      %dma_wait3A_280 = arith.constant 0 : i32
      %dma_wait3A_281 = arith.constant 0 : i32
      %dma_wait3A_282 = tpu.memref_slice %arg3[%dma_wait3A_274, %dma_wait3A_275, %dma_wait3A_280, %dma_wait3A_281] : memref<4x16x128x128xf32, #tpu.memory_space<hbm>> -> memref<1x1x128x16xf32, #tpu.memory_space<hbm>>
      %dma_wait3A_283 = tpu.memref_squeeze %dma_wait3A_282 : memref<1x1x128x16xf32, #tpu.memory_space<hbm>> -> memref<128x16xf32, #tpu.memory_space<hbm>>
      tpu.wait_dma2 semaphore(%arg15 : memref<!tpu.dma_semaphore, #tpu.memory_space<semaphore_mem>>) src(%dma_wait3A_283 : memref<128x16xf32, #tpu.memory_space<hbm>>) dst(%arg10 : memref<128x16xf32, #tpu.memory_space<vmem>>)
      %dma_wait3A_284 = arith.constant 0 : i32
      %dma_wait3A_285 = arith.constant 0 : i32
      %dma_wait3A_286 = arith.constant 0 : i32
      %dma_wait3A_287 = arith.constant 0 : i32
      %dma_wait3A_288 = tpu.memref_slice %arg4[%dma_wait3A_284, %dma_wait3A_285, %dma_wait3A_286, %dma_wait3A_287] : memref<4x16x8x128xf32, #tpu.memory_space<hbm>> -> memref<1x1x8x16xf32, #tpu.memory_space<hbm>>
      %dma_wait3A_289 = tpu.memref_squeeze %dma_wait3A_288 : memref<1x1x8x16xf32, #tpu.memory_space<hbm>> -> memref<8x16xf32, #tpu.memory_space<hbm>>
      %dma_wait3A_290 = arith.constant 0 : i32
      %dma_wait3A_291 = arith.constant 0 : i32
      %dma_wait3A_292 = tpu.memref_slice %arg4[%dma_wait3A_284, %dma_wait3A_285, %dma_wait3A_290, %dma_wait3A_291] : memref<4x16x8x128xf32, #tpu.memory_space<hbm>> -> memref<1x1x8x16xf32, #tpu.memory_space<hbm>>
      %dma_wait3A_293 = tpu.memref_squeeze %dma_wait3A_292 : memref<1x1x8x16xf32, #tpu.memory_space<hbm>> -> memref<8x16xf32, #tpu.memory_space<hbm>>
      tpu.wait_dma2 semaphore(%arg15 : memref<!tpu.dma_semaphore, #tpu.memory_space<semaphore_mem>>) src(%dma_wait3A_293 : memref<8x16xf32, #tpu.memory_space<hbm>>) dst(%arg12 : memref<8x16xf32, #tpu.memory_space<vmem>>)
      %mul3A_294 = arith.constant 16 : i32
      %mul3A_295 = arith.muli %add3A, %mul3A_294 : i32
      %add3A_296 = arith.addi %mul3A_295, %mul3A_156 : i32
      %jit3A_297 = arith.constant 128 : i32
      %div3A_298 = arith.divsi %add3A_296, %jit3A_297 : i32
      %sign3A_299 = arith.constant 0 : i32
      %sign3A_300 = arith.cmpi sgt, %add3A_296, %sign3A_299 : i32
      %sign3A_301 = arith.extui %sign3A_300 : i1 to i32
      %sign3A_302 = arith.constant 0 : i32
      %sign3A_303 = arith.cmpi slt, %add3A_296, %sign3A_302 : i32
      %sign3A_304 = arith.extui %sign3A_303 : i1 to i32
      %sign3A_305 = arith.subi %sign3A_301, %sign3A_304 : i32
      %sign3A_306 = arith.constant 0 : i32
      %sign3A_307 = arith.cmpi sgt, %jit3A_297, %sign3A_306 : i32
      %sign3A_308 = arith.extui %sign3A_307 : i1 to i32
      %sign3A_309 = arith.constant 0 : i32
      %sign3A_310 = arith.cmpi slt, %jit3A_297, %sign3A_309 : i32
      %sign3A_311 = arith.extui %sign3A_310 : i1 to i32
      %sign3A_312 = arith.subi %sign3A_308, %sign3A_311 : i32
      %ne3A_313 = arith.cmpi ne, %sign3A_305, %sign3A_312 : i32
      %rem3A_314 = arith.remsi %add3A_296, %jit3A_297 : i32
      %ne3A_315 = arith.constant 0 : i32
      %ne3A_316 = arith.cmpi ne, %rem3A_314, %ne3A_315 : i32
      %and3A_317 = arith.andi %ne3A_313, %ne3A_316 : i1
      %sub3A_318 = arith.constant 1 : i32
      %sub3A_319 = arith.subi %div3A_298, %sub3A_318 : i32
      %select_n3A_320 = arith.select %and3A_317, %sub3A_319, %div3A_298 : i32
      %jit3A_321 = arith.constant 128 : i32
      %eq3A_322 = arith.constant 0 : i32
      %eq3A_323 = arith.cmpi eq, %jit3A_321, %eq3A_322 : i32
      %jit3A_324 = arith.constant 1 : i32
      %select_n3A_325 = arith.select %eq3A_323, %jit3A_324, %jit3A_321 : i32
      %rem3A_326 = arith.remsi %add3A_296, %select_n3A_325 : i32
      %ne3A_327 = arith.constant 0 : i32
      %ne3A_328 = arith.cmpi ne, %rem3A_326, %ne3A_327 : i32
      %lt3A_329 = arith.constant 0 : i32
      %lt3A_330 = arith.cmpi slt, %rem3A_326, %lt3A_329 : i32
      %lt3A_331 = arith.constant 0 : i32
      %lt3A_332 = arith.cmpi slt, %select_n3A_325, %lt3A_331 : i32
      %ne3A_333 = arith.xori %lt3A_330, %lt3A_332 : i1
      %and3A_334 = arith.andi %ne3A_333, %ne3A_328 : i1
      %add3A_335 = arith.addi %rem3A_326, %select_n3A_325 : i32
      %select_n3A_336 = arith.select %and3A_334, %add3A_335, %rem3A_326 : i32
      %mul3A_337 = arith.constant 16 : i32
      %mul3A_338 = arith.muli %select_n3A_336, %mul3A_337 : i32
      %scan3A_339 = arith.constant 0 : i32
      %scan3A_340 = arith.constant 0 : i32
      %scan3A_341 = arith.constant 40 : i32
      %scan3A_342 = arith.addi %scan3A_340, %scan3A_341 : i32
      %scan3A_343 = arith.constant 1 : i32
      scf.for %scan3A_535 = %scan3A_340 to %scan3A_342 step %scan3A_343  : i32 {
        %broadcast_in_dim3A_536 = arith.constant 0 : i32
        %broadcast_in_dim3A_537 = vector.broadcast %broadcast_in_dim3A_536 : i32 to vector<16xi32>
        %gather3A = tpu.vector_load_idx %arg12[%broadcast_in_dim3A_537, %iota3A] : memref<8x16xf32, #tpu.memory_space<vmem>>[vector<16xi32>, vector<16xi32>], vector<16xf32>,
        %broadcast_in_dim3A_538 = arith.constant 0 : i32
        %broadcast_in_dim3A_539 = vector.broadcast %broadcast_in_dim3A_538 : i32 to vector<16xi32>
        %broadcast_in_dim3A_540 = arith.constant 1 : i32
        %broadcast_in_dim3A_541 = vector.broadcast %broadcast_in_dim3A_540 : i32 to vector<16xi32>
        %gather3A_542 = tpu.vector_load_idx %arg12[%broadcast_in_dim3A_541, %iota3A] : memref<8x16xf32, #tpu.memory_space<vmem>>[vector<16xi32>, vector<16xi32>], vector<16xf32>,
        %gt3A = arith.cmpf ogt, %gather3A_542, %gather3A : vector<16xf32>
        %select_n3A_543 = arith.select %gt3A, %gather3A_542, %gather3A : vector<16xi1>, vector<16xf32>
        %select_n3A_544 = arith.select %gt3A, %broadcast_in_dim3A_541, %broadcast_in_dim3A_539 : vector<16xi1>, vector<16xi32>
        %broadcast_in_dim3A_545 = arith.constant 2 : i32
        %broadcast_in_dim3A_546 = vector.broadcast %broadcast_in_dim3A_545 : i32 to vector<16xi32>
        %gather3A_547 = tpu.vector_load_idx %arg12[%broadcast_in_dim3A_546, %iota3A] : memref<8x16xf32, #tpu.memory_space<vmem>>[vector<16xi32>, vector<16xi32>], vector<16xf32>,
        %gt3A_548 = arith.cmpf ogt, %gather3A_547, %select_n3A_543 : vector<16xf32>
        %select_n3A_549 = arith.select %gt3A_548, %gather3A_547, %select_n3A_543 : vector<16xi1>, vector<16xf32>
        %select_n3A_550 = arith.select %gt3A_548, %broadcast_in_dim3A_546, %select_n3A_544 : vector<16xi1>, vector<16xi32>
        %broadcast_in_dim3A_551 = arith.constant 3 : i32
        %broadcast_in_dim3A_552 = vector.broadcast %broadcast_in_dim3A_551 : i32 to vector<16xi32>
        %gather3A_553 = tpu.vector_load_idx %arg12[%broadcast_in_dim3A_552, %iota3A] : memref<8x16xf32, #tpu.memory_space<vmem>>[vector<16xi32>, vector<16xi32>], vector<16xf32>,
        %gt3A_554 = arith.cmpf ogt, %gather3A_553, %select_n3A_549 : vector<16xf32>
        %select_n3A_555 = arith.select %gt3A_554, %gather3A_553, %select_n3A_549 : vector<16xi1>, vector<16xf32>
        %select_n3A_556 = arith.select %gt3A_554, %broadcast_in_dim3A_552, %select_n3A_550 : vector<16xi1>, vector<16xi32>
        %broadcast_in_dim3A_557 = arith.constant 4 : i32
        %broadcast_in_dim3A_558 = vector.broadcast %broadcast_in_dim3A_557 : i32 to vector<16xi32>
        %gather3A_559 = tpu.vector_load_idx %arg12[%broadcast_in_dim3A_558, %iota3A] : memref<8x16xf32, #tpu.memory_space<vmem>>[vector<16xi32>, vector<16xi32>], vector<16xf32>,
        %gt3A_560 = arith.cmpf ogt, %gather3A_559, %select_n3A_555 : vector<16xf32>
        %select_n3A_561 = arith.select %gt3A_560, %gather3A_559, %select_n3A_555 : vector<16xi1>, vector<16xf32>
        %select_n3A_562 = arith.select %gt3A_560, %broadcast_in_dim3A_558, %select_n3A_556 : vector<16xi1>, vector<16xi32>
        %broadcast_in_dim3A_563 = arith.constant 5 : i32
        %broadcast_in_dim3A_564 = vector.broadcast %broadcast_in_dim3A_563 : i32 to vector<16xi32>
        %gather3A_565 = tpu.vector_load_idx %arg12[%broadcast_in_dim3A_564, %iota3A] : memref<8x16xf32, #tpu.memory_space<vmem>>[vector<16xi32>, vector<16xi32>], vector<16xf32>,
        %gt3A_566 = arith.cmpf ogt, %gather3A_565, %select_n3A_561 : vector<16xf32>
        %select_n3A_567 = arith.select %gt3A_566, %gather3A_565, %select_n3A_561 : vector<16xi1>, vector<16xf32>
        %select_n3A_568 = arith.select %gt3A_566, %broadcast_in_dim3A_564, %select_n3A_562 : vector<16xi1>, vector<16xi32>
        %broadcast_in_dim3A_569 = arith.constant 6 : i32
        %broadcast_in_dim3A_570 = vector.broadcast %broadcast_in_dim3A_569 : i32 to vector<16xi32>
        %gather3A_571 = tpu.vector_load_idx %arg12[%broadcast_in_dim3A_570, %iota3A] : memref<8x16xf32, #tpu.memory_space<vmem>>[vector<16xi32>, vector<16xi32>], vector<16xf32>,
        %gt3A_572 = arith.cmpf ogt, %gather3A_571, %select_n3A_567 : vector<16xf32>
        %select_n3A_573 = arith.select %gt3A_572, %gather3A_571, %select_n3A_567 : vector<16xi1>, vector<16xf32>
        %select_n3A_574 = arith.select %gt3A_572, %broadcast_in_dim3A_570, %select_n3A_568 : vector<16xi1>, vector<16xi32>
        %broadcast_in_dim3A_575 = arith.constant 7 : i32
        %broadcast_in_dim3A_576 = vector.broadcast %broadcast_in_dim3A_575 : i32 to vector<16xi32>
        %gather3A_577 = tpu.vector_load_idx %arg12[%broadcast_in_dim3A_576, %iota3A] : memref<8x16xf32, #tpu.memory_space<vmem>>[vector<16xi32>, vector<16xi32>], vector<16xf32>,
        %gt3A_578 = arith.cmpf ogt, %gather3A_577, %select_n3A_573 : vector<16xf32>
        %select_n3A_579 = arith.select %gt3A_578, %gather3A_577, %select_n3A_573 : vector<16xi1>, vector<16xf32>
        %select_n3A_580 = arith.select %gt3A_578, %broadcast_in_dim3A_576, %select_n3A_574 : vector<16xi1>, vector<16xi32>
        %mul3A_581 = arith.constant 16 : i32
        %mul3A_582 = vector.broadcast %mul3A_581 : i32 to vector<16xi32>
        %mul3A_583 = arith.muli %select_n3A_580, %mul3A_582 : vector<16xi32>
        %gather3A_584 = tpu.vector_load_idx %arg10[%mul3A_583, %iota3A] : memref<128x16xf32, #tpu.memory_space<vmem>>[vector<16xi32>, vector<16xi32>], vector<16xf32>,
        %add3A_585 = arith.constant 1 : i32
        %add3A_586 = vector.broadcast %add3A_585 : i32 to vector<16xi32>
        %add3A_587 = arith.addi %mul3A_583, %add3A_586 : vector<16xi32>
        %gather3A_588 = tpu.vector_load_idx %arg10[%add3A_587, %iota3A] : memref<128x16xf32, #tpu.memory_space<vmem>>[vector<16xi32>, vector<16xi32>], vector<16xf32>,
        %gt3A_589 = arith.cmpf ogt, %gather3A_588, %gather3A_584 : vector<16xf32>
        %select_n3A_590 = arith.select %gt3A_589, %gather3A_588, %gather3A_584 : vector<16xi1>, vector<16xf32>
        %select_n3A_591 = arith.select %gt3A_589, %add3A_587, %mul3A_583 : vector<16xi1>, vector<16xi32>
        %add3A_592 = arith.constant 2 : i32
        %add3A_593 = vector.broadcast %add3A_592 : i32 to vector<16xi32>
        %add3A_594 = arith.addi %mul3A_583, %add3A_593 : vector<16xi32>
        %gather3A_595 = tpu.vector_load_idx %arg10[%add3A_594, %iota3A] : memref<128x16xf32, #tpu.memory_space<vmem>>[vector<16xi32>, vector<16xi32>], vector<16xf32>,
        %gt3A_596 = arith.cmpf ogt, %gather3A_595, %select_n3A_590 : vector<16xf32>
        %select_n3A_597 = arith.select %gt3A_596, %gather3A_595, %select_n3A_590 : vector<16xi1>, vector<16xf32>
        %select_n3A_598 = arith.select %gt3A_596, %add3A_594, %select_n3A_591 : vector<16xi1>, vector<16xi32>
        %add3A_599 = arith.constant 3 : i32
        %add3A_600 = vector.broadcast %add3A_599 : i32 to vector<16xi32>
        %add3A_601 = arith.addi %mul3A_583, %add3A_600 : vector<16xi32>
        %gather3A_602 = tpu.vector_load_idx %arg10[%add3A_601, %iota3A] : memref<128x16xf32, #tpu.memory_space<vmem>>[vector<16xi32>, vector<16xi32>], vector<16xf32>,
        %gt3A_603 = arith.cmpf ogt, %gather3A_602, %select_n3A_597 : vector<16xf32>
        %select_n3A_604 = arith.select %gt3A_603, %gather3A_602, %select_n3A_597 : vector<16xi1>, vector<16xf32>
        %select_n3A_605 = arith.select %gt3A_603, %add3A_601, %select_n3A_598 : vector<16xi1>, vector<16xi32>
        %add3A_606 = arith.constant 4 : i32
        %add3A_607 = vector.broadcast %add3A_606 : i32 to vector<16xi32>
        %add3A_608 = arith.addi %mul3A_583, %add3A_607 : vector<16xi32>
        %gather3A_609 = tpu.vector_load_idx %arg10[%add3A_608, %iota3A] : memref<128x16xf32, #tpu.memory_space<vmem>>[vector<16xi32>, vector<16xi32>], vector<16xf32>,
        %gt3A_610 = arith.cmpf ogt, %gather3A_609, %select_n3A_604 : vector<16xf32>
        %select_n3A_611 = arith.select %gt3A_610, %gather3A_609, %select_n3A_604 : vector<16xi1>, vector<16xf32>
        %select_n3A_612 = arith.select %gt3A_610, %add3A_608, %select_n3A_605 : vector<16xi1>, vector<16xi32>
        %add3A_613 = arith.constant 5 : i32
        %add3A_614 = vector.broadcast %add3A_613 : i32 to vector<16xi32>
        %add3A_615 = arith.addi %mul3A_583, %add3A_614 : vector<16xi32>
        %gather3A_616 = tpu.vector_load_idx %arg10[%add3A_615, %iota3A] : memref<128x16xf32, #tpu.memory_space<vmem>>[vector<16xi32>, vector<16xi32>], vector<16xf32>,
        %gt3A_617 = arith.cmpf ogt, %gather3A_616, %select_n3A_611 : vector<16xf32>
        %select_n3A_618 = arith.select %gt3A_617, %gather3A_616, %select_n3A_611 : vector<16xi1>, vector<16xf32>
        %select_n3A_619 = arith.select %gt3A_617, %add3A_615, %select_n3A_612 : vector<16xi1>, vector<16xi32>
        %add3A_620 = arith.constant 6 : i32
        %add3A_621 = vector.broadcast %add3A_620 : i32 to vector<16xi32>
        %add3A_622 = arith.addi %mul3A_583, %add3A_621 : vector<16xi32>
        %gather3A_623 = tpu.vector_load_idx %arg10[%add3A_622, %iota3A] : memref<128x16xf32, #tpu.memory_space<vmem>>[vector<16xi32>, vector<16xi32>], vector<16xf32>,
        %gt3A_624 = arith.cmpf ogt, %gather3A_623, %select_n3A_618 : vector<16xf32>
        %select_n3A_625 = arith.select %gt3A_624, %gather3A_623, %select_n3A_618 : vector<16xi1>, vector<16xf32>
        %select_n3A_626 = arith.select %gt3A_624, %add3A_622, %select_n3A_619 : vector<16xi1>, vector<16xi32>
        %add3A_627 = arith.constant 7 : i32
        %add3A_628 = vector.broadcast %add3A_627 : i32 to vector<16xi32>
        %add3A_629 = arith.addi %mul3A_583, %add3A_628 : vector<16xi32>
        %gather3A_630 = tpu.vector_load_idx %arg10[%add3A_629, %iota3A] : memref<128x16xf32, #tpu.memory_space<vmem>>[vector<16xi32>, vector<16xi32>], vector<16xf32>,
        %gt3A_631 = arith.cmpf ogt, %gather3A_630, %select_n3A_625 : vector<16xf32>
        %select_n3A_632 = arith.select %gt3A_631, %gather3A_630, %select_n3A_625 : vector<16xi1>, vector<16xf32>
        %select_n3A_633 = arith.select %gt3A_631, %add3A_629, %select_n3A_626 : vector<16xi1>, vector<16xi32>
        %add3A_634 = arith.constant 8 : i32
        %add3A_635 = vector.broadcast %add3A_634 : i32 to vector<16xi32>
        %add3A_636 = arith.addi %mul3A_583, %add3A_635 : vector<16xi32>
        %gather3A_637 = tpu.vector_load_idx %arg10[%add3A_636, %iota3A] : memref<128x16xf32, #tpu.memory_space<vmem>>[vector<16xi32>, vector<16xi32>], vector<16xf32>,
        %gt3A_638 = arith.cmpf ogt, %gather3A_637, %select_n3A_632 : vector<16xf32>
        %select_n3A_639 = arith.select %gt3A_638, %gather3A_637, %select_n3A_632 : vector<16xi1>, vector<16xf32>
        %select_n3A_640 = arith.select %gt3A_638, %add3A_636, %select_n3A_633 : vector<16xi1>, vector<16xi32>
        %add3A_641 = arith.constant 9 : i32
        %add3A_642 = vector.broadcast %add3A_641 : i32 to vector<16xi32>
        %add3A_643 = arith.addi %mul3A_583, %add3A_642 : vector<16xi32>
        %gather3A_644 = tpu.vector_load_idx %arg10[%add3A_643, %iota3A] : memref<128x16xf32, #tpu.memory_space<vmem>>[vector<16xi32>, vector<16xi32>], vector<16xf32>,
        %gt3A_645 = arith.cmpf ogt, %gather3A_644, %select_n3A_639 : vector<16xf32>
        %select_n3A_646 = arith.select %gt3A_645, %gather3A_644, %select_n3A_639 : vector<16xi1>, vector<16xf32>
        %select_n3A_647 = arith.select %gt3A_645, %add3A_643, %select_n3A_640 : vector<16xi1>, vector<16xi32>
        %add3A_648 = arith.constant 10 : i32
        %add3A_649 = vector.broadcast %add3A_648 : i32 to vector<16xi32>
        %add3A_650 = arith.addi %mul3A_583, %add3A_649 : vector<16xi32>
        %gather3A_651 = tpu.vector_load_idx %arg10[%add3A_650, %iota3A] : memref<128x16xf32, #tpu.memory_space<vmem>>[vector<16xi32>, vector<16xi32>], vector<16xf32>,
        %gt3A_652 = arith.cmpf ogt, %gather3A_651, %select_n3A_646 : vector<16xf32>
        %select_n3A_653 = arith.select %gt3A_652, %gather3A_651, %select_n3A_646 : vector<16xi1>, vector<16xf32>
        %select_n3A_654 = arith.select %gt3A_652, %add3A_650, %select_n3A_647 : vector<16xi1>, vector<16xi32>
        %add3A_655 = arith.constant 11 : i32
        %add3A_656 = vector.broadcast %add3A_655 : i32 to vector<16xi32>
        %add3A_657 = arith.addi %mul3A_583, %add3A_656 : vector<16xi32>
        %gather3A_658 = tpu.vector_load_idx %arg10[%add3A_657, %iota3A] : memref<128x16xf32, #tpu.memory_space<vmem>>[vector<16xi32>, vector<16xi32>], vector<16xf32>,
        %gt3A_659 = arith.cmpf ogt, %gather3A_658, %select_n3A_653 : vector<16xf32>
        %select_n3A_660 = arith.select %gt3A_659, %gather3A_658, %select_n3A_653 : vector<16xi1>, vector<16xf32>
        %select_n3A_661 = arith.select %gt3A_659, %add3A_657, %select_n3A_654 : vector<16xi1>, vector<16xi32>
        %add3A_662 = arith.constant 12 : i32
        %add3A_663 = vector.broadcast %add3A_662 : i32 to vector<16xi32>
        %add3A_664 = arith.addi %mul3A_583, %add3A_663 : vector<16xi32>
        %gather3A_665 = tpu.vector_load_idx %arg10[%add3A_664, %iota3A] : memref<128x16xf32, #tpu.memory_space<vmem>>[vector<16xi32>, vector<16xi32>], vector<16xf32>,
        %gt3A_666 = arith.cmpf ogt, %gather3A_665, %select_n3A_660 : vector<16xf32>
        %select_n3A_667 = arith.select %gt3A_666, %gather3A_665, %select_n3A_660 : vector<16xi1>, vector<16xf32>
        %select_n3A_668 = arith.select %gt3A_666, %add3A_664, %select_n3A_661 : vector<16xi1>, vector<16xi32>
        %add3A_669 = arith.constant 13 : i32
        %add3A_670 = vector.broadcast %add3A_669 : i32 to vector<16xi32>
        %add3A_671 = arith.addi %mul3A_583, %add3A_670 : vector<16xi32>
        %gather3A_672 = tpu.vector_load_idx %arg10[%add3A_671, %iota3A] : memref<128x16xf32, #tpu.memory_space<vmem>>[vector<16xi32>, vector<16xi32>], vector<16xf32>,
        %gt3A_673 = arith.cmpf ogt, %gather3A_672, %select_n3A_667 : vector<16xf32>
        %select_n3A_674 = arith.select %gt3A_673, %gather3A_672, %select_n3A_667 : vector<16xi1>, vector<16xf32>
        %select_n3A_675 = arith.select %gt3A_673, %add3A_671, %select_n3A_668 : vector<16xi1>, vector<16xi32>
        %add3A_676 = arith.constant 14 : i32
        %add3A_677 = vector.broadcast %add3A_676 : i32 to vector<16xi32>
        %add3A_678 = arith.addi %mul3A_583, %add3A_677 : vector<16xi32>
        %gather3A_679 = tpu.vector_load_idx %arg10[%add3A_678, %iota3A] : memref<128x16xf32, #tpu.memory_space<vmem>>[vector<16xi32>, vector<16xi32>], vector<16xf32>,
        %gt3A_680 = arith.cmpf ogt, %gather3A_679, %select_n3A_674 : vector<16xf32>
        %select_n3A_681 = arith.select %gt3A_680, %gather3A_679, %select_n3A_674 : vector<16xi1>, vector<16xf32>
        %select_n3A_682 = arith.select %gt3A_680, %add3A_678, %select_n3A_675 : vector<16xi1>, vector<16xi32>
        %add3A_683 = arith.constant 15 : i32
        %add3A_684 = vector.broadcast %add3A_683 : i32 to vector<16xi32>
        %add3A_685 = arith.addi %mul3A_583, %add3A_684 : vector<16xi32>
        %gather3A_686 = tpu.vector_load_idx %arg10[%add3A_685, %iota3A] : memref<128x16xf32, #tpu.memory_space<vmem>>[vector<16xi32>, vector<16xi32>], vector<16xf32>,
        %gt3A_687 = arith.cmpf ogt, %gather3A_686, %select_n3A_681 : vector<16xf32>
        %select_n3A_688 = arith.select %gt3A_687, %gather3A_686, %select_n3A_681 : vector<16xi1>, vector<16xf32>
        %select_n3A_689 = arith.select %gt3A_687, %add3A_685, %select_n3A_682 : vector<16xi1>, vector<16xi32>
        %mul3A_690 = arith.constant 16 : i32
        %mul3A_691 = vector.broadcast %mul3A_690 : i32 to vector<16xi32>
        %mul3A_692 = arith.muli %select_n3A_689, %mul3A_691 : vector<16xi32>
        %gather3A_693 = tpu.vector_load_idx %arg7[%mul3A_692, %iota3A] : memref<2048x16xf32, #tpu.memory_space<vmem>>[vector<16xi32>, vector<16xi32>], vector<16xf32>,
        %add3A_694 = arith.constant 1 : i32
        %add3A_695 = vector.broadcast %add3A_694 : i32 to vector<16xi32>
        %add3A_696 = arith.addi %mul3A_692, %add3A_695 : vector<16xi32>
        %gather3A_697 = tpu.vector_load_idx %arg7[%add3A_696, %iota3A] : memref<2048x16xf32, #tpu.memory_space<vmem>>[vector<16xi32>, vector<16xi32>], vector<16xf32>,
        %gt3A_698 = arith.cmpf ogt, %gather3A_697, %gather3A_693 : vector<16xf32>
        %select_n3A_699 = arith.select %gt3A_698, %gather3A_697, %gather3A_693 : vector<16xi1>, vector<16xf32>
        %select_n3A_700 = arith.select %gt3A_698, %add3A_696, %mul3A_692 : vector<16xi1>, vector<16xi32>
        %add3A_701 = arith.constant 2 : i32
        %add3A_702 = vector.broadcast %add3A_701 : i32 to vector<16xi32>
        %add3A_703 = arith.addi %mul3A_692, %add3A_702 : vector<16xi32>
        %gather3A_704 = tpu.vector_load_idx %arg7[%add3A_703, %iota3A] : memref<2048x16xf32, #tpu.memory_space<vmem>>[vector<16xi32>, vector<16xi32>], vector<16xf32>,
        %gt3A_705 = arith.cmpf ogt, %gather3A_704, %select_n3A_699 : vector<16xf32>
        %select_n3A_706 = arith.select %gt3A_705, %gather3A_704, %select_n3A_699 : vector<16xi1>, vector<16xf32>
        %select_n3A_707 = arith.select %gt3A_705, %add3A_703, %select_n3A_700 : vector<16xi1>, vector<16xi32>
        %add3A_708 = arith.constant 3 : i32
        %add3A_709 = vector.broadcast %add3A_708 : i32 to vector<16xi32>
        %add3A_710 = arith.addi %mul3A_692, %add3A_709 : vector<16xi32>
        %gather3A_711 = tpu.vector_load_idx %arg7[%add3A_710, %iota3A] : memref<2048x16xf32, #tpu.memory_space<vmem>>[vector<16xi32>, vector<16xi32>], vector<16xf32>,
        %gt3A_712 = arith.cmpf ogt, %gather3A_711, %select_n3A_706 : vector<16xf32>
        %select_n3A_713 = arith.select %gt3A_712, %gather3A_711, %select_n3A_706 : vector<16xi1>, vector<16xf32>
        %select_n3A_714 = arith.select %gt3A_712, %add3A_710, %select_n3A_707 : vector<16xi1>, vector<16xi32>
        %add3A_715 = arith.constant 4 : i32
        %add3A_716 = vector.broadcast %add3A_715 : i32 to vector<16xi32>
        %add3A_717 = arith.addi %mul3A_692, %add3A_716 : vector<16xi32>
        %gather3A_718 = tpu.vector_load_idx %arg7[%add3A_717, %iota3A] : memref<2048x16xf32, #tpu.memory_space<vmem>>[vector<16xi32>, vector<16xi32>], vector<16xf32>,
        %gt3A_719 = arith.cmpf ogt, %gather3A_718, %select_n3A_713 : vector<16xf32>
        %select_n3A_720 = arith.select %gt3A_719, %gather3A_718, %select_n3A_713 : vector<16xi1>, vector<16xf32>
        %select_n3A_721 = arith.select %gt3A_719, %add3A_717, %select_n3A_714 : vector<16xi1>, vector<16xi32>
        %add3A_722 = arith.constant 5 : i32
        %add3A_723 = vector.broadcast %add3A_722 : i32 to vector<16xi32>
        %add3A_724 = arith.addi %mul3A_692, %add3A_723 : vector<16xi32>
        %gather3A_725 = tpu.vector_load_idx %arg7[%add3A_724, %iota3A] : memref<2048x16xf32, #tpu.memory_space<vmem>>[vector<16xi32>, vector<16xi32>], vector<16xf32>,
        %gt3A_726 = arith.cmpf ogt, %gather3A_725, %select_n3A_720 : vector<16xf32>
        %select_n3A_727 = arith.select %gt3A_726, %gather3A_725, %select_n3A_720 : vector<16xi1>, vector<16xf32>
        %select_n3A_728 = arith.select %gt3A_726, %add3A_724, %select_n3A_721 : vector<16xi1>, vector<16xi32>
        %add3A_729 = arith.constant 6 : i32
        %add3A_730 = vector.broadcast %add3A_729 : i32 to vector<16xi32>
        %add3A_731 = arith.addi %mul3A_692, %add3A_730 : vector<16xi32>
        %gather3A_732 = tpu.vector_load_idx %arg7[%add3A_731, %iota3A] : memref<2048x16xf32, #tpu.memory_space<vmem>>[vector<16xi32>, vector<16xi32>], vector<16xf32>,
        %gt3A_733 = arith.cmpf ogt, %gather3A_732, %select_n3A_727 : vector<16xf32>
        %select_n3A_734 = arith.select %gt3A_733, %gather3A_732, %select_n3A_727 : vector<16xi1>, vector<16xf32>
        %select_n3A_735 = arith.select %gt3A_733, %add3A_731, %select_n3A_728 : vector<16xi1>, vector<16xi32>
        %add3A_736 = arith.constant 7 : i32
        %add3A_737 = vector.broadcast %add3A_736 : i32 to vector<16xi32>
        %add3A_738 = arith.addi %mul3A_692, %add3A_737 : vector<16xi32>
        %gather3A_739 = tpu.vector_load_idx %arg7[%add3A_738, %iota3A] : memref<2048x16xf32, #tpu.memory_space<vmem>>[vector<16xi32>, vector<16xi32>], vector<16xf32>,
        %gt3A_740 = arith.cmpf ogt, %gather3A_739, %select_n3A_734 : vector<16xf32>
        %select_n3A_741 = arith.select %gt3A_740, %gather3A_739, %select_n3A_734 : vector<16xi1>, vector<16xf32>
        %select_n3A_742 = arith.select %gt3A_740, %add3A_738, %select_n3A_735 : vector<16xi1>, vector<16xi32>
        %add3A_743 = arith.constant 8 : i32
        %add3A_744 = vector.broadcast %add3A_743 : i32 to vector<16xi32>
        %add3A_745 = arith.addi %mul3A_692, %add3A_744 : vector<16xi32>
        %gather3A_746 = tpu.vector_load_idx %arg7[%add3A_745, %iota3A] : memref<2048x16xf32, #tpu.memory_space<vmem>>[vector<16xi32>, vector<16xi32>], vector<16xf32>,
        %gt3A_747 = arith.cmpf ogt, %gather3A_746, %select_n3A_741 : vector<16xf32>
        %select_n3A_748 = arith.select %gt3A_747, %gather3A_746, %select_n3A_741 : vector<16xi1>, vector<16xf32>
        %select_n3A_749 = arith.select %gt3A_747, %add3A_745, %select_n3A_742 : vector<16xi1>, vector<16xi32>
        %add3A_750 = arith.constant 9 : i32
        %add3A_751 = vector.broadcast %add3A_750 : i32 to vector<16xi32>
        %add3A_752 = arith.addi %mul3A_692, %add3A_751 : vector<16xi32>
        %gather3A_753 = tpu.vector_load_idx %arg7[%add3A_752, %iota3A] : memref<2048x16xf32, #tpu.memory_space<vmem>>[vector<16xi32>, vector<16xi32>], vector<16xf32>,
        %gt3A_754 = arith.cmpf ogt, %gather3A_753, %select_n3A_748 : vector<16xf32>
        %select_n3A_755 = arith.select %gt3A_754, %gather3A_753, %select_n3A_748 : vector<16xi1>, vector<16xf32>
        %select_n3A_756 = arith.select %gt3A_754, %add3A_752, %select_n3A_749 : vector<16xi1>, vector<16xi32>
        %add3A_757 = arith.constant 10 : i32
        %add3A_758 = vector.broadcast %add3A_757 : i32 to vector<16xi32>
        %add3A_759 = arith.addi %mul3A_692, %add3A_758 : vector<16xi32>
        %gather3A_760 = tpu.vector_load_idx %arg7[%add3A_759, %iota3A] : memref<2048x16xf32, #tpu.memory_space<vmem>>[vector<16xi32>, vector<16xi32>], vector<16xf32>,
        %gt3A_761 = arith.cmpf ogt, %gather3A_760, %select_n3A_755 : vector<16xf32>
        %select_n3A_762 = arith.select %gt3A_761, %gather3A_760, %select_n3A_755 : vector<16xi1>, vector<16xf32>
        %select_n3A_763 = arith.select %gt3A_761, %add3A_759, %select_n3A_756 : vector<16xi1>, vector<16xi32>
        %add3A_764 = arith.constant 11 : i32
        %add3A_765 = vector.broadcast %add3A_764 : i32 to vector<16xi32>
        %add3A_766 = arith.addi %mul3A_692, %add3A_765 : vector<16xi32>
        %gather3A_767 = tpu.vector_load_idx %arg7[%add3A_766, %iota3A] : memref<2048x16xf32, #tpu.memory_space<vmem>>[vector<16xi32>, vector<16xi32>], vector<16xf32>,
        %gt3A_768 = arith.cmpf ogt, %gather3A_767, %select_n3A_762 : vector<16xf32>
        %select_n3A_769 = arith.select %gt3A_768, %gather3A_767, %select_n3A_762 : vector<16xi1>, vector<16xf32>
        %select_n3A_770 = arith.select %gt3A_768, %add3A_766, %select_n3A_763 : vector<16xi1>, vector<16xi32>
        %add3A_771 = arith.constant 12 : i32
        %add3A_772 = vector.broadcast %add3A_771 : i32 to vector<16xi32>
        %add3A_773 = arith.addi %mul3A_692, %add3A_772 : vector<16xi32>
        %gather3A_774 = tpu.vector_load_idx %arg7[%add3A_773, %iota3A] : memref<2048x16xf32, #tpu.memory_space<vmem>>[vector<16xi32>, vector<16xi32>], vector<16xf32>,
        %gt3A_775 = arith.cmpf ogt, %gather3A_774, %select_n3A_769 : vector<16xf32>
        %select_n3A_776 = arith.select %gt3A_775, %gather3A_774, %select_n3A_769 : vector<16xi1>, vector<16xf32>
        %select_n3A_777 = arith.select %gt3A_775, %add3A_773, %select_n3A_770 : vector<16xi1>, vector<16xi32>
        %add3A_778 = arith.constant 13 : i32
        %add3A_779 = vector.broadcast %add3A_778 : i32 to vector<16xi32>
        %add3A_780 = arith.addi %mul3A_692, %add3A_779 : vector<16xi32>
        %gather3A_781 = tpu.vector_load_idx %arg7[%add3A_780, %iota3A] : memref<2048x16xf32, #tpu.memory_space<vmem>>[vector<16xi32>, vector<16xi32>], vector<16xf32>,
        %gt3A_782 = arith.cmpf ogt, %gather3A_781, %select_n3A_776 : vector<16xf32>
        %select_n3A_783 = arith.select %gt3A_782, %gather3A_781, %select_n3A_776 : vector<16xi1>, vector<16xf32>
        %select_n3A_784 = arith.select %gt3A_782, %add3A_780, %select_n3A_777 : vector<16xi1>, vector<16xi32>
        %add3A_785 = arith.constant 14 : i32
        %add3A_786 = vector.broadcast %add3A_785 : i32 to vector<16xi32>
        %add3A_787 = arith.addi %mul3A_692, %add3A_786 : vector<16xi32>
        %gather3A_788 = tpu.vector_load_idx %arg7[%add3A_787, %iota3A] : memref<2048x16xf32, #tpu.memory_space<vmem>>[vector<16xi32>, vector<16xi32>], vector<16xf32>,
        %gt3A_789 = arith.cmpf ogt, %gather3A_788, %select_n3A_783 : vector<16xf32>
        %select_n3A_790 = arith.select %gt3A_789, %gather3A_788, %select_n3A_783 : vector<16xi1>, vector<16xf32>
        %select_n3A_791 = arith.select %gt3A_789, %add3A_787, %select_n3A_784 : vector<16xi1>, vector<16xi32>
        %add3A_792 = arith.constant 15 : i32
        %add3A_793 = vector.broadcast %add3A_792 : i32 to vector<16xi32>
        %add3A_794 = arith.addi %mul3A_692, %add3A_793 : vector<16xi32>
        %gather3A_795 = tpu.vector_load_idx %arg7[%add3A_794, %iota3A] : memref<2048x16xf32, #tpu.memory_space<vmem>>[vector<16xi32>, vector<16xi32>], vector<16xf32>,
        %gt3A_796 = arith.cmpf ogt, %gather3A_795, %select_n3A_790 : vector<16xf32>
        %select_n3A_797 = arith.select %gt3A_796, %gather3A_795, %select_n3A_790 : vector<16xi1>, vector<16xf32>
        %select_n3A_798 = arith.select %gt3A_796, %add3A_794, %select_n3A_791 : vector<16xi1>, vector<16xi32>
        %broadcast_in_dim3A_799 = vector.broadcast %scan3A_535 : i32 to vector<16xi32>
        %broadcast_in_dim3A_800 = arith.constant 0 : i32
        %broadcast_in_dim3A_801 = vector.broadcast %broadcast_in_dim3A_800 : i32 to vector<16xi32>
        %gather3A_802 = tpu.vector_load_idx %arg9[%broadcast_in_dim3A_801, %select_n3A_798] : memref<4x2048xf32, #tpu.memory_space<vmem>>[vector<16xi32>, vector<16xi32>], vector<16xf32>,
        tpu.vector_store_idx %arg14[%broadcast_in_dim3A_801, %broadcast_in_dim3A_799, %iota3A], %gather3A_802 : memref<4x40x16xf32, #tpu.memory_space<vmem>>[vector<16xi32>, vector<16xi32>, vector<16xi32>], vector<16xf32>,
        %broadcast_in_dim3A_803 = arith.constant 1 : i32
        %broadcast_in_dim3A_804 = vector.broadcast %broadcast_in_dim3A_803 : i32 to vector<16xi32>
        %gather3A_805 = tpu.vector_load_idx %arg9[%broadcast_in_dim3A_804, %select_n3A_798] : memref<4x2048xf32, #tpu.memory_space<vmem>>[vector<16xi32>, vector<16xi32>], vector<16xf32>,
        tpu.vector_store_idx %arg14[%broadcast_in_dim3A_804, %broadcast_in_dim3A_799, %iota3A], %gather3A_805 : memref<4x40x16xf32, #tpu.memory_space<vmem>>[vector<16xi32>, vector<16xi32>, vector<16xi32>], vector<16xf32>,
        %broadcast_in_dim3A_806 = arith.constant 2 : i32
        %broadcast_in_dim3A_807 = vector.broadcast %broadcast_in_dim3A_806 : i32 to vector<16xi32>
        %gather3A_808 = tpu.vector_load_idx %arg9[%broadcast_in_dim3A_807, %select_n3A_798] : memref<4x2048xf32, #tpu.memory_space<vmem>>[vector<16xi32>, vector<16xi32>], vector<16xf32>,
        tpu.vector_store_idx %arg14[%broadcast_in_dim3A_807, %broadcast_in_dim3A_799, %iota3A], %gather3A_808 : memref<4x40x16xf32, #tpu.memory_space<vmem>>[vector<16xi32>, vector<16xi32>, vector<16xi32>], vector<16xf32>,
        %broadcast_in_dim3A_809 = arith.constant 3 : i32
        %broadcast_in_dim3A_810 = vector.broadcast %broadcast_in_dim3A_809 : i32 to vector<16xi32>
        %gather3A_811 = tpu.vector_load_idx %arg9[%broadcast_in_dim3A_810, %select_n3A_798] : memref<4x2048xf32, #tpu.memory_space<vmem>>[vector<16xi32>, vector<16xi32>], vector<16xf32>,
        tpu.vector_store_idx %arg14[%broadcast_in_dim3A_810, %broadcast_in_dim3A_799, %iota3A], %gather3A_811 : memref<4x40x16xf32, #tpu.memory_space<vmem>>[vector<16xi32>, vector<16xi32>, vector<16xi32>], vector<16xf32>,
        tpu.vector_store_idx %arg7[%select_n3A_798, %iota3A], %broadcast_in_dim3A_1 : memref<2048x16xf32, #tpu.memory_space<vmem>>[vector<16xi32>, vector<16xi32>], vector<16xf32>,
        %eq3A_812 = arith.cmpi eq, %mul3A_692, %select_n3A_798 : vector<16xi32>
        %select_n3A_813 = arith.select %eq3A_812, %broadcast_in_dim3A_1, %gather3A_693 : vector<16xi1>, vector<16xf32>
        %max3A = arith.maximumf %broadcast_in_dim3A_1, %select_n3A_813 : vector<16xf32>
        %eq3A_814 = arith.cmpi eq, %add3A_696, %select_n3A_798 : vector<16xi32>
        %select_n3A_815 = arith.select %eq3A_814, %broadcast_in_dim3A_1, %gather3A_697 : vector<16xi1>, vector<16xf32>
        %max3A_816 = arith.maximumf %max3A, %select_n3A_815 : vector<16xf32>
        %eq3A_817 = arith.cmpi eq, %add3A_703, %select_n3A_798 : vector<16xi32>
        %select_n3A_818 = arith.select %eq3A_817, %broadcast_in_dim3A_1, %gather3A_704 : vector<16xi1>, vector<16xf32>
        %max3A_819 = arith.maximumf %max3A_816, %select_n3A_818 : vector<16xf32>
        %eq3A_820 = arith.cmpi eq, %add3A_710, %select_n3A_798 : vector<16xi32>
        %select_n3A_821 = arith.select %eq3A_820, %broadcast_in_dim3A_1, %gather3A_711 : vector<16xi1>, vector<16xf32>
        %max3A_822 = arith.maximumf %max3A_819, %select_n3A_821 : vector<16xf32>
        %eq3A_823 = arith.cmpi eq, %add3A_717, %select_n3A_798 : vector<16xi32>
        %select_n3A_824 = arith.select %eq3A_823, %broadcast_in_dim3A_1, %gather3A_718 : vector<16xi1>, vector<16xf32>
        %max3A_825 = arith.maximumf %max3A_822, %select_n3A_824 : vector<16xf32>
        %eq3A_826 = arith.cmpi eq, %add3A_724, %select_n3A_798 : vector<16xi32>
        %select_n3A_827 = arith.select %eq3A_826, %broadcast_in_dim3A_1, %gather3A_725 : vector<16xi1>, vector<16xf32>
        %max3A_828 = arith.maximumf %max3A_825, %select_n3A_827 : vector<16xf32>
        %eq3A_829 = arith.cmpi eq, %add3A_731, %select_n3A_798 : vector<16xi32>
        %select_n3A_830 = arith.select %eq3A_829, %broadcast_in_dim3A_1, %gather3A_732 : vector<16xi1>, vector<16xf32>
        %max3A_831 = arith.maximumf %max3A_828, %select_n3A_830 : vector<16xf32>
        %eq3A_832 = arith.cmpi eq, %add3A_738, %select_n3A_798 : vector<16xi32>
        %select_n3A_833 = arith.select %eq3A_832, %broadcast_in_dim3A_1, %gather3A_739 : vector<16xi1>, vector<16xf32>
        %max3A_834 = arith.maximumf %max3A_831, %select_n3A_833 : vector<16xf32>
        %eq3A_835 = arith.cmpi eq, %add3A_745, %select_n3A_798 : vector<16xi32>
        %select_n3A_836 = arith.select %eq3A_835, %broadcast_in_dim3A_1, %gather3A_746 : vector<16xi1>, vector<16xf32>
        %max3A_837 = arith.maximumf %max3A_834, %select_n3A_836 : vector<16xf32>
        %eq3A_838 = arith.cmpi eq, %add3A_752, %select_n3A_798 : vector<16xi32>
        %select_n3A_839 = arith.select %eq3A_838, %broadcast_in_dim3A_1, %gather3A_753 : vector<16xi1>, vector<16xf32>
        %max3A_840 = arith.maximumf %max3A_837, %select_n3A_839 : vector<16xf32>
        %eq3A_841 = arith.cmpi eq, %add3A_759, %select_n3A_798 : vector<16xi32>
        %select_n3A_842 = arith.select %eq3A_841, %broadcast_in_dim3A_1, %gather3A_760 : vector<16xi1>, vector<16xf32>
        %max3A_843 = arith.maximumf %max3A_840, %select_n3A_842 : vector<16xf32>
        %eq3A_844 = arith.cmpi eq, %add3A_766, %select_n3A_798 : vector<16xi32>
        %select_n3A_845 = arith.select %eq3A_844, %broadcast_in_dim3A_1, %gather3A_767 : vector<16xi1>, vector<16xf32>
        %max3A_846 = arith.maximumf %max3A_843, %select_n3A_845 : vector<16xf32>
        %eq3A_847 = arith.cmpi eq, %add3A_773, %select_n3A_798 : vector<16xi32>
        %select_n3A_848 = arith.select %eq3A_847, %broadcast_in_dim3A_1, %gather3A_774 : vector<16xi1>, vector<16xf32>
        %max3A_849 = arith.maximumf %max3A_846, %select_n3A_848 : vector<16xf32>
        %eq3A_850 = arith.cmpi eq, %add3A_780, %select_n3A_798 : vector<16xi32>
        %select_n3A_851 = arith.select %eq3A_850, %broadcast_in_dim3A_1, %gather3A_781 : vector<16xi1>, vector<16xf32>
        %max3A_852 = arith.maximumf %max3A_849, %select_n3A_851 : vector<16xf32>
        %eq3A_853 = arith.cmpi eq, %add3A_787, %select_n3A_798 : vector<16xi32>
        %select_n3A_854 = arith.select %eq3A_853, %broadcast_in_dim3A_1, %gather3A_788 : vector<16xi1>, vector<16xf32>
        %max3A_855 = arith.maximumf %max3A_852, %select_n3A_854 : vector<16xf32>
        %eq3A_856 = arith.cmpi eq, %add3A_794, %select_n3A_798 : vector<16xi32>
        %select_n3A_857 = arith.select %eq3A_856, %broadcast_in_dim3A_1, %gather3A_795 : vector<16xi1>, vector<16xf32>
        %max3A_858 = arith.maximumf %max3A_855, %select_n3A_857 : vector<16xf32>
        tpu.vector_store_idx %arg10[%select_n3A_689, %iota3A], %max3A_858 : memref<128x16xf32, #tpu.memory_space<vmem>>[vector<16xi32>, vector<16xi32>], vector<16xf32>,
        %eq3A_859 = arith.cmpi eq, %mul3A_583, %select_n3A_689 : vector<16xi32>
        %select_n3A_860 = arith.select %eq3A_859, %max3A_858, %gather3A_584 : vector<16xi1>, vector<16xf32>
        %max3A_861 = arith.maximumf %broadcast_in_dim3A_1, %select_n3A_860 : vector<16xf32>
        %eq3A_862 = arith.cmpi eq, %add3A_587, %select_n3A_689 : vector<16xi32>
        %select_n3A_863 = arith.select %eq3A_862, %max3A_858, %gather3A_588 : vector<16xi1>, vector<16xf32>
        %max3A_864 = arith.maximumf %max3A_861, %select_n3A_863 : vector<16xf32>
        %eq3A_865 = arith.cmpi eq, %add3A_594, %select_n3A_689 : vector<16xi32>
        %select_n3A_866 = arith.select %eq3A_865, %max3A_858, %gather3A_595 : vector<16xi1>, vector<16xf32>
        %max3A_867 = arith.maximumf %max3A_864, %select_n3A_866 : vector<16xf32>
        %eq3A_868 = arith.cmpi eq, %add3A_601, %select_n3A_689 : vector<16xi32>
        %select_n3A_869 = arith.select %eq3A_868, %max3A_858, %gather3A_602 : vector<16xi1>, vector<16xf32>
        %max3A_870 = arith.maximumf %max3A_867, %select_n3A_869 : vector<16xf32>
        %eq3A_871 = arith.cmpi eq, %add3A_608, %select_n3A_689 : vector<16xi32>
        %select_n3A_872 = arith.select %eq3A_871, %max3A_858, %gather3A_609 : vector<16xi1>, vector<16xf32>
        %max3A_873 = arith.maximumf %max3A_870, %select_n3A_872 : vector<16xf32>
        %eq3A_874 = arith.cmpi eq, %add3A_615, %select_n3A_689 : vector<16xi32>
        %select_n3A_875 = arith.select %eq3A_874, %max3A_858, %gather3A_616 : vector<16xi1>, vector<16xf32>
        %max3A_876 = arith.maximumf %max3A_873, %select_n3A_875 : vector<16xf32>
        %eq3A_877 = arith.cmpi eq, %add3A_622, %select_n3A_689 : vector<16xi32>
        %select_n3A_878 = arith.select %eq3A_877, %max3A_858, %gather3A_623 : vector<16xi1>, vector<16xf32>
        %max3A_879 = arith.maximumf %max3A_876, %select_n3A_878 : vector<16xf32>
        %eq3A_880 = arith.cmpi eq, %add3A_629, %select_n3A_689 : vector<16xi32>
        %select_n3A_881 = arith.select %eq3A_880, %max3A_858, %gather3A_630 : vector<16xi1>, vector<16xf32>
        %max3A_882 = arith.maximumf %max3A_879, %select_n3A_881 : vector<16xf32>
        %eq3A_883 = arith.cmpi eq, %add3A_636, %select_n3A_689 : vector<16xi32>
        %select_n3A_884 = arith.select %eq3A_883, %max3A_858, %gather3A_637 : vector<16xi1>, vector<16xf32>
        %max3A_885 = arith.maximumf %max3A_882, %select_n3A_884 : vector<16xf32>
        %eq3A_886 = arith.cmpi eq, %add3A_643, %select_n3A_689 : vector<16xi32>
        %select_n3A_887 = arith.select %eq3A_886, %max3A_858, %gather3A_644 : vector<16xi1>, vector<16xf32>
        %max3A_888 = arith.maximumf %max3A_885, %select_n3A_887 : vector<16xf32>
        %eq3A_889 = arith.cmpi eq, %add3A_650, %select_n3A_689 : vector<16xi32>
        %select_n3A_890 = arith.select %eq3A_889, %max3A_858, %gather3A_651 : vector<16xi1>, vector<16xf32>
        %max3A_891 = arith.maximumf %max3A_888, %select_n3A_890 : vector<16xf32>
        %eq3A_892 = arith.cmpi eq, %add3A_657, %select_n3A_689 : vector<16xi32>
        %select_n3A_893 = arith.select %eq3A_892, %max3A_858, %gather3A_658 : vector<16xi1>, vector<16xf32>
        %max3A_894 = arith.maximumf %max3A_891, %select_n3A_893 : vector<16xf32>
        %eq3A_895 = arith.cmpi eq, %add3A_664, %select_n3A_689 : vector<16xi32>
        %select_n3A_896 = arith.select %eq3A_895, %max3A_858, %gather3A_665 : vector<16xi1>, vector<16xf32>
        %max3A_897 = arith.maximumf %max3A_894, %select_n3A_896 : vector<16xf32>
        %eq3A_898 = arith.cmpi eq, %add3A_671, %select_n3A_689 : vector<16xi32>
        %select_n3A_899 = arith.select %eq3A_898, %max3A_858, %gather3A_672 : vector<16xi1>, vector<16xf32>
        %max3A_900 = arith.maximumf %max3A_897, %select_n3A_899 : vector<16xf32>
        %eq3A_901 = arith.cmpi eq, %add3A_678, %select_n3A_689 : vector<16xi32>
        %select_n3A_902 = arith.select %eq3A_901, %max3A_858, %gather3A_679 : vector<16xi1>, vector<16xf32>
        %max3A_903 = arith.maximumf %max3A_900, %select_n3A_902 : vector<16xf32>
        %eq3A_904 = arith.cmpi eq, %add3A_685, %select_n3A_689 : vector<16xi32>
        %select_n3A_905 = arith.select %eq3A_904, %max3A_858, %gather3A_686 : vector<16xi1>, vector<16xf32>
        %max3A_906 = arith.maximumf %max3A_903, %select_n3A_905 : vector<16xf32>
        tpu.vector_store_idx %arg12[%select_n3A_580, %iota3A], %max3A_906 : memref<8x16xf32, #tpu.memory_space<vmem>>[vector<16xi32>, vector<16xi32>], vector<16xf32>,
      }
      %scan3A_344 = arith.constant 40 : i32
      "tpu.region"() ({
        %run_scoped3A = tpu.sem_alloc : memref<!tpu.dma_semaphore, #tpu.memory_space<semaphore_mem>>
        %dma_start3A_535 = arith.constant 0 : i32
        %dma_start3A_536 = arith.constant 0 : i32
        %dma_start3A_537 = tpu.memref_slice %arg6[%select_n3A_320, %dma_start3A_535, %dma_start3A_536, %mul3A_338] : memref<4x4x40x2048xf32, #tpu.memory_space<hbm>> -> memref<1x4x40x16xf32, #tpu.memory_space<hbm>>
        %dma_start3A_538 = tpu.memref_squeeze %dma_start3A_537 : memref<1x4x40x16xf32, #tpu.memory_space<hbm>> -> memref<4x40x16xf32, #tpu.memory_space<hbm>>
        %dma_start3A_539 = arith.constant 0 : i32
        %dma_start3A_540 = arith.constant 0 : i32
        %dma_start3A_541 = tpu.memref_slice %arg6[%select_n3A_320, %dma_start3A_539, %dma_start3A_540, %mul3A_338] : memref<4x4x40x2048xf32, #tpu.memory_space<hbm>> -> memref<1x4x40x16xf32, #tpu.memory_space<hbm>>
        %dma_start3A_542 = tpu.memref_squeeze %dma_start3A_541 : memref<1x4x40x16xf32, #tpu.memory_space<hbm>> -> memref<4x40x16xf32, #tpu.memory_space<hbm>>
        tpu.enqueue_dma source(%arg14 : memref<4x40x16xf32, #tpu.memory_space<vmem>>) target(%dma_start3A_542 : memref<4x40x16xf32, #tpu.memory_space<hbm>>) target_semaphore(%run_scoped3A : memref<!tpu.dma_semaphore, #tpu.memory_space<semaphore_mem>>)
        %dma_wait3A_543 = arith.constant 0 : i32
        %dma_wait3A_544 = arith.constant 0 : i32
        %dma_wait3A_545 = tpu.memref_slice %arg6[%select_n3A_320, %dma_wait3A_543, %dma_wait3A_544, %mul3A_338] : memref<4x4x40x2048xf32, #tpu.memory_space<hbm>> -> memref<1x4x40x16xf32, #tpu.memory_space<hbm>>
        %dma_wait3A_546 = tpu.memref_squeeze %dma_wait3A_545 : memref<1x4x40x16xf32, #tpu.memory_space<hbm>> -> memref<4x40x16xf32, #tpu.memory_space<hbm>>
        %dma_wait3A_547 = arith.constant 0 : i32
        %dma_wait3A_548 = arith.constant 0 : i32
        %dma_wait3A_549 = tpu.memref_slice %arg6[%select_n3A_320, %dma_wait3A_547, %dma_wait3A_548, %mul3A_338] : memref<4x4x40x2048xf32, #tpu.memory_space<hbm>> -> memref<1x4x40x16xf32, #tpu.memory_space<hbm>>
        %dma_wait3A_550 = tpu.memref_squeeze %dma_wait3A_549 : memref<1x4x40x16xf32, #tpu.memory_space<hbm>> -> memref<4x40x16xf32, #tpu.memory_space<hbm>>
        tpu.wait_dma2 semaphore(%run_scoped3A : memref<!tpu.dma_semaphore, #tpu.memory_space<semaphore_mem>>) src(%arg14 : memref<4x40x16xf32, #tpu.memory_space<vmem>>) dst(%dma_wait3A_550 : memref<4x40x16xf32, #tpu.memory_space<hbm>>)
        tpu.yield
      }) : () -> ()
      %add3A_345 = arith.constant 2 : i32
      %add3A_346 = arith.addi %mul3A_156, %add3A_345 : i32
      %mul3A_347 = arith.constant 16 : i32
      %mul3A_348 = arith.muli %add3A, %mul3A_347 : i32
      %min3A_349 = arith.constant 15 : i32
      %min3A_350 = arith.minsi %add3A_346, %min3A_349 : i32
      %add3A_351 = arith.addi %mul3A_348, %min3A_350 : i32
      %jit3A_352 = arith.constant 128 : i32
      %div3A_353 = arith.divsi %add3A_351, %jit3A_352 : i32
      %sign3A_354 = arith.constant 0 : i32
      %sign3A_355 = arith.cmpi sgt, %add3A_351, %sign3A_354 : i32
      %sign3A_356 = arith.extui %sign3A_355 : i1 to i32
      %sign3A_357 = arith.constant 0 : i32
      %sign3A_358 = arith.cmpi slt, %add3A_351, %sign3A_357 : i32
      %sign3A_359 = arith.extui %sign3A_358 : i1 to i32
      %sign3A_360 = arith.subi %sign3A_356, %sign3A_359 : i32
      %sign3A_361 = arith.constant 0 : i32
      %sign3A_362 = arith.cmpi sgt, %jit3A_352, %sign3A_361 : i32
      %sign3A_363 = arith.extui %sign3A_362 : i1 to i32
      %sign3A_364 = arith.constant 0 : i32
      %sign3A_365 = arith.cmpi slt, %jit3A_352, %sign3A_364 : i32
      %sign3A_366 = arith.extui %sign3A_365 : i1 to i32
      %sign3A_367 = arith.subi %sign3A_363, %sign3A_366 : i32
      %ne3A_368 = arith.cmpi ne, %sign3A_360, %sign3A_367 : i32
      %rem3A_369 = arith.remsi %add3A_351, %jit3A_352 : i32
      %ne3A_370 = arith.constant 0 : i32
      %ne3A_371 = arith.cmpi ne, %rem3A_369, %ne3A_370 : i32
      %and3A_372 = arith.andi %ne3A_368, %ne3A_371 : i1
      %sub3A_373 = arith.constant 1 : i32
      %sub3A_374 = arith.subi %div3A_353, %sub3A_373 : i32
      %select_n3A_375 = arith.select %and3A_372, %sub3A_374, %div3A_353 : i32
      %jit3A_376 = arith.constant 128 : i32
      %eq3A_377 = arith.constant 0 : i32
      %eq3A_378 = arith.cmpi eq, %jit3A_376, %eq3A_377 : i32
      %jit3A_379 = arith.constant 1 : i32
      %select_n3A_380 = arith.select %eq3A_378, %jit3A_379, %jit3A_376 : i32
      %rem3A_381 = arith.remsi %add3A_351, %select_n3A_380 : i32
      %ne3A_382 = arith.constant 0 : i32
      %ne3A_383 = arith.cmpi ne, %rem3A_381, %ne3A_382 : i32
      %lt3A_384 = arith.constant 0 : i32
      %lt3A_385 = arith.cmpi slt, %rem3A_381, %lt3A_384 : i32
      %lt3A_386 = arith.constant 0 : i32
      %lt3A_387 = arith.cmpi slt, %select_n3A_380, %lt3A_386 : i32
      %ne3A_388 = arith.xori %lt3A_385, %lt3A_387 : i1
      %and3A_389 = arith.andi %ne3A_388, %ne3A_383 : i1
      %add3A_390 = arith.addi %rem3A_381, %select_n3A_380 : i32
      %select_n3A_391 = arith.select %and3A_389, %add3A_390, %rem3A_381 : i32
      %jit3A_392 = arith.constant 8 : i32
      %div3A_393 = arith.divsi %select_n3A_391, %jit3A_392 : i32
      %sign3A_394 = arith.constant 0 : i32
      %sign3A_395 = arith.cmpi sgt, %select_n3A_391, %sign3A_394 : i32
      %sign3A_396 = arith.extui %sign3A_395 : i1 to i32
      %sign3A_397 = arith.constant 0 : i32
      %sign3A_398 = arith.cmpi slt, %select_n3A_391, %sign3A_397 : i32
      %sign3A_399 = arith.extui %sign3A_398 : i1 to i32
      %sign3A_400 = arith.subi %sign3A_396, %sign3A_399 : i32
      %sign3A_401 = arith.constant 0 : i32
      %sign3A_402 = arith.cmpi sgt, %jit3A_392, %sign3A_401 : i32
      %sign3A_403 = arith.extui %sign3A_402 : i1 to i32
      %sign3A_404 = arith.constant 0 : i32
      %sign3A_405 = arith.cmpi slt, %jit3A_392, %sign3A_404 : i32
      %sign3A_406 = arith.extui %sign3A_405 : i1 to i32
      %sign3A_407 = arith.subi %sign3A_403, %sign3A_406 : i32
      %ne3A_408 = arith.cmpi ne, %sign3A_400, %sign3A_407 : i32
      %rem3A_409 = arith.remsi %select_n3A_391, %jit3A_392 : i32
      %ne3A_410 = arith.constant 0 : i32
      %ne3A_411 = arith.cmpi ne, %rem3A_409, %ne3A_410 : i32
      %and3A_412 = arith.andi %ne3A_408, %ne3A_411 : i1
      %sub3A_413 = arith.constant 1 : i32
      %sub3A_414 = arith.subi %div3A_393, %sub3A_413 : i32
      %select_n3A_415 = arith.select %and3A_412, %sub3A_414, %div3A_393 : i32
      %jit3A_416 = arith.constant 8 : i32
      %eq3A_417 = arith.constant 0 : i32
      %eq3A_418 = arith.cmpi eq, %jit3A_416, %eq3A_417 : i32
      %jit3A_419 = arith.constant 1 : i32
      %select_n3A_420 = arith.select %eq3A_418, %jit3A_419, %jit3A_416 : i32
      %rem3A_421 = arith.remsi %select_n3A_391, %select_n3A_420 : i32
      %ne3A_422 = arith.constant 0 : i32
      %ne3A_423 = arith.cmpi ne, %rem3A_421, %ne3A_422 : i32
      %lt3A_424 = arith.constant 0 : i32
      %lt3A_425 = arith.cmpi slt, %rem3A_421, %lt3A_424 : i32
      %lt3A_426 = arith.constant 0 : i32
      %lt3A_427 = arith.cmpi slt, %select_n3A_420, %lt3A_426 : i32
      %ne3A_428 = arith.xori %lt3A_425, %lt3A_427 : i1
      %and3A_429 = arith.andi %ne3A_428, %ne3A_423 : i1
      %add3A_430 = arith.addi %rem3A_421, %select_n3A_420 : i32
      %select_n3A_431 = arith.select %and3A_429, %add3A_430, %rem3A_421 : i32
      %mul3A_432 = arith.constant 16 : i32
      %mul3A_433 = arith.muli %select_n3A_431, %mul3A_432 : i32
      %dma_start3A_434 = arith.constant 0 : i32
      %dma_start3A_435 = tpu.memref_slice %arg2[%select_n3A_375, %select_n3A_415, %dma_start3A_434, %mul3A_433] : memref<4x16x2048x128xf32, #tpu.memory_space<hbm>> -> memref<1x1x2048x16xf32, #tpu.memory_space<hbm>>
      %dma_start3A_436 = tpu.memref_squeeze %dma_start3A_435 : memref<1x1x2048x16xf32, #tpu.memory_space<hbm>> -> memref<2048x16xf32, #tpu.memory_space<hbm>>
      %dma_start3A_437 = arith.constant 0 : i32
      %dma_start3A_438 = tpu.memref_slice %arg2[%select_n3A_375, %select_n3A_415, %dma_start3A_437, %mul3A_433] : memref<4x16x2048x128xf32, #tpu.memory_space<hbm>> -> memref<1x1x2048x16xf32, #tpu.memory_space<hbm>>
      %dma_start3A_439 = tpu.memref_squeeze %dma_start3A_438 : memref<1x1x2048x16xf32, #tpu.memory_space<hbm>> -> memref<2048x16xf32, #tpu.memory_space<hbm>>
      tpu.enqueue_dma source(%dma_start3A_439 : memref<2048x16xf32, #tpu.memory_space<hbm>>) target(%arg7 : memref<2048x16xf32, #tpu.memory_space<vmem>>) target_semaphore(%arg15 : memref<!tpu.dma_semaphore, #tpu.memory_space<semaphore_mem>>)
      %dma_start3A_440 = arith.constant 0 : i32
      %dma_start3A_441 = tpu.memref_slice %arg3[%select_n3A_375, %select_n3A_415, %dma_start3A_440, %mul3A_433] : memref<4x16x128x128xf32, #tpu.memory_space<hbm>> -> memref<1x1x128x16xf32, #tpu.memory_space<hbm>>
      %dma_start3A_442 = tpu.memref_squeeze %dma_start3A_441 : memref<1x1x128x16xf32, #tpu.memory_space<hbm>> -> memref<128x16xf32, #tpu.memory_space<hbm>>
      %dma_start3A_443 = arith.constant 0 : i32
      %dma_start3A_444 = tpu.memref_slice %arg3[%select_n3A_375, %select_n3A_415, %dma_start3A_443, %mul3A_433] : memref<4x16x128x128xf32, #tpu.memory_space<hbm>> -> memref<1x1x128x16xf32, #tpu.memory_space<hbm>>
      %dma_start3A_445 = tpu.memref_squeeze %dma_start3A_444 : memref<1x1x128x16xf32, #tpu.memory_space<hbm>> -> memref<128x16xf32, #tpu.memory_space<hbm>>
      tpu.enqueue_dma source(%dma_start3A_445 : memref<128x16xf32, #tpu.memory_space<hbm>>) target(%arg10 : memref<128x16xf32, #tpu.memory_space<vmem>>) target_semaphore(%arg15 : memref<!tpu.dma_semaphore, #tpu.memory_space<semaphore_mem>>)
      %dma_start3A_446 = arith.constant 0 : i32
      %dma_start3A_447 = tpu.memref_slice %arg4[%select_n3A_375, %select_n3A_415, %dma_start3A_446, %mul3A_433] : memref<4x16x8x128xf32, #tpu.memory_space<hbm>> -> memref<1x1x8x16xf32, #tpu.memory_space<hbm>>
      %dma_start3A_448 = tpu.memref_squeeze %dma_start3A_447 : memref<1x1x8x16xf32, #tpu.memory_space<hbm>> -> memref<8x16xf32, #tpu.memory_space<hbm>>
      %dma_start3A_449 = arith.constant 0 : i32
      %dma_start3A_450 = tpu.memref_slice %arg4[%select_n3A_375, %select_n3A_415, %dma_start3A_449, %mul3A_433] : memref<4x16x8x128xf32, #tpu.memory_space<hbm>> -> memref<1x1x8x16xf32, #tpu.memory_space<hbm>>
      %dma_start3A_451 = tpu.memref_squeeze %dma_start3A_450 : memref<1x1x8x16xf32, #tpu.memory_space<hbm>> -> memref<8x16xf32, #tpu.memory_space<hbm>>
      tpu.enqueue_dma source(%dma_start3A_451 : memref<8x16xf32, #tpu.memory_space<hbm>>) target(%arg12 : memref<8x16xf32, #tpu.memory_space<vmem>>) target_semaphore(%arg15 : memref<!tpu.dma_semaphore, #tpu.memory_space<semaphore_mem>>)
      %dma_wait3A_452 = arith.constant 0 : i32
      %dma_wait3A_453 = arith.constant 0 : i32
      %dma_wait3A_454 = arith.constant 0 : i32
      %dma_wait3A_455 = arith.constant 0 : i32
      %dma_wait3A_456 = tpu.memref_slice %arg2[%dma_wait3A_452, %dma_wait3A_453, %dma_wait3A_454, %dma_wait3A_455] : memref<4x16x2048x128xf32, #tpu.memory_space<hbm>> -> memref<1x1x2048x16xf32, #tpu.memory_space<hbm>>
      %dma_wait3A_457 = tpu.memref_squeeze %dma_wait3A_456 : memref<1x1x2048x16xf32, #tpu.memory_space<hbm>> -> memref<2048x16xf32, #tpu.memory_space<hbm>>
      %dma_wait3A_458 = arith.constant 0 : i32
      %dma_wait3A_459 = arith.constant 0 : i32
      %dma_wait3A_460 = tpu.memref_slice %arg2[%dma_wait3A_452, %dma_wait3A_453, %dma_wait3A_458, %dma_wait3A_459] : memref<4x16x2048x128xf32, #tpu.memory_space<hbm>> -> memref<1x1x2048x16xf32, #tpu.memory_space<hbm>>
      %dma_wait3A_461 = tpu.memref_squeeze %dma_wait3A_460 : memref<1x1x2048x16xf32, #tpu.memory_space<hbm>> -> memref<2048x16xf32, #tpu.memory_space<hbm>>
      tpu.wait_dma2 semaphore(%arg16 : memref<!tpu.dma_semaphore, #tpu.memory_space<semaphore_mem>>) src(%dma_wait3A_461 : memref<2048x16xf32, #tpu.memory_space<hbm>>) dst(%arg8 : memref<2048x16xf32, #tpu.memory_space<vmem>>)
      %dma_wait3A_462 = arith.constant 0 : i32
      %dma_wait3A_463 = arith.constant 0 : i32
      %dma_wait3A_464 = arith.constant 0 : i32
      %dma_wait3A_465 = arith.constant 0 : i32
      %dma_wait3A_466 = tpu.memref_slice %arg3[%dma_wait3A_462, %dma_wait3A_463, %dma_wait3A_464, %dma_wait3A_465] : memref<4x16x128x128xf32, #tpu.memory_space<hbm>> -> memref<1x1x128x16xf32, #tpu.memory_space<hbm>>
      %dma_wait3A_467 = tpu.memref_squeeze %dma_wait3A_466 : memref<1x1x128x16xf32, #tpu.memory_space<hbm>> -> memref<128x16xf32, #tpu.memory_space<hbm>>
      %dma_wait3A_468 = arith.constant 0 : i32
      %dma_wait3A_469 = arith.constant 0 : i32
      %dma_wait3A_470 = tpu.memref_slice %arg3[%dma_wait3A_462, %dma_wait3A_463, %dma_wait3A_468, %dma_wait3A_469] : memref<4x16x128x128xf32, #tpu.memory_space<hbm>> -> memref<1x1x128x16xf32, #tpu.memory_space<hbm>>
      %dma_wait3A_471 = tpu.memref_squeeze %dma_wait3A_470 : memref<1x1x128x16xf32, #tpu.memory_space<hbm>> -> memref<128x16xf32, #tpu.memory_space<hbm>>
      tpu.wait_dma2 semaphore(%arg16 : memref<!tpu.dma_semaphore, #tpu.memory_space<semaphore_mem>>) src(%dma_wait3A_471 : memref<128x16xf32, #tpu.memory_space<hbm>>) dst(%arg11 : memref<128x16xf32, #tpu.memory_space<vmem>>)
      %dma_wait3A_472 = arith.constant 0 : i32
      %dma_wait3A_473 = arith.constant 0 : i32
      %dma_wait3A_474 = arith.constant 0 : i32
      %dma_wait3A_475 = arith.constant 0 : i32
      %dma_wait3A_476 = tpu.memref_slice %arg4[%dma_wait3A_472, %dma_wait3A_473, %dma_wait3A_474, %dma_wait3A_475] : memref<4x16x8x128xf32, #tpu.memory_space<hbm>> -> memref<1x1x8x16xf32, #tpu.memory_space<hbm>>
      %dma_wait3A_477 = tpu.memref_squeeze %dma_wait3A_476 : memref<1x1x8x16xf32, #tpu.memory_space<hbm>> -> memref<8x16xf32, #tpu.memory_space<hbm>>
      %dma_wait3A_478 = arith.constant 0 : i32
      %dma_wait3A_479 = arith.constant 0 : i32
      %dma_wait3A_480 = tpu.memref_slice %arg4[%dma_wait3A_472, %dma_wait3A_473, %dma_wait3A_478, %dma_wait3A_479] : memref<4x16x8x128xf32, #tpu.memory_space<hbm>> -> memref<1x1x8x16xf32, #tpu.memory_space<hbm>>
      %dma_wait3A_481 = tpu.memref_squeeze %dma_wait3A_480 : memref<1x1x8x16xf32, #tpu.memory_space<hbm>> -> memref<8x16xf32, #tpu.memory_space<hbm>>
      tpu.wait_dma2 semaphore(%arg16 : memref<!tpu.dma_semaphore, #tpu.memory_space<semaphore_mem>>) src(%dma_wait3A_481 : memref<8x16xf32, #tpu.memory_space<hbm>>) dst(%arg13 : memref<8x16xf32, #tpu.memory_space<vmem>>)
      %add3A_482 = arith.constant 1 : i32
      %add3A_483 = arith.addi %mul3A_156, %add3A_482 : i32
      %mul3A_484 = arith.constant 16 : i32
      %mul3A_485 = arith.muli %add3A, %mul3A_484 : i32
      %add3A_486 = arith.addi %mul3A_485, %add3A_483 : i32
      %jit3A_487 = arith.constant 128 : i32
      %div3A_488 = arith.divsi %add3A_486, %jit3A_487 : i32
      %sign3A_489 = arith.constant 0 : i32
      %sign3A_490 = arith.cmpi sgt, %add3A_486, %sign3A_489 : i32
      %sign3A_491 = arith.extui %sign3A_490 : i1 to i32
      %sign3A_492 = arith.constant 0 : i32
      %sign3A_493 = arith.cmpi slt, %add3A_486, %sign3A_492 : i32
      %sign3A_494 = arith.extui %sign3A_493 : i1 to i32
      %sign3A_495 = arith.subi %sign3A_491, %sign3A_494 : i32
      %sign3A_496 = arith.constant 0 : i32
      %sign3A_497 = arith.cmpi sgt, %jit3A_487, %sign3A_496 : i32
      %sign3A_498 = arith.extui %sign3A_497 : i1 to i32
      %sign3A_499 = arith.constant 0 : i32
      %sign3A_500 = arith.cmpi slt, %jit3A_487, %sign3A_499 : i32
      %sign3A_501 = arith.extui %sign3A_500 : i1 to i32
      %sign3A_502 = arith.subi %sign3A_498, %sign3A_501 : i32
      %ne3A_503 = arith.cmpi ne, %sign3A_495, %sign3A_502 : i32
      %rem3A_504 = arith.remsi %add3A_486, %jit3A_487 : i32
      %ne3A_505 = arith.constant 0 : i32
      %ne3A_506 = arith.cmpi ne, %rem3A_504, %ne3A_505 : i32
      %and3A_507 = arith.andi %ne3A_503, %ne3A_506 : i1
      %sub3A_508 = arith.constant 1 : i32
      %sub3A_509 = arith.subi %div3A_488, %sub3A_508 : i32
      %select_n3A_510 = arith.select %and3A_507, %sub3A_509, %div3A_488 : i32
      %jit3A_511 = arith.constant 128 : i32
      %eq3A_512 = arith.constant 0 : i32
      %eq3A_513 = arith.cmpi eq, %jit3A_511, %eq3A_512 : i32
      %jit3A_514 = arith.constant 1 : i32
      %select_n3A_515 = arith.select %eq3A_513, %jit3A_514, %jit3A_511 : i32
      %rem3A_516 = arith.remsi %add3A_486, %select_n3A_515 : i32
      %ne3A_517 = arith.constant 0 : i32
      %ne3A_518 = arith.cmpi ne, %rem3A_516, %ne3A_517 : i32
      %lt3A_519 = arith.constant 0 : i32
      %lt3A_520 = arith.cmpi slt, %rem3A_516, %lt3A_519 : i32
      %lt3A_521 = arith.constant 0 : i32
      %lt3A_522 = arith.cmpi slt, %select_n3A_515, %lt3A_521 : i32
      %ne3A_523 = arith.xori %lt3A_520, %lt3A_522 : i1
      %and3A_524 = arith.andi %ne3A_523, %ne3A_518 : i1
      %add3A_525 = arith.addi %rem3A_516, %select_n3A_515 : i32
      %select_n3A_526 = arith.select %and3A_524, %add3A_525, %rem3A_516 : i32
      %mul3A_527 = arith.constant 16 : i32
      %mul3A_528 = arith.muli %select_n3A_526, %mul3A_527 : i32
      %scan3A_529 = arith.constant 0 : i32
      %scan3A_530 = arith.constant 0 : i32
      %scan3A_531 = arith.constant 40 : i32
      %scan3A_532 = arith.addi %scan3A_530, %scan3A_531 : i32
      %scan3A_533 = arith.constant 1 : i32
      scf.for %scan3A_535 = %scan3A_530 to %scan3A_532 step %scan3A_533  : i32 {
        %broadcast_in_dim3A_536 = arith.constant 0 : i32
        %broadcast_in_dim3A_537 = vector.broadcast %broadcast_in_dim3A_536 : i32 to vector<16xi32>
        %gather3A = tpu.vector_load_idx %arg13[%broadcast_in_dim3A_537, %iota3A] : memref<8x16xf32, #tpu.memory_space<vmem>>[vector<16xi32>, vector<16xi32>], vector<16xf32>,
        %broadcast_in_dim3A_538 = arith.constant 0 : i32
        %broadcast_in_dim3A_539 = vector.broadcast %broadcast_in_dim3A_538 : i32 to vector<16xi32>
        %broadcast_in_dim3A_540 = arith.constant 1 : i32
        %broadcast_in_dim3A_541 = vector.broadcast %broadcast_in_dim3A_540 : i32 to vector<16xi32>
        %gather3A_542 = tpu.vector_load_idx %arg13[%broadcast_in_dim3A_541, %iota3A] : memref<8x16xf32, #tpu.memory_space<vmem>>[vector<16xi32>, vector<16xi32>], vector<16xf32>,
        %gt3A = arith.cmpf ogt, %gather3A_542, %gather3A : vector<16xf32>
        %select_n3A_543 = arith.select %gt3A, %gather3A_542, %gather3A : vector<16xi1>, vector<16xf32>
        %select_n3A_544 = arith.select %gt3A, %broadcast_in_dim3A_541, %broadcast_in_dim3A_539 : vector<16xi1>, vector<16xi32>
        %broadcast_in_dim3A_545 = arith.constant 2 : i32
        %broadcast_in_dim3A_546 = vector.broadcast %broadcast_in_dim3A_545 : i32 to vector<16xi32>
        %gather3A_547 = tpu.vector_load_idx %arg13[%broadcast_in_dim3A_546, %iota3A] : memref<8x16xf32, #tpu.memory_space<vmem>>[vector<16xi32>, vector<16xi32>], vector<16xf32>,
        %gt3A_548 = arith.cmpf ogt, %gather3A_547, %select_n3A_543 : vector<16xf32>
        %select_n3A_549 = arith.select %gt3A_548, %gather3A_547, %select_n3A_543 : vector<16xi1>, vector<16xf32>
        %select_n3A_550 = arith.select %gt3A_548, %broadcast_in_dim3A_546, %select_n3A_544 : vector<16xi1>, vector<16xi32>
        %broadcast_in_dim3A_551 = arith.constant 3 : i32
        %broadcast_in_dim3A_552 = vector.broadcast %broadcast_in_dim3A_551 : i32 to vector<16xi32>
        %gather3A_553 = tpu.vector_load_idx %arg13[%broadcast_in_dim3A_552, %iota3A] : memref<8x16xf32, #tpu.memory_space<vmem>>[vector<16xi32>, vector<16xi32>], vector<16xf32>,
        %gt3A_554 = arith.cmpf ogt, %gather3A_553, %select_n3A_549 : vector<16xf32>
        %select_n3A_555 = arith.select %gt3A_554, %gather3A_553, %select_n3A_549 : vector<16xi1>, vector<16xf32>
        %select_n3A_556 = arith.select %gt3A_554, %broadcast_in_dim3A_552, %select_n3A_550 : vector<16xi1>, vector<16xi32>
        %broadcast_in_dim3A_557 = arith.constant 4 : i32
        %broadcast_in_dim3A_558 = vector.broadcast %broadcast_in_dim3A_557 : i32 to vector<16xi32>
        %gather3A_559 = tpu.vector_load_idx %arg13[%broadcast_in_dim3A_558, %iota3A] : memref<8x16xf32, #tpu.memory_space<vmem>>[vector<16xi32>, vector<16xi32>], vector<16xf32>,
        %gt3A_560 = arith.cmpf ogt, %gather3A_559, %select_n3A_555 : vector<16xf32>
        %select_n3A_561 = arith.select %gt3A_560, %gather3A_559, %select_n3A_555 : vector<16xi1>, vector<16xf32>
        %select_n3A_562 = arith.select %gt3A_560, %broadcast_in_dim3A_558, %select_n3A_556 : vector<16xi1>, vector<16xi32>
        %broadcast_in_dim3A_563 = arith.constant 5 : i32
        %broadcast_in_dim3A_564 = vector.broadcast %broadcast_in_dim3A_563 : i32 to vector<16xi32>
        %gather3A_565 = tpu.vector_load_idx %arg13[%broadcast_in_dim3A_564, %iota3A] : memref<8x16xf32, #tpu.memory_space<vmem>>[vector<16xi32>, vector<16xi32>], vector<16xf32>,
        %gt3A_566 = arith.cmpf ogt, %gather3A_565, %select_n3A_561 : vector<16xf32>
        %select_n3A_567 = arith.select %gt3A_566, %gather3A_565, %select_n3A_561 : vector<16xi1>, vector<16xf32>
        %select_n3A_568 = arith.select %gt3A_566, %broadcast_in_dim3A_564, %select_n3A_562 : vector<16xi1>, vector<16xi32>
        %broadcast_in_dim3A_569 = arith.constant 6 : i32
        %broadcast_in_dim3A_570 = vector.broadcast %broadcast_in_dim3A_569 : i32 to vector<16xi32>
        %gather3A_571 = tpu.vector_load_idx %arg13[%broadcast_in_dim3A_570, %iota3A] : memref<8x16xf32, #tpu.memory_space<vmem>>[vector<16xi32>, vector<16xi32>], vector<16xf32>,
        %gt3A_572 = arith.cmpf ogt, %gather3A_571, %select_n3A_567 : vector<16xf32>
        %select_n3A_573 = arith.select %gt3A_572, %gather3A_571, %select_n3A_567 : vector<16xi1>, vector<16xf32>
        %select_n3A_574 = arith.select %gt3A_572, %broadcast_in_dim3A_570, %select_n3A_568 : vector<16xi1>, vector<16xi32>
        %broadcast_in_dim3A_575 = arith.constant 7 : i32
        %broadcast_in_dim3A_576 = vector.broadcast %broadcast_in_dim3A_575 : i32 to vector<16xi32>
        %gather3A_577 = tpu.vector_load_idx %arg13[%broadcast_in_dim3A_576, %iota3A] : memref<8x16xf32, #tpu.memory_space<vmem>>[vector<16xi32>, vector<16xi32>], vector<16xf32>,
        %gt3A_578 = arith.cmpf ogt, %gather3A_577, %select_n3A_573 : vector<16xf32>
        %select_n3A_579 = arith.select %gt3A_578, %gather3A_577, %select_n3A_573 : vector<16xi1>, vector<16xf32>
        %select_n3A_580 = arith.select %gt3A_578, %broadcast_in_dim3A_576, %select_n3A_574 : vector<16xi1>, vector<16xi32>
        %mul3A_581 = arith.constant 16 : i32
        %mul3A_582 = vector.broadcast %mul3A_581 : i32 to vector<16xi32>
        %mul3A_583 = arith.muli %select_n3A_580, %mul3A_582 : vector<16xi32>
        %gather3A_584 = tpu.vector_load_idx %arg11[%mul3A_583, %iota3A] : memref<128x16xf32, #tpu.memory_space<vmem>>[vector<16xi32>, vector<16xi32>], vector<16xf32>,
        %add3A_585 = arith.constant 1 : i32
        %add3A_586 = vector.broadcast %add3A_585 : i32 to vector<16xi32>
        %add3A_587 = arith.addi %mul3A_583, %add3A_586 : vector<16xi32>
        %gather3A_588 = tpu.vector_load_idx %arg11[%add3A_587, %iota3A] : memref<128x16xf32, #tpu.memory_space<vmem>>[vector<16xi32>, vector<16xi32>], vector<16xf32>,
        %gt3A_589 = arith.cmpf ogt, %gather3A_588, %gather3A_584 : vector<16xf32>
        %select_n3A_590 = arith.select %gt3A_589, %gather3A_588, %gather3A_584 : vector<16xi1>, vector<16xf32>
        %select_n3A_591 = arith.select %gt3A_589, %add3A_587, %mul3A_583 : vector<16xi1>, vector<16xi32>
        %add3A_592 = arith.constant 2 : i32
        %add3A_593 = vector.broadcast %add3A_592 : i32 to vector<16xi32>
        %add3A_594 = arith.addi %mul3A_583, %add3A_593 : vector<16xi32>
        %gather3A_595 = tpu.vector_load_idx %arg11[%add3A_594, %iota3A] : memref<128x16xf32, #tpu.memory_space<vmem>>[vector<16xi32>, vector<16xi32>], vector<16xf32>,
        %gt3A_596 = arith.cmpf ogt, %gather3A_595, %select_n3A_590 : vector<16xf32>
        %select_n3A_597 = arith.select %gt3A_596, %gather3A_595, %select_n3A_590 : vector<16xi1>, vector<16xf32>
        %select_n3A_598 = arith.select %gt3A_596, %add3A_594, %select_n3A_591 : vector<16xi1>, vector<16xi32>
        %add3A_599 = arith.constant 3 : i32
        %add3A_600 = vector.broadcast %add3A_599 : i32 to vector<16xi32>
        %add3A_601 = arith.addi %mul3A_583, %add3A_600 : vector<16xi32>
        %gather3A_602 = tpu.vector_load_idx %arg11[%add3A_601, %iota3A] : memref<128x16xf32, #tpu.memory_space<vmem>>[vector<16xi32>, vector<16xi32>], vector<16xf32>,
        %gt3A_603 = arith.cmpf ogt, %gather3A_602, %select_n3A_597 : vector<16xf32>
        %select_n3A_604 = arith.select %gt3A_603, %gather3A_602, %select_n3A_597 : vector<16xi1>, vector<16xf32>
        %select_n3A_605 = arith.select %gt3A_603, %add3A_601, %select_n3A_598 : vector<16xi1>, vector<16xi32>
        %add3A_606 = arith.constant 4 : i32
        %add3A_607 = vector.broadcast %add3A_606 : i32 to vector<16xi32>
        %add3A_608 = arith.addi %mul3A_583, %add3A_607 : vector<16xi32>
        %gather3A_609 = tpu.vector_load_idx %arg11[%add3A_608, %iota3A] : memref<128x16xf32, #tpu.memory_space<vmem>>[vector<16xi32>, vector<16xi32>], vector<16xf32>,
        %gt3A_610 = arith.cmpf ogt, %gather3A_609, %select_n3A_604 : vector<16xf32>
        %select_n3A_611 = arith.select %gt3A_610, %gather3A_609, %select_n3A_604 : vector<16xi1>, vector<16xf32>
        %select_n3A_612 = arith.select %gt3A_610, %add3A_608, %select_n3A_605 : vector<16xi1>, vector<16xi32>
        %add3A_613 = arith.constant 5 : i32
        %add3A_614 = vector.broadcast %add3A_613 : i32 to vector<16xi32>
        %add3A_615 = arith.addi %mul3A_583, %add3A_614 : vector<16xi32>
        %gather3A_616 = tpu.vector_load_idx %arg11[%add3A_615, %iota3A] : memref<128x16xf32, #tpu.memory_space<vmem>>[vector<16xi32>, vector<16xi32>], vector<16xf32>,
        %gt3A_617 = arith.cmpf ogt, %gather3A_616, %select_n3A_611 : vector<16xf32>
        %select_n3A_618 = arith.select %gt3A_617, %gather3A_616, %select_n3A_611 : vector<16xi1>, vector<16xf32>
        %select_n3A_619 = arith.select %gt3A_617, %add3A_615, %select_n3A_612 : vector<16xi1>, vector<16xi32>
        %add3A_620 = arith.constant 6 : i32
        %add3A_621 = vector.broadcast %add3A_620 : i32 to vector<16xi32>
        %add3A_622 = arith.addi %mul3A_583, %add3A_621 : vector<16xi32>
        %gather3A_623 = tpu.vector_load_idx %arg11[%add3A_622, %iota3A] : memref<128x16xf32, #tpu.memory_space<vmem>>[vector<16xi32>, vector<16xi32>], vector<16xf32>,
        %gt3A_624 = arith.cmpf ogt, %gather3A_623, %select_n3A_618 : vector<16xf32>
        %select_n3A_625 = arith.select %gt3A_624, %gather3A_623, %select_n3A_618 : vector<16xi1>, vector<16xf32>
        %select_n3A_626 = arith.select %gt3A_624, %add3A_622, %select_n3A_619 : vector<16xi1>, vector<16xi32>
        %add3A_627 = arith.constant 7 : i32
        %add3A_628 = vector.broadcast %add3A_627 : i32 to vector<16xi32>
        %add3A_629 = arith.addi %mul3A_583, %add3A_628 : vector<16xi32>
        %gather3A_630 = tpu.vector_load_idx %arg11[%add3A_629, %iota3A] : memref<128x16xf32, #tpu.memory_space<vmem>>[vector<16xi32>, vector<16xi32>], vector<16xf32>,
        %gt3A_631 = arith.cmpf ogt, %gather3A_630, %select_n3A_625 : vector<16xf32>
        %select_n3A_632 = arith.select %gt3A_631, %gather3A_630, %select_n3A_625 : vector<16xi1>, vector<16xf32>
        %select_n3A_633 = arith.select %gt3A_631, %add3A_629, %select_n3A_626 : vector<16xi1>, vector<16xi32>
        %add3A_634 = arith.constant 8 : i32
        %add3A_635 = vector.broadcast %add3A_634 : i32 to vector<16xi32>
        %add3A_636 = arith.addi %mul3A_583, %add3A_635 : vector<16xi32>
        %gather3A_637 = tpu.vector_load_idx %arg11[%add3A_636, %iota3A] : memref<128x16xf32, #tpu.memory_space<vmem>>[vector<16xi32>, vector<16xi32>], vector<16xf32>,
        %gt3A_638 = arith.cmpf ogt, %gather3A_637, %select_n3A_632 : vector<16xf32>
        %select_n3A_639 = arith.select %gt3A_638, %gather3A_637, %select_n3A_632 : vector<16xi1>, vector<16xf32>
        %select_n3A_640 = arith.select %gt3A_638, %add3A_636, %select_n3A_633 : vector<16xi1>, vector<16xi32>
        %add3A_641 = arith.constant 9 : i32
        %add3A_642 = vector.broadcast %add3A_641 : i32 to vector<16xi32>
        %add3A_643 = arith.addi %mul3A_583, %add3A_642 : vector<16xi32>
        %gather3A_644 = tpu.vector_load_idx %arg11[%add3A_643, %iota3A] : memref<128x16xf32, #tpu.memory_space<vmem>>[vector<16xi32>, vector<16xi32>], vector<16xf32>,
        %gt3A_645 = arith.cmpf ogt, %gather3A_644, %select_n3A_639 : vector<16xf32>
        %select_n3A_646 = arith.select %gt3A_645, %gather3A_644, %select_n3A_639 : vector<16xi1>, vector<16xf32>
        %select_n3A_647 = arith.select %gt3A_645, %add3A_643, %select_n3A_640 : vector<16xi1>, vector<16xi32>
        %add3A_648 = arith.constant 10 : i32
        %add3A_649 = vector.broadcast %add3A_648 : i32 to vector<16xi32>
        %add3A_650 = arith.addi %mul3A_583, %add3A_649 : vector<16xi32>
        %gather3A_651 = tpu.vector_load_idx %arg11[%add3A_650, %iota3A] : memref<128x16xf32, #tpu.memory_space<vmem>>[vector<16xi32>, vector<16xi32>], vector<16xf32>,
        %gt3A_652 = arith.cmpf ogt, %gather3A_651, %select_n3A_646 : vector<16xf32>
        %select_n3A_653 = arith.select %gt3A_652, %gather3A_651, %select_n3A_646 : vector<16xi1>, vector<16xf32>
        %select_n3A_654 = arith.select %gt3A_652, %add3A_650, %select_n3A_647 : vector<16xi1>, vector<16xi32>
        %add3A_655 = arith.constant 11 : i32
        %add3A_656 = vector.broadcast %add3A_655 : i32 to vector<16xi32>
        %add3A_657 = arith.addi %mul3A_583, %add3A_656 : vector<16xi32>
        %gather3A_658 = tpu.vector_load_idx %arg11[%add3A_657, %iota3A] : memref<128x16xf32, #tpu.memory_space<vmem>>[vector<16xi32>, vector<16xi32>], vector<16xf32>,
        %gt3A_659 = arith.cmpf ogt, %gather3A_658, %select_n3A_653 : vector<16xf32>
        %select_n3A_660 = arith.select %gt3A_659, %gather3A_658, %select_n3A_653 : vector<16xi1>, vector<16xf32>
        %select_n3A_661 = arith.select %gt3A_659, %add3A_657, %select_n3A_654 : vector<16xi1>, vector<16xi32>
        %add3A_662 = arith.constant 12 : i32
        %add3A_663 = vector.broadcast %add3A_662 : i32 to vector<16xi32>
        %add3A_664 = arith.addi %mul3A_583, %add3A_663 : vector<16xi32>
        %gather3A_665 = tpu.vector_load_idx %arg11[%add3A_664, %iota3A] : memref<128x16xf32, #tpu.memory_space<vmem>>[vector<16xi32>, vector<16xi32>], vector<16xf32>,
        %gt3A_666 = arith.cmpf ogt, %gather3A_665, %select_n3A_660 : vector<16xf32>
        %select_n3A_667 = arith.select %gt3A_666, %gather3A_665, %select_n3A_660 : vector<16xi1>, vector<16xf32>
        %select_n3A_668 = arith.select %gt3A_666, %add3A_664, %select_n3A_661 : vector<16xi1>, vector<16xi32>
        %add3A_669 = arith.constant 13 : i32
        %add3A_670 = vector.broadcast %add3A_669 : i32 to vector<16xi32>
        %add3A_671 = arith.addi %mul3A_583, %add3A_670 : vector<16xi32>
        %gather3A_672 = tpu.vector_load_idx %arg11[%add3A_671, %iota3A] : memref<128x16xf32, #tpu.memory_space<vmem>>[vector<16xi32>, vector<16xi32>], vector<16xf32>,
        %gt3A_673 = arith.cmpf ogt, %gather3A_672, %select_n3A_667 : vector<16xf32>
        %select_n3A_674 = arith.select %gt3A_673, %gather3A_672, %select_n3A_667 : vector<16xi1>, vector<16xf32>
        %select_n3A_675 = arith.select %gt3A_673, %add3A_671, %select_n3A_668 : vector<16xi1>, vector<16xi32>
        %add3A_676 = arith.constant 14 : i32
        %add3A_677 = vector.broadcast %add3A_676 : i32 to vector<16xi32>
        %add3A_678 = arith.addi %mul3A_583, %add3A_677 : vector<16xi32>
        %gather3A_679 = tpu.vector_load_idx %arg11[%add3A_678, %iota3A] : memref<128x16xf32, #tpu.memory_space<vmem>>[vector<16xi32>, vector<16xi32>], vector<16xf32>,
        %gt3A_680 = arith.cmpf ogt, %gather3A_679, %select_n3A_674 : vector<16xf32>
        %select_n3A_681 = arith.select %gt3A_680, %gather3A_679, %select_n3A_674 : vector<16xi1>, vector<16xf32>
        %select_n3A_682 = arith.select %gt3A_680, %add3A_678, %select_n3A_675 : vector<16xi1>, vector<16xi32>
        %add3A_683 = arith.constant 15 : i32
        %add3A_684 = vector.broadcast %add3A_683 : i32 to vector<16xi32>
        %add3A_685 = arith.addi %mul3A_583, %add3A_684 : vector<16xi32>
        %gather3A_686 = tpu.vector_load_idx %arg11[%add3A_685, %iota3A] : memref<128x16xf32, #tpu.memory_space<vmem>>[vector<16xi32>, vector<16xi32>], vector<16xf32>,
        %gt3A_687 = arith.cmpf ogt, %gather3A_686, %select_n3A_681 : vector<16xf32>
        %select_n3A_688 = arith.select %gt3A_687, %gather3A_686, %select_n3A_681 : vector<16xi1>, vector<16xf32>
        %select_n3A_689 = arith.select %gt3A_687, %add3A_685, %select_n3A_682 : vector<16xi1>, vector<16xi32>
        %mul3A_690 = arith.constant 16 : i32
        %mul3A_691 = vector.broadcast %mul3A_690 : i32 to vector<16xi32>
        %mul3A_692 = arith.muli %select_n3A_689, %mul3A_691 : vector<16xi32>
        %gather3A_693 = tpu.vector_load_idx %arg8[%mul3A_692, %iota3A] : memref<2048x16xf32, #tpu.memory_space<vmem>>[vector<16xi32>, vector<16xi32>], vector<16xf32>,
        %add3A_694 = arith.constant 1 : i32
        %add3A_695 = vector.broadcast %add3A_694 : i32 to vector<16xi32>
        %add3A_696 = arith.addi %mul3A_692, %add3A_695 : vector<16xi32>
        %gather3A_697 = tpu.vector_load_idx %arg8[%add3A_696, %iota3A] : memref<2048x16xf32, #tpu.memory_space<vmem>>[vector<16xi32>, vector<16xi32>], vector<16xf32>,
        %gt3A_698 = arith.cmpf ogt, %gather3A_697, %gather3A_693 : vector<16xf32>
        %select_n3A_699 = arith.select %gt3A_698, %gather3A_697, %gather3A_693 : vector<16xi1>, vector<16xf32>
        %select_n3A_700 = arith.select %gt3A_698, %add3A_696, %mul3A_692 : vector<16xi1>, vector<16xi32>
        %add3A_701 = arith.constant 2 : i32
        %add3A_702 = vector.broadcast %add3A_701 : i32 to vector<16xi32>
        %add3A_703 = arith.addi %mul3A_692, %add3A_702 : vector<16xi32>
        %gather3A_704 = tpu.vector_load_idx %arg8[%add3A_703, %iota3A] : memref<2048x16xf32, #tpu.memory_space<vmem>>[vector<16xi32>, vector<16xi32>], vector<16xf32>,
        %gt3A_705 = arith.cmpf ogt, %gather3A_704, %select_n3A_699 : vector<16xf32>
        %select_n3A_706 = arith.select %gt3A_705, %gather3A_704, %select_n3A_699 : vector<16xi1>, vector<16xf32>
        %select_n3A_707 = arith.select %gt3A_705, %add3A_703, %select_n3A_700 : vector<16xi1>, vector<16xi32>
        %add3A_708 = arith.constant 3 : i32
        %add3A_709 = vector.broadcast %add3A_708 : i32 to vector<16xi32>
        %add3A_710 = arith.addi %mul3A_692, %add3A_709 : vector<16xi32>
        %gather3A_711 = tpu.vector_load_idx %arg8[%add3A_710, %iota3A] : memref<2048x16xf32, #tpu.memory_space<vmem>>[vector<16xi32>, vector<16xi32>], vector<16xf32>,
        %gt3A_712 = arith.cmpf ogt, %gather3A_711, %select_n3A_706 : vector<16xf32>
        %select_n3A_713 = arith.select %gt3A_712, %gather3A_711, %select_n3A_706 : vector<16xi1>, vector<16xf32>
        %select_n3A_714 = arith.select %gt3A_712, %add3A_710, %select_n3A_707 : vector<16xi1>, vector<16xi32>
        %add3A_715 = arith.constant 4 : i32
        %add3A_716 = vector.broadcast %add3A_715 : i32 to vector<16xi32>
        %add3A_717 = arith.addi %mul3A_692, %add3A_716 : vector<16xi32>
        %gather3A_718 = tpu.vector_load_idx %arg8[%add3A_717, %iota3A] : memref<2048x16xf32, #tpu.memory_space<vmem>>[vector<16xi32>, vector<16xi32>], vector<16xf32>,
        %gt3A_719 = arith.cmpf ogt, %gather3A_718, %select_n3A_713 : vector<16xf32>
        %select_n3A_720 = arith.select %gt3A_719, %gather3A_718, %select_n3A_713 : vector<16xi1>, vector<16xf32>
        %select_n3A_721 = arith.select %gt3A_719, %add3A_717, %select_n3A_714 : vector<16xi1>, vector<16xi32>
        %add3A_722 = arith.constant 5 : i32
        %add3A_723 = vector.broadcast %add3A_722 : i32 to vector<16xi32>
        %add3A_724 = arith.addi %mul3A_692, %add3A_723 : vector<16xi32>
        %gather3A_725 = tpu.vector_load_idx %arg8[%add3A_724, %iota3A] : memref<2048x16xf32, #tpu.memory_space<vmem>>[vector<16xi32>, vector<16xi32>], vector<16xf32>,
        %gt3A_726 = arith.cmpf ogt, %gather3A_725, %select_n3A_720 : vector<16xf32>
        %select_n3A_727 = arith.select %gt3A_726, %gather3A_725, %select_n3A_720 : vector<16xi1>, vector<16xf32>
        %select_n3A_728 = arith.select %gt3A_726, %add3A_724, %select_n3A_721 : vector<16xi1>, vector<16xi32>
        %add3A_729 = arith.constant 6 : i32
        %add3A_730 = vector.broadcast %add3A_729 : i32 to vector<16xi32>
        %add3A_731 = arith.addi %mul3A_692, %add3A_730 : vector<16xi32>
        %gather3A_732 = tpu.vector_load_idx %arg8[%add3A_731, %iota3A] : memref<2048x16xf32, #tpu.memory_space<vmem>>[vector<16xi32>, vector<16xi32>], vector<16xf32>,
        %gt3A_733 = arith.cmpf ogt, %gather3A_732, %select_n3A_727 : vector<16xf32>
        %select_n3A_734 = arith.select %gt3A_733, %gather3A_732, %select_n3A_727 : vector<16xi1>, vector<16xf32>
        %select_n3A_735 = arith.select %gt3A_733, %add3A_731, %select_n3A_728 : vector<16xi1>, vector<16xi32>
        %add3A_736 = arith.constant 7 : i32
        %add3A_737 = vector.broadcast %add3A_736 : i32 to vector<16xi32>
        %add3A_738 = arith.addi %mul3A_692, %add3A_737 : vector<16xi32>
        %gather3A_739 = tpu.vector_load_idx %arg8[%add3A_738, %iota3A] : memref<2048x16xf32, #tpu.memory_space<vmem>>[vector<16xi32>, vector<16xi32>], vector<16xf32>,
        %gt3A_740 = arith.cmpf ogt, %gather3A_739, %select_n3A_734 : vector<16xf32>
        %select_n3A_741 = arith.select %gt3A_740, %gather3A_739, %select_n3A_734 : vector<16xi1>, vector<16xf32>
        %select_n3A_742 = arith.select %gt3A_740, %add3A_738, %select_n3A_735 : vector<16xi1>, vector<16xi32>
        %add3A_743 = arith.constant 8 : i32
        %add3A_744 = vector.broadcast %add3A_743 : i32 to vector<16xi32>
        %add3A_745 = arith.addi %mul3A_692, %add3A_744 : vector<16xi32>
        %gather3A_746 = tpu.vector_load_idx %arg8[%add3A_745, %iota3A] : memref<2048x16xf32, #tpu.memory_space<vmem>>[vector<16xi32>, vector<16xi32>], vector<16xf32>,
        %gt3A_747 = arith.cmpf ogt, %gather3A_746, %select_n3A_741 : vector<16xf32>
        %select_n3A_748 = arith.select %gt3A_747, %gather3A_746, %select_n3A_741 : vector<16xi1>, vector<16xf32>
        %select_n3A_749 = arith.select %gt3A_747, %add3A_745, %select_n3A_742 : vector<16xi1>, vector<16xi32>
        %add3A_750 = arith.constant 9 : i32
        %add3A_751 = vector.broadcast %add3A_750 : i32 to vector<16xi32>
        %add3A_752 = arith.addi %mul3A_692, %add3A_751 : vector<16xi32>
        %gather3A_753 = tpu.vector_load_idx %arg8[%add3A_752, %iota3A] : memref<2048x16xf32, #tpu.memory_space<vmem>>[vector<16xi32>, vector<16xi32>], vector<16xf32>,
        %gt3A_754 = arith.cmpf ogt, %gather3A_753, %select_n3A_748 : vector<16xf32>
        %select_n3A_755 = arith.select %gt3A_754, %gather3A_753, %select_n3A_748 : vector<16xi1>, vector<16xf32>
        %select_n3A_756 = arith.select %gt3A_754, %add3A_752, %select_n3A_749 : vector<16xi1>, vector<16xi32>
        %add3A_757 = arith.constant 10 : i32
        %add3A_758 = vector.broadcast %add3A_757 : i32 to vector<16xi32>
        %add3A_759 = arith.addi %mul3A_692, %add3A_758 : vector<16xi32>
        %gather3A_760 = tpu.vector_load_idx %arg8[%add3A_759, %iota3A] : memref<2048x16xf32, #tpu.memory_space<vmem>>[vector<16xi32>, vector<16xi32>], vector<16xf32>,
        %gt3A_761 = arith.cmpf ogt, %gather3A_760, %select_n3A_755 : vector<16xf32>
        %select_n3A_762 = arith.select %gt3A_761, %gather3A_760, %select_n3A_755 : vector<16xi1>, vector<16xf32>
        %select_n3A_763 = arith.select %gt3A_761, %add3A_759, %select_n3A_756 : vector<16xi1>, vector<16xi32>
        %add3A_764 = arith.constant 11 : i32
        %add3A_765 = vector.broadcast %add3A_764 : i32 to vector<16xi32>
        %add3A_766 = arith.addi %mul3A_692, %add3A_765 : vector<16xi32>
        %gather3A_767 = tpu.vector_load_idx %arg8[%add3A_766, %iota3A] : memref<2048x16xf32, #tpu.memory_space<vmem>>[vector<16xi32>, vector<16xi32>], vector<16xf32>,
        %gt3A_768 = arith.cmpf ogt, %gather3A_767, %select_n3A_762 : vector<16xf32>
        %select_n3A_769 = arith.select %gt3A_768, %gather3A_767, %select_n3A_762 : vector<16xi1>, vector<16xf32>
        %select_n3A_770 = arith.select %gt3A_768, %add3A_766, %select_n3A_763 : vector<16xi1>, vector<16xi32>
        %add3A_771 = arith.constant 12 : i32
        %add3A_772 = vector.broadcast %add3A_771 : i32 to vector<16xi32>
        %add3A_773 = arith.addi %mul3A_692, %add3A_772 : vector<16xi32>
        %gather3A_774 = tpu.vector_load_idx %arg8[%add3A_773, %iota3A] : memref<2048x16xf32, #tpu.memory_space<vmem>>[vector<16xi32>, vector<16xi32>], vector<16xf32>,
        %gt3A_775 = arith.cmpf ogt, %gather3A_774, %select_n3A_769 : vector<16xf32>
        %select_n3A_776 = arith.select %gt3A_775, %gather3A_774, %select_n3A_769 : vector<16xi1>, vector<16xf32>
        %select_n3A_777 = arith.select %gt3A_775, %add3A_773, %select_n3A_770 : vector<16xi1>, vector<16xi32>
        %add3A_778 = arith.constant 13 : i32
        %add3A_779 = vector.broadcast %add3A_778 : i32 to vector<16xi32>
        %add3A_780 = arith.addi %mul3A_692, %add3A_779 : vector<16xi32>
        %gather3A_781 = tpu.vector_load_idx %arg8[%add3A_780, %iota3A] : memref<2048x16xf32, #tpu.memory_space<vmem>>[vector<16xi32>, vector<16xi32>], vector<16xf32>,
        %gt3A_782 = arith.cmpf ogt, %gather3A_781, %select_n3A_776 : vector<16xf32>
        %select_n3A_783 = arith.select %gt3A_782, %gather3A_781, %select_n3A_776 : vector<16xi1>, vector<16xf32>
        %select_n3A_784 = arith.select %gt3A_782, %add3A_780, %select_n3A_777 : vector<16xi1>, vector<16xi32>
        %add3A_785 = arith.constant 14 : i32
        %add3A_786 = vector.broadcast %add3A_785 : i32 to vector<16xi32>
        %add3A_787 = arith.addi %mul3A_692, %add3A_786 : vector<16xi32>
        %gather3A_788 = tpu.vector_load_idx %arg8[%add3A_787, %iota3A] : memref<2048x16xf32, #tpu.memory_space<vmem>>[vector<16xi32>, vector<16xi32>], vector<16xf32>,
        %gt3A_789 = arith.cmpf ogt, %gather3A_788, %select_n3A_783 : vector<16xf32>
        %select_n3A_790 = arith.select %gt3A_789, %gather3A_788, %select_n3A_783 : vector<16xi1>, vector<16xf32>
        %select_n3A_791 = arith.select %gt3A_789, %add3A_787, %select_n3A_784 : vector<16xi1>, vector<16xi32>
        %add3A_792 = arith.constant 15 : i32
        %add3A_793 = vector.broadcast %add3A_792 : i32 to vector<16xi32>
        %add3A_794 = arith.addi %mul3A_692, %add3A_793 : vector<16xi32>
        %gather3A_795 = tpu.vector_load_idx %arg8[%add3A_794, %iota3A] : memref<2048x16xf32, #tpu.memory_space<vmem>>[vector<16xi32>, vector<16xi32>], vector<16xf32>,
        %gt3A_796 = arith.cmpf ogt, %gather3A_795, %select_n3A_790 : vector<16xf32>
        %select_n3A_797 = arith.select %gt3A_796, %gather3A_795, %select_n3A_790 : vector<16xi1>, vector<16xf32>
        %select_n3A_798 = arith.select %gt3A_796, %add3A_794, %select_n3A_791 : vector<16xi1>, vector<16xi32>
        %broadcast_in_dim3A_799 = vector.broadcast %scan3A_535 : i32 to vector<16xi32>
        %broadcast_in_dim3A_800 = arith.constant 0 : i32
        %broadcast_in_dim3A_801 = vector.broadcast %broadcast_in_dim3A_800 : i32 to vector<16xi32>
        %gather3A_802 = tpu.vector_load_idx %arg9[%broadcast_in_dim3A_801, %select_n3A_798] : memref<4x2048xf32, #tpu.memory_space<vmem>>[vector<16xi32>, vector<16xi32>], vector<16xf32>,
        tpu.vector_store_idx %arg14[%broadcast_in_dim3A_801, %broadcast_in_dim3A_799, %iota3A], %gather3A_802 : memref<4x40x16xf32, #tpu.memory_space<vmem>>[vector<16xi32>, vector<16xi32>, vector<16xi32>], vector<16xf32>,
        %broadcast_in_dim3A_803 = arith.constant 1 : i32
        %broadcast_in_dim3A_804 = vector.broadcast %broadcast_in_dim3A_803 : i32 to vector<16xi32>
        %gather3A_805 = tpu.vector_load_idx %arg9[%broadcast_in_dim3A_804, %select_n3A_798] : memref<4x2048xf32, #tpu.memory_space<vmem>>[vector<16xi32>, vector<16xi32>], vector<16xf32>,
        tpu.vector_store_idx %arg14[%broadcast_in_dim3A_804, %broadcast_in_dim3A_799, %iota3A], %gather3A_805 : memref<4x40x16xf32, #tpu.memory_space<vmem>>[vector<16xi32>, vector<16xi32>, vector<16xi32>], vector<16xf32>,
        %broadcast_in_dim3A_806 = arith.constant 2 : i32
        %broadcast_in_dim3A_807 = vector.broadcast %broadcast_in_dim3A_806 : i32 to vector<16xi32>
        %gather3A_808 = tpu.vector_load_idx %arg9[%broadcast_in_dim3A_807, %select_n3A_798] : memref<4x2048xf32, #tpu.memory_space<vmem>>[vector<16xi32>, vector<16xi32>], vector<16xf32>,
        tpu.vector_store_idx %arg14[%broadcast_in_dim3A_807, %broadcast_in_dim3A_799, %iota3A], %gather3A_808 : memref<4x40x16xf32, #tpu.memory_space<vmem>>[vector<16xi32>, vector<16xi32>, vector<16xi32>], vector<16xf32>,
        %broadcast_in_dim3A_809 = arith.constant 3 : i32
        %broadcast_in_dim3A_810 = vector.broadcast %broadcast_in_dim3A_809 : i32 to vector<16xi32>
        %gather3A_811 = tpu.vector_load_idx %arg9[%broadcast_in_dim3A_810, %select_n3A_798] : memref<4x2048xf32, #tpu.memory_space<vmem>>[vector<16xi32>, vector<16xi32>], vector<16xf32>,
        tpu.vector_store_idx %arg14[%broadcast_in_dim3A_810, %broadcast_in_dim3A_799, %iota3A], %gather3A_811 : memref<4x40x16xf32, #tpu.memory_space<vmem>>[vector<16xi32>, vector<16xi32>, vector<16xi32>], vector<16xf32>,
        tpu.vector_store_idx %arg8[%select_n3A_798, %iota3A], %broadcast_in_dim3A_1 : memref<2048x16xf32, #tpu.memory_space<vmem>>[vector<16xi32>, vector<16xi32>], vector<16xf32>,
        %eq3A_812 = arith.cmpi eq, %mul3A_692, %select_n3A_798 : vector<16xi32>
        %select_n3A_813 = arith.select %eq3A_812, %broadcast_in_dim3A_1, %gather3A_693 : vector<16xi1>, vector<16xf32>
        %max3A = arith.maximumf %broadcast_in_dim3A_1, %select_n3A_813 : vector<16xf32>
        %eq3A_814 = arith.cmpi eq, %add3A_696, %select_n3A_798 : vector<16xi32>
        %select_n3A_815 = arith.select %eq3A_814, %broadcast_in_dim3A_1, %gather3A_697 : vector<16xi1>, vector<16xf32>
        %max3A_816 = arith.maximumf %max3A, %select_n3A_815 : vector<16xf32>
        %eq3A_817 = arith.cmpi eq, %add3A_703, %select_n3A_798 : vector<16xi32>
        %select_n3A_818 = arith.select %eq3A_817, %broadcast_in_dim3A_1, %gather3A_704 : vector<16xi1>, vector<16xf32>
        %max3A_819 = arith.maximumf %max3A_816, %select_n3A_818 : vector<16xf32>
        %eq3A_820 = arith.cmpi eq, %add3A_710, %select_n3A_798 : vector<16xi32>
        %select_n3A_821 = arith.select %eq3A_820, %broadcast_in_dim3A_1, %gather3A_711 : vector<16xi1>, vector<16xf32>
        %max3A_822 = arith.maximumf %max3A_819, %select_n3A_821 : vector<16xf32>
        %eq3A_823 = arith.cmpi eq, %add3A_717, %select_n3A_798 : vector<16xi32>
        %select_n3A_824 = arith.select %eq3A_823, %broadcast_in_dim3A_1, %gather3A_718 : vector<16xi1>, vector<16xf32>
        %max3A_825 = arith.maximumf %max3A_822, %select_n3A_824 : vector<16xf32>
        %eq3A_826 = arith.cmpi eq, %add3A_724, %select_n3A_798 : vector<16xi32>
        %select_n3A_827 = arith.select %eq3A_826, %broadcast_in_dim3A_1, %gather3A_725 : vector<16xi1>, vector<16xf32>
        %max3A_828 = arith.maximumf %max3A_825, %select_n3A_827 : vector<16xf32>
        %eq3A_829 = arith.cmpi eq, %add3A_731, %select_n3A_798 : vector<16xi32>
        %select_n3A_830 = arith.select %eq3A_829, %broadcast_in_dim3A_1, %gather3A_732 : vector<16xi1>, vector<16xf32>
        %max3A_831 = arith.maximumf %max3A_828, %select_n3A_830 : vector<16xf32>
        %eq3A_832 = arith.cmpi eq, %add3A_738, %select_n3A_798 : vector<16xi32>
        %select_n3A_833 = arith.select %eq3A_832, %broadcast_in_dim3A_1, %gather3A_739 : vector<16xi1>, vector<16xf32>
        %max3A_834 = arith.maximumf %max3A_831, %select_n3A_833 : vector<16xf32>
        %eq3A_835 = arith.cmpi eq, %add3A_745, %select_n3A_798 : vector<16xi32>
        %select_n3A_836 = arith.select %eq3A_835, %broadcast_in_dim3A_1, %gather3A_746 : vector<16xi1>, vector<16xf32>
        %max3A_837 = arith.maximumf %max3A_834, %select_n3A_836 : vector<16xf32>
        %eq3A_838 = arith.cmpi eq, %add3A_752, %select_n3A_798 : vector<16xi32>
        %select_n3A_839 = arith.select %eq3A_838, %broadcast_in_dim3A_1, %gather3A_753 : vector<16xi1>, vector<16xf32>
        %max3A_840 = arith.maximumf %max3A_837, %select_n3A_839 : vector<16xf32>
        %eq3A_841 = arith.cmpi eq, %add3A_759, %select_n3A_798 : vector<16xi32>
        %select_n3A_842 = arith.select %eq3A_841, %broadcast_in_dim3A_1, %gather3A_760 : vector<16xi1>, vector<16xf32>
        %max3A_843 = arith.maximumf %max3A_840, %select_n3A_842 : vector<16xf32>
        %eq3A_844 = arith.cmpi eq, %add3A_766, %select_n3A_798 : vector<16xi32>
        %select_n3A_845 = arith.select %eq3A_844, %broadcast_in_dim3A_1, %gather3A_767 : vector<16xi1>, vector<16xf32>
        %max3A_846 = arith.maximumf %max3A_843, %select_n3A_845 : vector<16xf32>
        %eq3A_847 = arith.cmpi eq, %add3A_773, %select_n3A_798 : vector<16xi32>
        %select_n3A_848 = arith.select %eq3A_847, %broadcast_in_dim3A_1, %gather3A_774 : vector<16xi1>, vector<16xf32>
        %max3A_849 = arith.maximumf %max3A_846, %select_n3A_848 : vector<16xf32>
        %eq3A_850 = arith.cmpi eq, %add3A_780, %select_n3A_798 : vector<16xi32>
        %select_n3A_851 = arith.select %eq3A_850, %broadcast_in_dim3A_1, %gather3A_781 : vector<16xi1>, vector<16xf32>
        %max3A_852 = arith.maximumf %max3A_849, %select_n3A_851 : vector<16xf32>
        %eq3A_853 = arith.cmpi eq, %add3A_787, %select_n3A_798 : vector<16xi32>
        %select_n3A_854 = arith.select %eq3A_853, %broadcast_in_dim3A_1, %gather3A_788 : vector<16xi1>, vector<16xf32>
        %max3A_855 = arith.maximumf %max3A_852, %select_n3A_854 : vector<16xf32>
        %eq3A_856 = arith.cmpi eq, %add3A_794, %select_n3A_798 : vector<16xi32>
        %select_n3A_857 = arith.select %eq3A_856, %broadcast_in_dim3A_1, %gather3A_795 : vector<16xi1>, vector<16xf32>
        %max3A_858 = arith.maximumf %max3A_855, %select_n3A_857 : vector<16xf32>
        tpu.vector_store_idx %arg11[%select_n3A_689, %iota3A], %max3A_858 : memref<128x16xf32, #tpu.memory_space<vmem>>[vector<16xi32>, vector<16xi32>], vector<16xf32>,
        %eq3A_859 = arith.cmpi eq, %mul3A_583, %select_n3A_689 : vector<16xi32>
        %select_n3A_860 = arith.select %eq3A_859, %max3A_858, %gather3A_584 : vector<16xi1>, vector<16xf32>
        %max3A_861 = arith.maximumf %broadcast_in_dim3A_1, %select_n3A_860 : vector<16xf32>
        %eq3A_862 = arith.cmpi eq, %add3A_587, %select_n3A_689 : vector<16xi32>
        %select_n3A_863 = arith.select %eq3A_862, %max3A_858, %gather3A_588 : vector<16xi1>, vector<16xf32>
        %max3A_864 = arith.maximumf %max3A_861, %select_n3A_863 : vector<16xf32>
        %eq3A_865 = arith.cmpi eq, %add3A_594, %select_n3A_689 : vector<16xi32>
        %select_n3A_866 = arith.select %eq3A_865, %max3A_858, %gather3A_595 : vector<16xi1>, vector<16xf32>
        %max3A_867 = arith.maximumf %max3A_864, %select_n3A_866 : vector<16xf32>
        %eq3A_868 = arith.cmpi eq, %add3A_601, %select_n3A_689 : vector<16xi32>
        %select_n3A_869 = arith.select %eq3A_868, %max3A_858, %gather3A_602 : vector<16xi1>, vector<16xf32>
        %max3A_870 = arith.maximumf %max3A_867, %select_n3A_869 : vector<16xf32>
        %eq3A_871 = arith.cmpi eq, %add3A_608, %select_n3A_689 : vector<16xi32>
        %select_n3A_872 = arith.select %eq3A_871, %max3A_858, %gather3A_609 : vector<16xi1>, vector<16xf32>
        %max3A_873 = arith.maximumf %max3A_870, %select_n3A_872 : vector<16xf32>
        %eq3A_874 = arith.cmpi eq, %add3A_615, %select_n3A_689 : vector<16xi32>
        %select_n3A_875 = arith.select %eq3A_874, %max3A_858, %gather3A_616 : vector<16xi1>, vector<16xf32>
        %max3A_876 = arith.maximumf %max3A_873, %select_n3A_875 : vector<16xf32>
        %eq3A_877 = arith.cmpi eq, %add3A_622, %select_n3A_689 : vector<16xi32>
        %select_n3A_878 = arith.select %eq3A_877, %max3A_858, %gather3A_623 : vector<16xi1>, vector<16xf32>
        %max3A_879 = arith.maximumf %max3A_876, %select_n3A_878 : vector<16xf32>
        %eq3A_880 = arith.cmpi eq, %add3A_629, %select_n3A_689 : vector<16xi32>
        %select_n3A_881 = arith.select %eq3A_880, %max3A_858, %gather3A_630 : vector<16xi1>, vector<16xf32>
        %max3A_882 = arith.maximumf %max3A_879, %select_n3A_881 : vector<16xf32>
        %eq3A_883 = arith.cmpi eq, %add3A_636, %select_n3A_689 : vector<16xi32>
        %select_n3A_884 = arith.select %eq3A_883, %max3A_858, %gather3A_637 : vector<16xi1>, vector<16xf32>
        %max3A_885 = arith.maximumf %max3A_882, %select_n3A_884 : vector<16xf32>
        %eq3A_886 = arith.cmpi eq, %add3A_643, %select_n3A_689 : vector<16xi32>
        %select_n3A_887 = arith.select %eq3A_886, %max3A_858, %gather3A_644 : vector<16xi1>, vector<16xf32>
        %max3A_888 = arith.maximumf %max3A_885, %select_n3A_887 : vector<16xf32>
        %eq3A_889 = arith.cmpi eq, %add3A_650, %select_n3A_689 : vector<16xi32>
        %select_n3A_890 = arith.select %eq3A_889, %max3A_858, %gather3A_651 : vector<16xi1>, vector<16xf32>
        %max3A_891 = arith.maximumf %max3A_888, %select_n3A_890 : vector<16xf32>
        %eq3A_892 = arith.cmpi eq, %add3A_657, %select_n3A_689 : vector<16xi32>
        %select_n3A_893 = arith.select %eq3A_892, %max3A_858, %gather3A_658 : vector<16xi1>, vector<16xf32>
        %max3A_894 = arith.maximumf %max3A_891, %select_n3A_893 : vector<16xf32>
        %eq3A_895 = arith.cmpi eq, %add3A_664, %select_n3A_689 : vector<16xi32>
        %select_n3A_896 = arith.select %eq3A_895, %max3A_858, %gather3A_665 : vector<16xi1>, vector<16xf32>
        %max3A_897 = arith.maximumf %max3A_894, %select_n3A_896 : vector<16xf32>
        %eq3A_898 = arith.cmpi eq, %add3A_671, %select_n3A_689 : vector<16xi32>
        %select_n3A_899 = arith.select %eq3A_898, %max3A_858, %gather3A_672 : vector<16xi1>, vector<16xf32>
        %max3A_900 = arith.maximumf %max3A_897, %select_n3A_899 : vector<16xf32>
        %eq3A_901 = arith.cmpi eq, %add3A_678, %select_n3A_689 : vector<16xi32>
        %select_n3A_902 = arith.select %eq3A_901, %max3A_858, %gather3A_679 : vector<16xi1>, vector<16xf32>
        %max3A_903 = arith.maximumf %max3A_900, %select_n3A_902 : vector<16xf32>
        %eq3A_904 = arith.cmpi eq, %add3A_685, %select_n3A_689 : vector<16xi32>
        %select_n3A_905 = arith.select %eq3A_904, %max3A_858, %gather3A_686 : vector<16xi1>, vector<16xf32>
        %max3A_906 = arith.maximumf %max3A_903, %select_n3A_905 : vector<16xf32>
        tpu.vector_store_idx %arg13[%select_n3A_580, %iota3A], %max3A_906 : memref<8x16xf32, #tpu.memory_space<vmem>>[vector<16xi32>, vector<16xi32>], vector<16xf32>,
      }
      %scan3A_534 = arith.constant 40 : i32
      "tpu.region"() ({
        %run_scoped3A = tpu.sem_alloc : memref<!tpu.dma_semaphore, #tpu.memory_space<semaphore_mem>>
        %dma_start3A_535 = arith.constant 0 : i32
        %dma_start3A_536 = arith.constant 0 : i32
        %dma_start3A_537 = tpu.memref_slice %arg6[%select_n3A_510, %dma_start3A_535, %dma_start3A_536, %mul3A_528] : memref<4x4x40x2048xf32, #tpu.memory_space<hbm>> -> memref<1x4x40x16xf32, #tpu.memory_space<hbm>>
        %dma_start3A_538 = tpu.memref_squeeze %dma_start3A_537 : memref<1x4x40x16xf32, #tpu.memory_space<hbm>> -> memref<4x40x16xf32, #tpu.memory_space<hbm>>
        %dma_start3A_539 = arith.constant 0 : i32
        %dma_start3A_540 = arith.constant 0 : i32
        %dma_start3A_541 = tpu.memref_slice %arg6[%select_n3A_510, %dma_start3A_539, %dma_start3A_540, %mul3A_528] : memref<4x4x40x2048xf32, #tpu.memory_space<hbm>> -> memref<1x4x40x16xf32, #tpu.memory_space<hbm>>
        %dma_start3A_542 = tpu.memref_squeeze %dma_start3A_541 : memref<1x4x40x16xf32, #tpu.memory_space<hbm>> -> memref<4x40x16xf32, #tpu.memory_space<hbm>>
        tpu.enqueue_dma source(%arg14 : memref<4x40x16xf32, #tpu.memory_space<vmem>>) target(%dma_start3A_542 : memref<4x40x16xf32, #tpu.memory_space<hbm>>) target_semaphore(%run_scoped3A : memref<!tpu.dma_semaphore, #tpu.memory_space<semaphore_mem>>)
        %dma_wait3A_543 = arith.constant 0 : i32
        %dma_wait3A_544 = arith.constant 0 : i32
        %dma_wait3A_545 = tpu.memref_slice %arg6[%select_n3A_510, %dma_wait3A_543, %dma_wait3A_544, %mul3A_528] : memref<4x4x40x2048xf32, #tpu.memory_space<hbm>> -> memref<1x4x40x16xf32, #tpu.memory_space<hbm>>
        %dma_wait3A_546 = tpu.memref_squeeze %dma_wait3A_545 : memref<1x4x40x16xf32, #tpu.memory_space<hbm>> -> memref<4x40x16xf32, #tpu.memory_space<hbm>>
        %dma_wait3A_547 = arith.constant 0 : i32
        %dma_wait3A_548 = arith.constant 0 : i32
        %dma_wait3A_549 = tpu.memref_slice %arg6[%select_n3A_510, %dma_wait3A_547, %dma_wait3A_548, %mul3A_528] : memref<4x4x40x2048xf32, #tpu.memory_space<hbm>> -> memref<1x4x40x16xf32, #tpu.memory_space<hbm>>
        %dma_wait3A_550 = tpu.memref_squeeze %dma_wait3A_549 : memref<1x4x40x16xf32, #tpu.memory_space<hbm>> -> memref<4x40x16xf32, #tpu.memory_space<hbm>>
        tpu.wait_dma2 semaphore(%run_scoped3A : memref<!tpu.dma_semaphore, #tpu.memory_space<semaphore_mem>>) src(%arg14 : memref<4x40x16xf32, #tpu.memory_space<vmem>>) dst(%dma_wait3A_550 : memref<4x40x16xf32, #tpu.memory_space<hbm>>)
        tpu.yield
      }) : () -> ()
    }
    %scan3A_124 = arith.constant 8 : i32
    %dma_wait3A = arith.constant 0 : i32
    %dma_wait3A_125 = arith.constant 0 : i32
    %dma_wait3A_126 = arith.constant 0 : i32
    %dma_wait3A_127 = arith.constant 0 : i32
    %dma_wait3A_128 = tpu.memref_slice %arg2[%dma_wait3A, %dma_wait3A_125, %dma_wait3A_126, %dma_wait3A_127] : memref<4x16x2048x128xf32, #tpu.memory_space<hbm>> -> memref<1x1x2048x16xf32, #tpu.memory_space<hbm>>
    %dma_wait3A_129 = tpu.memref_squeeze %dma_wait3A_128 : memref<1x1x2048x16xf32, #tpu.memory_space<hbm>> -> memref<2048x16xf32, #tpu.memory_space<hbm>>
    %dma_wait3A_130 = arith.constant 0 : i32
    %dma_wait3A_131 = arith.constant 0 : i32
    %dma_wait3A_132 = tpu.memref_slice %arg2[%dma_wait3A, %dma_wait3A_125, %dma_wait3A_130, %dma_wait3A_131] : memref<4x16x2048x128xf32, #tpu.memory_space<hbm>> -> memref<1x1x2048x16xf32, #tpu.memory_space<hbm>>
    %dma_wait3A_133 = tpu.memref_squeeze %dma_wait3A_132 : memref<1x1x2048x16xf32, #tpu.memory_space<hbm>> -> memref<2048x16xf32, #tpu.memory_space<hbm>>
    tpu.wait_dma2 semaphore(%arg15 : memref<!tpu.dma_semaphore, #tpu.memory_space<semaphore_mem>>) src(%dma_wait3A_133 : memref<2048x16xf32, #tpu.memory_space<hbm>>) dst(%arg7 : memref<2048x16xf32, #tpu.memory_space<vmem>>)
    %dma_wait3A_134 = arith.constant 0 : i32
    %dma_wait3A_135 = arith.constant 0 : i32
    %dma_wait3A_136 = arith.constant 0 : i32
    %dma_wait3A_137 = arith.constant 0 : i32
    %dma_wait3A_138 = tpu.memref_slice %arg3[%dma_wait3A_134, %dma_wait3A_135, %dma_wait3A_136, %dma_wait3A_137] : memref<4x16x128x128xf32, #tpu.memory_space<hbm>> -> memref<1x1x128x16xf32, #tpu.memory_space<hbm>>
    %dma_wait3A_139 = tpu.memref_squeeze %dma_wait3A_138 : memref<1x1x128x16xf32, #tpu.memory_space<hbm>> -> memref<128x16xf32, #tpu.memory_space<hbm>>
    %dma_wait3A_140 = arith.constant 0 : i32
    %dma_wait3A_141 = arith.constant 0 : i32
    %dma_wait3A_142 = tpu.memref_slice %arg3[%dma_wait3A_134, %dma_wait3A_135, %dma_wait3A_140, %dma_wait3A_141] : memref<4x16x128x128xf32, #tpu.memory_space<hbm>> -> memref<1x1x128x16xf32, #tpu.memory_space<hbm>>
    %dma_wait3A_143 = tpu.memref_squeeze %dma_wait3A_142 : memref<1x1x128x16xf32, #tpu.memory_space<hbm>> -> memref<128x16xf32, #tpu.memory_space<hbm>>
    tpu.wait_dma2 semaphore(%arg15 : memref<!tpu.dma_semaphore, #tpu.memory_space<semaphore_mem>>) src(%dma_wait3A_143 : memref<128x16xf32, #tpu.memory_space<hbm>>) dst(%arg10 : memref<128x16xf32, #tpu.memory_space<vmem>>)
    %dma_wait3A_144 = arith.constant 0 : i32
    %dma_wait3A_145 = arith.constant 0 : i32
    %dma_wait3A_146 = arith.constant 0 : i32
    %dma_wait3A_147 = arith.constant 0 : i32
    %dma_wait3A_148 = tpu.memref_slice %arg4[%dma_wait3A_144, %dma_wait3A_145, %dma_wait3A_146, %dma_wait3A_147] : memref<4x16x8x128xf32, #tpu.memory_space<hbm>> -> memref<1x1x8x16xf32, #tpu.memory_space<hbm>>
    %dma_wait3A_149 = tpu.memref_squeeze %dma_wait3A_148 : memref<1x1x8x16xf32, #tpu.memory_space<hbm>> -> memref<8x16xf32, #tpu.memory_space<hbm>>
    %dma_wait3A_150 = arith.constant 0 : i32
    %dma_wait3A_151 = arith.constant 0 : i32
    %dma_wait3A_152 = tpu.memref_slice %arg4[%dma_wait3A_144, %dma_wait3A_145, %dma_wait3A_150, %dma_wait3A_151] : memref<4x16x8x128xf32, #tpu.memory_space<hbm>> -> memref<1x1x8x16xf32, #tpu.memory_space<hbm>>
    %dma_wait3A_153 = tpu.memref_squeeze %dma_wait3A_152 : memref<1x1x8x16xf32, #tpu.memory_space<hbm>> -> memref<8x16xf32, #tpu.memory_space<hbm>>
    tpu.wait_dma2 semaphore(%arg15 : memref<!tpu.dma_semaphore, #tpu.memory_space<semaphore_mem>>) src(%dma_wait3A_153 : memref<8x16xf32, #tpu.memory_space<hbm>>) dst(%arg12 : memref<8x16xf32, #tpu.memory_space<vmem>>)
    return
  }
}

#map = affine_map<(d0, d1) -> (0, 0, 0, 0)>
#map1 = affine_map<(d0, d1) -> (0, 0, 0)>
module attributes {stable_mosaic.version = 14 : i64} {
  func.func @_topk_gather(%arg0: i32, %arg1: i32, %arg2: memref<4x16x2048x128xf32, #tpu.memory_space<hbm>>, %arg3: memref<4x16x128x128xf32, #tpu.memory_space<hbm>>, %arg4: memref<4x16x8x128xf32, #tpu.memory_space<hbm>>, %arg5: memref<4x4x2048xf32, #tpu.memory_space<hbm>>, %arg6: memref<4x4x40x2048xf32, #tpu.memory_space<hbm>>, %arg7: memref<2048x16xf32, #tpu.memory_space<vmem>>, %arg8: memref<2048x16xf32, #tpu.memory_space<vmem>>, %arg9: memref<4x2048xf32, #tpu.memory_space<vmem>>, %arg10: memref<128x16xf32, #tpu.memory_space<vmem>>, %arg11: memref<128x16xf32, #tpu.memory_space<vmem>>, %arg12: memref<8x16xf32, #tpu.memory_space<vmem>>, %arg13: memref<8x16xf32, #tpu.memory_space<vmem>>, %arg14: memref<4x40x16xf32, #tpu.memory_space<vmem>>, %arg15: memref<!tpu.dma_semaphore, #tpu.memory_space<semaphore_mem>>, %arg16: memref<!tpu.dma_semaphore, #tpu.memory_space<semaphore_mem>>) attributes {dimension_semantics = [#tpu.dimension_semantics<core_parallel>, #tpu.dimension_semantics<subcore_parallel>], iteration_bounds = array<i64: 2, 16>, scalar_prefetch = 0 : i64, scratch_operands = 10 : i64, tpu.core_type = #tpu.core_type<sc_vector_subcore>, window_params = [{transform_indices = #map}, {transform_indices = #map}, {transform_indices = #map}, {transform_indices = #map1}, {transform_indices = #map}]} {
    %mul3A = arith.constant 16 : i32
    %mul3A_0 = arith.muli %arg0, %mul3A : i32
    %add3A = arith.addi %mul3A_0, %arg1 : i32
    %iota3A = tpu.iota {dimensions = array<i32: 0>} : vector<16xi32>
    %broadcast_in_dim3A = arith.constant 0xFF800000 : f32
    %broadcast_in_dim3A_1 = vector.broadcast %broadcast_in_dim3A : f32 to vector<16xf32>
    %jit3A = arith.constant 8 : i32
    %div3A = arith.divsi %add3A, %jit3A : i32
    %sign3A = arith.constant 0 : i32
    %sign3A_2 = arith.cmpi sgt, %add3A, %sign3A : i32
    %sign3A_3 = arith.extui %sign3A_2 : i1 to i32
    %sign3A_4 = arith.constant 0 : i32
    %sign3A_5 = arith.cmpi slt, %add3A, %sign3A_4 : i32
    %sign3A_6 = arith.extui %sign3A_5 : i1 to i32
    %sign3A_7 = arith.subi %sign3A_3, %sign3A_6 : i32
    %sign3A_8 = arith.constant 0 : i32
    %sign3A_9 = arith.cmpi sgt, %jit3A, %sign3A_8 : i32
    %sign3A_10 = arith.extui %sign3A_9 : i1 to i32
    %sign3A_11 = arith.constant 0 : i32
    %sign3A_12 = arith.cmpi slt, %jit3A, %sign3A_11 : i32
    %sign3A_13 = arith.extui %sign3A_12 : i1 to i32
    %sign3A_14 = arith.subi %sign3A_10, %sign3A_13 : i32
    %ne3A = arith.cmpi ne, %sign3A_7, %sign3A_14 : i32
    %rem3A = arith.remsi %add3A, %jit3A : i32
    %ne3A_15 = arith.constant 0 : i32
    %ne3A_16 = arith.cmpi ne, %rem3A, %ne3A_15 : i32
    %and3A = arith.andi %ne3A, %ne3A_16 : i1
    %sub3A = arith.constant 1 : i32
    %sub3A_17 = arith.subi %div3A, %sub3A : i32
    %select_n3A = arith.select %and3A, %sub3A_17, %div3A : i32
    "tpu.region"() ({
      %run_scoped3A = tpu.sem_alloc : memref<!tpu.dma_semaphore, #tpu.memory_space<semaphore_mem>>
      %dma_start3A_154 = arith.constant 0 : i32
      %dma_start3A_155 = arith.constant 0 : i32
      %dma_start3A_156 = tpu.memref_slice %arg5[%select_n3A, %dma_start3A_154, %dma_start3A_155] : memref<4x4x2048xf32, #tpu.memory_space<hbm>> -> memref<1x4x2048xf32, #tpu.memory_space<hbm>>
      %dma_start3A_157 = tpu.memref_squeeze %dma_start3A_156 : memref<1x4x2048xf32, #tpu.memory_space<hbm>> -> memref<4x2048xf32, #tpu.memory_space<hbm>>
      %dma_start3A_158 = arith.constant 0 : i32
      %dma_start3A_159 = arith.constant 0 : i32
      %dma_start3A_160 = tpu.memref_slice %arg5[%select_n3A, %dma_start3A_158, %dma_start3A_159] : memref<4x4x2048xf32, #tpu.memory_space<hbm>> -> memref<1x4x2048xf32, #tpu.memory_space<hbm>>
      %dma_start3A_161 = tpu.memref_squeeze %dma_start3A_160 : memref<1x4x2048xf32, #tpu.memory_space<hbm>> -> memref<4x2048xf32, #tpu.memory_space<hbm>>
      tpu.enqueue_dma source(%dma_start3A_161 : memref<4x2048xf32, #tpu.memory_space<hbm>>) target(%arg9 : memref<4x2048xf32, #tpu.memory_space<vmem>>) target_semaphore(%run_scoped3A : memref<!tpu.dma_semaphore, #tpu.memory_space<semaphore_mem>>)
      %dma_wait3A_162 = arith.constant 0 : i32
      %dma_wait3A_163 = arith.constant 0 : i32
      %dma_wait3A_164 = tpu.memref_slice %arg5[%select_n3A, %dma_wait3A_162, %dma_wait3A_163] : memref<4x4x2048xf32, #tpu.memory_space<hbm>> -> memref<1x4x2048xf32, #tpu.memory_space<hbm>>
      %dma_wait3A_165 = tpu.memref_squeeze %dma_wait3A_164 : memref<1x4x2048xf32, #tpu.memory_space<hbm>> -> memref<4x2048xf32, #tpu.memory_space<hbm>>
      %dma_wait3A_166 = arith.constant 0 : i32
      %dma_wait3A_167 = arith.constant 0 : i32
      %dma_wait3A_168 = tpu.memref_slice %arg5[%select_n3A, %dma_wait3A_166, %dma_wait3A_167] : memref<4x4x2048xf32, #tpu.memory_space<hbm>> -> memref<1x4x2048xf32, #tpu.memory_space<hbm>>
      %dma_wait3A_169 = tpu.memref_squeeze %dma_wait3A_168 : memref<1x4x2048xf32, #tpu.memory_space<hbm>> -> memref<4x2048xf32, #tpu.memory_space<hbm>>
      tpu.wait_dma2 semaphore(%run_scoped3A : memref<!tpu.dma_semaphore, #tpu.memory_space<semaphore_mem>>) src(%dma_wait3A_169 : memref<4x2048xf32, #tpu.memory_space<hbm>>) dst(%arg9 : memref<4x2048xf32, #tpu.memory_space<vmem>>)
      tpu.yield
    }) : () -> ()
    %mul3A_18 = arith.constant 16 : i32
    %mul3A_19 = arith.muli %add3A, %mul3A_18 : i32
    %min3A = arith.constant 0 : i32
    %min3A_20 = arith.constant 15 : i32
    %min3A_21 = arith.minsi %min3A, %min3A_20 : i32
    %add3A_22 = arith.addi %mul3A_19, %min3A_21 : i32
    %jit3A_23 = arith.constant 128 : i32
    %div3A_24 = arith.divsi %add3A_22, %jit3A_23 : i32
    %sign3A_25 = arith.constant 0 : i32
    %sign3A_26 = arith.cmpi sgt, %add3A_22, %sign3A_25 : i32
    %sign3A_27 = arith.extui %sign3A_26 : i1 to i32
    %sign3A_28 = arith.constant 0 : i32
    %sign3A_29 = arith.cmpi slt, %add3A_22, %sign3A_28 : i32
    %sign3A_30 = arith.extui %sign3A_29 : i1 to i32
    %sign3A_31 = arith.subi %sign3A_27, %sign3A_30 : i32
    %sign3A_32 = arith.constant 0 : i32
    %sign3A_33 = arith.cmpi sgt, %jit3A_23, %sign3A_32 : i32
    %sign3A_34 = arith.extui %sign3A_33 : i1 to i32
    %sign3A_35 = arith.constant 0 : i32
    %sign3A_36 = arith.cmpi slt, %jit3A_23, %sign3A_35 : i32
    %sign3A_37 = arith.extui %sign3A_36 : i1 to i32
    %sign3A_38 = arith.subi %sign3A_34, %sign3A_37 : i32
    %ne3A_39 = arith.cmpi ne, %sign3A_31, %sign3A_38 : i32
    %rem3A_40 = arith.remsi %add3A_22, %jit3A_23 : i32
    %ne3A_41 = arith.constant 0 : i32
    %ne3A_42 = arith.cmpi ne, %rem3A_40, %ne3A_41 : i32
    %and3A_43 = arith.andi %ne3A_39, %ne3A_42 : i1
    %sub3A_44 = arith.constant 1 : i32
    %sub3A_45 = arith.subi %div3A_24, %sub3A_44 : i32
    %select_n3A_46 = arith.select %and3A_43, %sub3A_45, %div3A_24 : i32
    %jit3A_47 = arith.constant 128 : i32
    %eq3A = arith.constant 0 : i32
    %eq3A_48 = arith.cmpi eq, %jit3A_47, %eq3A : i32
    %jit3A_49 = arith.constant 1 : i32
    %select_n3A_50 = arith.select %eq3A_48, %jit3A_49, %jit3A_47 : i32
    %rem3A_51 = arith.remsi %add3A_22, %select_n3A_50 : i32
    %ne3A_52 = arith.constant 0 : i32
    %ne3A_53 = arith.cmpi ne, %rem3A_51, %ne3A_52 : i32
    %lt3A = arith.constant 0 : i32
    %lt3A_54 = arith.cmpi slt, %rem3A_51, %lt3A : i32
    %lt3A_55 = arith.constant 0 : i32
    %lt3A_56 = arith.cmpi slt, %select_n3A_50, %lt3A_55 : i32
    %ne3A_57 = arith.xori %lt3A_54, %lt3A_56 : i1
    %and3A_58 = arith.andi %ne3A_57, %ne3A_53 : i1
    %add3A_59 = arith.addi %rem3A_51, %select_n3A_50 : i32
    %select_n3A_60 = arith.select %and3A_58, %add3A_59, %rem3A_51 : i32
    %jit3A_61 = arith.constant 8 : i32
    %div3A_62 = arith.divsi %select_n3A_60, %jit3A_61 : i32
    %sign3A_63 = arith.constant 0 : i32
    %sign3A_64 = arith.cmpi sgt, %select_n3A_60, %sign3A_63 : i32
    %sign3A_65 = arith.extui %sign3A_64 : i1 to i32
    %sign3A_66 = arith.constant 0 : i32
    %sign3A_67 = arith.cmpi slt, %select_n3A_60, %sign3A_66 : i32
    %sign3A_68 = arith.extui %sign3A_67 : i1 to i32
    %sign3A_69 = arith.subi %sign3A_65, %sign3A_68 : i32
    %sign3A_70 = arith.constant 0 : i32
    %sign3A_71 = arith.cmpi sgt, %jit3A_61, %sign3A_70 : i32
    %sign3A_72 = arith.extui %sign3A_71 : i1 to i32
    %sign3A_73 = arith.constant 0 : i32
    %sign3A_74 = arith.cmpi slt, %jit3A_61, %sign3A_73 : i32
    %sign3A_75 = arith.extui %sign3A_74 : i1 to i32
    %sign3A_76 = arith.subi %sign3A_72, %sign3A_75 : i32
    %ne3A_77 = arith.cmpi ne, %sign3A_69, %sign3A_76 : i32
    %rem3A_78 = arith.remsi %select_n3A_60, %jit3A_61 : i32
    %ne3A_79 = arith.constant 0 : i32
    %ne3A_80 = arith.cmpi ne, %rem3A_78, %ne3A_79 : i32
    %and3A_81 = arith.andi %ne3A_77, %ne3A_80 : i1
    %sub3A_82 = arith.constant 1 : i32
    %sub3A_83 = arith.subi %div3A_62, %sub3A_82 : i32
    %select_n3A_84 = arith.select %and3A_81, %sub3A_83, %div3A_62 : i32
    %jit3A_85 = arith.constant 8 : i32
    %eq3A_86 = arith.constant 0 : i32
    %eq3A_87 = arith.cmpi eq, %jit3A_85, %eq3A_86 : i32
    %jit3A_88 = arith.constant 1 : i32
    %select_n3A_89 = arith.select %eq3A_87, %jit3A_88, %jit3A_85 : i32
    %rem3A_90 = arith.remsi %select_n3A_60, %select_n3A_89 : i32
    %ne3A_91 = arith.constant 0 : i32
    %ne3A_92 = arith.cmpi ne, %rem3A_90, %ne3A_91 : i32
    %lt3A_93 = arith.constant 0 : i32
    %lt3A_94 = arith.cmpi slt, %rem3A_90, %lt3A_93 : i32
    %lt3A_95 = arith.constant 0 : i32
    %lt3A_96 = arith.cmpi slt, %select_n3A_89, %lt3A_95 : i32
    %ne3A_97 = arith.xori %lt3A_94, %lt3A_96 : i1
    %and3A_98 = arith.andi %ne3A_97, %ne3A_92 : i1
    %add3A_99 = arith.addi %rem3A_90, %select_n3A_89 : i32
    %select_n3A_100 = arith.select %and3A_98, %add3A_99, %rem3A_90 : i32
    %mul3A_101 = arith.constant 16 : i32
    %mul3A_102 = arith.muli %select_n3A_100, %mul3A_101 : i32
    %dma_start3A = arith.constant 0 : i32
    %dma_start3A_103 = tpu.memref_slice %arg2[%select_n3A_46, %select_n3A_84, %dma_start3A, %mul3A_102] : memref<4x16x2048x128xf32, #tpu.memory_space<hbm>> -> memref<1x1x2048x16xf32, #tpu.memory_space<hbm>>
    %dma_start3A_104 = tpu.memref_squeeze %dma_start3A_103 : memref<1x1x2048x16xf32, #tpu.memory_space<hbm>> -> memref<2048x16xf32, #tpu.memory_space<hbm>>
    %dma_start3A_105 = arith.constant 0 : i32
    %dma_start3A_106 = tpu.memref_slice %arg2[%select_n3A_46, %select_n3A_84, %dma_start3A_105, %mul3A_102] : memref<4x16x2048x128xf32, #tpu.memory_space<hbm>> -> memref<1x1x2048x16xf32, #tpu.memory_space<hbm>>
    %dma_start3A_107 = tpu.memref_squeeze %dma_start3A_106 : memref<1x1x2048x16xf32, #tpu.memory_space<hbm>> -> memref<2048x16xf32, #tpu.memory_space<hbm>>
    tpu.enqueue_dma source(%dma_start3A_107 : memref<2048x16xf32, #tpu.memory_space<hbm>>) target(%arg7 : memref<2048x16xf32, #tpu.memory_space<vmem>>) target_semaphore(%arg15 : memref<!tpu.dma_semaphore, #tpu.memory_space<semaphore_mem>>)
    %dma_start3A_108 = arith.constant 0 : i32
    %dma_start3A_109 = tpu.memref_slice %arg3[%select_n3A_46, %select_n3A_84, %dma_start3A_108, %mul3A_102] : memref<4x16x128x128xf32, #tpu.memory_space<hbm>> -> memref<1x1x128x16xf32, #tpu.memory_space<hbm>>
    %dma_start3A_110 = tpu.memref_squeeze %dma_start3A_109 : memref<1x1x128x16xf32, #tpu.memory_space<hbm>> -> memref<128x16xf32, #tpu.memory_space<hbm>>
    %dma_start3A_111 = arith.constant 0 : i32
    %dma_start3A_112 = tpu.memref_slice %arg3[%select_n3A_46, %select_n3A_84, %dma_start3A_111, %mul3A_102] : memref<4x16x128x128xf32, #tpu.memory_space<hbm>> -> memref<1x1x128x16xf32, #tpu.memory_space<hbm>>
    %dma_start3A_113 = tpu.memref_squeeze %dma_start3A_112 : memref<1x1x128x16xf32, #tpu.memory_space<hbm>> -> memref<128x16xf32, #tpu.memory_space<hbm>>
    tpu.enqueue_dma source(%dma_start3A_113 : memref<128x16xf32, #tpu.memory_space<hbm>>) target(%arg10 : memref<128x16xf32, #tpu.memory_space<vmem>>) target_semaphore(%arg15 : memref<!tpu.dma_semaphore, #tpu.memory_space<semaphore_mem>>)
    %dma_start3A_114 = arith.constant 0 : i32
    %dma_start3A_115 = tpu.memref_slice %arg4[%select_n3A_46, %select_n3A_84, %dma_start3A_114, %mul3A_102] : memref<4x16x8x128xf32, #tpu.memory_space<hbm>> -> memref<1x1x8x16xf32, #tpu.memory_space<hbm>>
    %dma_start3A_116 = tpu.memref_squeeze %dma_start3A_115 : memref<1x1x8x16xf32, #tpu.memory_space<hbm>> -> memref<8x16xf32, #tpu.memory_space<hbm>>
    %dma_start3A_117 = arith.constant 0 : i32
    %dma_start3A_118 = tpu.memref_slice %arg4[%select_n3A_46, %select_n3A_84, %dma_start3A_117, %mul3A_102] : memref<4x16x8x128xf32, #tpu.memory_space<hbm>> -> memref<1x1x8x16xf32, #tpu.memory_space<hbm>>
    %dma_start3A_119 = tpu.memref_squeeze %dma_start3A_118 : memref<1x1x8x16xf32, #tpu.memory_space<hbm>> -> memref<8x16xf32, #tpu.memory_space<hbm>>
    tpu.enqueue_dma source(%dma_start3A_119 : memref<8x16xf32, #tpu.memory_space<hbm>>) target(%arg12 : memref<8x16xf32, #tpu.memory_space<vmem>>) target_semaphore(%arg15 : memref<!tpu.dma_semaphore, #tpu.memory_space<semaphore_mem>>)
    %scan3A = arith.constant 0 : i32
    %scan3A_120 = arith.constant 0 : i32
    %scan3A_121 = arith.constant 8 : i32
    %scan3A_122 = arith.addi %scan3A_120, %scan3A_121 : i32
    %scan3A_123 = arith.constant 1 : i32
    scf.for %scan3A_154 = %scan3A_120 to %scan3A_122 step %scan3A_123  : i32 {
      %mul3A_155 = arith.constant 2 : i32
      %mul3A_156 = arith.muli %scan3A_154, %mul3A_155 : i32
      %add3A_157 = arith.constant 1 : i32
      %add3A_158 = arith.addi %mul3A_156, %add3A_157 : i32
      %mul3A_159 = arith.constant 16 : i32
      %mul3A_160 = arith.muli %add3A, %mul3A_159 : i32
      %min3A_161 = arith.constant 15 : i32
      %min3A_162 = arith.minsi %add3A_158, %min3A_161 : i32
      %add3A_163 = arith.addi %mul3A_160, %min3A_162 : i32
      %jit3A_164 = arith.constant 128 : i32
      %div3A_165 = arith.divsi %add3A_163, %jit3A_164 : i32
      %sign3A_166 = arith.constant 0 : i32
      %sign3A_167 = arith.cmpi sgt, %add3A_163, %sign3A_166 : i32
      %sign3A_168 = arith.extui %sign3A_167 : i1 to i32
      %sign3A_169 = arith.constant 0 : i32
      %sign3A_170 = arith.cmpi slt, %add3A_163, %sign3A_169 : i32
      %sign3A_171 = arith.extui %sign3A_170 : i1 to i32
      %sign3A_172 = arith.subi %sign3A_168, %sign3A_171 : i32
      %sign3A_173 = arith.constant 0 : i32
      %sign3A_174 = arith.cmpi sgt, %jit3A_164, %sign3A_173 : i32
      %sign3A_175 = arith.extui %sign3A_174 : i1 to i32
      %sign3A_176 = arith.constant 0 : i32
      %sign3A_177 = arith.cmpi slt, %jit3A_164, %sign3A_176 : i32
      %sign3A_178 = arith.extui %sign3A_177 : i1 to i32
      %sign3A_179 = arith.subi %sign3A_175, %sign3A_178 : i32
      %ne3A_180 = arith.cmpi ne, %sign3A_172, %sign3A_179 : i32
      %rem3A_181 = arith.remsi %add3A_163, %jit3A_164 : i32
      %ne3A_182 = arith.constant 0 : i32
      %ne3A_183 = arith.cmpi ne, %rem3A_181, %ne3A_182 : i32
      %and3A_184 = arith.andi %ne3A_180, %ne3A_183 : i1
      %sub3A_185 = arith.constant 1 : i32
      %sub3A_186 = arith.subi %div3A_165, %sub3A_185 : i32
      %select_n3A_187 = arith.select %and3A_184, %sub3A_186, %div3A_165 : i32
      %jit3A_188 = arith.constant 128 : i32
      %eq3A_189 = arith.constant 0 : i32
      %eq3A_190 = arith.cmpi eq, %jit3A_188, %eq3A_189 : i32
      %jit3A_191 = arith.constant 1 : i32
      %select_n3A_192 = arith.select %eq3A_190, %jit3A_191, %jit3A_188 : i32
      %rem3A_193 = arith.remsi %add3A_163, %select_n3A_192 : i32
      %ne3A_194 = arith.constant 0 : i32
      %ne3A_195 = arith.cmpi ne, %rem3A_193, %ne3A_194 : i32
      %lt3A_196 = arith.constant 0 : i32
      %lt3A_197 = arith.cmpi slt, %rem3A_193, %lt3A_196 : i32
      %lt3A_198 = arith.constant 0 : i32
      %lt3A_199 = arith.cmpi slt, %select_n3A_192, %lt3A_198 : i32
      %ne3A_200 = arith.xori %lt3A_197, %lt3A_199 : i1
      %and3A_201 = arith.andi %ne3A_200, %ne3A_195 : i1
      %add3A_202 = arith.addi %rem3A_193, %select_n3A_192 : i32
      %select_n3A_203 = arith.select %and3A_201, %add3A_202, %rem3A_193 : i32
      %jit3A_204 = arith.constant 8 : i32
      %div3A_205 = arith.divsi %select_n3A_203, %jit3A_204 : i32
      %sign3A_206 = arith.constant 0 : i32
      %sign3A_207 = arith.cmpi sgt, %select_n3A_203, %sign3A_206 : i32
      %sign3A_208 = arith.extui %sign3A_207 : i1 to i32
      %sign3A_209 = arith.constant 0 : i32
      %sign3A_210 = arith.cmpi slt, %select_n3A_203, %sign3A_209 : i32
      %sign3A_211 = arith.extui %sign3A_210 : i1 to i32
      %sign3A_212 = arith.subi %sign3A_208, %sign3A_211 : i32
      %sign3A_213 = arith.constant 0 : i32
      %sign3A_214 = arith.cmpi sgt, %jit3A_204, %sign3A_213 : i32
      %sign3A_215 = arith.extui %sign3A_214 : i1 to i32
      %sign3A_216 = arith.constant 0 : i32
      %sign3A_217 = arith.cmpi slt, %jit3A_204, %sign3A_216 : i32
      %sign3A_218 = arith.extui %sign3A_217 : i1 to i32
      %sign3A_219 = arith.subi %sign3A_215, %sign3A_218 : i32
      %ne3A_220 = arith.cmpi ne, %sign3A_212, %sign3A_219 : i32
      %rem3A_221 = arith.remsi %select_n3A_203, %jit3A_204 : i32
      %ne3A_222 = arith.constant 0 : i32
      %ne3A_223 = arith.cmpi ne, %rem3A_221, %ne3A_222 : i32
      %and3A_224 = arith.andi %ne3A_220, %ne3A_223 : i1
      %sub3A_225 = arith.constant 1 : i32
      %sub3A_226 = arith.subi %div3A_205, %sub3A_225 : i32
      %select_n3A_227 = arith.select %and3A_224, %sub3A_226, %div3A_205 : i32
      %jit3A_228 = arith.constant 8 : i32
      %eq3A_229 = arith.constant 0 : i32
      %eq3A_230 = arith.cmpi eq, %jit3A_228, %eq3A_229 : i32
      %jit3A_231 = arith.constant 1 : i32
      %select_n3A_232 = arith.select %eq3A_230, %jit3A_231, %jit3A_228 : i32
      %rem3A_233 = arith.remsi %select_n3A_203, %select_n3A_232 : i32
      %ne3A_234 = arith.constant 0 : i32
      %ne3A_235 = arith.cmpi ne, %rem3A_233, %ne3A_234 : i32
      %lt3A_236 = arith.constant 0 : i32
      %lt3A_237 = arith.cmpi slt, %rem3A_233, %lt3A_236 : i32
      %lt3A_238 = arith.constant 0 : i32
      %lt3A_239 = arith.cmpi slt, %select_n3A_232, %lt3A_238 : i32
      %ne3A_240 = arith.xori %lt3A_237, %lt3A_239 : i1
      %and3A_241 = arith.andi %ne3A_240, %ne3A_235 : i1
      %add3A_242 = arith.addi %rem3A_233, %select_n3A_232 : i32
      %select_n3A_243 = arith.select %and3A_241, %add3A_242, %rem3A_233 : i32
      %mul3A_244 = arith.constant 16 : i32
      %mul3A_245 = arith.muli %select_n3A_243, %mul3A_244 : i32
      %dma_start3A_246 = arith.constant 0 : i32
      %dma_start3A_247 = tpu.memref_slice %arg2[%select_n3A_187, %select_n3A_227, %dma_start3A_246, %mul3A_245] : memref<4x16x2048x128xf32, #tpu.memory_space<hbm>> -> memref<1x1x2048x16xf32, #tpu.memory_space<hbm>>
      %dma_start3A_248 = tpu.memref_squeeze %dma_start3A_247 : memref<1x1x2048x16xf32, #tpu.memory_space<hbm>> -> memref<2048x16xf32, #tpu.memory_space<hbm>>
      %dma_start3A_249 = arith.constant 0 : i32
      %dma_start3A_250 = tpu.memref_slice %arg2[%select_n3A_187, %select_n3A_227, %dma_start3A_249, %mul3A_245] : memref<4x16x2048x128xf32, #tpu.memory_space<hbm>> -> memref<1x1x2048x16xf32, #tpu.memory_space<hbm>>
      %dma_start3A_251 = tpu.memref_squeeze %dma_start3A_250 : memref<1x1x2048x16xf32, #tpu.memory_space<hbm>> -> memref<2048x16xf32, #tpu.memory_space<hbm>>
      tpu.enqueue_dma source(%dma_start3A_251 : memref<2048x16xf32, #tpu.memory_space<hbm>>) target(%arg8 : memref<2048x16xf32, #tpu.memory_space<vmem>>) target_semaphore(%arg16 : memref<!tpu.dma_semaphore, #tpu.memory_space<semaphore_mem>>)
      %dma_start3A_252 = arith.constant 0 : i32
      %dma_start3A_253 = tpu.memref_slice %arg3[%select_n3A_187, %select_n3A_227, %dma_start3A_252, %mul3A_245] : memref<4x16x128x128xf32, #tpu.memory_space<hbm>> -> memref<1x1x128x16xf32, #tpu.memory_space<hbm>>
      %dma_start3A_254 = tpu.memref_squeeze %dma_start3A_253 : memref<1x1x128x16xf32, #tpu.memory_space<hbm>> -> memref<128x16xf32, #tpu.memory_space<hbm>>
      %dma_start3A_255 = arith.constant 0 : i32
      %dma_start3A_256 = tpu.memref_slice %arg3[%select_n3A_187, %select_n3A_227, %dma_start3A_255, %mul3A_245] : memref<4x16x128x128xf32, #tpu.memory_space<hbm>> -> memref<1x1x128x16xf32, #tpu.memory_space<hbm>>
      %dma_start3A_257 = tpu.memref_squeeze %dma_start3A_256 : memref<1x1x128x16xf32, #tpu.memory_space<hbm>> -> memref<128x16xf32, #tpu.memory_space<hbm>>
      tpu.enqueue_dma source(%dma_start3A_257 : memref<128x16xf32, #tpu.memory_space<hbm>>) target(%arg11 : memref<128x16xf32, #tpu.memory_space<vmem>>) target_semaphore(%arg16 : memref<!tpu.dma_semaphore, #tpu.memory_space<semaphore_mem>>)
      %dma_start3A_258 = arith.constant 0 : i32
      %dma_start3A_259 = tpu.memref_slice %arg4[%select_n3A_187, %select_n3A_227, %dma_start3A_258, %mul3A_245] : memref<4x16x8x128xf32, #tpu.memory_space<hbm>> -> memref<1x1x8x16xf32, #tpu.memory_space<hbm>>
      %dma_start3A_260 = tpu.memref_squeeze %dma_start3A_259 : memref<1x1x8x16xf32, #tpu.memory_space<hbm>> -> memref<8x16xf32, #tpu.memory_space<hbm>>
      %dma_start3A_261 = arith.constant 0 : i32
      %dma_start3A_262 = tpu.memref_slice %arg4[%select_n3A_187, %select_n3A_227, %dma_start3A_261, %mul3A_245] : memref<4x16x8x128xf32, #tpu.memory_space<hbm>> -> memref<1x1x8x16xf32, #tpu.memory_space<hbm>>
      %dma_start3A_263 = tpu.memref_squeeze %dma_start3A_262 : memref<1x1x8x16xf32, #tpu.memory_space<hbm>> -> memref<8x16xf32, #tpu.memory_space<hbm>>
      tpu.enqueue_dma source(%dma_start3A_263 : memref<8x16xf32, #tpu.memory_space<hbm>>) target(%arg13 : memref<8x16xf32, #tpu.memory_space<vmem>>) target_semaphore(%arg16 : memref<!tpu.dma_semaphore, #tpu.memory_space<semaphore_mem>>)
      %dma_wait3A_264 = arith.constant 0 : i32
      %dma_wait3A_265 = arith.constant 0 : i32
      %dma_wait3A_266 = arith.constant 0 : i32
      %dma_wait3A_267 = arith.constant 0 : i32
      %dma_wait3A_268 = tpu.memref_slice %arg2[%dma_wait3A_264, %dma_wait3A_265, %dma_wait3A_266, %dma_wait3A_267] : memref<4x16x2048x128xf32, #tpu.memory_space<hbm>> -> memref<1x1x2048x16xf32, #tpu.memory_space<hbm>>
      %dma_wait3A_269 = tpu.memref_squeeze %dma_wait3A_268 : memref<1x1x2048x16xf32, #tpu.memory_space<hbm>> -> memref<2048x16xf32, #tpu.memory_space<hbm>>
      %dma_wait3A_270 = arith.constant 0 : i32
      %dma_wait3A_271 = arith.constant 0 : i32
      %dma_wait3A_272 = tpu.memref_slice %arg2[%dma_wait3A_264, %dma_wait3A_265, %dma_wait3A_270, %dma_wait3A_271] : memref<4x16x2048x128xf32, #tpu.memory_space<hbm>> -> memref<1x1x2048x16xf32, #tpu.memory_space<hbm>>
      %dma_wait3A_273 = tpu.memref_squeeze %dma_wait3A_272 : memref<1x1x2048x16xf32, #tpu.memory_space<hbm>> -> memref<2048x16xf32, #tpu.memory_space<hbm>>
      tpu.wait_dma2 semaphore(%arg15 : memref<!tpu.dma_semaphore, #tpu.memory_space<semaphore_mem>>) src(%dma_wait3A_273 : memref<2048x16xf32, #tpu.memory_space<hbm>>) dst(%arg7 : memref<2048x16xf32, #tpu.memory_space<vmem>>)
      %dma_wait3A_274 = arith.constant 0 : i32
      %dma_wait3A_275 = arith.constant 0 : i32
      %dma_wait3A_276 = arith.constant 0 : i32
      %dma_wait3A_277 = arith.constant 0 : i32
      %dma_wait3A_278 = tpu.memref_slice %arg3[%dma_wait3A_274, %dma_wait3A_275, %dma_wait3A_276, %dma_wait3A_277] : memref<4x16x128x128xf32, #tpu.memory_space<hbm>> -> memref<1x1x128x16xf32, #tpu.memory_space<hbm>>
      %dma_wait3A_279 = tpu.memref_squeeze %dma_wait3A_278 : memref<1x1x128x16xf32, #tpu.memory_space<hbm>> -> memref<128x16xf32, #tpu.memory_space<hbm>>
      %dma_wait3A_280 = arith.constant 0 : i32
      %dma_wait3A_281 = arith.constant 0 : i32
      %dma_wait3A_282 = tpu.memref_slice %arg3[%dma_wait3A_274, %dma_wait3A_275, %dma_wait3A_280, %dma_wait3A_281] : memref<4x16x128x128xf32, #tpu.memory_space<hbm>> -> memref<1x1x128x16xf32, #tpu.memory_space<hbm>>
      %dma_wait3A_283 = tpu.memref_squeeze %dma_wait3A_282 : memref<1x1x128x16xf32, #tpu.memory_space<hbm>> -> memref<128x16xf32, #tpu.memory_space<hbm>>
      tpu.wait_dma2 semaphore(%arg15 : memref<!tpu.dma_semaphore, #tpu.memory_space<semaphore_mem>>) src(%dma_wait3A_283 : memref<128x16xf32, #tpu.memory_space<hbm>>) dst(%arg10 : memref<128x16xf32, #tpu.memory_space<vmem>>)
      %dma_wait3A_284 = arith.constant 0 : i32
      %dma_wait3A_285 = arith.constant 0 : i32
      %dma_wait3A_286 = arith.constant 0 : i32
      %dma_wait3A_287 = arith.constant 0 : i32
      %dma_wait3A_288 = tpu.memref_slice %arg4[%dma_wait3A_284, %dma_wait3A_285, %dma_wait3A_286, %dma_wait3A_287] : memref<4x16x8x128xf32, #tpu.memory_space<hbm>> -> memref<1x1x8x16xf32, #tpu.memory_space<hbm>>
      %dma_wait3A_289 = tpu.memref_squeeze %dma_wait3A_288 : memref<1x1x8x16xf32, #tpu.memory_space<hbm>> -> memref<8x16xf32, #tpu.memory_space<hbm>>
      %dma_wait3A_290 = arith.constant 0 : i32
      %dma_wait3A_291 = arith.constant 0 : i32
      %dma_wait3A_292 = tpu.memref_slice %arg4[%dma_wait3A_284, %dma_wait3A_285, %dma_wait3A_290, %dma_wait3A_291] : memref<4x16x8x128xf32, #tpu.memory_space<hbm>> -> memref<1x1x8x16xf32, #tpu.memory_space<hbm>>
      %dma_wait3A_293 = tpu.memref_squeeze %dma_wait3A_292 : memref<1x1x8x16xf32, #tpu.memory_space<hbm>> -> memref<8x16xf32, #tpu.memory_space<hbm>>
      tpu.wait_dma2 semaphore(%arg15 : memref<!tpu.dma_semaphore, #tpu.memory_space<semaphore_mem>>) src(%dma_wait3A_293 : memref<8x16xf32, #tpu.memory_space<hbm>>) dst(%arg12 : memref<8x16xf32, #tpu.memory_space<vmem>>)
      %mul3A_294 = arith.constant 16 : i32
      %mul3A_295 = arith.muli %add3A, %mul3A_294 : i32
      %add3A_296 = arith.addi %mul3A_295, %mul3A_156 : i32
      %jit3A_297 = arith.constant 128 : i32
      %div3A_298 = arith.divsi %add3A_296, %jit3A_297 : i32
      %sign3A_299 = arith.constant 0 : i32
      %sign3A_300 = arith.cmpi sgt, %add3A_296, %sign3A_299 : i32
      %sign3A_301 = arith.extui %sign3A_300 : i1 to i32
      %sign3A_302 = arith.constant 0 : i32
      %sign3A_303 = arith.cmpi slt, %add3A_296, %sign3A_302 : i32
      %sign3A_304 = arith.extui %sign3A_303 : i1 to i32
      %sign3A_305 = arith.subi %sign3A_301, %sign3A_304 : i32
      %sign3A_306 = arith.constant 0 : i32
      %sign3A_307 = arith.cmpi sgt, %jit3A_297, %sign3A_306 : i32
      %sign3A_308 = arith.extui %sign3A_307 : i1 to i32
      %sign3A_309 = arith.constant 0 : i32
      %sign3A_310 = arith.cmpi slt, %jit3A_297, %sign3A_309 : i32
      %sign3A_311 = arith.extui %sign3A_310 : i1 to i32
      %sign3A_312 = arith.subi %sign3A_308, %sign3A_311 : i32
      %ne3A_313 = arith.cmpi ne, %sign3A_305, %sign3A_312 : i32
      %rem3A_314 = arith.remsi %add3A_296, %jit3A_297 : i32
      %ne3A_315 = arith.constant 0 : i32
      %ne3A_316 = arith.cmpi ne, %rem3A_314, %ne3A_315 : i32
      %and3A_317 = arith.andi %ne3A_313, %ne3A_316 : i1
      %sub3A_318 = arith.constant 1 : i32
      %sub3A_319 = arith.subi %div3A_298, %sub3A_318 : i32
      %select_n3A_320 = arith.select %and3A_317, %sub3A_319, %div3A_298 : i32
      %jit3A_321 = arith.constant 128 : i32
      %eq3A_322 = arith.constant 0 : i32
      %eq3A_323 = arith.cmpi eq, %jit3A_321, %eq3A_322 : i32
      %jit3A_324 = arith.constant 1 : i32
      %select_n3A_325 = arith.select %eq3A_323, %jit3A_324, %jit3A_321 : i32
      %rem3A_326 = arith.remsi %add3A_296, %select_n3A_325 : i32
      %ne3A_327 = arith.constant 0 : i32
      %ne3A_328 = arith.cmpi ne, %rem3A_326, %ne3A_327 : i32
      %lt3A_329 = arith.constant 0 : i32
      %lt3A_330 = arith.cmpi slt, %rem3A_326, %lt3A_329 : i32
      %lt3A_331 = arith.constant 0 : i32
      %lt3A_332 = arith.cmpi slt, %select_n3A_325, %lt3A_331 : i32
      %ne3A_333 = arith.xori %lt3A_330, %lt3A_332 : i1
      %and3A_334 = arith.andi %ne3A_333, %ne3A_328 : i1
      %add3A_335 = arith.addi %rem3A_326, %select_n3A_325 : i32
      %select_n3A_336 = arith.select %and3A_334, %add3A_335, %rem3A_326 : i32
      %mul3A_337 = arith.constant 16 : i32
      %mul3A_338 = arith.muli %select_n3A_336, %mul3A_337 : i32
      %scan3A_339 = arith.constant 0 : i32
      %scan3A_340 = arith.constant 0 : i32
      %scan3A_341 = arith.constant 40 : i32
      %scan3A_342 = arith.addi %scan3A_340, %scan3A_341 : i32
      %scan3A_343 = arith.constant 1 : i32
      scf.for %scan3A_535 = %scan3A_340 to %scan3A_342 step %scan3A_343  : i32 {
        %broadcast_in_dim3A_536 = arith.constant 0 : i32
        %broadcast_in_dim3A_537 = vector.broadcast %broadcast_in_dim3A_536 : i32 to vector<16xi32>
        %gather3A = tpu.vector_load_idx %arg12[%broadcast_in_dim3A_537, %iota3A] : memref<8x16xf32, #tpu.memory_space<vmem>>[vector<16xi32>, vector<16xi32>], vector<16xf32>,
        %broadcast_in_dim3A_538 = arith.constant 0 : i32
        %broadcast_in_dim3A_539 = vector.broadcast %broadcast_in_dim3A_538 : i32 to vector<16xi32>
        %broadcast_in_dim3A_540 = arith.constant 1 : i32
        %broadcast_in_dim3A_541 = vector.broadcast %broadcast_in_dim3A_540 : i32 to vector<16xi32>
        %gather3A_542 = tpu.vector_load_idx %arg12[%broadcast_in_dim3A_541, %iota3A] : memref<8x16xf32, #tpu.memory_space<vmem>>[vector<16xi32>, vector<16xi32>], vector<16xf32>,
        %gt3A = arith.cmpf ogt, %gather3A_542, %gather3A : vector<16xf32>
        %select_n3A_543 = arith.select %gt3A, %gather3A_542, %gather3A : vector<16xi1>, vector<16xf32>
        %select_n3A_544 = arith.select %gt3A, %broadcast_in_dim3A_541, %broadcast_in_dim3A_539 : vector<16xi1>, vector<16xi32>
        %broadcast_in_dim3A_545 = arith.constant 2 : i32
        %broadcast_in_dim3A_546 = vector.broadcast %broadcast_in_dim3A_545 : i32 to vector<16xi32>
        %gather3A_547 = tpu.vector_load_idx %arg12[%broadcast_in_dim3A_546, %iota3A] : memref<8x16xf32, #tpu.memory_space<vmem>>[vector<16xi32>, vector<16xi32>], vector<16xf32>,
        %gt3A_548 = arith.cmpf ogt, %gather3A_547, %select_n3A_543 : vector<16xf32>
        %select_n3A_549 = arith.select %gt3A_548, %gather3A_547, %select_n3A_543 : vector<16xi1>, vector<16xf32>
        %select_n3A_550 = arith.select %gt3A_548, %broadcast_in_dim3A_546, %select_n3A_544 : vector<16xi1>, vector<16xi32>
        %broadcast_in_dim3A_551 = arith.constant 3 : i32
        %broadcast_in_dim3A_552 = vector.broadcast %broadcast_in_dim3A_551 : i32 to vector<16xi32>
        %gather3A_553 = tpu.vector_load_idx %arg12[%broadcast_in_dim3A_552, %iota3A] : memref<8x16xf32, #tpu.memory_space<vmem>>[vector<16xi32>, vector<16xi32>], vector<16xf32>,
        %gt3A_554 = arith.cmpf ogt, %gather3A_553, %select_n3A_549 : vector<16xf32>
        %select_n3A_555 = arith.select %gt3A_554, %gather3A_553, %select_n3A_549 : vector<16xi1>, vector<16xf32>
        %select_n3A_556 = arith.select %gt3A_554, %broadcast_in_dim3A_552, %select_n3A_550 : vector<16xi1>, vector<16xi32>
        %broadcast_in_dim3A_557 = arith.constant 4 : i32
        %broadcast_in_dim3A_558 = vector.broadcast %broadcast_in_dim3A_557 : i32 to vector<16xi32>
        %gather3A_559 = tpu.vector_load_idx %arg12[%broadcast_in_dim3A_558, %iota3A] : memref<8x16xf32, #tpu.memory_space<vmem>>[vector<16xi32>, vector<16xi32>], vector<16xf32>,
        %gt3A_560 = arith.cmpf ogt, %gather3A_559, %select_n3A_555 : vector<16xf32>
        %select_n3A_561 = arith.select %gt3A_560, %gather3A_559, %select_n3A_555 : vector<16xi1>, vector<16xf32>
        %select_n3A_562 = arith.select %gt3A_560, %broadcast_in_dim3A_558, %select_n3A_556 : vector<16xi1>, vector<16xi32>
        %broadcast_in_dim3A_563 = arith.constant 5 : i32
        %broadcast_in_dim3A_564 = vector.broadcast %broadcast_in_dim3A_563 : i32 to vector<16xi32>
        %gather3A_565 = tpu.vector_load_idx %arg12[%broadcast_in_dim3A_564, %iota3A] : memref<8x16xf32, #tpu.memory_space<vmem>>[vector<16xi32>, vector<16xi32>], vector<16xf32>,
        %gt3A_566 = arith.cmpf ogt, %gather3A_565, %select_n3A_561 : vector<16xf32>
        %select_n3A_567 = arith.select %gt3A_566, %gather3A_565, %select_n3A_561 : vector<16xi1>, vector<16xf32>
        %select_n3A_568 = arith.select %gt3A_566, %broadcast_in_dim3A_564, %select_n3A_562 : vector<16xi1>, vector<16xi32>
        %broadcast_in_dim3A_569 = arith.constant 6 : i32
        %broadcast_in_dim3A_570 = vector.broadcast %broadcast_in_dim3A_569 : i32 to vector<16xi32>
        %gather3A_571 = tpu.vector_load_idx %arg12[%broadcast_in_dim3A_570, %iota3A] : memref<8x16xf32, #tpu.memory_space<vmem>>[vector<16xi32>, vector<16xi32>], vector<16xf32>,
        %gt3A_572 = arith.cmpf ogt, %gather3A_571, %select_n3A_567 : vector<16xf32>
        %select_n3A_573 = arith.select %gt3A_572, %gather3A_571, %select_n3A_567 : vector<16xi1>, vector<16xf32>
        %select_n3A_574 = arith.select %gt3A_572, %broadcast_in_dim3A_570, %select_n3A_568 : vector<16xi1>, vector<16xi32>
        %broadcast_in_dim3A_575 = arith.constant 7 : i32
        %broadcast_in_dim3A_576 = vector.broadcast %broadcast_in_dim3A_575 : i32 to vector<16xi32>
        %gather3A_577 = tpu.vector_load_idx %arg12[%broadcast_in_dim3A_576, %iota3A] : memref<8x16xf32, #tpu.memory_space<vmem>>[vector<16xi32>, vector<16xi32>], vector<16xf32>,
        %gt3A_578 = arith.cmpf ogt, %gather3A_577, %select_n3A_573 : vector<16xf32>
        %select_n3A_579 = arith.select %gt3A_578, %gather3A_577, %select_n3A_573 : vector<16xi1>, vector<16xf32>
        %select_n3A_580 = arith.select %gt3A_578, %broadcast_in_dim3A_576, %select_n3A_574 : vector<16xi1>, vector<16xi32>
        %mul3A_581 = arith.constant 16 : i32
        %mul3A_582 = vector.broadcast %mul3A_581 : i32 to vector<16xi32>
        %mul3A_583 = arith.muli %select_n3A_580, %mul3A_582 : vector<16xi32>
        %gather3A_584 = tpu.vector_load_idx %arg10[%mul3A_583, %iota3A] : memref<128x16xf32, #tpu.memory_space<vmem>>[vector<16xi32>, vector<16xi32>], vector<16xf32>,
        %add3A_585 = arith.constant 1 : i32
        %add3A_586 = vector.broadcast %add3A_585 : i32 to vector<16xi32>
        %add3A_587 = arith.addi %mul3A_583, %add3A_586 : vector<16xi32>
        %gather3A_588 = tpu.vector_load_idx %arg10[%add3A_587, %iota3A] : memref<128x16xf32, #tpu.memory_space<vmem>>[vector<16xi32>, vector<16xi32>], vector<16xf32>,
        %gt3A_589 = arith.cmpf ogt, %gather3A_588, %gather3A_584 : vector<16xf32>
        %select_n3A_590 = arith.select %gt3A_589, %gather3A_588, %gather3A_584 : vector<16xi1>, vector<16xf32>
        %select_n3A_591 = arith.select %gt3A_589, %add3A_587, %mul3A_583 : vector<16xi1>, vector<16xi32>
        %add3A_592 = arith.constant 2 : i32
        %add3A_593 = vector.broadcast %add3A_592 : i32 to vector<16xi32>
        %add3A_594 = arith.addi %mul3A_583, %add3A_593 : vector<16xi32>
        %gather3A_595 = tpu.vector_load_idx %arg10[%add3A_594, %iota3A] : memref<128x16xf32, #tpu.memory_space<vmem>>[vector<16xi32>, vector<16xi32>], vector<16xf32>,
        %gt3A_596 = arith.cmpf ogt, %gather3A_595, %select_n3A_590 : vector<16xf32>
        %select_n3A_597 = arith.select %gt3A_596, %gather3A_595, %select_n3A_590 : vector<16xi1>, vector<16xf32>
        %select_n3A_598 = arith.select %gt3A_596, %add3A_594, %select_n3A_591 : vector<16xi1>, vector<16xi32>
        %add3A_599 = arith.constant 3 : i32
        %add3A_600 = vector.broadcast %add3A_599 : i32 to vector<16xi32>
        %add3A_601 = arith.addi %mul3A_583, %add3A_600 : vector<16xi32>
        %gather3A_602 = tpu.vector_load_idx %arg10[%add3A_601, %iota3A] : memref<128x16xf32, #tpu.memory_space<vmem>>[vector<16xi32>, vector<16xi32>], vector<16xf32>,
        %gt3A_603 = arith.cmpf ogt, %gather3A_602, %select_n3A_597 : vector<16xf32>
        %select_n3A_604 = arith.select %gt3A_603, %gather3A_602, %select_n3A_597 : vector<16xi1>, vector<16xf32>
        %select_n3A_605 = arith.select %gt3A_603, %add3A_601, %select_n3A_598 : vector<16xi1>, vector<16xi32>
        %add3A_606 = arith.constant 4 : i32
        %add3A_607 = vector.broadcast %add3A_606 : i32 to vector<16xi32>
        %add3A_608 = arith.addi %mul3A_583, %add3A_607 : vector<16xi32>
        %gather3A_609 = tpu.vector_load_idx %arg10[%add3A_608, %iota3A] : memref<128x16xf32, #tpu.memory_space<vmem>>[vector<16xi32>, vector<16xi32>], vector<16xf32>,
        %gt3A_610 = arith.cmpf ogt, %gather3A_609, %select_n3A_604 : vector<16xf32>
        %select_n3A_611 = arith.select %gt3A_610, %gather3A_609, %select_n3A_604 : vector<16xi1>, vector<16xf32>
        %select_n3A_612 = arith.select %gt3A_610, %add3A_608, %select_n3A_605 : vector<16xi1>, vector<16xi32>
        %add3A_613 = arith.constant 5 : i32
        %add3A_614 = vector.broadcast %add3A_613 : i32 to vector<16xi32>
        %add3A_615 = arith.addi %mul3A_583, %add3A_614 : vector<16xi32>
        %gather3A_616 = tpu.vector_load_idx %arg10[%add3A_615, %iota3A] : memref<128x16xf32, #tpu.memory_space<vmem>>[vector<16xi32>, vector<16xi32>], vector<16xf32>,
        %gt3A_617 = arith.cmpf ogt, %gather3A_616, %select_n3A_611 : vector<16xf32>
        %select_n3A_618 = arith.select %gt3A_617, %gather3A_616, %select_n3A_611 : vector<16xi1>, vector<16xf32>
        %select_n3A_619 = arith.select %gt3A_617, %add3A_615, %select_n3A_612 : vector<16xi1>, vector<16xi32>
        %add3A_620 = arith.constant 6 : i32
        %add3A_621 = vector.broadcast %add3A_620 : i32 to vector<16xi32>
        %add3A_622 = arith.addi %mul3A_583, %add3A_621 : vector<16xi32>
        %gather3A_623 = tpu.vector_load_idx %arg10[%add3A_622, %iota3A] : memref<128x16xf32, #tpu.memory_space<vmem>>[vector<16xi32>, vector<16xi32>], vector<16xf32>,
        %gt3A_624 = arith.cmpf ogt, %gather3A_623, %select_n3A_618 : vector<16xf32>
        %select_n3A_625 = arith.select %gt3A_624, %gather3A_623, %select_n3A_618 : vector<16xi1>, vector<16xf32>
        %select_n3A_626 = arith.select %gt3A_624, %add3A_622, %select_n3A_619 : vector<16xi1>, vector<16xi32>
        %add3A_627 = arith.constant 7 : i32
        %add3A_628 = vector.broadcast %add3A_627 : i32 to vector<16xi32>
        %add3A_629 = arith.addi %mul3A_583, %add3A_628 : vector<16xi32>
        %gather3A_630 = tpu.vector_load_idx %arg10[%add3A_629, %iota3A] : memref<128x16xf32, #tpu.memory_space<vmem>>[vector<16xi32>, vector<16xi32>], vector<16xf32>,
        %gt3A_631 = arith.cmpf ogt, %gather3A_630, %select_n3A_625 : vector<16xf32>
        %select_n3A_632 = arith.select %gt3A_631, %gather3A_630, %select_n3A_625 : vector<16xi1>, vector<16xf32>
        %select_n3A_633 = arith.select %gt3A_631, %add3A_629, %select_n3A_626 : vector<16xi1>, vector<16xi32>
        %add3A_634 = arith.constant 8 : i32
        %add3A_635 = vector.broadcast %add3A_634 : i32 to vector<16xi32>
        %add3A_636 = arith.addi %mul3A_583, %add3A_635 : vector<16xi32>
        %gather3A_637 = tpu.vector_load_idx %arg10[%add3A_636, %iota3A] : memref<128x16xf32, #tpu.memory_space<vmem>>[vector<16xi32>, vector<16xi32>], vector<16xf32>,
        %gt3A_638 = arith.cmpf ogt, %gather3A_637, %select_n3A_632 : vector<16xf32>
        %select_n3A_639 = arith.select %gt3A_638, %gather3A_637, %select_n3A_632 : vector<16xi1>, vector<16xf32>
        %select_n3A_640 = arith.select %gt3A_638, %add3A_636, %select_n3A_633 : vector<16xi1>, vector<16xi32>
        %add3A_641 = arith.constant 9 : i32
        %add3A_642 = vector.broadcast %add3A_641 : i32 to vector<16xi32>
        %add3A_643 = arith.addi %mul3A_583, %add3A_642 : vector<16xi32>
        %gather3A_644 = tpu.vector_load_idx %arg10[%add3A_643, %iota3A] : memref<128x16xf32, #tpu.memory_space<vmem>>[vector<16xi32>, vector<16xi32>], vector<16xf32>,
        %gt3A_645 = arith.cmpf ogt, %gather3A_644, %select_n3A_639 : vector<16xf32>
        %select_n3A_646 = arith.select %gt3A_645, %gather3A_644, %select_n3A_639 : vector<16xi1>, vector<16xf32>
        %select_n3A_647 = arith.select %gt3A_645, %add3A_643, %select_n3A_640 : vector<16xi1>, vector<16xi32>
        %add3A_648 = arith.constant 10 : i32
        %add3A_649 = vector.broadcast %add3A_648 : i32 to vector<16xi32>
        %add3A_650 = arith.addi %mul3A_583, %add3A_649 : vector<16xi32>
        %gather3A_651 = tpu.vector_load_idx %arg10[%add3A_650, %iota3A] : memref<128x16xf32, #tpu.memory_space<vmem>>[vector<16xi32>, vector<16xi32>], vector<16xf32>,
        %gt3A_652 = arith.cmpf ogt, %gather3A_651, %select_n3A_646 : vector<16xf32>
        %select_n3A_653 = arith.select %gt3A_652, %gather3A_651, %select_n3A_646 : vector<16xi1>, vector<16xf32>
        %select_n3A_654 = arith.select %gt3A_652, %add3A_650, %select_n3A_647 : vector<16xi1>, vector<16xi32>
        %add3A_655 = arith.constant 11 : i32
        %add3A_656 = vector.broadcast %add3A_655 : i32 to vector<16xi32>
        %add3A_657 = arith.addi %mul3A_583, %add3A_656 : vector<16xi32>
        %gather3A_658 = tpu.vector_load_idx %arg10[%add3A_657, %iota3A] : memref<128x16xf32, #tpu.memory_space<vmem>>[vector<16xi32>, vector<16xi32>], vector<16xf32>,
        %gt3A_659 = arith.cmpf ogt, %gather3A_658, %select_n3A_653 : vector<16xf32>
        %select_n3A_660 = arith.select %gt3A_659, %gather3A_658, %select_n3A_653 : vector<16xi1>, vector<16xf32>
        %select_n3A_661 = arith.select %gt3A_659, %add3A_657, %select_n3A_654 : vector<16xi1>, vector<16xi32>
        %add3A_662 = arith.constant 12 : i32
        %add3A_663 = vector.broadcast %add3A_662 : i32 to vector<16xi32>
        %add3A_664 = arith.addi %mul3A_583, %add3A_663 : vector<16xi32>
        %gather3A_665 = tpu.vector_load_idx %arg10[%add3A_664, %iota3A] : memref<128x16xf32, #tpu.memory_space<vmem>>[vector<16xi32>, vector<16xi32>], vector<16xf32>,
        %gt3A_666 = arith.cmpf ogt, %gather3A_665, %select_n3A_660 : vector<16xf32>
        %select_n3A_667 = arith.select %gt3A_666, %gather3A_665, %select_n3A_660 : vector<16xi1>, vector<16xf32>
        %select_n3A_668 = arith.select %gt3A_666, %add3A_664, %select_n3A_661 : vector<16xi1>, vector<16xi32>
        %add3A_669 = arith.constant 13 : i32
        %add3A_670 = vector.broadcast %add3A_669 : i32 to vector<16xi32>
        %add3A_671 = arith.addi %mul3A_583, %add3A_670 : vector<16xi32>
        %gather3A_672 = tpu.vector_load_idx %arg10[%add3A_671, %iota3A] : memref<128x16xf32, #tpu.memory_space<vmem>>[vector<16xi32>, vector<16xi32>], vector<16xf32>,
        %gt3A_673 = arith.cmpf ogt, %gather3A_672, %select_n3A_667 : vector<16xf32>
        %select_n3A_674 = arith.select %gt3A_673, %gather3A_672, %select_n3A_667 : vector<16xi1>, vector<16xf32>
        %select_n3A_675 = arith.select %gt3A_673, %add3A_671, %select_n3A_668 : vector<16xi1>, vector<16xi32>
        %add3A_676 = arith.constant 14 : i32
        %add3A_677 = vector.broadcast %add3A_676 : i32 to vector<16xi32>
        %add3A_678 = arith.addi %mul3A_583, %add3A_677 : vector<16xi32>
        %gather3A_679 = tpu.vector_load_idx %arg10[%add3A_678, %iota3A] : memref<128x16xf32, #tpu.memory_space<vmem>>[vector<16xi32>, vector<16xi32>], vector<16xf32>,
        %gt3A_680 = arith.cmpf ogt, %gather3A_679, %select_n3A_674 : vector<16xf32>
        %select_n3A_681 = arith.select %gt3A_680, %gather3A_679, %select_n3A_674 : vector<16xi1>, vector<16xf32>
        %select_n3A_682 = arith.select %gt3A_680, %add3A_678, %select_n3A_675 : vector<16xi1>, vector<16xi32>
        %add3A_683 = arith.constant 15 : i32
        %add3A_684 = vector.broadcast %add3A_683 : i32 to vector<16xi32>
        %add3A_685 = arith.addi %mul3A_583, %add3A_684 : vector<16xi32>
        %gather3A_686 = tpu.vector_load_idx %arg10[%add3A_685, %iota3A] : memref<128x16xf32, #tpu.memory_space<vmem>>[vector<16xi32>, vector<16xi32>], vector<16xf32>,
        %gt3A_687 = arith.cmpf ogt, %gather3A_686, %select_n3A_681 : vector<16xf32>
        %select_n3A_688 = arith.select %gt3A_687, %gather3A_686, %select_n3A_681 : vector<16xi1>, vector<16xf32>
        %select_n3A_689 = arith.select %gt3A_687, %add3A_685, %select_n3A_682 : vector<16xi1>, vector<16xi32>
        %mul3A_690 = arith.constant 16 : i32
        %mul3A_691 = vector.broadcast %mul3A_690 : i32 to vector<16xi32>
        %mul3A_692 = arith.muli %select_n3A_689, %mul3A_691 : vector<16xi32>
        %gather3A_693 = tpu.vector_load_idx %arg7[%mul3A_692, %iota3A] : memref<2048x16xf32, #tpu.memory_space<vmem>>[vector<16xi32>, vector<16xi32>], vector<16xf32>,
        %add3A_694 = arith.constant 1 : i32
        %add3A_695 = vector.broadcast %add3A_694 : i32 to vector<16xi32>
        %add3A_696 = arith.addi %mul3A_692, %add3A_695 : vector<16xi32>
        %gather3A_697 = tpu.vector_load_idx %arg7[%add3A_696, %iota3A] : memref<2048x16xf32, #tpu.memory_space<vmem>>[vector<16xi32>, vector<16xi32>], vector<16xf32>,
        %gt3A_698 = arith.cmpf ogt, %gather3A_697, %gather3A_693 : vector<16xf32>
        %select_n3A_699 = arith.select %gt3A_698, %gather3A_697, %gather3A_693 : vector<16xi1>, vector<16xf32>
        %select_n3A_700 = arith.select %gt3A_698, %add3A_696, %mul3A_692 : vector<16xi1>, vector<16xi32>
        %add3A_701 = arith.constant 2 : i32
        %add3A_702 = vector.broadcast %add3A_701 : i32 to vector<16xi32>
        %add3A_703 = arith.addi %mul3A_692, %add3A_702 : vector<16xi32>
        %gather3A_704 = tpu.vector_load_idx %arg7[%add3A_703, %iota3A] : memref<2048x16xf32, #tpu.memory_space<vmem>>[vector<16xi32>, vector<16xi32>], vector<16xf32>,
        %gt3A_705 = arith.cmpf ogt, %gather3A_704, %select_n3A_699 : vector<16xf32>
        %select_n3A_706 = arith.select %gt3A_705, %gather3A_704, %select_n3A_699 : vector<16xi1>, vector<16xf32>
        %select_n3A_707 = arith.select %gt3A_705, %add3A_703, %select_n3A_700 : vector<16xi1>, vector<16xi32>
        %add3A_708 = arith.constant 3 : i32
        %add3A_709 = vector.broadcast %add3A_708 : i32 to vector<16xi32>
        %add3A_710 = arith.addi %mul3A_692, %add3A_709 : vector<16xi32>
        %gather3A_711 = tpu.vector_load_idx %arg7[%add3A_710, %iota3A] : memref<2048x16xf32, #tpu.memory_space<vmem>>[vector<16xi32>, vector<16xi32>], vector<16xf32>,
        %gt3A_712 = arith.cmpf ogt, %gather3A_711, %select_n3A_706 : vector<16xf32>
        %select_n3A_713 = arith.select %gt3A_712, %gather3A_711, %select_n3A_706 : vector<16xi1>, vector<16xf32>
        %select_n3A_714 = arith.select %gt3A_712, %add3A_710, %select_n3A_707 : vector<16xi1>, vector<16xi32>
        %add3A_715 = arith.constant 4 : i32
        %add3A_716 = vector.broadcast %add3A_715 : i32 to vector<16xi32>
        %add3A_717 = arith.addi %mul3A_692, %add3A_716 : vector<16xi32>
        %gather3A_718 = tpu.vector_load_idx %arg7[%add3A_717, %iota3A] : memref<2048x16xf32, #tpu.memory_space<vmem>>[vector<16xi32>, vector<16xi32>], vector<16xf32>,
        %gt3A_719 = arith.cmpf ogt, %gather3A_718, %select_n3A_713 : vector<16xf32>
        %select_n3A_720 = arith.select %gt3A_719, %gather3A_718, %select_n3A_713 : vector<16xi1>, vector<16xf32>
        %select_n3A_721 = arith.select %gt3A_719, %add3A_717, %select_n3A_714 : vector<16xi1>, vector<16xi32>
        %add3A_722 = arith.constant 5 : i32
        %add3A_723 = vector.broadcast %add3A_722 : i32 to vector<16xi32>
        %add3A_724 = arith.addi %mul3A_692, %add3A_723 : vector<16xi32>
        %gather3A_725 = tpu.vector_load_idx %arg7[%add3A_724, %iota3A] : memref<2048x16xf32, #tpu.memory_space<vmem>>[vector<16xi32>, vector<16xi32>], vector<16xf32>,
        %gt3A_726 = arith.cmpf ogt, %gather3A_725, %select_n3A_720 : vector<16xf32>
        %select_n3A_727 = arith.select %gt3A_726, %gather3A_725, %select_n3A_720 : vector<16xi1>, vector<16xf32>
        %select_n3A_728 = arith.select %gt3A_726, %add3A_724, %select_n3A_721 : vector<16xi1>, vector<16xi32>
        %add3A_729 = arith.constant 6 : i32
        %add3A_730 = vector.broadcast %add3A_729 : i32 to vector<16xi32>
        %add3A_731 = arith.addi %mul3A_692, %add3A_730 : vector<16xi32>
        %gather3A_732 = tpu.vector_load_idx %arg7[%add3A_731, %iota3A] : memref<2048x16xf32, #tpu.memory_space<vmem>>[vector<16xi32>, vector<16xi32>], vector<16xf32>,
        %gt3A_733 = arith.cmpf ogt, %gather3A_732, %select_n3A_727 : vector<16xf32>
        %select_n3A_734 = arith.select %gt3A_733, %gather3A_732, %select_n3A_727 : vector<16xi1>, vector<16xf32>
        %select_n3A_735 = arith.select %gt3A_733, %add3A_731, %select_n3A_728 : vector<16xi1>, vector<16xi32>
        %add3A_736 = arith.constant 7 : i32
        %add3A_737 = vector.broadcast %add3A_736 : i32 to vector<16xi32>
        %add3A_738 = arith.addi %mul3A_692, %add3A_737 : vector<16xi32>
        %gather3A_739 = tpu.vector_load_idx %arg7[%add3A_738, %iota3A] : memref<2048x16xf32, #tpu.memory_space<vmem>>[vector<16xi32>, vector<16xi32>], vector<16xf32>,
        %gt3A_740 = arith.cmpf ogt, %gather3A_739, %select_n3A_734 : vector<16xf32>
        %select_n3A_741 = arith.select %gt3A_740, %gather3A_739, %select_n3A_734 : vector<16xi1>, vector<16xf32>
        %select_n3A_742 = arith.select %gt3A_740, %add3A_738, %select_n3A_735 : vector<16xi1>, vector<16xi32>
        %add3A_743 = arith.constant 8 : i32
        %add3A_744 = vector.broadcast %add3A_743 : i32 to vector<16xi32>
        %add3A_745 = arith.addi %mul3A_692, %add3A_744 : vector<16xi32>
        %gather3A_746 = tpu.vector_load_idx %arg7[%add3A_745, %iota3A] : memref<2048x16xf32, #tpu.memory_space<vmem>>[vector<16xi32>, vector<16xi32>], vector<16xf32>,
        %gt3A_747 = arith.cmpf ogt, %gather3A_746, %select_n3A_741 : vector<16xf32>
        %select_n3A_748 = arith.select %gt3A_747, %gather3A_746, %select_n3A_741 : vector<16xi1>, vector<16xf32>
        %select_n3A_749 = arith.select %gt3A_747, %add3A_745, %select_n3A_742 : vector<16xi1>, vector<16xi32>
        %add3A_750 = arith.constant 9 : i32
        %add3A_751 = vector.broadcast %add3A_750 : i32 to vector<16xi32>
        %add3A_752 = arith.addi %mul3A_692, %add3A_751 : vector<16xi32>
        %gather3A_753 = tpu.vector_load_idx %arg7[%add3A_752, %iota3A] : memref<2048x16xf32, #tpu.memory_space<vmem>>[vector<16xi32>, vector<16xi32>], vector<16xf32>,
        %gt3A_754 = arith.cmpf ogt, %gather3A_753, %select_n3A_748 : vector<16xf32>
        %select_n3A_755 = arith.select %gt3A_754, %gather3A_753, %select_n3A_748 : vector<16xi1>, vector<16xf32>
        %select_n3A_756 = arith.select %gt3A_754, %add3A_752, %select_n3A_749 : vector<16xi1>, vector<16xi32>
        %add3A_757 = arith.constant 10 : i32
        %add3A_758 = vector.broadcast %add3A_757 : i32 to vector<16xi32>
        %add3A_759 = arith.addi %mul3A_692, %add3A_758 : vector<16xi32>
        %gather3A_760 = tpu.vector_load_idx %arg7[%add3A_759, %iota3A] : memref<2048x16xf32, #tpu.memory_space<vmem>>[vector<16xi32>, vector<16xi32>], vector<16xf32>,
        %gt3A_761 = arith.cmpf ogt, %gather3A_760, %select_n3A_755 : vector<16xf32>
        %select_n3A_762 = arith.select %gt3A_761, %gather3A_760, %select_n3A_755 : vector<16xi1>, vector<16xf32>
        %select_n3A_763 = arith.select %gt3A_761, %add3A_759, %select_n3A_756 : vector<16xi1>, vector<16xi32>
        %add3A_764 = arith.constant 11 : i32
        %add3A_765 = vector.broadcast %add3A_764 : i32 to vector<16xi32>
        %add3A_766 = arith.addi %mul3A_692, %add3A_765 : vector<16xi32>
        %gather3A_767 = tpu.vector_load_idx %arg7[%add3A_766, %iota3A] : memref<2048x16xf32, #tpu.memory_space<vmem>>[vector<16xi32>, vector<16xi32>], vector<16xf32>,
        %gt3A_768 = arith.cmpf ogt, %gather3A_767, %select_n3A_762 : vector<16xf32>
        %select_n3A_769 = arith.select %gt3A_768, %gather3A_767, %select_n3A_762 : vector<16xi1>, vector<16xf32>
        %select_n3A_770 = arith.select %gt3A_768, %add3A_766, %select_n3A_763 : vector<16xi1>, vector<16xi32>
        %add3A_771 = arith.constant 12 : i32
        %add3A_772 = vector.broadcast %add3A_771 : i32 to vector<16xi32>
        %add3A_773 = arith.addi %mul3A_692, %add3A_772 : vector<16xi32>
        %gather3A_774 = tpu.vector_load_idx %arg7[%add3A_773, %iota3A] : memref<2048x16xf32, #tpu.memory_space<vmem>>[vector<16xi32>, vector<16xi32>], vector<16xf32>,
        %gt3A_775 = arith.cmpf ogt, %gather3A_774, %select_n3A_769 : vector<16xf32>
        %select_n3A_776 = arith.select %gt3A_775, %gather3A_774, %select_n3A_769 : vector<16xi1>, vector<16xf32>
        %select_n3A_777 = arith.select %gt3A_775, %add3A_773, %select_n3A_770 : vector<16xi1>, vector<16xi32>
        %add3A_778 = arith.constant 13 : i32
        %add3A_779 = vector.broadcast %add3A_778 : i32 to vector<16xi32>
        %add3A_780 = arith.addi %mul3A_692, %add3A_779 : vector<16xi32>
        %gather3A_781 = tpu.vector_load_idx %arg7[%add3A_780, %iota3A] : memref<2048x16xf32, #tpu.memory_space<vmem>>[vector<16xi32>, vector<16xi32>], vector<16xf32>,
        %gt3A_782 = arith.cmpf ogt, %gather3A_781, %select_n3A_776 : vector<16xf32>
        %select_n3A_783 = arith.select %gt3A_782, %gather3A_781, %select_n3A_776 : vector<16xi1>, vector<16xf32>
        %select_n3A_784 = arith.select %gt3A_782, %add3A_780, %select_n3A_777 : vector<16xi1>, vector<16xi32>
        %add3A_785 = arith.constant 14 : i32
        %add3A_786 = vector.broadcast %add3A_785 : i32 to vector<16xi32>
        %add3A_787 = arith.addi %mul3A_692, %add3A_786 : vector<16xi32>
        %gather3A_788 = tpu.vector_load_idx %arg7[%add3A_787, %iota3A] : memref<2048x16xf32, #tpu.memory_space<vmem>>[vector<16xi32>, vector<16xi32>], vector<16xf32>,
        %gt3A_789 = arith.cmpf ogt, %gather3A_788, %select_n3A_783 : vector<16xf32>
        %select_n3A_790 = arith.select %gt3A_789, %gather3A_788, %select_n3A_783 : vector<16xi1>, vector<16xf32>
        %select_n3A_791 = arith.select %gt3A_789, %add3A_787, %select_n3A_784 : vector<16xi1>, vector<16xi32>
        %add3A_792 = arith.constant 15 : i32
        %add3A_793 = vector.broadcast %add3A_792 : i32 to vector<16xi32>
        %add3A_794 = arith.addi %mul3A_692, %add3A_793 : vector<16xi32>
        %gather3A_795 = tpu.vector_load_idx %arg7[%add3A_794, %iota3A] : memref<2048x16xf32, #tpu.memory_space<vmem>>[vector<16xi32>, vector<16xi32>], vector<16xf32>,
        %gt3A_796 = arith.cmpf ogt, %gather3A_795, %select_n3A_790 : vector<16xf32>
        %select_n3A_797 = arith.select %gt3A_796, %gather3A_795, %select_n3A_790 : vector<16xi1>, vector<16xf32>
        %select_n3A_798 = arith.select %gt3A_796, %add3A_794, %select_n3A_791 : vector<16xi1>, vector<16xi32>
        %broadcast_in_dim3A_799 = vector.broadcast %scan3A_535 : i32 to vector<16xi32>
        %broadcast_in_dim3A_800 = arith.constant 0 : i32
        %broadcast_in_dim3A_801 = vector.broadcast %broadcast_in_dim3A_800 : i32 to vector<16xi32>
        %gather3A_802 = tpu.vector_load_idx %arg9[%broadcast_in_dim3A_801, %select_n3A_798] : memref<4x2048xf32, #tpu.memory_space<vmem>>[vector<16xi32>, vector<16xi32>], vector<16xf32>,
        tpu.vector_store_idx %arg14[%broadcast_in_dim3A_801, %broadcast_in_dim3A_799, %iota3A], %gather3A_802 : memref<4x40x16xf32, #tpu.memory_space<vmem>>[vector<16xi32>, vector<16xi32>, vector<16xi32>], vector<16xf32>,
        %broadcast_in_dim3A_803 = arith.constant 1 : i32
        %broadcast_in_dim3A_804 = vector.broadcast %broadcast_in_dim3A_803 : i32 to vector<16xi32>
        %gather3A_805 = tpu.vector_load_idx %arg9[%broadcast_in_dim3A_804, %select_n3A_798] : memref<4x2048xf32, #tpu.memory_space<vmem>>[vector<16xi32>, vector<16xi32>], vector<16xf32>,
        tpu.vector_store_idx %arg14[%broadcast_in_dim3A_804, %broadcast_in_dim3A_799, %iota3A], %gather3A_805 : memref<4x40x16xf32, #tpu.memory_space<vmem>>[vector<16xi32>, vector<16xi32>, vector<16xi32>], vector<16xf32>,
        %broadcast_in_dim3A_806 = arith.constant 2 : i32
        %broadcast_in_dim3A_807 = vector.broadcast %broadcast_in_dim3A_806 : i32 to vector<16xi32>
        %gather3A_808 = tpu.vector_load_idx %arg9[%broadcast_in_dim3A_807, %select_n3A_798] : memref<4x2048xf32, #tpu.memory_space<vmem>>[vector<16xi32>, vector<16xi32>], vector<16xf32>,
        tpu.vector_store_idx %arg14[%broadcast_in_dim3A_807, %broadcast_in_dim3A_799, %iota3A], %gather3A_808 : memref<4x40x16xf32, #tpu.memory_space<vmem>>[vector<16xi32>, vector<16xi32>, vector<16xi32>], vector<16xf32>,
        %broadcast_in_dim3A_809 = arith.constant 3 : i32
        %broadcast_in_dim3A_810 = vector.broadcast %broadcast_in_dim3A_809 : i32 to vector<16xi32>
        %gather3A_811 = tpu.vector_load_idx %arg9[%broadcast_in_dim3A_810, %select_n3A_798] : memref<4x2048xf32, #tpu.memory_space<vmem>>[vector<16xi32>, vector<16xi32>], vector<16xf32>,
        tpu.vector_store_idx %arg14[%broadcast_in_dim3A_810, %broadcast_in_dim3A_799, %iota3A], %gather3A_811 : memref<4x40x16xf32, #tpu.memory_space<vmem>>[vector<16xi32>, vector<16xi32>, vector<16xi32>], vector<16xf32>,
        tpu.vector_store_idx %arg7[%select_n3A_798, %iota3A], %broadcast_in_dim3A_1 : memref<2048x16xf32, #tpu.memory_space<vmem>>[vector<16xi32>, vector<16xi32>], vector<16xf32>,
        %eq3A_812 = arith.cmpi eq, %mul3A_692, %select_n3A_798 : vector<16xi32>
        %select_n3A_813 = arith.select %eq3A_812, %broadcast_in_dim3A_1, %gather3A_693 : vector<16xi1>, vector<16xf32>
        %max3A = arith.maximumf %broadcast_in_dim3A_1, %select_n3A_813 : vector<16xf32>
        %eq3A_814 = arith.cmpi eq, %add3A_696, %select_n3A_798 : vector<16xi32>
        %select_n3A_815 = arith.select %eq3A_814, %broadcast_in_dim3A_1, %gather3A_697 : vector<16xi1>, vector<16xf32>
        %max3A_816 = arith.maximumf %max3A, %select_n3A_815 : vector<16xf32>
        %eq3A_817 = arith.cmpi eq, %add3A_703, %select_n3A_798 : vector<16xi32>
        %select_n3A_818 = arith.select %eq3A_817, %broadcast_in_dim3A_1, %gather3A_704 : vector<16xi1>, vector<16xf32>
        %max3A_819 = arith.maximumf %max3A_816, %select_n3A_818 : vector<16xf32>
        %eq3A_820 = arith.cmpi eq, %add3A_710, %select_n3A_798 : vector<16xi32>
        %select_n3A_821 = arith.select %eq3A_820, %broadcast_in_dim3A_1, %gather3A_711 : vector<16xi1>, vector<16xf32>
        %max3A_822 = arith.maximumf %max3A_819, %select_n3A_821 : vector<16xf32>
        %eq3A_823 = arith.cmpi eq, %add3A_717, %select_n3A_798 : vector<16xi32>
        %select_n3A_824 = arith.select %eq3A_823, %broadcast_in_dim3A_1, %gather3A_718 : vector<16xi1>, vector<16xf32>
        %max3A_825 = arith.maximumf %max3A_822, %select_n3A_824 : vector<16xf32>
        %eq3A_826 = arith.cmpi eq, %add3A_724, %select_n3A_798 : vector<16xi32>
        %select_n3A_827 = arith.select %eq3A_826, %broadcast_in_dim3A_1, %gather3A_725 : vector<16xi1>, vector<16xf32>
        %max3A_828 = arith.maximumf %max3A_825, %select_n3A_827 : vector<16xf32>
        %eq3A_829 = arith.cmpi eq, %add3A_731, %select_n3A_798 : vector<16xi32>
        %select_n3A_830 = arith.select %eq3A_829, %broadcast_in_dim3A_1, %gather3A_732 : vector<16xi1>, vector<16xf32>
        %max3A_831 = arith.maximumf %max3A_828, %select_n3A_830 : vector<16xf32>
        %eq3A_832 = arith.cmpi eq, %add3A_738, %select_n3A_798 : vector<16xi32>
        %select_n3A_833 = arith.select %eq3A_832, %broadcast_in_dim3A_1, %gather3A_739 : vector<16xi1>, vector<16xf32>
        %max3A_834 = arith.maximumf %max3A_831, %select_n3A_833 : vector<16xf32>
        %eq3A_835 = arith.cmpi eq, %add3A_745, %select_n3A_798 : vector<16xi32>
        %select_n3A_836 = arith.select %eq3A_835, %broadcast_in_dim3A_1, %gather3A_746 : vector<16xi1>, vector<16xf32>
        %max3A_837 = arith.maximumf %max3A_834, %select_n3A_836 : vector<16xf32>
        %eq3A_838 = arith.cmpi eq, %add3A_752, %select_n3A_798 : vector<16xi32>
        %select_n3A_839 = arith.select %eq3A_838, %broadcast_in_dim3A_1, %gather3A_753 : vector<16xi1>, vector<16xf32>
        %max3A_840 = arith.maximumf %max3A_837, %select_n3A_839 : vector<16xf32>
        %eq3A_841 = arith.cmpi eq, %add3A_759, %select_n3A_798 : vector<16xi32>
        %select_n3A_842 = arith.select %eq3A_841, %broadcast_in_dim3A_1, %gather3A_760 : vector<16xi1>, vector<16xf32>
        %max3A_843 = arith.maximumf %max3A_840, %select_n3A_842 : vector<16xf32>
        %eq3A_844 = arith.cmpi eq, %add3A_766, %select_n3A_798 : vector<16xi32>
        %select_n3A_845 = arith.select %eq3A_844, %broadcast_in_dim3A_1, %gather3A_767 : vector<16xi1>, vector<16xf32>
        %max3A_846 = arith.maximumf %max3A_843, %select_n3A_845 : vector<16xf32>
        %eq3A_847 = arith.cmpi eq, %add3A_773, %select_n3A_798 : vector<16xi32>
        %select_n3A_848 = arith.select %eq3A_847, %broadcast_in_dim3A_1, %gather3A_774 : vector<16xi1>, vector<16xf32>
        %max3A_849 = arith.maximumf %max3A_846, %select_n3A_848 : vector<16xf32>
        %eq3A_850 = arith.cmpi eq, %add3A_780, %select_n3A_798 : vector<16xi32>
        %select_n3A_851 = arith.select %eq3A_850, %broadcast_in_dim3A_1, %gather3A_781 : vector<16xi1>, vector<16xf32>
        %max3A_852 = arith.maximumf %max3A_849, %select_n3A_851 : vector<16xf32>
        %eq3A_853 = arith.cmpi eq, %add3A_787, %select_n3A_798 : vector<16xi32>
        %select_n3A_854 = arith.select %eq3A_853, %broadcast_in_dim3A_1, %gather3A_788 : vector<16xi1>, vector<16xf32>
        %max3A_855 = arith.maximumf %max3A_852, %select_n3A_854 : vector<16xf32>
        %eq3A_856 = arith.cmpi eq, %add3A_794, %select_n3A_798 : vector<16xi32>
        %select_n3A_857 = arith.select %eq3A_856, %broadcast_in_dim3A_1, %gather3A_795 : vector<16xi1>, vector<16xf32>
        %max3A_858 = arith.maximumf %max3A_855, %select_n3A_857 : vector<16xf32>
        tpu.vector_store_idx %arg10[%select_n3A_689, %iota3A], %max3A_858 : memref<128x16xf32, #tpu.memory_space<vmem>>[vector<16xi32>, vector<16xi32>], vector<16xf32>,
        %eq3A_859 = arith.cmpi eq, %mul3A_583, %select_n3A_689 : vector<16xi32>
        %select_n3A_860 = arith.select %eq3A_859, %max3A_858, %gather3A_584 : vector<16xi1>, vector<16xf32>
        %max3A_861 = arith.maximumf %broadcast_in_dim3A_1, %select_n3A_860 : vector<16xf32>
        %eq3A_862 = arith.cmpi eq, %add3A_587, %select_n3A_689 : vector<16xi32>
        %select_n3A_863 = arith.select %eq3A_862, %max3A_858, %gather3A_588 : vector<16xi1>, vector<16xf32>
        %max3A_864 = arith.maximumf %max3A_861, %select_n3A_863 : vector<16xf32>
        %eq3A_865 = arith.cmpi eq, %add3A_594, %select_n3A_689 : vector<16xi32>
        %select_n3A_866 = arith.select %eq3A_865, %max3A_858, %gather3A_595 : vector<16xi1>, vector<16xf32>
        %max3A_867 = arith.maximumf %max3A_864, %select_n3A_866 : vector<16xf32>
        %eq3A_868 = arith.cmpi eq, %add3A_601, %select_n3A_689 : vector<16xi32>
        %select_n3A_869 = arith.select %eq3A_868, %max3A_858, %gather3A_602 : vector<16xi1>, vector<16xf32>
        %max3A_870 = arith.maximumf %max3A_867, %select_n3A_869 : vector<16xf32>
        %eq3A_871 = arith.cmpi eq, %add3A_608, %select_n3A_689 : vector<16xi32>
        %select_n3A_872 = arith.select %eq3A_871, %max3A_858, %gather3A_609 : vector<16xi1>, vector<16xf32>
        %max3A_873 = arith.maximumf %max3A_870, %select_n3A_872 : vector<16xf32>
        %eq3A_874 = arith.cmpi eq, %add3A_615, %select_n3A_689 : vector<16xi32>
        %select_n3A_875 = arith.select %eq3A_874, %max3A_858, %gather3A_616 : vector<16xi1>, vector<16xf32>
        %max3A_876 = arith.maximumf %max3A_873, %select_n3A_875 : vector<16xf32>
        %eq3A_877 = arith.cmpi eq, %add3A_622, %select_n3A_689 : vector<16xi32>
        %select_n3A_878 = arith.select %eq3A_877, %max3A_858, %gather3A_623 : vector<16xi1>, vector<16xf32>
        %max3A_879 = arith.maximumf %max3A_876, %select_n3A_878 : vector<16xf32>
        %eq3A_880 = arith.cmpi eq, %add3A_629, %select_n3A_689 : vector<16xi32>
        %select_n3A_881 = arith.select %eq3A_880, %max3A_858, %gather3A_630 : vector<16xi1>, vector<16xf32>
        %max3A_882 = arith.maximumf %max3A_879, %select_n3A_881 : vector<16xf32>
        %eq3A_883 = arith.cmpi eq, %add3A_636, %select_n3A_689 : vector<16xi32>
        %select_n3A_884 = arith.select %eq3A_883, %max3A_858, %gather3A_637 : vector<16xi1>, vector<16xf32>
        %max3A_885 = arith.maximumf %max3A_882, %select_n3A_884 : vector<16xf32>
        %eq3A_886 = arith.cmpi eq, %add3A_643, %select_n3A_689 : vector<16xi32>
        %select_n3A_887 = arith.select %eq3A_886, %max3A_858, %gather3A_644 : vector<16xi1>, vector<16xf32>
        %max3A_888 = arith.maximumf %max3A_885, %select_n3A_887 : vector<16xf32>
        %eq3A_889 = arith.cmpi eq, %add3A_650, %select_n3A_689 : vector<16xi32>
        %select_n3A_890 = arith.select %eq3A_889, %max3A_858, %gather3A_651 : vector<16xi1>, vector<16xf32>
        %max3A_891 = arith.maximumf %max3A_888, %select_n3A_890 : vector<16xf32>
        %eq3A_892 = arith.cmpi eq, %add3A_657, %select_n3A_689 : vector<16xi32>
        %select_n3A_893 = arith.select %eq3A_892, %max3A_858, %gather3A_658 : vector<16xi1>, vector<16xf32>
        %max3A_894 = arith.maximumf %max3A_891, %select_n3A_893 : vector<16xf32>
        %eq3A_895 = arith.cmpi eq, %add3A_664, %select_n3A_689 : vector<16xi32>
        %select_n3A_896 = arith.select %eq3A_895, %max3A_858, %gather3A_665 : vector<16xi1>, vector<16xf32>
        %max3A_897 = arith.maximumf %max3A_894, %select_n3A_896 : vector<16xf32>
        %eq3A_898 = arith.cmpi eq, %add3A_671, %select_n3A_689 : vector<16xi32>
        %select_n3A_899 = arith.select %eq3A_898, %max3A_858, %gather3A_672 : vector<16xi1>, vector<16xf32>
        %max3A_900 = arith.maximumf %max3A_897, %select_n3A_899 : vector<16xf32>
        %eq3A_901 = arith.cmpi eq, %add3A_678, %select_n3A_689 : vector<16xi32>
        %select_n3A_902 = arith.select %eq3A_901, %max3A_858, %gather3A_679 : vector<16xi1>, vector<16xf32>
        %max3A_903 = arith.maximumf %max3A_900, %select_n3A_902 : vector<16xf32>
        %eq3A_904 = arith.cmpi eq, %add3A_685, %select_n3A_689 : vector<16xi32>
        %select_n3A_905 = arith.select %eq3A_904, %max3A_858, %gather3A_686 : vector<16xi1>, vector<16xf32>
        %max3A_906 = arith.maximumf %max3A_903, %select_n3A_905 : vector<16xf32>
        tpu.vector_store_idx %arg12[%select_n3A_580, %iota3A], %max3A_906 : memref<8x16xf32, #tpu.memory_space<vmem>>[vector<16xi32>, vector<16xi32>], vector<16xf32>,
      }
      %scan3A_344 = arith.constant 40 : i32
      "tpu.region"() ({
        %run_scoped3A = tpu.sem_alloc : memref<!tpu.dma_semaphore, #tpu.memory_space<semaphore_mem>>
        %dma_start3A_535 = arith.constant 0 : i32
        %dma_start3A_536 = arith.constant 0 : i32
        %dma_start3A_537 = tpu.memref_slice %arg6[%select_n3A_320, %dma_start3A_535, %dma_start3A_536, %mul3A_338] : memref<4x4x40x2048xf32, #tpu.memory_space<hbm>> -> memref<1x4x40x16xf32, #tpu.memory_space<hbm>>
        %dma_start3A_538 = tpu.memref_squeeze %dma_start3A_537 : memref<1x4x40x16xf32, #tpu.memory_space<hbm>> -> memref<4x40x16xf32, #tpu.memory_space<hbm>>
        %dma_start3A_539 = arith.constant 0 : i32
        %dma_start3A_540 = arith.constant 0 : i32
        %dma_start3A_541 = tpu.memref_slice %arg6[%select_n3A_320, %dma_start3A_539, %dma_start3A_540, %mul3A_338] : memref<4x4x40x2048xf32, #tpu.memory_space<hbm>> -> memref<1x4x40x16xf32, #tpu.memory_space<hbm>>
        %dma_start3A_542 = tpu.memref_squeeze %dma_start3A_541 : memref<1x4x40x16xf32, #tpu.memory_space<hbm>> -> memref<4x40x16xf32, #tpu.memory_space<hbm>>
        tpu.enqueue_dma source(%arg14 : memref<4x40x16xf32, #tpu.memory_space<vmem>>) target(%dma_start3A_542 : memref<4x40x16xf32, #tpu.memory_space<hbm>>) target_semaphore(%run_scoped3A : memref<!tpu.dma_semaphore, #tpu.memory_space<semaphore_mem>>)
        %dma_wait3A_543 = arith.constant 0 : i32
        %dma_wait3A_544 = arith.constant 0 : i32
        %dma_wait3A_545 = tpu.memref_slice %arg6[%select_n3A_320, %dma_wait3A_543, %dma_wait3A_544, %mul3A_338] : memref<4x4x40x2048xf32, #tpu.memory_space<hbm>> -> memref<1x4x40x16xf32, #tpu.memory_space<hbm>>
        %dma_wait3A_546 = tpu.memref_squeeze %dma_wait3A_545 : memref<1x4x40x16xf32, #tpu.memory_space<hbm>> -> memref<4x40x16xf32, #tpu.memory_space<hbm>>
        %dma_wait3A_547 = arith.constant 0 : i32
        %dma_wait3A_548 = arith.constant 0 : i32
        %dma_wait3A_549 = tpu.memref_slice %arg6[%select_n3A_320, %dma_wait3A_547, %dma_wait3A_548, %mul3A_338] : memref<4x4x40x2048xf32, #tpu.memory_space<hbm>> -> memref<1x4x40x16xf32, #tpu.memory_space<hbm>>
        %dma_wait3A_550 = tpu.memref_squeeze %dma_wait3A_549 : memref<1x4x40x16xf32, #tpu.memory_space<hbm>> -> memref<4x40x16xf32, #tpu.memory_space<hbm>>
        tpu.wait_dma2 semaphore(%run_scoped3A : memref<!tpu.dma_semaphore, #tpu.memory_space<semaphore_mem>>) src(%arg14 : memref<4x40x16xf32, #tpu.memory_space<vmem>>) dst(%dma_wait3A_550 : memref<4x40x16xf32, #tpu.memory_space<hbm>>)
        tpu.yield
      }) : () -> ()
      %add3A_345 = arith.constant 2 : i32
      %add3A_346 = arith.addi %mul3A_156, %add3A_345 : i32
      %mul3A_347 = arith.constant 16 : i32
      %mul3A_348 = arith.muli %add3A, %mul3A_347 : i32
      %min3A_349 = arith.constant 15 : i32
      %min3A_350 = arith.minsi %add3A_346, %min3A_349 : i32
      %add3A_351 = arith.addi %mul3A_348, %min3A_350 : i32
      %jit3A_352 = arith.constant 128 : i32
      %div3A_353 = arith.divsi %add3A_351, %jit3A_352 : i32
      %sign3A_354 = arith.constant 0 : i32
      %sign3A_355 = arith.cmpi sgt, %add3A_351, %sign3A_354 : i32
      %sign3A_356 = arith.extui %sign3A_355 : i1 to i32
      %sign3A_357 = arith.constant 0 : i32
      %sign3A_358 = arith.cmpi slt, %add3A_351, %sign3A_357 : i32
      %sign3A_359 = arith.extui %sign3A_358 : i1 to i32
      %sign3A_360 = arith.subi %sign3A_356, %sign3A_359 : i32
      %sign3A_361 = arith.constant 0 : i32
      %sign3A_362 = arith.cmpi sgt, %jit3A_352, %sign3A_361 : i32
      %sign3A_363 = arith.extui %sign3A_362 : i1 to i32
      %sign3A_364 = arith.constant 0 : i32
      %sign3A_365 = arith.cmpi slt, %jit3A_352, %sign3A_364 : i32
      %sign3A_366 = arith.extui %sign3A_365 : i1 to i32
      %sign3A_367 = arith.subi %sign3A_363, %sign3A_366 : i32
      %ne3A_368 = arith.cmpi ne, %sign3A_360, %sign3A_367 : i32
      %rem3A_369 = arith.remsi %add3A_351, %jit3A_352 : i32
      %ne3A_370 = arith.constant 0 : i32
      %ne3A_371 = arith.cmpi ne, %rem3A_369, %ne3A_370 : i32
      %and3A_372 = arith.andi %ne3A_368, %ne3A_371 : i1
      %sub3A_373 = arith.constant 1 : i32
      %sub3A_374 = arith.subi %div3A_353, %sub3A_373 : i32
      %select_n3A_375 = arith.select %and3A_372, %sub3A_374, %div3A_353 : i32
      %jit3A_376 = arith.constant 128 : i32
      %eq3A_377 = arith.constant 0 : i32
      %eq3A_378 = arith.cmpi eq, %jit3A_376, %eq3A_377 : i32
      %jit3A_379 = arith.constant 1 : i32
      %select_n3A_380 = arith.select %eq3A_378, %jit3A_379, %jit3A_376 : i32
      %rem3A_381 = arith.remsi %add3A_351, %select_n3A_380 : i32
      %ne3A_382 = arith.constant 0 : i32
      %ne3A_383 = arith.cmpi ne, %rem3A_381, %ne3A_382 : i32
      %lt3A_384 = arith.constant 0 : i32
      %lt3A_385 = arith.cmpi slt, %rem3A_381, %lt3A_384 : i32
      %lt3A_386 = arith.constant 0 : i32
      %lt3A_387 = arith.cmpi slt, %select_n3A_380, %lt3A_386 : i32
      %ne3A_388 = arith.xori %lt3A_385, %lt3A_387 : i1
      %and3A_389 = arith.andi %ne3A_388, %ne3A_383 : i1
      %add3A_390 = arith.addi %rem3A_381, %select_n3A_380 : i32
      %select_n3A_391 = arith.select %and3A_389, %add3A_390, %rem3A_381 : i32
      %jit3A_392 = arith.constant 8 : i32
      %div3A_393 = arith.divsi %select_n3A_391, %jit3A_392 : i32
      %sign3A_394 = arith.constant 0 : i32
      %sign3A_395 = arith.cmpi sgt, %select_n3A_391, %sign3A_394 : i32
      %sign3A_396 = arith.extui %sign3A_395 : i1 to i32
      %sign3A_397 = arith.constant 0 : i32
      %sign3A_398 = arith.cmpi slt, %select_n3A_391, %sign3A_397 : i32
      %sign3A_399 = arith.extui %sign3A_398 : i1 to i32
      %sign3A_400 = arith.subi %sign3A_396, %sign3A_399 : i32
      %sign3A_401 = arith.constant 0 : i32
      %sign3A_402 = arith.cmpi sgt, %jit3A_392, %sign3A_401 : i32
      %sign3A_403 = arith.extui %sign3A_402 : i1 to i32
      %sign3A_404 = arith.constant 0 : i32
      %sign3A_405 = arith.cmpi slt, %jit3A_392, %sign3A_404 : i32
      %sign3A_406 = arith.extui %sign3A_405 : i1 to i32
      %sign3A_407 = arith.subi %sign3A_403, %sign3A_406 : i32
      %ne3A_408 = arith.cmpi ne, %sign3A_400, %sign3A_407 : i32
      %rem3A_409 = arith.remsi %select_n3A_391, %jit3A_392 : i32
      %ne3A_410 = arith.constant 0 : i32
      %ne3A_411 = arith.cmpi ne, %rem3A_409, %ne3A_410 : i32
      %and3A_412 = arith.andi %ne3A_408, %ne3A_411 : i1
      %sub3A_413 = arith.constant 1 : i32
      %sub3A_414 = arith.subi %div3A_393, %sub3A_413 : i32
      %select_n3A_415 = arith.select %and3A_412, %sub3A_414, %div3A_393 : i32
      %jit3A_416 = arith.constant 8 : i32
      %eq3A_417 = arith.constant 0 : i32
      %eq3A_418 = arith.cmpi eq, %jit3A_416, %eq3A_417 : i32
      %jit3A_419 = arith.constant 1 : i32
      %select_n3A_420 = arith.select %eq3A_418, %jit3A_419, %jit3A_416 : i32
      %rem3A_421 = arith.remsi %select_n3A_391, %select_n3A_420 : i32
      %ne3A_422 = arith.constant 0 : i32
      %ne3A_423 = arith.cmpi ne, %rem3A_421, %ne3A_422 : i32
      %lt3A_424 = arith.constant 0 : i32
      %lt3A_425 = arith.cmpi slt, %rem3A_421, %lt3A_424 : i32
      %lt3A_426 = arith.constant 0 : i32
      %lt3A_427 = arith.cmpi slt, %select_n3A_420, %lt3A_426 : i32
      %ne3A_428 = arith.xori %lt3A_425, %lt3A_427 : i1
      %and3A_429 = arith.andi %ne3A_428, %ne3A_423 : i1
      %add3A_430 = arith.addi %rem3A_421, %select_n3A_420 : i32
      %select_n3A_431 = arith.select %and3A_429, %add3A_430, %rem3A_421 : i32
      %mul3A_432 = arith.constant 16 : i32
      %mul3A_433 = arith.muli %select_n3A_431, %mul3A_432 : i32
      %dma_start3A_434 = arith.constant 0 : i32
      %dma_start3A_435 = tpu.memref_slice %arg2[%select_n3A_375, %select_n3A_415, %dma_start3A_434, %mul3A_433] : memref<4x16x2048x128xf32, #tpu.memory_space<hbm>> -> memref<1x1x2048x16xf32, #tpu.memory_space<hbm>>
      %dma_start3A_436 = tpu.memref_squeeze %dma_start3A_435 : memref<1x1x2048x16xf32, #tpu.memory_space<hbm>> -> memref<2048x16xf32, #tpu.memory_space<hbm>>
      %dma_start3A_437 = arith.constant 0 : i32
      %dma_start3A_438 = tpu.memref_slice %arg2[%select_n3A_375, %select_n3A_415, %dma_start3A_437, %mul3A_433] : memref<4x16x2048x128xf32, #tpu.memory_space<hbm>> -> memref<1x1x2048x16xf32, #tpu.memory_space<hbm>>
      %dma_start3A_439 = tpu.memref_squeeze %dma_start3A_438 : memref<1x1x2048x16xf32, #tpu.memory_space<hbm>> -> memref<2048x16xf32, #tpu.memory_space<hbm>>
      tpu.enqueue_dma source(%dma_start3A_439 : memref<2048x16xf32, #tpu.memory_space<hbm>>) target(%arg7 : memref<2048x16xf32, #tpu.memory_space<vmem>>) target_semaphore(%arg15 : memref<!tpu.dma_semaphore, #tpu.memory_space<semaphore_mem>>)
      %dma_start3A_440 = arith.constant 0 : i32
      %dma_start3A_441 = tpu.memref_slice %arg3[%select_n3A_375, %select_n3A_415, %dma_start3A_440, %mul3A_433] : memref<4x16x128x128xf32, #tpu.memory_space<hbm>> -> memref<1x1x128x16xf32, #tpu.memory_space<hbm>>
      %dma_start3A_442 = tpu.memref_squeeze %dma_start3A_441 : memref<1x1x128x16xf32, #tpu.memory_space<hbm>> -> memref<128x16xf32, #tpu.memory_space<hbm>>
      %dma_start3A_443 = arith.constant 0 : i32
      %dma_start3A_444 = tpu.memref_slice %arg3[%select_n3A_375, %select_n3A_415, %dma_start3A_443, %mul3A_433] : memref<4x16x128x128xf32, #tpu.memory_space<hbm>> -> memref<1x1x128x16xf32, #tpu.memory_space<hbm>>
      %dma_start3A_445 = tpu.memref_squeeze %dma_start3A_444 : memref<1x1x128x16xf32, #tpu.memory_space<hbm>> -> memref<128x16xf32, #tpu.memory_space<hbm>>
      tpu.enqueue_dma source(%dma_start3A_445 : memref<128x16xf32, #tpu.memory_space<hbm>>) target(%arg10 : memref<128x16xf32, #tpu.memory_space<vmem>>) target_semaphore(%arg15 : memref<!tpu.dma_semaphore, #tpu.memory_space<semaphore_mem>>)
      %dma_start3A_446 = arith.constant 0 : i32
      %dma_start3A_447 = tpu.memref_slice %arg4[%select_n3A_375, %select_n3A_415, %dma_start3A_446, %mul3A_433] : memref<4x16x8x128xf32, #tpu.memory_space<hbm>> -> memref<1x1x8x16xf32, #tpu.memory_space<hbm>>
      %dma_start3A_448 = tpu.memref_squeeze %dma_start3A_447 : memref<1x1x8x16xf32, #tpu.memory_space<hbm>> -> memref<8x16xf32, #tpu.memory_space<hbm>>
      %dma_start3A_449 = arith.constant 0 : i32
      %dma_start3A_450 = tpu.memref_slice %arg4[%select_n3A_375, %select_n3A_415, %dma_start3A_449, %mul3A_433] : memref<4x16x8x128xf32, #tpu.memory_space<hbm>> -> memref<1x1x8x16xf32, #tpu.memory_space<hbm>>
      %dma_start3A_451 = tpu.memref_squeeze %dma_start3A_450 : memref<1x1x8x16xf32, #tpu.memory_space<hbm>> -> memref<8x16xf32, #tpu.memory_space<hbm>>
      tpu.enqueue_dma source(%dma_start3A_451 : memref<8x16xf32, #tpu.memory_space<hbm>>) target(%arg12 : memref<8x16xf32, #tpu.memory_space<vmem>>) target_semaphore(%arg15 : memref<!tpu.dma_semaphore, #tpu.memory_space<semaphore_mem>>)
      %dma_wait3A_452 = arith.constant 0 : i32
      %dma_wait3A_453 = arith.constant 0 : i32
      %dma_wait3A_454 = arith.constant 0 : i32
      %dma_wait3A_455 = arith.constant 0 : i32
      %dma_wait3A_456 = tpu.memref_slice %arg2[%dma_wait3A_452, %dma_wait3A_453, %dma_wait3A_454, %dma_wait3A_455] : memref<4x16x2048x128xf32, #tpu.memory_space<hbm>> -> memref<1x1x2048x16xf32, #tpu.memory_space<hbm>>
      %dma_wait3A_457 = tpu.memref_squeeze %dma_wait3A_456 : memref<1x1x2048x16xf32, #tpu.memory_space<hbm>> -> memref<2048x16xf32, #tpu.memory_space<hbm>>
      %dma_wait3A_458 = arith.constant 0 : i32
      %dma_wait3A_459 = arith.constant 0 : i32
      %dma_wait3A_460 = tpu.memref_slice %arg2[%dma_wait3A_452, %dma_wait3A_453, %dma_wait3A_458, %dma_wait3A_459] : memref<4x16x2048x128xf32, #tpu.memory_space<hbm>> -> memref<1x1x2048x16xf32, #tpu.memory_space<hbm>>
      %dma_wait3A_461 = tpu.memref_squeeze %dma_wait3A_460 : memref<1x1x2048x16xf32, #tpu.memory_space<hbm>> -> memref<2048x16xf32, #tpu.memory_space<hbm>>
      tpu.wait_dma2 semaphore(%arg16 : memref<!tpu.dma_semaphore, #tpu.memory_space<semaphore_mem>>) src(%dma_wait3A_461 : memref<2048x16xf32, #tpu.memory_space<hbm>>) dst(%arg8 : memref<2048x16xf32, #tpu.memory_space<vmem>>)
      %dma_wait3A_462 = arith.constant 0 : i32
      %dma_wait3A_463 = arith.constant 0 : i32
      %dma_wait3A_464 = arith.constant 0 : i32
      %dma_wait3A_465 = arith.constant 0 : i32
      %dma_wait3A_466 = tpu.memref_slice %arg3[%dma_wait3A_462, %dma_wait3A_463, %dma_wait3A_464, %dma_wait3A_465] : memref<4x16x128x128xf32, #tpu.memory_space<hbm>> -> memref<1x1x128x16xf32, #tpu.memory_space<hbm>>
      %dma_wait3A_467 = tpu.memref_squeeze %dma_wait3A_466 : memref<1x1x128x16xf32, #tpu.memory_space<hbm>> -> memref<128x16xf32, #tpu.memory_space<hbm>>
      %dma_wait3A_468 = arith.constant 0 : i32
      %dma_wait3A_469 = arith.constant 0 : i32
      %dma_wait3A_470 = tpu.memref_slice %arg3[%dma_wait3A_462, %dma_wait3A_463, %dma_wait3A_468, %dma_wait3A_469] : memref<4x16x128x128xf32, #tpu.memory_space<hbm>> -> memref<1x1x128x16xf32, #tpu.memory_space<hbm>>
      %dma_wait3A_471 = tpu.memref_squeeze %dma_wait3A_470 : memref<1x1x128x16xf32, #tpu.memory_space<hbm>> -> memref<128x16xf32, #tpu.memory_space<hbm>>
      tpu.wait_dma2 semaphore(%arg16 : memref<!tpu.dma_semaphore, #tpu.memory_space<semaphore_mem>>) src(%dma_wait3A_471 : memref<128x16xf32, #tpu.memory_space<hbm>>) dst(%arg11 : memref<128x16xf32, #tpu.memory_space<vmem>>)
      %dma_wait3A_472 = arith.constant 0 : i32
      %dma_wait3A_473 = arith.constant 0 : i32
      %dma_wait3A_474 = arith.constant 0 : i32
      %dma_wait3A_475 = arith.constant 0 : i32
      %dma_wait3A_476 = tpu.memref_slice %arg4[%dma_wait3A_472, %dma_wait3A_473, %dma_wait3A_474, %dma_wait3A_475] : memref<4x16x8x128xf32, #tpu.memory_space<hbm>> -> memref<1x1x8x16xf32, #tpu.memory_space<hbm>>
      %dma_wait3A_477 = tpu.memref_squeeze %dma_wait3A_476 : memref<1x1x8x16xf32, #tpu.memory_space<hbm>> -> memref<8x16xf32, #tpu.memory_space<hbm>>
      %dma_wait3A_478 = arith.constant 0 : i32
      %dma_wait3A_479 = arith.constant 0 : i32
      %dma_wait3A_480 = tpu.memref_slice %arg4[%dma_wait3A_472, %dma_wait3A_473, %dma_wait3A_478, %dma_wait3A_479] : memref<4x16x8x128xf32, #tpu.memory_space<hbm>> -> memref<1x1x8x16xf32, #tpu.memory_space<hbm>>
      %dma_wait3A_481 = tpu.memref_squeeze %dma_wait3A_480 : memref<1x1x8x16xf32, #tpu.memory_space<hbm>> -> memref<8x16xf32, #tpu.memory_space<hbm>>
      tpu.wait_dma2 semaphore(%arg16 : memref<!tpu.dma_semaphore, #tpu.memory_space<semaphore_mem>>) src(%dma_wait3A_481 : memref<8x16xf32, #tpu.memory_space<hbm>>) dst(%arg13 : memref<8x16xf32, #tpu.memory_space<vmem>>)
      %add3A_482 = arith.constant 1 : i32
      %add3A_483 = arith.addi %mul3A_156, %add3A_482 : i32
      %mul3A_484 = arith.constant 16 : i32
      %mul3A_485 = arith.muli %add3A, %mul3A_484 : i32
      %add3A_486 = arith.addi %mul3A_485, %add3A_483 : i32
      %jit3A_487 = arith.constant 128 : i32
      %div3A_488 = arith.divsi %add3A_486, %jit3A_487 : i32
      %sign3A_489 = arith.constant 0 : i32
      %sign3A_490 = arith.cmpi sgt, %add3A_486, %sign3A_489 : i32
      %sign3A_491 = arith.extui %sign3A_490 : i1 to i32
      %sign3A_492 = arith.constant 0 : i32
      %sign3A_493 = arith.cmpi slt, %add3A_486, %sign3A_492 : i32
      %sign3A_494 = arith.extui %sign3A_493 : i1 to i32
      %sign3A_495 = arith.subi %sign3A_491, %sign3A_494 : i32
      %sign3A_496 = arith.constant 0 : i32
      %sign3A_497 = arith.cmpi sgt, %jit3A_487, %sign3A_496 : i32
      %sign3A_498 = arith.extui %sign3A_497 : i1 to i32
      %sign3A_499 = arith.constant 0 : i32
      %sign3A_500 = arith.cmpi slt, %jit3A_487, %sign3A_499 : i32
      %sign3A_501 = arith.extui %sign3A_500 : i1 to i32
      %sign3A_502 = arith.subi %sign3A_498, %sign3A_501 : i32
      %ne3A_503 = arith.cmpi ne, %sign3A_495, %sign3A_502 : i32
      %rem3A_504 = arith.remsi %add3A_486, %jit3A_487 : i32
      %ne3A_505 = arith.constant 0 : i32
      %ne3A_506 = arith.cmpi ne, %rem3A_504, %ne3A_505 : i32
      %and3A_507 = arith.andi %ne3A_503, %ne3A_506 : i1
      %sub3A_508 = arith.constant 1 : i32
      %sub3A_509 = arith.subi %div3A_488, %sub3A_508 : i32
      %select_n3A_510 = arith.select %and3A_507, %sub3A_509, %div3A_488 : i32
      %jit3A_511 = arith.constant 128 : i32
      %eq3A_512 = arith.constant 0 : i32
      %eq3A_513 = arith.cmpi eq, %jit3A_511, %eq3A_512 : i32
      %jit3A_514 = arith.constant 1 : i32
      %select_n3A_515 = arith.select %eq3A_513, %jit3A_514, %jit3A_511 : i32
      %rem3A_516 = arith.remsi %add3A_486, %select_n3A_515 : i32
      %ne3A_517 = arith.constant 0 : i32
      %ne3A_518 = arith.cmpi ne, %rem3A_516, %ne3A_517 : i32
      %lt3A_519 = arith.constant 0 : i32
      %lt3A_520 = arith.cmpi slt, %rem3A_516, %lt3A_519 : i32
      %lt3A_521 = arith.constant 0 : i32
      %lt3A_522 = arith.cmpi slt, %select_n3A_515, %lt3A_521 : i32
      %ne3A_523 = arith.xori %lt3A_520, %lt3A_522 : i1
      %and3A_524 = arith.andi %ne3A_523, %ne3A_518 : i1
      %add3A_525 = arith.addi %rem3A_516, %select_n3A_515 : i32
      %select_n3A_526 = arith.select %and3A_524, %add3A_525, %rem3A_516 : i32
      %mul3A_527 = arith.constant 16 : i32
      %mul3A_528 = arith.muli %select_n3A_526, %mul3A_527 : i32
      %scan3A_529 = arith.constant 0 : i32
      %scan3A_530 = arith.constant 0 : i32
      %scan3A_531 = arith.constant 40 : i32
      %scan3A_532 = arith.addi %scan3A_530, %scan3A_531 : i32
      %scan3A_533 = arith.constant 1 : i32
      scf.for %scan3A_535 = %scan3A_530 to %scan3A_532 step %scan3A_533  : i32 {
        %broadcast_in_dim3A_536 = arith.constant 0 : i32
        %broadcast_in_dim3A_537 = vector.broadcast %broadcast_in_dim3A_536 : i32 to vector<16xi32>
        %gather3A = tpu.vector_load_idx %arg13[%broadcast_in_dim3A_537, %iota3A] : memref<8x16xf32, #tpu.memory_space<vmem>>[vector<16xi32>, vector<16xi32>], vector<16xf32>,
        %broadcast_in_dim3A_538 = arith.constant 0 : i32
        %broadcast_in_dim3A_539 = vector.broadcast %broadcast_in_dim3A_538 : i32 to vector<16xi32>
        %broadcast_in_dim3A_540 = arith.constant 1 : i32
        %broadcast_in_dim3A_541 = vector.broadcast %broadcast_in_dim3A_540 : i32 to vector<16xi32>
        %gather3A_542 = tpu.vector_load_idx %arg13[%broadcast_in_dim3A_541, %iota3A] : memref<8x16xf32, #tpu.memory_space<vmem>>[vector<16xi32>, vector<16xi32>], vector<16xf32>,
        %gt3A = arith.cmpf ogt, %gather3A_542, %gather3A : vector<16xf32>
        %select_n3A_543 = arith.select %gt3A, %gather3A_542, %gather3A : vector<16xi1>, vector<16xf32>
        %select_n3A_544 = arith.select %gt3A, %broadcast_in_dim3A_541, %broadcast_in_dim3A_539 : vector<16xi1>, vector<16xi32>
        %broadcast_in_dim3A_545 = arith.constant 2 : i32
        %broadcast_in_dim3A_546 = vector.broadcast %broadcast_in_dim3A_545 : i32 to vector<16xi32>
        %gather3A_547 = tpu.vector_load_idx %arg13[%broadcast_in_dim3A_546, %iota3A] : memref<8x16xf32, #tpu.memory_space<vmem>>[vector<16xi32>, vector<16xi32>], vector<16xf32>,
        %gt3A_548 = arith.cmpf ogt, %gather3A_547, %select_n3A_543 : vector<16xf32>
        %select_n3A_549 = arith.select %gt3A_548, %gather3A_547, %select_n3A_543 : vector<16xi1>, vector<16xf32>
        %select_n3A_550 = arith.select %gt3A_548, %broadcast_in_dim3A_546, %select_n3A_544 : vector<16xi1>, vector<16xi32>
        %broadcast_in_dim3A_551 = arith.constant 3 : i32
        %broadcast_in_dim3A_552 = vector.broadcast %broadcast_in_dim3A_551 : i32 to vector<16xi32>
        %gather3A_553 = tpu.vector_load_idx %arg13[%broadcast_in_dim3A_552, %iota3A] : memref<8x16xf32, #tpu.memory_space<vmem>>[vector<16xi32>, vector<16xi32>], vector<16xf32>,
        %gt3A_554 = arith.cmpf ogt, %gather3A_553, %select_n3A_549 : vector<16xf32>
        %select_n3A_555 = arith.select %gt3A_554, %gather3A_553, %select_n3A_549 : vector<16xi1>, vector<16xf32>
        %select_n3A_556 = arith.select %gt3A_554, %broadcast_in_dim3A_552, %select_n3A_550 : vector<16xi1>, vector<16xi32>
        %broadcast_in_dim3A_557 = arith.constant 4 : i32
        %broadcast_in_dim3A_558 = vector.broadcast %broadcast_in_dim3A_557 : i32 to vector<16xi32>
        %gather3A_559 = tpu.vector_load_idx %arg13[%broadcast_in_dim3A_558, %iota3A] : memref<8x16xf32, #tpu.memory_space<vmem>>[vector<16xi32>, vector<16xi32>], vector<16xf32>,
        %gt3A_560 = arith.cmpf ogt, %gather3A_559, %select_n3A_555 : vector<16xf32>
        %select_n3A_561 = arith.select %gt3A_560, %gather3A_559, %select_n3A_555 : vector<16xi1>, vector<16xf32>
        %select_n3A_562 = arith.select %gt3A_560, %broadcast_in_dim3A_558, %select_n3A_556 : vector<16xi1>, vector<16xi32>
        %broadcast_in_dim3A_563 = arith.constant 5 : i32
        %broadcast_in_dim3A_564 = vector.broadcast %broadcast_in_dim3A_563 : i32 to vector<16xi32>
        %gather3A_565 = tpu.vector_load_idx %arg13[%broadcast_in_dim3A_564, %iota3A] : memref<8x16xf32, #tpu.memory_space<vmem>>[vector<16xi32>, vector<16xi32>], vector<16xf32>,
        %gt3A_566 = arith.cmpf ogt, %gather3A_565, %select_n3A_561 : vector<16xf32>
        %select_n3A_567 = arith.select %gt3A_566, %gather3A_565, %select_n3A_561 : vector<16xi1>, vector<16xf32>
        %select_n3A_568 = arith.select %gt3A_566, %broadcast_in_dim3A_564, %select_n3A_562 : vector<16xi1>, vector<16xi32>
        %broadcast_in_dim3A_569 = arith.constant 6 : i32
        %broadcast_in_dim3A_570 = vector.broadcast %broadcast_in_dim3A_569 : i32 to vector<16xi32>
        %gather3A_571 = tpu.vector_load_idx %arg13[%broadcast_in_dim3A_570, %iota3A] : memref<8x16xf32, #tpu.memory_space<vmem>>[vector<16xi32>, vector<16xi32>], vector<16xf32>,
        %gt3A_572 = arith.cmpf ogt, %gather3A_571, %select_n3A_567 : vector<16xf32>
        %select_n3A_573 = arith.select %gt3A_572, %gather3A_571, %select_n3A_567 : vector<16xi1>, vector<16xf32>
        %select_n3A_574 = arith.select %gt3A_572, %broadcast_in_dim3A_570, %select_n3A_568 : vector<16xi1>, vector<16xi32>
        %broadcast_in_dim3A_575 = arith.constant 7 : i32
        %broadcast_in_dim3A_576 = vector.broadcast %broadcast_in_dim3A_575 : i32 to vector<16xi32>
        %gather3A_577 = tpu.vector_load_idx %arg13[%broadcast_in_dim3A_576, %iota3A] : memref<8x16xf32, #tpu.memory_space<vmem>>[vector<16xi32>, vector<16xi32>], vector<16xf32>,
        %gt3A_578 = arith.cmpf ogt, %gather3A_577, %select_n3A_573 : vector<16xf32>
        %select_n3A_579 = arith.select %gt3A_578, %gather3A_577, %select_n3A_573 : vector<16xi1>, vector<16xf32>
        %select_n3A_580 = arith.select %gt3A_578, %broadcast_in_dim3A_576, %select_n3A_574 : vector<16xi1>, vector<16xi32>
        %mul3A_581 = arith.constant 16 : i32
        %mul3A_582 = vector.broadcast %mul3A_581 : i32 to vector<16xi32>
        %mul3A_583 = arith.muli %select_n3A_580, %mul3A_582 : vector<16xi32>
        %gather3A_584 = tpu.vector_load_idx %arg11[%mul3A_583, %iota3A] : memref<128x16xf32, #tpu.memory_space<vmem>>[vector<16xi32>, vector<16xi32>], vector<16xf32>,
        %add3A_585 = arith.constant 1 : i32
        %add3A_586 = vector.broadcast %add3A_585 : i32 to vector<16xi32>
        %add3A_587 = arith.addi %mul3A_583, %add3A_586 : vector<16xi32>
        %gather3A_588 = tpu.vector_load_idx %arg11[%add3A_587, %iota3A] : memref<128x16xf32, #tpu.memory_space<vmem>>[vector<16xi32>, vector<16xi32>], vector<16xf32>,
        %gt3A_589 = arith.cmpf ogt, %gather3A_588, %gather3A_584 : vector<16xf32>
        %select_n3A_590 = arith.select %gt3A_589, %gather3A_588, %gather3A_584 : vector<16xi1>, vector<16xf32>
        %select_n3A_591 = arith.select %gt3A_589, %add3A_587, %mul3A_583 : vector<16xi1>, vector<16xi32>
        %add3A_592 = arith.constant 2 : i32
        %add3A_593 = vector.broadcast %add3A_592 : i32 to vector<16xi32>
        %add3A_594 = arith.addi %mul3A_583, %add3A_593 : vector<16xi32>
        %gather3A_595 = tpu.vector_load_idx %arg11[%add3A_594, %iota3A] : memref<128x16xf32, #tpu.memory_space<vmem>>[vector<16xi32>, vector<16xi32>], vector<16xf32>,
        %gt3A_596 = arith.cmpf ogt, %gather3A_595, %select_n3A_590 : vector<16xf32>
        %select_n3A_597 = arith.select %gt3A_596, %gather3A_595, %select_n3A_590 : vector<16xi1>, vector<16xf32>
        %select_n3A_598 = arith.select %gt3A_596, %add3A_594, %select_n3A_591 : vector<16xi1>, vector<16xi32>
        %add3A_599 = arith.constant 3 : i32
        %add3A_600 = vector.broadcast %add3A_599 : i32 to vector<16xi32>
        %add3A_601 = arith.addi %mul3A_583, %add3A_600 : vector<16xi32>
        %gather3A_602 = tpu.vector_load_idx %arg11[%add3A_601, %iota3A] : memref<128x16xf32, #tpu.memory_space<vmem>>[vector<16xi32>, vector<16xi32>], vector<16xf32>,
        %gt3A_603 = arith.cmpf ogt, %gather3A_602, %select_n3A_597 : vector<16xf32>
        %select_n3A_604 = arith.select %gt3A_603, %gather3A_602, %select_n3A_597 : vector<16xi1>, vector<16xf32>
        %select_n3A_605 = arith.select %gt3A_603, %add3A_601, %select_n3A_598 : vector<16xi1>, vector<16xi32>
        %add3A_606 = arith.constant 4 : i32
        %add3A_607 = vector.broadcast %add3A_606 : i32 to vector<16xi32>
        %add3A_608 = arith.addi %mul3A_583, %add3A_607 : vector<16xi32>
        %gather3A_609 = tpu.vector_load_idx %arg11[%add3A_608, %iota3A] : memref<128x16xf32, #tpu.memory_space<vmem>>[vector<16xi32>, vector<16xi32>], vector<16xf32>,
        %gt3A_610 = arith.cmpf ogt, %gather3A_609, %select_n3A_604 : vector<16xf32>
        %select_n3A_611 = arith.select %gt3A_610, %gather3A_609, %select_n3A_604 : vector<16xi1>, vector<16xf32>
        %select_n3A_612 = arith.select %gt3A_610, %add3A_608, %select_n3A_605 : vector<16xi1>, vector<16xi32>
        %add3A_613 = arith.constant 5 : i32
        %add3A_614 = vector.broadcast %add3A_613 : i32 to vector<16xi32>
        %add3A_615 = arith.addi %mul3A_583, %add3A_614 : vector<16xi32>
        %gather3A_616 = tpu.vector_load_idx %arg11[%add3A_615, %iota3A] : memref<128x16xf32, #tpu.memory_space<vmem>>[vector<16xi32>, vector<16xi32>], vector<16xf32>,
        %gt3A_617 = arith.cmpf ogt, %gather3A_616, %select_n3A_611 : vector<16xf32>
        %select_n3A_618 = arith.select %gt3A_617, %gather3A_616, %select_n3A_611 : vector<16xi1>, vector<16xf32>
        %select_n3A_619 = arith.select %gt3A_617, %add3A_615, %select_n3A_612 : vector<16xi1>, vector<16xi32>
        %add3A_620 = arith.constant 6 : i32
        %add3A_621 = vector.broadcast %add3A_620 : i32 to vector<16xi32>
        %add3A_622 = arith.addi %mul3A_583, %add3A_621 : vector<16xi32>
        %gather3A_623 = tpu.vector_load_idx %arg11[%add3A_622, %iota3A] : memref<128x16xf32, #tpu.memory_space<vmem>>[vector<16xi32>, vector<16xi32>], vector<16xf32>,
        %gt3A_624 = arith.cmpf ogt, %gather3A_623, %select_n3A_618 : vector<16xf32>
        %select_n3A_625 = arith.select %gt3A_624, %gather3A_623, %select_n3A_618 : vector<16xi1>, vector<16xf32>
        %select_n3A_626 = arith.select %gt3A_624, %add3A_622, %select_n3A_619 : vector<16xi1>, vector<16xi32>
        %add3A_627 = arith.constant 7 : i32
        %add3A_628 = vector.broadcast %add3A_627 : i32 to vector<16xi32>
        %add3A_629 = arith.addi %mul3A_583, %add3A_628 : vector<16xi32>
        %gather3A_630 = tpu.vector_load_idx %arg11[%add3A_629, %iota3A] : memref<128x16xf32, #tpu.memory_space<vmem>>[vector<16xi32>, vector<16xi32>], vector<16xf32>,
        %gt3A_631 = arith.cmpf ogt, %gather3A_630, %select_n3A_625 : vector<16xf32>
        %select_n3A_632 = arith.select %gt3A_631, %gather3A_630, %select_n3A_625 : vector<16xi1>, vector<16xf32>
        %select_n3A_633 = arith.select %gt3A_631, %add3A_629, %select_n3A_626 : vector<16xi1>, vector<16xi32>
        %add3A_634 = arith.constant 8 : i32
        %add3A_635 = vector.broadcast %add3A_634 : i32 to vector<16xi32>
        %add3A_636 = arith.addi %mul3A_583, %add3A_635 : vector<16xi32>
        %gather3A_637 = tpu.vector_load_idx %arg11[%add3A_636, %iota3A] : memref<128x16xf32, #tpu.memory_space<vmem>>[vector<16xi32>, vector<16xi32>], vector<16xf32>,
        %gt3A_638 = arith.cmpf ogt, %gather3A_637, %select_n3A_632 : vector<16xf32>
        %select_n3A_639 = arith.select %gt3A_638, %gather3A_637, %select_n3A_632 : vector<16xi1>, vector<16xf32>
        %select_n3A_640 = arith.select %gt3A_638, %add3A_636, %select_n3A_633 : vector<16xi1>, vector<16xi32>
        %add3A_641 = arith.constant 9 : i32
        %add3A_642 = vector.broadcast %add3A_641 : i32 to vector<16xi32>
        %add3A_643 = arith.addi %mul3A_583, %add3A_642 : vector<16xi32>
        %gather3A_644 = tpu.vector_load_idx %arg11[%add3A_643, %iota3A] : memref<128x16xf32, #tpu.memory_space<vmem>>[vector<16xi32>, vector<16xi32>], vector<16xf32>,
        %gt3A_645 = arith.cmpf ogt, %gather3A_644, %select_n3A_639 : vector<16xf32>
        %select_n3A_646 = arith.select %gt3A_645, %gather3A_644, %select_n3A_639 : vector<16xi1>, vector<16xf32>
        %select_n3A_647 = arith.select %gt3A_645, %add3A_643, %select_n3A_640 : vector<16xi1>, vector<16xi32>
        %add3A_648 = arith.constant 10 : i32
        %add3A_649 = vector.broadcast %add3A_648 : i32 to vector<16xi32>
        %add3A_650 = arith.addi %mul3A_583, %add3A_649 : vector<16xi32>
        %gather3A_651 = tpu.vector_load_idx %arg11[%add3A_650, %iota3A] : memref<128x16xf32, #tpu.memory_space<vmem>>[vector<16xi32>, vector<16xi32>], vector<16xf32>,
        %gt3A_652 = arith.cmpf ogt, %gather3A_651, %select_n3A_646 : vector<16xf32>
        %select_n3A_653 = arith.select %gt3A_652, %gather3A_651, %select_n3A_646 : vector<16xi1>, vector<16xf32>
        %select_n3A_654 = arith.select %gt3A_652, %add3A_650, %select_n3A_647 : vector<16xi1>, vector<16xi32>
        %add3A_655 = arith.constant 11 : i32
        %add3A_656 = vector.broadcast %add3A_655 : i32 to vector<16xi32>
        %add3A_657 = arith.addi %mul3A_583, %add3A_656 : vector<16xi32>
        %gather3A_658 = tpu.vector_load_idx %arg11[%add3A_657, %iota3A] : memref<128x16xf32, #tpu.memory_space<vmem>>[vector<16xi32>, vector<16xi32>], vector<16xf32>,
        %gt3A_659 = arith.cmpf ogt, %gather3A_658, %select_n3A_653 : vector<16xf32>
        %select_n3A_660 = arith.select %gt3A_659, %gather3A_658, %select_n3A_653 : vector<16xi1>, vector<16xf32>
        %select_n3A_661 = arith.select %gt3A_659, %add3A_657, %select_n3A_654 : vector<16xi1>, vector<16xi32>
        %add3A_662 = arith.constant 12 : i32
        %add3A_663 = vector.broadcast %add3A_662 : i32 to vector<16xi32>
        %add3A_664 = arith.addi %mul3A_583, %add3A_663 : vector<16xi32>
        %gather3A_665 = tpu.vector_load_idx %arg11[%add3A_664, %iota3A] : memref<128x16xf32, #tpu.memory_space<vmem>>[vector<16xi32>, vector<16xi32>], vector<16xf32>,
        %gt3A_666 = arith.cmpf ogt, %gather3A_665, %select_n3A_660 : vector<16xf32>
        %select_n3A_667 = arith.select %gt3A_666, %gather3A_665, %select_n3A_660 : vector<16xi1>, vector<16xf32>
        %select_n3A_668 = arith.select %gt3A_666, %add3A_664, %select_n3A_661 : vector<16xi1>, vector<16xi32>
        %add3A_669 = arith.constant 13 : i32
        %add3A_670 = vector.broadcast %add3A_669 : i32 to vector<16xi32>
        %add3A_671 = arith.addi %mul3A_583, %add3A_670 : vector<16xi32>
        %gather3A_672 = tpu.vector_load_idx %arg11[%add3A_671, %iota3A] : memref<128x16xf32, #tpu.memory_space<vmem>>[vector<16xi32>, vector<16xi32>], vector<16xf32>,
        %gt3A_673 = arith.cmpf ogt, %gather3A_672, %select_n3A_667 : vector<16xf32>
        %select_n3A_674 = arith.select %gt3A_673, %gather3A_672, %select_n3A_667 : vector<16xi1>, vector<16xf32>
        %select_n3A_675 = arith.select %gt3A_673, %add3A_671, %select_n3A_668 : vector<16xi1>, vector<16xi32>
        %add3A_676 = arith.constant 14 : i32
        %add3A_677 = vector.broadcast %add3A_676 : i32 to vector<16xi32>
        %add3A_678 = arith.addi %mul3A_583, %add3A_677 : vector<16xi32>
        %gather3A_679 = tpu.vector_load_idx %arg11[%add3A_678, %iota3A] : memref<128x16xf32, #tpu.memory_space<vmem>>[vector<16xi32>, vector<16xi32>], vector<16xf32>,
        %gt3A_680 = arith.cmpf ogt, %gather3A_679, %select_n3A_674 : vector<16xf32>
        %select_n3A_681 = arith.select %gt3A_680, %gather3A_679, %select_n3A_674 : vector<16xi1>, vector<16xf32>
        %select_n3A_682 = arith.select %gt3A_680, %add3A_678, %select_n3A_675 : vector<16xi1>, vector<16xi32>
        %add3A_683 = arith.constant 15 : i32
        %add3A_684 = vector.broadcast %add3A_683 : i32 to vector<16xi32>
        %add3A_685 = arith.addi %mul3A_583, %add3A_684 : vector<16xi32>
        %gather3A_686 = tpu.vector_load_idx %arg11[%add3A_685, %iota3A] : memref<128x16xf32, #tpu.memory_space<vmem>>[vector<16xi32>, vector<16xi32>], vector<16xf32>,
        %gt3A_687 = arith.cmpf ogt, %gather3A_686, %select_n3A_681 : vector<16xf32>
        %select_n3A_688 = arith.select %gt3A_687, %gather3A_686, %select_n3A_681 : vector<16xi1>, vector<16xf32>
        %select_n3A_689 = arith.select %gt3A_687, %add3A_685, %select_n3A_682 : vector<16xi1>, vector<16xi32>
        %mul3A_690 = arith.constant 16 : i32
        %mul3A_691 = vector.broadcast %mul3A_690 : i32 to vector<16xi32>
        %mul3A_692 = arith.muli %select_n3A_689, %mul3A_691 : vector<16xi32>
        %gather3A_693 = tpu.vector_load_idx %arg8[%mul3A_692, %iota3A] : memref<2048x16xf32, #tpu.memory_space<vmem>>[vector<16xi32>, vector<16xi32>], vector<16xf32>,
        %add3A_694 = arith.constant 1 : i32
        %add3A_695 = vector.broadcast %add3A_694 : i32 to vector<16xi32>
        %add3A_696 = arith.addi %mul3A_692, %add3A_695 : vector<16xi32>
        %gather3A_697 = tpu.vector_load_idx %arg8[%add3A_696, %iota3A] : memref<2048x16xf32, #tpu.memory_space<vmem>>[vector<16xi32>, vector<16xi32>], vector<16xf32>,
        %gt3A_698 = arith.cmpf ogt, %gather3A_697, %gather3A_693 : vector<16xf32>
        %select_n3A_699 = arith.select %gt3A_698, %gather3A_697, %gather3A_693 : vector<16xi1>, vector<16xf32>
        %select_n3A_700 = arith.select %gt3A_698, %add3A_696, %mul3A_692 : vector<16xi1>, vector<16xi32>
        %add3A_701 = arith.constant 2 : i32
        %add3A_702 = vector.broadcast %add3A_701 : i32 to vector<16xi32>
        %add3A_703 = arith.addi %mul3A_692, %add3A_702 : vector<16xi32>
        %gather3A_704 = tpu.vector_load_idx %arg8[%add3A_703, %iota3A] : memref<2048x16xf32, #tpu.memory_space<vmem>>[vector<16xi32>, vector<16xi32>], vector<16xf32>,
        %gt3A_705 = arith.cmpf ogt, %gather3A_704, %select_n3A_699 : vector<16xf32>
        %select_n3A_706 = arith.select %gt3A_705, %gather3A_704, %select_n3A_699 : vector<16xi1>, vector<16xf32>
        %select_n3A_707 = arith.select %gt3A_705, %add3A_703, %select_n3A_700 : vector<16xi1>, vector<16xi32>
        %add3A_708 = arith.constant 3 : i32
        %add3A_709 = vector.broadcast %add3A_708 : i32 to vector<16xi32>
        %add3A_710 = arith.addi %mul3A_692, %add3A_709 : vector<16xi32>
        %gather3A_711 = tpu.vector_load_idx %arg8[%add3A_710, %iota3A] : memref<2048x16xf32, #tpu.memory_space<vmem>>[vector<16xi32>, vector<16xi32>], vector<16xf32>,
        %gt3A_712 = arith.cmpf ogt, %gather3A_711, %select_n3A_706 : vector<16xf32>
        %select_n3A_713 = arith.select %gt3A_712, %gather3A_711, %select_n3A_706 : vector<16xi1>, vector<16xf32>
        %select_n3A_714 = arith.select %gt3A_712, %add3A_710, %select_n3A_707 : vector<16xi1>, vector<16xi32>
        %add3A_715 = arith.constant 4 : i32
        %add3A_716 = vector.broadcast %add3A_715 : i32 to vector<16xi32>
        %add3A_717 = arith.addi %mul3A_692, %add3A_716 : vector<16xi32>
        %gather3A_718 = tpu.vector_load_idx %arg8[%add3A_717, %iota3A] : memref<2048x16xf32, #tpu.memory_space<vmem>>[vector<16xi32>, vector<16xi32>], vector<16xf32>,
        %gt3A_719 = arith.cmpf ogt, %gather3A_718, %select_n3A_713 : vector<16xf32>
        %select_n3A_720 = arith.select %gt3A_719, %gather3A_718, %select_n3A_713 : vector<16xi1>, vector<16xf32>
        %select_n3A_721 = arith.select %gt3A_719, %add3A_717, %select_n3A_714 : vector<16xi1>, vector<16xi32>
        %add3A_722 = arith.constant 5 : i32
        %add3A_723 = vector.broadcast %add3A_722 : i32 to vector<16xi32>
        %add3A_724 = arith.addi %mul3A_692, %add3A_723 : vector<16xi32>
        %gather3A_725 = tpu.vector_load_idx %arg8[%add3A_724, %iota3A] : memref<2048x16xf32, #tpu.memory_space<vmem>>[vector<16xi32>, vector<16xi32>], vector<16xf32>,
        %gt3A_726 = arith.cmpf ogt, %gather3A_725, %select_n3A_720 : vector<16xf32>
        %select_n3A_727 = arith.select %gt3A_726, %gather3A_725, %select_n3A_720 : vector<16xi1>, vector<16xf32>
        %select_n3A_728 = arith.select %gt3A_726, %add3A_724, %select_n3A_721 : vector<16xi1>, vector<16xi32>
        %add3A_729 = arith.constant 6 : i32
        %add3A_730 = vector.broadcast %add3A_729 : i32 to vector<16xi32>
        %add3A_731 = arith.addi %mul3A_692, %add3A_730 : vector<16xi32>
        %gather3A_732 = tpu.vector_load_idx %arg8[%add3A_731, %iota3A] : memref<2048x16xf32, #tpu.memory_space<vmem>>[vector<16xi32>, vector<16xi32>], vector<16xf32>,
        %gt3A_733 = arith.cmpf ogt, %gather3A_732, %select_n3A_727 : vector<16xf32>
        %select_n3A_734 = arith.select %gt3A_733, %gather3A_732, %select_n3A_727 : vector<16xi1>, vector<16xf32>
        %select_n3A_735 = arith.select %gt3A_733, %add3A_731, %select_n3A_728 : vector<16xi1>, vector<16xi32>
        %add3A_736 = arith.constant 7 : i32
        %add3A_737 = vector.broadcast %add3A_736 : i32 to vector<16xi32>
        %add3A_738 = arith.addi %mul3A_692, %add3A_737 : vector<16xi32>
        %gather3A_739 = tpu.vector_load_idx %arg8[%add3A_738, %iota3A] : memref<2048x16xf32, #tpu.memory_space<vmem>>[vector<16xi32>, vector<16xi32>], vector<16xf32>,
        %gt3A_740 = arith.cmpf ogt, %gather3A_739, %select_n3A_734 : vector<16xf32>
        %select_n3A_741 = arith.select %gt3A_740, %gather3A_739, %select_n3A_734 : vector<16xi1>, vector<16xf32>
        %select_n3A_742 = arith.select %gt3A_740, %add3A_738, %select_n3A_735 : vector<16xi1>, vector<16xi32>
        %add3A_743 = arith.constant 8 : i32
        %add3A_744 = vector.broadcast %add3A_743 : i32 to vector<16xi32>
        %add3A_745 = arith.addi %mul3A_692, %add3A_744 : vector<16xi32>
        %gather3A_746 = tpu.vector_load_idx %arg8[%add3A_745, %iota3A] : memref<2048x16xf32, #tpu.memory_space<vmem>>[vector<16xi32>, vector<16xi32>], vector<16xf32>,
        %gt3A_747 = arith.cmpf ogt, %gather3A_746, %select_n3A_741 : vector<16xf32>
        %select_n3A_748 = arith.select %gt3A_747, %gather3A_746, %select_n3A_741 : vector<16xi1>, vector<16xf32>
        %select_n3A_749 = arith.select %gt3A_747, %add3A_745, %select_n3A_742 : vector<16xi1>, vector<16xi32>
        %add3A_750 = arith.constant 9 : i32
        %add3A_751 = vector.broadcast %add3A_750 : i32 to vector<16xi32>
        %add3A_752 = arith.addi %mul3A_692, %add3A_751 : vector<16xi32>
        %gather3A_753 = tpu.vector_load_idx %arg8[%add3A_752, %iota3A] : memref<2048x16xf32, #tpu.memory_space<vmem>>[vector<16xi32>, vector<16xi32>], vector<16xf32>,
        %gt3A_754 = arith.cmpf ogt, %gather3A_753, %select_n3A_748 : vector<16xf32>
        %select_n3A_755 = arith.select %gt3A_754, %gather3A_753, %select_n3A_748 : vector<16xi1>, vector<16xf32>
        %select_n3A_756 = arith.select %gt3A_754, %add3A_752, %select_n3A_749 : vector<16xi1>, vector<16xi32>
        %add3A_757 = arith.constant 10 : i32
        %add3A_758 = vector.broadcast %add3A_757 : i32 to vector<16xi32>
        %add3A_759 = arith.addi %mul3A_692, %add3A_758 : vector<16xi32>
        %gather3A_760 = tpu.vector_load_idx %arg8[%add3A_759, %iota3A] : memref<2048x16xf32, #tpu.memory_space<vmem>>[vector<16xi32>, vector<16xi32>], vector<16xf32>,
        %gt3A_761 = arith.cmpf ogt, %gather3A_760, %select_n3A_755 : vector<16xf32>
        %select_n3A_762 = arith.select %gt3A_761, %gather3A_760, %select_n3A_755 : vector<16xi1>, vector<16xf32>
        %select_n3A_763 = arith.select %gt3A_761, %add3A_759, %select_n3A_756 : vector<16xi1>, vector<16xi32>
        %add3A_764 = arith.constant 11 : i32
        %add3A_765 = vector.broadcast %add3A_764 : i32 to vector<16xi32>
        %add3A_766 = arith.addi %mul3A_692, %add3A_765 : vector<16xi32>
        %gather3A_767 = tpu.vector_load_idx %arg8[%add3A_766, %iota3A] : memref<2048x16xf32, #tpu.memory_space<vmem>>[vector<16xi32>, vector<16xi32>], vector<16xf32>,
        %gt3A_768 = arith.cmpf ogt, %gather3A_767, %select_n3A_762 : vector<16xf32>
        %select_n3A_769 = arith.select %gt3A_768, %gather3A_767, %select_n3A_762 : vector<16xi1>, vector<16xf32>
        %select_n3A_770 = arith.select %gt3A_768, %add3A_766, %select_n3A_763 : vector<16xi1>, vector<16xi32>
        %add3A_771 = arith.constant 12 : i32
        %add3A_772 = vector.broadcast %add3A_771 : i32 to vector<16xi32>
        %add3A_773 = arith.addi %mul3A_692, %add3A_772 : vector<16xi32>
        %gather3A_774 = tpu.vector_load_idx %arg8[%add3A_773, %iota3A] : memref<2048x16xf32, #tpu.memory_space<vmem>>[vector<16xi32>, vector<16xi32>], vector<16xf32>,
        %gt3A_775 = arith.cmpf ogt, %gather3A_774, %select_n3A_769 : vector<16xf32>
        %select_n3A_776 = arith.select %gt3A_775, %gather3A_774, %select_n3A_769 : vector<16xi1>, vector<16xf32>
        %select_n3A_777 = arith.select %gt3A_775, %add3A_773, %select_n3A_770 : vector<16xi1>, vector<16xi32>
        %add3A_778 = arith.constant 13 : i32
        %add3A_779 = vector.broadcast %add3A_778 : i32 to vector<16xi32>
        %add3A_780 = arith.addi %mul3A_692, %add3A_779 : vector<16xi32>
        %gather3A_781 = tpu.vector_load_idx %arg8[%add3A_780, %iota3A] : memref<2048x16xf32, #tpu.memory_space<vmem>>[vector<16xi32>, vector<16xi32>], vector<16xf32>,
        %gt3A_782 = arith.cmpf ogt, %gather3A_781, %select_n3A_776 : vector<16xf32>
        %select_n3A_783 = arith.select %gt3A_782, %gather3A_781, %select_n3A_776 : vector<16xi1>, vector<16xf32>
        %select_n3A_784 = arith.select %gt3A_782, %add3A_780, %select_n3A_777 : vector<16xi1>, vector<16xi32>
        %add3A_785 = arith.constant 14 : i32
        %add3A_786 = vector.broadcast %add3A_785 : i32 to vector<16xi32>
        %add3A_787 = arith.addi %mul3A_692, %add3A_786 : vector<16xi32>
        %gather3A_788 = tpu.vector_load_idx %arg8[%add3A_787, %iota3A] : memref<2048x16xf32, #tpu.memory_space<vmem>>[vector<16xi32>, vector<16xi32>], vector<16xf32>,
        %gt3A_789 = arith.cmpf ogt, %gather3A_788, %select_n3A_783 : vector<16xf32>
        %select_n3A_790 = arith.select %gt3A_789, %gather3A_788, %select_n3A_783 : vector<16xi1>, vector<16xf32>
        %select_n3A_791 = arith.select %gt3A_789, %add3A_787, %select_n3A_784 : vector<16xi1>, vector<16xi32>
        %add3A_792 = arith.constant 15 : i32
        %add3A_793 = vector.broadcast %add3A_792 : i32 to vector<16xi32>
        %add3A_794 = arith.addi %mul3A_692, %add3A_793 : vector<16xi32>
        %gather3A_795 = tpu.vector_load_idx %arg8[%add3A_794, %iota3A] : memref<2048x16xf32, #tpu.memory_space<vmem>>[vector<16xi32>, vector<16xi32>], vector<16xf32>,
        %gt3A_796 = arith.cmpf ogt, %gather3A_795, %select_n3A_790 : vector<16xf32>
        %select_n3A_797 = arith.select %gt3A_796, %gather3A_795, %select_n3A_790 : vector<16xi1>, vector<16xf32>
        %select_n3A_798 = arith.select %gt3A_796, %add3A_794, %select_n3A_791 : vector<16xi1>, vector<16xi32>
        %broadcast_in_dim3A_799 = vector.broadcast %scan3A_535 : i32 to vector<16xi32>
        %broadcast_in_dim3A_800 = arith.constant 0 : i32
        %broadcast_in_dim3A_801 = vector.broadcast %broadcast_in_dim3A_800 : i32 to vector<16xi32>
        %gather3A_802 = tpu.vector_load_idx %arg9[%broadcast_in_dim3A_801, %select_n3A_798] : memref<4x2048xf32, #tpu.memory_space<vmem>>[vector<16xi32>, vector<16xi32>], vector<16xf32>,
        tpu.vector_store_idx %arg14[%broadcast_in_dim3A_801, %broadcast_in_dim3A_799, %iota3A], %gather3A_802 : memref<4x40x16xf32, #tpu.memory_space<vmem>>[vector<16xi32>, vector<16xi32>, vector<16xi32>], vector<16xf32>,
        %broadcast_in_dim3A_803 = arith.constant 1 : i32
        %broadcast_in_dim3A_804 = vector.broadcast %broadcast_in_dim3A_803 : i32 to vector<16xi32>
        %gather3A_805 = tpu.vector_load_idx %arg9[%broadcast_in_dim3A_804, %select_n3A_798] : memref<4x2048xf32, #tpu.memory_space<vmem>>[vector<16xi32>, vector<16xi32>], vector<16xf32>,
        tpu.vector_store_idx %arg14[%broadcast_in_dim3A_804, %broadcast_in_dim3A_799, %iota3A], %gather3A_805 : memref<4x40x16xf32, #tpu.memory_space<vmem>>[vector<16xi32>, vector<16xi32>, vector<16xi32>], vector<16xf32>,
        %broadcast_in_dim3A_806 = arith.constant 2 : i32
        %broadcast_in_dim3A_807 = vector.broadcast %broadcast_in_dim3A_806 : i32 to vector<16xi32>
        %gather3A_808 = tpu.vector_load_idx %arg9[%broadcast_in_dim3A_807, %select_n3A_798] : memref<4x2048xf32, #tpu.memory_space<vmem>>[vector<16xi32>, vector<16xi32>], vector<16xf32>,
        tpu.vector_store_idx %arg14[%broadcast_in_dim3A_807, %broadcast_in_dim3A_799, %iota3A], %gather3A_808 : memref<4x40x16xf32, #tpu.memory_space<vmem>>[vector<16xi32>, vector<16xi32>, vector<16xi32>], vector<16xf32>,
        %broadcast_in_dim3A_809 = arith.constant 3 : i32
        %broadcast_in_dim3A_810 = vector.broadcast %broadcast_in_dim3A_809 : i32 to vector<16xi32>
        %gather3A_811 = tpu.vector_load_idx %arg9[%broadcast_in_dim3A_810, %select_n3A_798] : memref<4x2048xf32, #tpu.memory_space<vmem>>[vector<16xi32>, vector<16xi32>], vector<16xf32>,
        tpu.vector_store_idx %arg14[%broadcast_in_dim3A_810, %broadcast_in_dim3A_799, %iota3A], %gather3A_811 : memref<4x40x16xf32, #tpu.memory_space<vmem>>[vector<16xi32>, vector<16xi32>, vector<16xi32>], vector<16xf32>,
        tpu.vector_store_idx %arg8[%select_n3A_798, %iota3A], %broadcast_in_dim3A_1 : memref<2048x16xf32, #tpu.memory_space<vmem>>[vector<16xi32>, vector<16xi32>], vector<16xf32>,
        %eq3A_812 = arith.cmpi eq, %mul3A_692, %select_n3A_798 : vector<16xi32>
        %select_n3A_813 = arith.select %eq3A_812, %broadcast_in_dim3A_1, %gather3A_693 : vector<16xi1>, vector<16xf32>
        %max3A = arith.maximumf %broadcast_in_dim3A_1, %select_n3A_813 : vector<16xf32>
        %eq3A_814 = arith.cmpi eq, %add3A_696, %select_n3A_798 : vector<16xi32>
        %select_n3A_815 = arith.select %eq3A_814, %broadcast_in_dim3A_1, %gather3A_697 : vector<16xi1>, vector<16xf32>
        %max3A_816 = arith.maximumf %max3A, %select_n3A_815 : vector<16xf32>
        %eq3A_817 = arith.cmpi eq, %add3A_703, %select_n3A_798 : vector<16xi32>
        %select_n3A_818 = arith.select %eq3A_817, %broadcast_in_dim3A_1, %gather3A_704 : vector<16xi1>, vector<16xf32>
        %max3A_819 = arith.maximumf %max3A_816, %select_n3A_818 : vector<16xf32>
        %eq3A_820 = arith.cmpi eq, %add3A_710, %select_n3A_798 : vector<16xi32>
        %select_n3A_821 = arith.select %eq3A_820, %broadcast_in_dim3A_1, %gather3A_711 : vector<16xi1>, vector<16xf32>
        %max3A_822 = arith.maximumf %max3A_819, %select_n3A_821 : vector<16xf32>
        %eq3A_823 = arith.cmpi eq, %add3A_717, %select_n3A_798 : vector<16xi32>
        %select_n3A_824 = arith.select %eq3A_823, %broadcast_in_dim3A_1, %gather3A_718 : vector<16xi1>, vector<16xf32>
        %max3A_825 = arith.maximumf %max3A_822, %select_n3A_824 : vector<16xf32>
        %eq3A_826 = arith.cmpi eq, %add3A_724, %select_n3A_798 : vector<16xi32>
        %select_n3A_827 = arith.select %eq3A_826, %broadcast_in_dim3A_1, %gather3A_725 : vector<16xi1>, vector<16xf32>
        %max3A_828 = arith.maximumf %max3A_825, %select_n3A_827 : vector<16xf32>
        %eq3A_829 = arith.cmpi eq, %add3A_731, %select_n3A_798 : vector<16xi32>
        %select_n3A_830 = arith.select %eq3A_829, %broadcast_in_dim3A_1, %gather3A_732 : vector<16xi1>, vector<16xf32>
        %max3A_831 = arith.maximumf %max3A_828, %select_n3A_830 : vector<16xf32>
        %eq3A_832 = arith.cmpi eq, %add3A_738, %select_n3A_798 : vector<16xi32>
        %select_n3A_833 = arith.select %eq3A_832, %broadcast_in_dim3A_1, %gather3A_739 : vector<16xi1>, vector<16xf32>
        %max3A_834 = arith.maximumf %max3A_831, %select_n3A_833 : vector<16xf32>
        %eq3A_835 = arith.cmpi eq, %add3A_745, %select_n3A_798 : vector<16xi32>
        %select_n3A_836 = arith.select %eq3A_835, %broadcast_in_dim3A_1, %gather3A_746 : vector<16xi1>, vector<16xf32>
        %max3A_837 = arith.maximumf %max3A_834, %select_n3A_836 : vector<16xf32>
        %eq3A_838 = arith.cmpi eq, %add3A_752, %select_n3A_798 : vector<16xi32>
        %select_n3A_839 = arith.select %eq3A_838, %broadcast_in_dim3A_1, %gather3A_753 : vector<16xi1>, vector<16xf32>
        %max3A_840 = arith.maximumf %max3A_837, %select_n3A_839 : vector<16xf32>
        %eq3A_841 = arith.cmpi eq, %add3A_759, %select_n3A_798 : vector<16xi32>
        %select_n3A_842 = arith.select %eq3A_841, %broadcast_in_dim3A_1, %gather3A_760 : vector<16xi1>, vector<16xf32>
        %max3A_843 = arith.maximumf %max3A_840, %select_n3A_842 : vector<16xf32>
        %eq3A_844 = arith.cmpi eq, %add3A_766, %select_n3A_798 : vector<16xi32>
        %select_n3A_845 = arith.select %eq3A_844, %broadcast_in_dim3A_1, %gather3A_767 : vector<16xi1>, vector<16xf32>
        %max3A_846 = arith.maximumf %max3A_843, %select_n3A_845 : vector<16xf32>
        %eq3A_847 = arith.cmpi eq, %add3A_773, %select_n3A_798 : vector<16xi32>
        %select_n3A_848 = arith.select %eq3A_847, %broadcast_in_dim3A_1, %gather3A_774 : vector<16xi1>, vector<16xf32>
        %max3A_849 = arith.maximumf %max3A_846, %select_n3A_848 : vector<16xf32>
        %eq3A_850 = arith.cmpi eq, %add3A_780, %select_n3A_798 : vector<16xi32>
        %select_n3A_851 = arith.select %eq3A_850, %broadcast_in_dim3A_1, %gather3A_781 : vector<16xi1>, vector<16xf32>
        %max3A_852 = arith.maximumf %max3A_849, %select_n3A_851 : vector<16xf32>
        %eq3A_853 = arith.cmpi eq, %add3A_787, %select_n3A_798 : vector<16xi32>
        %select_n3A_854 = arith.select %eq3A_853, %broadcast_in_dim3A_1, %gather3A_788 : vector<16xi1>, vector<16xf32>
        %max3A_855 = arith.maximumf %max3A_852, %select_n3A_854 : vector<16xf32>
        %eq3A_856 = arith.cmpi eq, %add3A_794, %select_n3A_798 : vector<16xi32>
        %select_n3A_857 = arith.select %eq3A_856, %broadcast_in_dim3A_1, %gather3A_795 : vector<16xi1>, vector<16xf32>
        %max3A_858 = arith.maximumf %max3A_855, %select_n3A_857 : vector<16xf32>
        tpu.vector_store_idx %arg11[%select_n3A_689, %iota3A], %max3A_858 : memref<128x16xf32, #tpu.memory_space<vmem>>[vector<16xi32>, vector<16xi32>], vector<16xf32>,
        %eq3A_859 = arith.cmpi eq, %mul3A_583, %select_n3A_689 : vector<16xi32>
        %select_n3A_860 = arith.select %eq3A_859, %max3A_858, %gather3A_584 : vector<16xi1>, vector<16xf32>
        %max3A_861 = arith.maximumf %broadcast_in_dim3A_1, %select_n3A_860 : vector<16xf32>
        %eq3A_862 = arith.cmpi eq, %add3A_587, %select_n3A_689 : vector<16xi32>
        %select_n3A_863 = arith.select %eq3A_862, %max3A_858, %gather3A_588 : vector<16xi1>, vector<16xf32>
        %max3A_864 = arith.maximumf %max3A_861, %select_n3A_863 : vector<16xf32>
        %eq3A_865 = arith.cmpi eq, %add3A_594, %select_n3A_689 : vector<16xi32>
        %select_n3A_866 = arith.select %eq3A_865, %max3A_858, %gather3A_595 : vector<16xi1>, vector<16xf32>
        %max3A_867 = arith.maximumf %max3A_864, %select_n3A_866 : vector<16xf32>
        %eq3A_868 = arith.cmpi eq, %add3A_601, %select_n3A_689 : vector<16xi32>
        %select_n3A_869 = arith.select %eq3A_868, %max3A_858, %gather3A_602 : vector<16xi1>, vector<16xf32>
        %max3A_870 = arith.maximumf %max3A_867, %select_n3A_869 : vector<16xf32>
        %eq3A_871 = arith.cmpi eq, %add3A_608, %select_n3A_689 : vector<16xi32>
        %select_n3A_872 = arith.select %eq3A_871, %max3A_858, %gather3A_609 : vector<16xi1>, vector<16xf32>
        %max3A_873 = arith.maximumf %max3A_870, %select_n3A_872 : vector<16xf32>
        %eq3A_874 = arith.cmpi eq, %add3A_615, %select_n3A_689 : vector<16xi32>
        %select_n3A_875 = arith.select %eq3A_874, %max3A_858, %gather3A_616 : vector<16xi1>, vector<16xf32>
        %max3A_876 = arith.maximumf %max3A_873, %select_n3A_875 : vector<16xf32>
        %eq3A_877 = arith.cmpi eq, %add3A_622, %select_n3A_689 : vector<16xi32>
        %select_n3A_878 = arith.select %eq3A_877, %max3A_858, %gather3A_623 : vector<16xi1>, vector<16xf32>
        %max3A_879 = arith.maximumf %max3A_876, %select_n3A_878 : vector<16xf32>
        %eq3A_880 = arith.cmpi eq, %add3A_629, %select_n3A_689 : vector<16xi32>
        %select_n3A_881 = arith.select %eq3A_880, %max3A_858, %gather3A_630 : vector<16xi1>, vector<16xf32>
        %max3A_882 = arith.maximumf %max3A_879, %select_n3A_881 : vector<16xf32>
        %eq3A_883 = arith.cmpi eq, %add3A_636, %select_n3A_689 : vector<16xi32>
        %select_n3A_884 = arith.select %eq3A_883, %max3A_858, %gather3A_637 : vector<16xi1>, vector<16xf32>
        %max3A_885 = arith.maximumf %max3A_882, %select_n3A_884 : vector<16xf32>
        %eq3A_886 = arith.cmpi eq, %add3A_643, %select_n3A_689 : vector<16xi32>
        %select_n3A_887 = arith.select %eq3A_886, %max3A_858, %gather3A_644 : vector<16xi1>, vector<16xf32>
        %max3A_888 = arith.maximumf %max3A_885, %select_n3A_887 : vector<16xf32>
        %eq3A_889 = arith.cmpi eq, %add3A_650, %select_n3A_689 : vector<16xi32>
        %select_n3A_890 = arith.select %eq3A_889, %max3A_858, %gather3A_651 : vector<16xi1>, vector<16xf32>
        %max3A_891 = arith.maximumf %max3A_888, %select_n3A_890 : vector<16xf32>
        %eq3A_892 = arith.cmpi eq, %add3A_657, %select_n3A_689 : vector<16xi32>
        %select_n3A_893 = arith.select %eq3A_892, %max3A_858, %gather3A_658 : vector<16xi1>, vector<16xf32>
        %max3A_894 = arith.maximumf %max3A_891, %select_n3A_893 : vector<16xf32>
        %eq3A_895 = arith.cmpi eq, %add3A_664, %select_n3A_689 : vector<16xi32>
        %select_n3A_896 = arith.select %eq3A_895, %max3A_858, %gather3A_665 : vector<16xi1>, vector<16xf32>
        %max3A_897 = arith.maximumf %max3A_894, %select_n3A_896 : vector<16xf32>
        %eq3A_898 = arith.cmpi eq, %add3A_671, %select_n3A_689 : vector<16xi32>
        %select_n3A_899 = arith.select %eq3A_898, %max3A_858, %gather3A_672 : vector<16xi1>, vector<16xf32>
        %max3A_900 = arith.maximumf %max3A_897, %select_n3A_899 : vector<16xf32>
        %eq3A_901 = arith.cmpi eq, %add3A_678, %select_n3A_689 : vector<16xi32>
        %select_n3A_902 = arith.select %eq3A_901, %max3A_858, %gather3A_679 : vector<16xi1>, vector<16xf32>
        %max3A_903 = arith.maximumf %max3A_900, %select_n3A_902 : vector<16xf32>
        %eq3A_904 = arith.cmpi eq, %add3A_685, %select_n3A_689 : vector<16xi32>
        %select_n3A_905 = arith.select %eq3A_904, %max3A_858, %gather3A_686 : vector<16xi1>, vector<16xf32>
        %max3A_906 = arith.maximumf %max3A_903, %select_n3A_905 : vector<16xf32>
        tpu.vector_store_idx %arg13[%select_n3A_580, %iota3A], %max3A_906 : memref<8x16xf32, #tpu.memory_space<vmem>>[vector<16xi32>, vector<16xi32>], vector<16xf32>,
      }
      %scan3A_534 = arith.constant 40 : i32
      "tpu.region"() ({
        %run_scoped3A = tpu.sem_alloc : memref<!tpu.dma_semaphore, #tpu.memory_space<semaphore_mem>>
        %dma_start3A_535 = arith.constant 0 : i32
        %dma_start3A_536 = arith.constant 0 : i32
        %dma_start3A_537 = tpu.memref_slice %arg6[%select_n3A_510, %dma_start3A_535, %dma_start3A_536, %mul3A_528] : memref<4x4x40x2048xf32, #tpu.memory_space<hbm>> -> memref<1x4x40x16xf32, #tpu.memory_space<hbm>>
        %dma_start3A_538 = tpu.memref_squeeze %dma_start3A_537 : memref<1x4x40x16xf32, #tpu.memory_space<hbm>> -> memref<4x40x16xf32, #tpu.memory_space<hbm>>
        %dma_start3A_539 = arith.constant 0 : i32
        %dma_start3A_540 = arith.constant 0 : i32
        %dma_start3A_541 = tpu.memref_slice %arg6[%select_n3A_510, %dma_start3A_539, %dma_start3A_540, %mul3A_528] : memref<4x4x40x2048xf32, #tpu.memory_space<hbm>> -> memref<1x4x40x16xf32, #tpu.memory_space<hbm>>
        %dma_start3A_542 = tpu.memref_squeeze %dma_start3A_541 : memref<1x4x40x16xf32, #tpu.memory_space<hbm>> -> memref<4x40x16xf32, #tpu.memory_space<hbm>>
        tpu.enqueue_dma source(%arg14 : memref<4x40x16xf32, #tpu.memory_space<vmem>>) target(%dma_start3A_542 : memref<4x40x16xf32, #tpu.memory_space<hbm>>) target_semaphore(%run_scoped3A : memref<!tpu.dma_semaphore, #tpu.memory_space<semaphore_mem>>)
        %dma_wait3A_543 = arith.constant 0 : i32
        %dma_wait3A_544 = arith.constant 0 : i32
        %dma_wait3A_545 = tpu.memref_slice %arg6[%select_n3A_510, %dma_wait3A_543, %dma_wait3A_544, %mul3A_528] : memref<4x4x40x2048xf32, #tpu.memory_space<hbm>> -> memref<1x4x40x16xf32, #tpu.memory_space<hbm>>
        %dma_wait3A_546 = tpu.memref_squeeze %dma_wait3A_545 : memref<1x4x40x16xf32, #tpu.memory_space<hbm>> -> memref<4x40x16xf32, #tpu.memory_space<hbm>>
        %dma_wait3A_547 = arith.constant 0 : i32
        %dma_wait3A_548 = arith.constant 0 : i32
        %dma_wait3A_549 = tpu.memref_slice %arg6[%select_n3A_510, %dma_wait3A_547, %dma_wait3A_548, %mul3A_528] : memref<4x4x40x2048xf32, #tpu.memory_space<hbm>> -> memref<1x4x40x16xf32, #tpu.memory_space<hbm>>
        %dma_wait3A_550 = tpu.memref_squeeze %dma_wait3A_549 : memref<1x4x40x16xf32, #tpu.memory_space<hbm>> -> memref<4x40x16xf32, #tpu.memory_space<hbm>>
        tpu.wait_dma2 semaphore(%run_scoped3A : memref<!tpu.dma_semaphore, #tpu.memory_space<semaphore_mem>>) src(%arg14 : memref<4x40x16xf32, #tpu.memory_space<vmem>>) dst(%dma_wait3A_550 : memref<4x40x16xf32, #tpu.memory_space<hbm>>)
        tpu.yield
      }) : () -> ()
    }
    %scan3A_124 = arith.constant 8 : i32
    %dma_wait3A = arith.constant 0 : i32
    %dma_wait3A_125 = arith.constant 0 : i32
    %dma_wait3A_126 = arith.constant 0 : i32
    %dma_wait3A_127 = arith.constant 0 : i32
    %dma_wait3A_128 = tpu.memref_slice %arg2[%dma_wait3A, %dma_wait3A_125, %dma_wait3A_126, %dma_wait3A_127] : memref<4x16x2048x128xf32, #tpu.memory_space<hbm>> -> memref<1x1x2048x16xf32, #tpu.memory_space<hbm>>
    %dma_wait3A_129 = tpu.memref_squeeze %dma_wait3A_128 : memref<1x1x2048x16xf32, #tpu.memory_space<hbm>> -> memref<2048x16xf32, #tpu.memory_space<hbm>>
    %dma_wait3A_130 = arith.constant 0 : i32
    %dma_wait3A_131 = arith.constant 0 : i32
    %dma_wait3A_132 = tpu.memref_slice %arg2[%dma_wait3A, %dma_wait3A_125, %dma_wait3A_130, %dma_wait3A_131] : memref<4x16x2048x128xf32, #tpu.memory_space<hbm>> -> memref<1x1x2048x16xf32, #tpu.memory_space<hbm>>
    %dma_wait3A_133 = tpu.memref_squeeze %dma_wait3A_132 : memref<1x1x2048x16xf32, #tpu.memory_space<hbm>> -> memref<2048x16xf32, #tpu.memory_space<hbm>>
    tpu.wait_dma2 semaphore(%arg15 : memref<!tpu.dma_semaphore, #tpu.memory_space<semaphore_mem>>) src(%dma_wait3A_133 : memref<2048x16xf32, #tpu.memory_space<hbm>>) dst(%arg7 : memref<2048x16xf32, #tpu.memory_space<vmem>>)
    %dma_wait3A_134 = arith.constant 0 : i32
    %dma_wait3A_135 = arith.constant 0 : i32
    %dma_wait3A_136 = arith.constant 0 : i32
    %dma_wait3A_137 = arith.constant 0 : i32
    %dma_wait3A_138 = tpu.memref_slice %arg3[%dma_wait3A_134, %dma_wait3A_135, %dma_wait3A_136, %dma_wait3A_137] : memref<4x16x128x128xf32, #tpu.memory_space<hbm>> -> memref<1x1x128x16xf32, #tpu.memory_space<hbm>>
    %dma_wait3A_139 = tpu.memref_squeeze %dma_wait3A_138 : memref<1x1x128x16xf32, #tpu.memory_space<hbm>> -> memref<128x16xf32, #tpu.memory_space<hbm>>
    %dma_wait3A_140 = arith.constant 0 : i32
    %dma_wait3A_141 = arith.constant 0 : i32
    %dma_wait3A_142 = tpu.memref_slice %arg3[%dma_wait3A_134, %dma_wait3A_135, %dma_wait3A_140, %dma_wait3A_141] : memref<4x16x128x128xf32, #tpu.memory_space<hbm>> -> memref<1x1x128x16xf32, #tpu.memory_space<hbm>>
    %dma_wait3A_143 = tpu.memref_squeeze %dma_wait3A_142 : memref<1x1x128x16xf32, #tpu.memory_space<hbm>> -> memref<128x16xf32, #tpu.memory_space<hbm>>
    tpu.wait_dma2 semaphore(%arg15 : memref<!tpu.dma_semaphore, #tpu.memory_space<semaphore_mem>>) src(%dma_wait3A_143 : memref<128x16xf32, #tpu.memory_space<hbm>>) dst(%arg10 : memref<128x16xf32, #tpu.memory_space<vmem>>)
    %dma_wait3A_144 = arith.constant 0 : i32
    %dma_wait3A_145 = arith.constant 0 : i32
    %dma_wait3A_146 = arith.constant 0 : i32
    %dma_wait3A_147 = arith.constant 0 : i32
    %dma_wait3A_148 = tpu.memref_slice %arg4[%dma_wait3A_144, %dma_wait3A_145, %dma_wait3A_146, %dma_wait3A_147] : memref<4x16x8x128xf32, #tpu.memory_space<hbm>> -> memref<1x1x8x16xf32, #tpu.memory_space<hbm>>
    %dma_wait3A_149 = tpu.memref_squeeze %dma_wait3A_148 : memref<1x1x8x16xf32, #tpu.memory_space<hbm>> -> memref<8x16xf32, #tpu.memory_space<hbm>>
    %dma_wait3A_150 = arith.constant 0 : i32
    %dma_wait3A_151 = arith.constant 0 : i32
    %dma_wait3A_152 = tpu.memref_slice %arg4[%dma_wait3A_144, %dma_wait3A_145, %dma_wait3A_150, %dma_wait3A_151] : memref<4x16x8x128xf32, #tpu.memory_space<hbm>> -> memref<1x1x8x16xf32, #tpu.memory_space<hbm>>
    %dma_wait3A_153 = tpu.memref_squeeze %dma_wait3A_152 : memref<1x1x8x16xf32, #tpu.memory_space<hbm>> -> memref<8x16xf32, #tpu.memory_space<hbm>>
    tpu.wait_dma2 semaphore(%arg15 : memref<!tpu.dma_semaphore, #tpu.memory_space<semaphore_mem>>) src(%dma_wait3A_153 : memref<8x16xf32, #tpu.memory_space<hbm>>) dst(%arg12 : memref<8x16xf32, #tpu.memory_space<vmem>>)
    return
  }
}

module attributes {stable_mosaic.version = 14 : i64} {
  func.func @_pairwise_kernel(%arg0: i32, %arg1: i32, %arg2: memref<1x2048x4xf32, #tpu.memory_space<vmem>>, %arg3: memref<1x4x128xf32, #tpu.memory_space<vmem>>, %arg4: memref<1x1x2048x128xf32, #tpu.memory_space<vmem>>, %arg5: memref<1x1x128x128xf32, #tpu.memory_space<vmem>>, %arg6: memref<1x1x8x128xf32, #tpu.memory_space<vmem>>) attributes {dimension_semantics = [#tpu.dimension_semantics<arbitrary>, #tpu.dimension_semantics<arbitrary>], iteration_bounds = array<i64: 4, 16>, scalar_prefetch = 0 : i64, scratch_operands = 0 : i64, tpu.core_type = #tpu.core_type<tc>, window_params = [{transform_indices = @transform_0, window_bounds = array<i64: 1, 2048, 4>}, {transform_indices = @transform_1, window_bounds = array<i64: 1, 4, 128>}, {transform_indices = @transform_2, window_bounds = array<i64: 1, 1, 2048, 128>}, {transform_indices = @transform_3, window_bounds = array<i64: 1, 1, 128, 128>}, {transform_indices = @transform_4, window_bounds = array<i64: 1, 1, 8, 128>}]} {
    %get3A = arith.constant 0 : index
    %get3A_0 = arith.constant 0 : index
    %get3A_1 = arith.constant 0 : index
    %get3A_2 = vector.load %arg2[%get3A, %get3A_0, %get3A_1] : memref<1x2048x4xf32, #tpu.memory_space<vmem>>, vector<1x2048x4xf32>
    %get3A_3 = vector.shape_cast %get3A_2 : vector<1x2048x4xf32> to vector<2048x4xf32>
    %get3A_4 = arith.constant 0 : index
    %get3A_5 = arith.constant 0 : index
    %get3A_6 = arith.constant 0 : index
    %get3A_7 = vector.load %arg3[%get3A_4, %get3A_5, %get3A_6] : memref<1x4x128xf32, #tpu.memory_space<vmem>>, vector<1x4x128xf32>
    %get3A_8 = vector.shape_cast %get3A_7 : vector<1x4x128xf32> to vector<4x128xf32>
    %dot_general3A = arith.constant dense<0.000000e+00> : vector<2048x128xf32>
    %dot_general3A_9 = tpu.matmul %get3A_3, %get3A_8, %dot_general3A {dimension_numbers = #tpu.dot_dimension_numbers<[1], [0], [0], [1], [0, 0, 1, 1], [], []>, transpose_lhs_hint = false} : vector<2048x4xf32>, vector<4x128xf32>, vector<2048x128xf32> -> vector<2048x128xf32>
    %mul3A = arith.mulf %get3A_3, %get3A_3 : vector<2048x4xf32>
    %reduce_sum3A = arith.constant dense<0.000000e+00> : vector<2048xf32>
    %reduce_sum3A_10 = vector.multi_reduction <add>, %mul3A, %reduce_sum3A [1] : vector<2048x4xf32> to vector<2048xf32>
    %broadcast_in_dim3A = vector.shape_cast %reduce_sum3A_10 : vector<2048xf32> to vector<2048x1xf32>
    %mul3A_11 = arith.mulf %get3A_8, %get3A_8 : vector<4x128xf32>
    %reduce_sum3A_12 = arith.constant dense<0.000000e+00> : vector<128xf32>
    %reduce_sum3A_13 = vector.multi_reduction <add>, %mul3A_11, %reduce_sum3A_12 [0] : vector<4x128xf32> to vector<128xf32>
    %broadcast_in_dim3A_14 = vector.shape_cast %reduce_sum3A_13 : vector<128xf32> to vector<1x128xf32>
    %mul3A_15 = arith.constant 2.000000e+00 : f32
    %mul3A_16 = vector.broadcast %mul3A_15 : f32 to vector<2048x128xf32>
    %mul3A_17 = arith.mulf %mul3A_16, %dot_general3A_9 : vector<2048x128xf32>
    %sub3A = vector.broadcast %broadcast_in_dim3A : vector<2048x1xf32> to vector<2048x128xf32>
    %sub3A_18 = arith.subf %mul3A_17, %sub3A : vector<2048x128xf32>
    %sub3A_19 = vector.broadcast %broadcast_in_dim3A_14 : vector<1x128xf32> to vector<2048x128xf32>
    %sub3A_20 = arith.subf %sub3A_18, %sub3A_19 : vector<2048x128xf32>
    %swap3A = arith.constant 0 : index
    %swap3A_21 = arith.constant 0 : index
    %swap3A_22 = arith.constant 0 : index
    %swap3A_23 = arith.constant 0 : index
    %swap3A_24 = vector.load %arg4[%swap3A, %swap3A_21, %swap3A_22, %swap3A_23] : memref<1x1x2048x128xf32, #tpu.memory_space<vmem>>, vector<1x1x2048x128xf32>
    %swap3A_25 = vector.shape_cast %swap3A_24 : vector<1x1x2048x128xf32> to vector<2048x128xf32>
    %swap3A_26 = vector.shape_cast %sub3A_20 : vector<2048x128xf32> to vector<1x1x2048x128xf32>
    tpu.vector_store %arg4[%swap3A, %swap3A_21, %swap3A_22, %swap3A_23], %swap3A_26 {strides = array<i32>} : memref<1x1x2048x128xf32, #tpu.memory_space<vmem>>, vector<1x1x2048x128xf32>,
    %reshape3A = vector.shape_cast %sub3A_20 : vector<2048x128xf32> to vector<128x16x128xf32>
    %reduce_max3A = arith.constant dense<0xFF800000> : vector<128x128xf32>
    %reduce_max3A_27 = vector.multi_reduction <maximumf>, %reshape3A, %reduce_max3A [1] : vector<128x16x128xf32> to vector<128x128xf32>
    %swap3A_28 = arith.constant 0 : index
    %swap3A_29 = arith.constant 0 : index
    %swap3A_30 = arith.constant 0 : index
    %swap3A_31 = arith.constant 0 : index
    %swap3A_32 = vector.load %arg5[%swap3A_28, %swap3A_29, %swap3A_30, %swap3A_31] : memref<1x1x128x128xf32, #tpu.memory_space<vmem>>, vector<1x1x128x128xf32>
    %swap3A_33 = vector.shape_cast %swap3A_32 : vector<1x1x128x128xf32> to vector<128x128xf32>
    %swap3A_34 = vector.shape_cast %reduce_max3A_27 : vector<128x128xf32> to vector<1x1x128x128xf32>
    tpu.vector_store %arg5[%swap3A_28, %swap3A_29, %swap3A_30, %swap3A_31], %swap3A_34 {strides = array<i32>} : memref<1x1x128x128xf32, #tpu.memory_space<vmem>>, vector<1x1x128x128xf32>,
    %reshape3A_35 = vector.shape_cast %reduce_max3A_27 : vector<128x128xf32> to vector<8x16x128xf32>
    %reduce_max3A_36 = arith.constant dense<0xFF800000> : vector<8x128xf32>
    %reduce_max3A_37 = vector.multi_reduction <maximumf>, %reshape3A_35, %reduce_max3A_36 [1] : vector<8x16x128xf32> to vector<8x128xf32>
    %swap3A_38 = arith.constant 0 : index
    %swap3A_39 = arith.constant 0 : index
    %swap3A_40 = arith.constant 0 : index
    %swap3A_41 = arith.constant 0 : index
    %swap3A_42 = vector.load %arg6[%swap3A_38, %swap3A_39, %swap3A_40, %swap3A_41] : memref<1x1x8x128xf32, #tpu.memory_space<vmem>>, vector<1x1x8x128xf32>
    %swap3A_43 = vector.shape_cast %swap3A_42 : vector<1x1x8x128xf32> to vector<8x128xf32>
    %swap3A_44 = vector.shape_cast %reduce_max3A_37 : vector<8x128xf32> to vector<1x1x8x128xf32>
    tpu.vector_store %arg6[%swap3A_38, %swap3A_39, %swap3A_40, %swap3A_41], %swap3A_44 {strides = array<i32>} : memref<1x1x8x128xf32, #tpu.memory_space<vmem>>, vector<1x1x8x128xf32>,
    return
  }
  func.func @transform_0(%arg0: i32, %arg1: i32) -> (i32, i32, i32) {
    %c0_i32 = arith.constant 0 : i32
    %c0_i32_0 = arith.constant 0 : i32
    %c0_i32_1 = arith.constant 0 : i32
    return %arg0, %c0_i32, %c0_i32_0 : i32, i32, i32
  }
  func.func @transform_1(%arg0: i32, %arg1: i32) -> (i32, i32, i32) {
    %c0_i32 = arith.constant 0 : i32
    %c0_i32_0 = arith.constant 0 : i32
    return %arg0, %c0_i32, %arg1 : i32, i32, i32
  }
  func.func @transform_2(%arg0: i32, %arg1: i32) -> (i32, i32, i32, i32) {
    %c0_i32 = arith.constant 0 : i32
    %c0_i32_0 = arith.constant 0 : i32
    %c0_i32_1 = arith.constant 0 : i32
    return %arg0, %arg1, %c0_i32, %c0_i32_0 : i32, i32, i32, i32
  }
  func.func @transform_3(%arg0: i32, %arg1: i32) -> (i32, i32, i32, i32) {
    %c0_i32 = arith.constant 0 : i32
    %c0_i32_0 = arith.constant 0 : i32
    %c0_i32_1 = arith.constant 0 : i32
    return %arg0, %arg1, %c0_i32, %c0_i32_0 : i32, i32, i32, i32
  }
  func.func @transform_4(%arg0: i32, %arg1: i32) -> (i32, i32, i32, i32) {
    %c0_i32 = arith.constant 0 : i32
    %c0_i32_0 = arith.constant 0 : i32
    %c0_i32_1 = arith.constant 0 : i32
    return %arg0, %arg1, %c0_i32, %c0_i32_0 : i32, i32, i32, i32
  }
}

module attributes {stable_mosaic.version = 14 : i64} {
  func.func @_scales_kernel(%arg0: i32, %arg1: i32, %arg2: memref<1x4x40x256xf32, #tpu.memory_space<vmem>>, %arg3: memref<1x4x256xf32, #tpu.memory_space<vmem>>, %arg4: memref<192x4xf32, #tpu.memory_space<vmem>>, %arg5: memref<192x4xf32, #tpu.memory_space<vmem>>, %arg6: memref<192x1xf32, #tpu.memory_space<vmem>>, %arg7: memref<64x192xf32, #tpu.memory_space<vmem>>, %arg8: memref<64x1xf32, #tpu.memory_space<vmem>>, %arg9: memref<3x64xf32, #tpu.memory_space<vmem>>, %arg10: memref<3x1xf32, #tpu.memory_space<vmem>>, %arg11: memref<1x64x256xf32, #tpu.memory_space<vmem>>, %arg12: memref<1x3x256xf32, #tpu.memory_space<vmem>>) attributes {dimension_semantics = [#tpu.dimension_semantics<arbitrary>, #tpu.dimension_semantics<arbitrary>], iteration_bounds = array<i64: 4, 8>, scalar_prefetch = 0 : i64, scratch_operands = 0 : i64, tpu.core_type = #tpu.core_type<tc>, window_params = [{transform_indices = @transform_0, window_bounds = array<i64: 1, 4, 40, 256>}, {transform_indices = @transform_1, window_bounds = array<i64: 1, 4, 256>}, {pipeline_mode = #tpu.pipeline_mode<synchronous>, transform_indices = @transform_2, window_bounds = array<i64: 192, 4>}, {pipeline_mode = #tpu.pipeline_mode<synchronous>, transform_indices = @transform_3, window_bounds = array<i64: 192, 4>}, {pipeline_mode = #tpu.pipeline_mode<synchronous>, transform_indices = @transform_4, window_bounds = array<i64: 192, 1>}, {pipeline_mode = #tpu.pipeline_mode<synchronous>, transform_indices = @transform_5, window_bounds = array<i64: 64, 192>}, {pipeline_mode = #tpu.pipeline_mode<synchronous>, transform_indices = @transform_6, window_bounds = array<i64: 64, 1>}, {pipeline_mode = #tpu.pipeline_mode<synchronous>, transform_indices = @transform_7, window_bounds = array<i64: 3, 64>}, {pipeline_mode = #tpu.pipeline_mode<synchronous>, transform_indices = @transform_8, window_bounds = array<i64: 3, 1>}, {transform_indices = @transform_9, window_bounds = array<i64: 1, 64, 256>}, {transform_indices = @transform_10, window_bounds = array<i64: 1, 3, 256>}]} {
    %get3A = arith.constant 0 : index
    %get3A_0 = arith.constant 0 : index
    %get3A_1 = arith.constant 0 : index
    %get3A_2 = vector.load %arg3[%get3A, %get3A_0, %get3A_1] : memref<1x4x256xf32, #tpu.memory_space<vmem>>, vector<1x4x256xf32>
    %get3A_3 = vector.shape_cast %get3A_2 : vector<1x4x256xf32> to vector<4x256xf32>
    %get3A_4 = arith.constant 0 : index
    %get3A_5 = arith.constant 0 : index
    %get3A_6 = vector.load %arg4[%get3A_4, %get3A_5] : memref<192x4xf32, #tpu.memory_space<vmem>>, vector<192x4xf32>
    %get3A_7 = arith.constant 0 : index
    %get3A_8 = arith.constant 0 : index
    %get3A_9 = vector.load %arg5[%get3A_7, %get3A_8] : memref<192x4xf32, #tpu.memory_space<vmem>>, vector<192x4xf32>
    %dot_general3A = arith.constant dense<0.000000e+00> : vector<192x256xf32>
    %dot_general3A_10 = tpu.matmul %get3A_9, %get3A_3, %dot_general3A {dimension_numbers = #tpu.dot_dimension_numbers<[1], [0], [0], [1], [0, 0, 1, 1], [], []>, transpose_lhs_hint = false} : vector<192x4xf32>, vector<4x256xf32>, vector<192x256xf32> -> vector<192x256xf32>
    %get3A_11 = arith.constant 0 : index
    %get3A_12 = arith.constant 0 : index
    %get3A_13 = vector.load %arg6[%get3A_11, %get3A_12] : memref<192x1xf32, #tpu.memory_space<vmem>>, vector<192x1xf32>
    %add3A = vector.broadcast %get3A_13 : vector<192x1xf32> to vector<192x256xf32>
    %add3A_14 = arith.addf %dot_general3A_10, %add3A : vector<192x256xf32>
    %get3A_15 = arith.constant 0 : index
    %get3A_16 = arith.constant 0 : index
    %get3A_17 = arith.constant 0 : index
    %get3A_18 = arith.constant 0 : index
    %get3A_19 = vector.load %arg2[%get3A_15, %get3A_16, %get3A_17, %get3A_18] : memref<1x4x40x256xf32, #tpu.memory_space<vmem>>, vector<1x4x1x256xf32>
    %get3A_20 = vector.shape_cast %get3A_19 : vector<1x4x1x256xf32> to vector<4x256xf32>
    %dot_general3A_21 = arith.constant dense<0.000000e+00> : vector<192x256xf32>
    %dot_general3A_22 = tpu.matmul %get3A_6, %get3A_20, %dot_general3A_21 {dimension_numbers = #tpu.dot_dimension_numbers<[1], [0], [0], [1], [0, 0, 1, 1], [], []>, transpose_lhs_hint = false} : vector<192x4xf32>, vector<4x256xf32>, vector<192x256xf32> -> vector<192x256xf32>
    %get3A_23 = arith.constant 0 : index
    %get3A_24 = arith.constant 0 : index
    %get3A_25 = arith.constant 1 : index
    %get3A_26 = arith.constant 0 : index
    %get3A_27 = vector.load %arg2[%get3A_23, %get3A_24, %get3A_25, %get3A_26] : memref<1x4x40x256xf32, #tpu.memory_space<vmem>>, vector<1x4x1x256xf32>
    %get3A_28 = vector.shape_cast %get3A_27 : vector<1x4x1x256xf32> to vector<4x256xf32>
    %dot_general3A_29 = arith.constant dense<0.000000e+00> : vector<192x256xf32>
    %dot_general3A_30 = tpu.matmul %get3A_6, %get3A_28, %dot_general3A_29 {dimension_numbers = #tpu.dot_dimension_numbers<[1], [0], [0], [1], [0, 0, 1, 1], [], []>, transpose_lhs_hint = false} : vector<192x4xf32>, vector<4x256xf32>, vector<192x256xf32> -> vector<192x256xf32>
    %max3A = arith.maximumf %dot_general3A_22, %dot_general3A_30 : vector<192x256xf32>
    %get3A_31 = arith.constant 0 : index
    %get3A_32 = arith.constant 0 : index
    %get3A_33 = arith.constant 2 : index
    %get3A_34 = arith.constant 0 : index
    %get3A_35 = vector.load %arg2[%get3A_31, %get3A_32, %get3A_33, %get3A_34] : memref<1x4x40x256xf32, #tpu.memory_space<vmem>>, vector<1x4x1x256xf32>
    %get3A_36 = vector.shape_cast %get3A_35 : vector<1x4x1x256xf32> to vector<4x256xf32>
    %dot_general3A_37 = arith.constant dense<0.000000e+00> : vector<192x256xf32>
    %dot_general3A_38 = tpu.matmul %get3A_6, %get3A_36, %dot_general3A_37 {dimension_numbers = #tpu.dot_dimension_numbers<[1], [0], [0], [1], [0, 0, 1, 1], [], []>, transpose_lhs_hint = false} : vector<192x4xf32>, vector<4x256xf32>, vector<192x256xf32> -> vector<192x256xf32>
    %max3A_39 = arith.maximumf %max3A, %dot_general3A_38 : vector<192x256xf32>
    %get3A_40 = arith.constant 0 : index
    %get3A_41 = arith.constant 0 : index
    %get3A_42 = arith.constant 3 : index
    %get3A_43 = arith.constant 0 : index
    %get3A_44 = vector.load %arg2[%get3A_40, %get3A_41, %get3A_42, %get3A_43] : memref<1x4x40x256xf32, #tpu.memory_space<vmem>>, vector<1x4x1x256xf32>
    %get3A_45 = vector.shape_cast %get3A_44 : vector<1x4x1x256xf32> to vector<4x256xf32>
    %dot_general3A_46 = arith.constant dense<0.000000e+00> : vector<192x256xf32>
    %dot_general3A_47 = tpu.matmul %get3A_6, %get3A_45, %dot_general3A_46 {dimension_numbers = #tpu.dot_dimension_numbers<[1], [0], [0], [1], [0, 0, 1, 1], [], []>, transpose_lhs_hint = false} : vector<192x4xf32>, vector<4x256xf32>, vector<192x256xf32> -> vector<192x256xf32>
    %max3A_48 = arith.maximumf %max3A_39, %dot_general3A_47 : vector<192x256xf32>
    %get3A_49 = arith.constant 0 : index
    %get3A_50 = arith.constant 0 : index
    %get3A_51 = arith.constant 4 : index
    %get3A_52 = arith.constant 0 : index
    %get3A_53 = vector.load %arg2[%get3A_49, %get3A_50, %get3A_51, %get3A_52] : memref<1x4x40x256xf32, #tpu.memory_space<vmem>>, vector<1x4x1x256xf32>
    %get3A_54 = vector.shape_cast %get3A_53 : vector<1x4x1x256xf32> to vector<4x256xf32>
    %dot_general3A_55 = arith.constant dense<0.000000e+00> : vector<192x256xf32>
    %dot_general3A_56 = tpu.matmul %get3A_6, %get3A_54, %dot_general3A_55 {dimension_numbers = #tpu.dot_dimension_numbers<[1], [0], [0], [1], [0, 0, 1, 1], [], []>, transpose_lhs_hint = false} : vector<192x4xf32>, vector<4x256xf32>, vector<192x256xf32> -> vector<192x256xf32>
    %max3A_57 = arith.maximumf %max3A_48, %dot_general3A_56 : vector<192x256xf32>
    %get3A_58 = arith.constant 0 : index
    %get3A_59 = arith.constant 0 : index
    %get3A_60 = arith.constant 5 : index
    %get3A_61 = arith.constant 0 : index
    %get3A_62 = vector.load %arg2[%get3A_58, %get3A_59, %get3A_60, %get3A_61] : memref<1x4x40x256xf32, #tpu.memory_space<vmem>>, vector<1x4x1x256xf32>
    %get3A_63 = vector.shape_cast %get3A_62 : vector<1x4x1x256xf32> to vector<4x256xf32>
    %dot_general3A_64 = arith.constant dense<0.000000e+00> : vector<192x256xf32>
    %dot_general3A_65 = tpu.matmul %get3A_6, %get3A_63, %dot_general3A_64 {dimension_numbers = #tpu.dot_dimension_numbers<[1], [0], [0], [1], [0, 0, 1, 1], [], []>, transpose_lhs_hint = false} : vector<192x4xf32>, vector<4x256xf32>, vector<192x256xf32> -> vector<192x256xf32>
    %max3A_66 = arith.maximumf %max3A_57, %dot_general3A_65 : vector<192x256xf32>
    %get3A_67 = arith.constant 0 : index
    %get3A_68 = arith.constant 0 : index
    %get3A_69 = arith.constant 6 : index
    %get3A_70 = arith.constant 0 : index
    %get3A_71 = vector.load %arg2[%get3A_67, %get3A_68, %get3A_69, %get3A_70] : memref<1x4x40x256xf32, #tpu.memory_space<vmem>>, vector<1x4x1x256xf32>
    %get3A_72 = vector.shape_cast %get3A_71 : vector<1x4x1x256xf32> to vector<4x256xf32>
    %dot_general3A_73 = arith.constant dense<0.000000e+00> : vector<192x256xf32>
    %dot_general3A_74 = tpu.matmul %get3A_6, %get3A_72, %dot_general3A_73 {dimension_numbers = #tpu.dot_dimension_numbers<[1], [0], [0], [1], [0, 0, 1, 1], [], []>, transpose_lhs_hint = false} : vector<192x4xf32>, vector<4x256xf32>, vector<192x256xf32> -> vector<192x256xf32>
    %max3A_75 = arith.maximumf %max3A_66, %dot_general3A_74 : vector<192x256xf32>
    %get3A_76 = arith.constant 0 : index
    %get3A_77 = arith.constant 0 : index
    %get3A_78 = arith.constant 7 : index
    %get3A_79 = arith.constant 0 : index
    %get3A_80 = vector.load %arg2[%get3A_76, %get3A_77, %get3A_78, %get3A_79] : memref<1x4x40x256xf32, #tpu.memory_space<vmem>>, vector<1x4x1x256xf32>
    %get3A_81 = vector.shape_cast %get3A_80 : vector<1x4x1x256xf32> to vector<4x256xf32>
    %dot_general3A_82 = arith.constant dense<0.000000e+00> : vector<192x256xf32>
    %dot_general3A_83 = tpu.matmul %get3A_6, %get3A_81, %dot_general3A_82 {dimension_numbers = #tpu.dot_dimension_numbers<[1], [0], [0], [1], [0, 0, 1, 1], [], []>, transpose_lhs_hint = false} : vector<192x4xf32>, vector<4x256xf32>, vector<192x256xf32> -> vector<192x256xf32>
    %max3A_84 = arith.maximumf %max3A_75, %dot_general3A_83 : vector<192x256xf32>
    %get3A_85 = arith.constant 0 : index
    %get3A_86 = arith.constant 0 : index
    %get3A_87 = arith.constant 8 : index
    %get3A_88 = arith.constant 0 : index
    %get3A_89 = vector.load %arg2[%get3A_85, %get3A_86, %get3A_87, %get3A_88] : memref<1x4x40x256xf32, #tpu.memory_space<vmem>>, vector<1x4x1x256xf32>
    %get3A_90 = vector.shape_cast %get3A_89 : vector<1x4x1x256xf32> to vector<4x256xf32>
    %dot_general3A_91 = arith.constant dense<0.000000e+00> : vector<192x256xf32>
    %dot_general3A_92 = tpu.matmul %get3A_6, %get3A_90, %dot_general3A_91 {dimension_numbers = #tpu.dot_dimension_numbers<[1], [0], [0], [1], [0, 0, 1, 1], [], []>, transpose_lhs_hint = false} : vector<192x4xf32>, vector<4x256xf32>, vector<192x256xf32> -> vector<192x256xf32>
    %max3A_93 = arith.maximumf %max3A_84, %dot_general3A_92 : vector<192x256xf32>
    %get3A_94 = arith.constant 0 : index
    %get3A_95 = arith.constant 0 : index
    %get3A_96 = arith.constant 9 : index
    %get3A_97 = arith.constant 0 : index
    %get3A_98 = vector.load %arg2[%get3A_94, %get3A_95, %get3A_96, %get3A_97] : memref<1x4x40x256xf32, #tpu.memory_space<vmem>>, vector<1x4x1x256xf32>
    %get3A_99 = vector.shape_cast %get3A_98 : vector<1x4x1x256xf32> to vector<4x256xf32>
    %dot_general3A_100 = arith.constant dense<0.000000e+00> : vector<192x256xf32>
    %dot_general3A_101 = tpu.matmul %get3A_6, %get3A_99, %dot_general3A_100 {dimension_numbers = #tpu.dot_dimension_numbers<[1], [0], [0], [1], [0, 0, 1, 1], [], []>, transpose_lhs_hint = false} : vector<192x4xf32>, vector<4x256xf32>, vector<192x256xf32> -> vector<192x256xf32>
    %max3A_102 = arith.maximumf %max3A_93, %dot_general3A_101 : vector<192x256xf32>
    %slice3A = vector.extract_strided_slice %max3A_102 {offsets = [0, 0], sizes = [64, 256], strides = [1, 1]} : vector<192x256xf32> to vector<64x256xf32>
    %slice3A_103 = vector.extract_strided_slice %add3A_14 {offsets = [0, 0], sizes = [64, 256], strides = [1, 1]} : vector<192x256xf32> to vector<64x256xf32>
    %add3A_104 = arith.addf %slice3A, %slice3A_103 : vector<64x256xf32>
    %ge3A = arith.constant 0.000000e+00 : f32
    %ge3A_105 = vector.broadcast %ge3A : f32 to vector<64x256xf32>
    %ge3A_106 = arith.cmpf oge, %add3A_104, %ge3A_105 : vector<64x256xf32>
    %mul3A = arith.constant 2.000000e-01 : f32
    %mul3A_107 = vector.broadcast %mul3A : f32 to vector<64x256xf32>
    %mul3A_108 = arith.mulf %mul3A_107, %add3A_104 : vector<64x256xf32>
    %select_n3A = arith.select %ge3A_106, %add3A_104, %mul3A_108 : vector<64x256xi1>, vector<64x256xf32>
    %get3A_109 = arith.constant 0 : index
    %get3A_110 = arith.constant 0 : index
    %get3A_111 = arith.constant 10 : index
    %get3A_112 = arith.constant 0 : index
    %get3A_113 = vector.load %arg2[%get3A_109, %get3A_110, %get3A_111, %get3A_112] : memref<1x4x40x256xf32, #tpu.memory_space<vmem>>, vector<1x4x1x256xf32>
    %get3A_114 = vector.shape_cast %get3A_113 : vector<1x4x1x256xf32> to vector<4x256xf32>
    %dot_general3A_115 = arith.constant dense<0.000000e+00> : vector<192x256xf32>
    %dot_general3A_116 = tpu.matmul %get3A_6, %get3A_114, %dot_general3A_115 {dimension_numbers = #tpu.dot_dimension_numbers<[1], [0], [0], [1], [0, 0, 1, 1], [], []>, transpose_lhs_hint = false} : vector<192x4xf32>, vector<4x256xf32>, vector<192x256xf32> -> vector<192x256xf32>
    %max3A_117 = arith.maximumf %max3A_102, %dot_general3A_116 : vector<192x256xf32>
    %get3A_118 = arith.constant 0 : index
    %get3A_119 = arith.constant 0 : index
    %get3A_120 = arith.constant 11 : index
    %get3A_121 = arith.constant 0 : index
    %get3A_122 = vector.load %arg2[%get3A_118, %get3A_119, %get3A_120, %get3A_121] : memref<1x4x40x256xf32, #tpu.memory_space<vmem>>, vector<1x4x1x256xf32>
    %get3A_123 = vector.shape_cast %get3A_122 : vector<1x4x1x256xf32> to vector<4x256xf32>
    %dot_general3A_124 = arith.constant dense<0.000000e+00> : vector<192x256xf32>
    %dot_general3A_125 = tpu.matmul %get3A_6, %get3A_123, %dot_general3A_124 {dimension_numbers = #tpu.dot_dimension_numbers<[1], [0], [0], [1], [0, 0, 1, 1], [], []>, transpose_lhs_hint = false} : vector<192x4xf32>, vector<4x256xf32>, vector<192x256xf32> -> vector<192x256xf32>
    %max3A_126 = arith.maximumf %max3A_117, %dot_general3A_125 : vector<192x256xf32>
    %get3A_127 = arith.constant 0 : index
    %get3A_128 = arith.constant 0 : index
    %get3A_129 = arith.constant 12 : index
    %get3A_130 = arith.constant 0 : index
    %get3A_131 = vector.load %arg2[%get3A_127, %get3A_128, %get3A_129, %get3A_130] : memref<1x4x40x256xf32, #tpu.memory_space<vmem>>, vector<1x4x1x256xf32>
    %get3A_132 = vector.shape_cast %get3A_131 : vector<1x4x1x256xf32> to vector<4x256xf32>
    %dot_general3A_133 = arith.constant dense<0.000000e+00> : vector<192x256xf32>
    %dot_general3A_134 = tpu.matmul %get3A_6, %get3A_132, %dot_general3A_133 {dimension_numbers = #tpu.dot_dimension_numbers<[1], [0], [0], [1], [0, 0, 1, 1], [], []>, transpose_lhs_hint = false} : vector<192x4xf32>, vector<4x256xf32>, vector<192x256xf32> -> vector<192x256xf32>
    %max3A_135 = arith.maximumf %max3A_126, %dot_general3A_134 : vector<192x256xf32>
    %get3A_136 = arith.constant 0 : index
    %get3A_137 = arith.constant 0 : index
    %get3A_138 = arith.constant 13 : index
    %get3A_139 = arith.constant 0 : index
    %get3A_140 = vector.load %arg2[%get3A_136, %get3A_137, %get3A_138, %get3A_139] : memref<1x4x40x256xf32, #tpu.memory_space<vmem>>, vector<1x4x1x256xf32>
    %get3A_141 = vector.shape_cast %get3A_140 : vector<1x4x1x256xf32> to vector<4x256xf32>
    %dot_general3A_142 = arith.constant dense<0.000000e+00> : vector<192x256xf32>
    %dot_general3A_143 = tpu.matmul %get3A_6, %get3A_141, %dot_general3A_142 {dimension_numbers = #tpu.dot_dimension_numbers<[1], [0], [0], [1], [0, 0, 1, 1], [], []>, transpose_lhs_hint = false} : vector<192x4xf32>, vector<4x256xf32>, vector<192x256xf32> -> vector<192x256xf32>
    %max3A_144 = arith.maximumf %max3A_135, %dot_general3A_143 : vector<192x256xf32>
    %get3A_145 = arith.constant 0 : index
    %get3A_146 = arith.constant 0 : index
    %get3A_147 = arith.constant 14 : index
    %get3A_148 = arith.constant 0 : index
    %get3A_149 = vector.load %arg2[%get3A_145, %get3A_146, %get3A_147, %get3A_148] : memref<1x4x40x256xf32, #tpu.memory_space<vmem>>, vector<1x4x1x256xf32>
    %get3A_150 = vector.shape_cast %get3A_149 : vector<1x4x1x256xf32> to vector<4x256xf32>
    %dot_general3A_151 = arith.constant dense<0.000000e+00> : vector<192x256xf32>
    %dot_general3A_152 = tpu.matmul %get3A_6, %get3A_150, %dot_general3A_151 {dimension_numbers = #tpu.dot_dimension_numbers<[1], [0], [0], [1], [0, 0, 1, 1], [], []>, transpose_lhs_hint = false} : vector<192x4xf32>, vector<4x256xf32>, vector<192x256xf32> -> vector<192x256xf32>
    %max3A_153 = arith.maximumf %max3A_144, %dot_general3A_152 : vector<192x256xf32>
    %get3A_154 = arith.constant 0 : index
    %get3A_155 = arith.constant 0 : index
    %get3A_156 = arith.constant 15 : index
    %get3A_157 = arith.constant 0 : index
    %get3A_158 = vector.load %arg2[%get3A_154, %get3A_155, %get3A_156, %get3A_157] : memref<1x4x40x256xf32, #tpu.memory_space<vmem>>, vector<1x4x1x256xf32>
    %get3A_159 = vector.shape_cast %get3A_158 : vector<1x4x1x256xf32> to vector<4x256xf32>
    %dot_general3A_160 = arith.constant dense<0.000000e+00> : vector<192x256xf32>
    %dot_general3A_161 = tpu.matmul %get3A_6, %get3A_159, %dot_general3A_160 {dimension_numbers = #tpu.dot_dimension_numbers<[1], [0], [0], [1], [0, 0, 1, 1], [], []>, transpose_lhs_hint = false} : vector<192x4xf32>, vector<4x256xf32>, vector<192x256xf32> -> vector<192x256xf32>
    %max3A_162 = arith.maximumf %max3A_153, %dot_general3A_161 : vector<192x256xf32>
    %get3A_163 = arith.constant 0 : index
    %get3A_164 = arith.constant 0 : index
    %get3A_165 = arith.constant 16 : index
    %get3A_166 = arith.constant 0 : index
    %get3A_167 = vector.load %arg2[%get3A_163, %get3A_164, %get3A_165, %get3A_166] : memref<1x4x40x256xf32, #tpu.memory_space<vmem>>, vector<1x4x1x256xf32>
    %get3A_168 = vector.shape_cast %get3A_167 : vector<1x4x1x256xf32> to vector<4x256xf32>
    %dot_general3A_169 = arith.constant dense<0.000000e+00> : vector<192x256xf32>
    %dot_general3A_170 = tpu.matmul %get3A_6, %get3A_168, %dot_general3A_169 {dimension_numbers = #tpu.dot_dimension_numbers<[1], [0], [0], [1], [0, 0, 1, 1], [], []>, transpose_lhs_hint = false} : vector<192x4xf32>, vector<4x256xf32>, vector<192x256xf32> -> vector<192x256xf32>
    %max3A_171 = arith.maximumf %max3A_162, %dot_general3A_170 : vector<192x256xf32>
    %get3A_172 = arith.constant 0 : index
    %get3A_173 = arith.constant 0 : index
    %get3A_174 = arith.constant 17 : index
    %get3A_175 = arith.constant 0 : index
    %get3A_176 = vector.load %arg2[%get3A_172, %get3A_173, %get3A_174, %get3A_175] : memref<1x4x40x256xf32, #tpu.memory_space<vmem>>, vector<1x4x1x256xf32>
    %get3A_177 = vector.shape_cast %get3A_176 : vector<1x4x1x256xf32> to vector<4x256xf32>
    %dot_general3A_178 = arith.constant dense<0.000000e+00> : vector<192x256xf32>
    %dot_general3A_179 = tpu.matmul %get3A_6, %get3A_177, %dot_general3A_178 {dimension_numbers = #tpu.dot_dimension_numbers<[1], [0], [0], [1], [0, 0, 1, 1], [], []>, transpose_lhs_hint = false} : vector<192x4xf32>, vector<4x256xf32>, vector<192x256xf32> -> vector<192x256xf32>
    %max3A_180 = arith.maximumf %max3A_171, %dot_general3A_179 : vector<192x256xf32>
    %get3A_181 = arith.constant 0 : index
    %get3A_182 = arith.constant 0 : index
    %get3A_183 = arith.constant 18 : index
    %get3A_184 = arith.constant 0 : index
    %get3A_185 = vector.load %arg2[%get3A_181, %get3A_182, %get3A_183, %get3A_184] : memref<1x4x40x256xf32, #tpu.memory_space<vmem>>, vector<1x4x1x256xf32>
    %get3A_186 = vector.shape_cast %get3A_185 : vector<1x4x1x256xf32> to vector<4x256xf32>
    %dot_general3A_187 = arith.constant dense<0.000000e+00> : vector<192x256xf32>
    %dot_general3A_188 = tpu.matmul %get3A_6, %get3A_186, %dot_general3A_187 {dimension_numbers = #tpu.dot_dimension_numbers<[1], [0], [0], [1], [0, 0, 1, 1], [], []>, transpose_lhs_hint = false} : vector<192x4xf32>, vector<4x256xf32>, vector<192x256xf32> -> vector<192x256xf32>
    %max3A_189 = arith.maximumf %max3A_180, %dot_general3A_188 : vector<192x256xf32>
    %get3A_190 = arith.constant 0 : index
    %get3A_191 = arith.constant 0 : index
    %get3A_192 = arith.constant 19 : index
    %get3A_193 = arith.constant 0 : index
    %get3A_194 = vector.load %arg2[%get3A_190, %get3A_191, %get3A_192, %get3A_193] : memref<1x4x40x256xf32, #tpu.memory_space<vmem>>, vector<1x4x1x256xf32>
    %get3A_195 = vector.shape_cast %get3A_194 : vector<1x4x1x256xf32> to vector<4x256xf32>
    %dot_general3A_196 = arith.constant dense<0.000000e+00> : vector<192x256xf32>
    %dot_general3A_197 = tpu.matmul %get3A_6, %get3A_195, %dot_general3A_196 {dimension_numbers = #tpu.dot_dimension_numbers<[1], [0], [0], [1], [0, 0, 1, 1], [], []>, transpose_lhs_hint = false} : vector<192x4xf32>, vector<4x256xf32>, vector<192x256xf32> -> vector<192x256xf32>
    %max3A_198 = arith.maximumf %max3A_189, %dot_general3A_197 : vector<192x256xf32>
    %slice3A_199 = vector.extract_strided_slice %max3A_198 {offsets = [64, 0], sizes = [64, 256], strides = [1, 1]} : vector<192x256xf32> to vector<64x256xf32>
    %slice3A_200 = vector.extract_strided_slice %add3A_14 {offsets = [64, 0], sizes = [64, 256], strides = [1, 1]} : vector<192x256xf32> to vector<64x256xf32>
    %add3A_201 = arith.addf %slice3A_199, %slice3A_200 : vector<64x256xf32>
    %ge3A_202 = arith.constant 0.000000e+00 : f32
    %ge3A_203 = vector.broadcast %ge3A_202 : f32 to vector<64x256xf32>
    %ge3A_204 = arith.cmpf oge, %add3A_201, %ge3A_203 : vector<64x256xf32>
    %mul3A_205 = arith.constant 2.000000e-01 : f32
    %mul3A_206 = vector.broadcast %mul3A_205 : f32 to vector<64x256xf32>
    %mul3A_207 = arith.mulf %mul3A_206, %add3A_201 : vector<64x256xf32>
    %select_n3A_208 = arith.select %ge3A_204, %add3A_201, %mul3A_207 : vector<64x256xi1>, vector<64x256xf32>
    %get3A_209 = arith.constant 0 : index
    %get3A_210 = arith.constant 0 : index
    %get3A_211 = arith.constant 20 : index
    %get3A_212 = arith.constant 0 : index
    %get3A_213 = vector.load %arg2[%get3A_209, %get3A_210, %get3A_211, %get3A_212] : memref<1x4x40x256xf32, #tpu.memory_space<vmem>>, vector<1x4x1x256xf32>
    %get3A_214 = vector.shape_cast %get3A_213 : vector<1x4x1x256xf32> to vector<4x256xf32>
    %dot_general3A_215 = arith.constant dense<0.000000e+00> : vector<192x256xf32>
    %dot_general3A_216 = tpu.matmul %get3A_6, %get3A_214, %dot_general3A_215 {dimension_numbers = #tpu.dot_dimension_numbers<[1], [0], [0], [1], [0, 0, 1, 1], [], []>, transpose_lhs_hint = false} : vector<192x4xf32>, vector<4x256xf32>, vector<192x256xf32> -> vector<192x256xf32>
    %max3A_217 = arith.maximumf %max3A_198, %dot_general3A_216 : vector<192x256xf32>
    %get3A_218 = arith.constant 0 : index
    %get3A_219 = arith.constant 0 : index
    %get3A_220 = arith.constant 21 : index
    %get3A_221 = arith.constant 0 : index
    %get3A_222 = vector.load %arg2[%get3A_218, %get3A_219, %get3A_220, %get3A_221] : memref<1x4x40x256xf32, #tpu.memory_space<vmem>>, vector<1x4x1x256xf32>
    %get3A_223 = vector.shape_cast %get3A_222 : vector<1x4x1x256xf32> to vector<4x256xf32>
    %dot_general3A_224 = arith.constant dense<0.000000e+00> : vector<192x256xf32>
    %dot_general3A_225 = tpu.matmul %get3A_6, %get3A_223, %dot_general3A_224 {dimension_numbers = #tpu.dot_dimension_numbers<[1], [0], [0], [1], [0, 0, 1, 1], [], []>, transpose_lhs_hint = false} : vector<192x4xf32>, vector<4x256xf32>, vector<192x256xf32> -> vector<192x256xf32>
    %max3A_226 = arith.maximumf %max3A_217, %dot_general3A_225 : vector<192x256xf32>
    %get3A_227 = arith.constant 0 : index
    %get3A_228 = arith.constant 0 : index
    %get3A_229 = arith.constant 22 : index
    %get3A_230 = arith.constant 0 : index
    %get3A_231 = vector.load %arg2[%get3A_227, %get3A_228, %get3A_229, %get3A_230] : memref<1x4x40x256xf32, #tpu.memory_space<vmem>>, vector<1x4x1x256xf32>
    %get3A_232 = vector.shape_cast %get3A_231 : vector<1x4x1x256xf32> to vector<4x256xf32>
    %dot_general3A_233 = arith.constant dense<0.000000e+00> : vector<192x256xf32>
    %dot_general3A_234 = tpu.matmul %get3A_6, %get3A_232, %dot_general3A_233 {dimension_numbers = #tpu.dot_dimension_numbers<[1], [0], [0], [1], [0, 0, 1, 1], [], []>, transpose_lhs_hint = false} : vector<192x4xf32>, vector<4x256xf32>, vector<192x256xf32> -> vector<192x256xf32>
    %max3A_235 = arith.maximumf %max3A_226, %dot_general3A_234 : vector<192x256xf32>
    %get3A_236 = arith.constant 0 : index
    %get3A_237 = arith.constant 0 : index
    %get3A_238 = arith.constant 23 : index
    %get3A_239 = arith.constant 0 : index
    %get3A_240 = vector.load %arg2[%get3A_236, %get3A_237, %get3A_238, %get3A_239] : memref<1x4x40x256xf32, #tpu.memory_space<vmem>>, vector<1x4x1x256xf32>
    %get3A_241 = vector.shape_cast %get3A_240 : vector<1x4x1x256xf32> to vector<4x256xf32>
    %dot_general3A_242 = arith.constant dense<0.000000e+00> : vector<192x256xf32>
    %dot_general3A_243 = tpu.matmul %get3A_6, %get3A_241, %dot_general3A_242 {dimension_numbers = #tpu.dot_dimension_numbers<[1], [0], [0], [1], [0, 0, 1, 1], [], []>, transpose_lhs_hint = false} : vector<192x4xf32>, vector<4x256xf32>, vector<192x256xf32> -> vector<192x256xf32>
    %max3A_244 = arith.maximumf %max3A_235, %dot_general3A_243 : vector<192x256xf32>
    %get3A_245 = arith.constant 0 : index
    %get3A_246 = arith.constant 0 : index
    %get3A_247 = arith.constant 24 : index
    %get3A_248 = arith.constant 0 : index
    %get3A_249 = vector.load %arg2[%get3A_245, %get3A_246, %get3A_247, %get3A_248] : memref<1x4x40x256xf32, #tpu.memory_space<vmem>>, vector<1x4x1x256xf32>
    %get3A_250 = vector.shape_cast %get3A_249 : vector<1x4x1x256xf32> to vector<4x256xf32>
    %dot_general3A_251 = arith.constant dense<0.000000e+00> : vector<192x256xf32>
    %dot_general3A_252 = tpu.matmul %get3A_6, %get3A_250, %dot_general3A_251 {dimension_numbers = #tpu.dot_dimension_numbers<[1], [0], [0], [1], [0, 0, 1, 1], [], []>, transpose_lhs_hint = false} : vector<192x4xf32>, vector<4x256xf32>, vector<192x256xf32> -> vector<192x256xf32>
    %max3A_253 = arith.maximumf %max3A_244, %dot_general3A_252 : vector<192x256xf32>
    %get3A_254 = arith.constant 0 : index
    %get3A_255 = arith.constant 0 : index
    %get3A_256 = arith.constant 25 : index
    %get3A_257 = arith.constant 0 : index
    %get3A_258 = vector.load %arg2[%get3A_254, %get3A_255, %get3A_256, %get3A_257] : memref<1x4x40x256xf32, #tpu.memory_space<vmem>>, vector<1x4x1x256xf32>
    %get3A_259 = vector.shape_cast %get3A_258 : vector<1x4x1x256xf32> to vector<4x256xf32>
    %dot_general3A_260 = arith.constant dense<0.000000e+00> : vector<192x256xf32>
    %dot_general3A_261 = tpu.matmul %get3A_6, %get3A_259, %dot_general3A_260 {dimension_numbers = #tpu.dot_dimension_numbers<[1], [0], [0], [1], [0, 0, 1, 1], [], []>, transpose_lhs_hint = false} : vector<192x4xf32>, vector<4x256xf32>, vector<192x256xf32> -> vector<192x256xf32>
    %max3A_262 = arith.maximumf %max3A_253, %dot_general3A_261 : vector<192x256xf32>
    %get3A_263 = arith.constant 0 : index
    %get3A_264 = arith.constant 0 : index
    %get3A_265 = arith.constant 26 : index
    %get3A_266 = arith.constant 0 : index
    %get3A_267 = vector.load %arg2[%get3A_263, %get3A_264, %get3A_265, %get3A_266] : memref<1x4x40x256xf32, #tpu.memory_space<vmem>>, vector<1x4x1x256xf32>
    %get3A_268 = vector.shape_cast %get3A_267 : vector<1x4x1x256xf32> to vector<4x256xf32>
    %dot_general3A_269 = arith.constant dense<0.000000e+00> : vector<192x256xf32>
    %dot_general3A_270 = tpu.matmul %get3A_6, %get3A_268, %dot_general3A_269 {dimension_numbers = #tpu.dot_dimension_numbers<[1], [0], [0], [1], [0, 0, 1, 1], [], []>, transpose_lhs_hint = false} : vector<192x4xf32>, vector<4x256xf32>, vector<192x256xf32> -> vector<192x256xf32>
    %max3A_271 = arith.maximumf %max3A_262, %dot_general3A_270 : vector<192x256xf32>
    %get3A_272 = arith.constant 0 : index
    %get3A_273 = arith.constant 0 : index
    %get3A_274 = arith.constant 27 : index
    %get3A_275 = arith.constant 0 : index
    %get3A_276 = vector.load %arg2[%get3A_272, %get3A_273, %get3A_274, %get3A_275] : memref<1x4x40x256xf32, #tpu.memory_space<vmem>>, vector<1x4x1x256xf32>
    %get3A_277 = vector.shape_cast %get3A_276 : vector<1x4x1x256xf32> to vector<4x256xf32>
    %dot_general3A_278 = arith.constant dense<0.000000e+00> : vector<192x256xf32>
    %dot_general3A_279 = tpu.matmul %get3A_6, %get3A_277, %dot_general3A_278 {dimension_numbers = #tpu.dot_dimension_numbers<[1], [0], [0], [1], [0, 0, 1, 1], [], []>, transpose_lhs_hint = false} : vector<192x4xf32>, vector<4x256xf32>, vector<192x256xf32> -> vector<192x256xf32>
    %max3A_280 = arith.maximumf %max3A_271, %dot_general3A_279 : vector<192x256xf32>
    %get3A_281 = arith.constant 0 : index
    %get3A_282 = arith.constant 0 : index
    %get3A_283 = arith.constant 28 : index
    %get3A_284 = arith.constant 0 : index
    %get3A_285 = vector.load %arg2[%get3A_281, %get3A_282, %get3A_283, %get3A_284] : memref<1x4x40x256xf32, #tpu.memory_space<vmem>>, vector<1x4x1x256xf32>
    %get3A_286 = vector.shape_cast %get3A_285 : vector<1x4x1x256xf32> to vector<4x256xf32>
    %dot_general3A_287 = arith.constant dense<0.000000e+00> : vector<192x256xf32>
    %dot_general3A_288 = tpu.matmul %get3A_6, %get3A_286, %dot_general3A_287 {dimension_numbers = #tpu.dot_dimension_numbers<[1], [0], [0], [1], [0, 0, 1, 1], [], []>, transpose_lhs_hint = false} : vector<192x4xf32>, vector<4x256xf32>, vector<192x256xf32> -> vector<192x256xf32>
    %max3A_289 = arith.maximumf %max3A_280, %dot_general3A_288 : vector<192x256xf32>
    %get3A_290 = arith.constant 0 : index
    %get3A_291 = arith.constant 0 : index
    %get3A_292 = arith.constant 29 : index
    %get3A_293 = arith.constant 0 : index
    %get3A_294 = vector.load %arg2[%get3A_290, %get3A_291, %get3A_292, %get3A_293] : memref<1x4x40x256xf32, #tpu.memory_space<vmem>>, vector<1x4x1x256xf32>
    %get3A_295 = vector.shape_cast %get3A_294 : vector<1x4x1x256xf32> to vector<4x256xf32>
    %dot_general3A_296 = arith.constant dense<0.000000e+00> : vector<192x256xf32>
    %dot_general3A_297 = tpu.matmul %get3A_6, %get3A_295, %dot_general3A_296 {dimension_numbers = #tpu.dot_dimension_numbers<[1], [0], [0], [1], [0, 0, 1, 1], [], []>, transpose_lhs_hint = false} : vector<192x4xf32>, vector<4x256xf32>, vector<192x256xf32> -> vector<192x256xf32>
    %max3A_298 = arith.maximumf %max3A_289, %dot_general3A_297 : vector<192x256xf32>
    %get3A_299 = arith.constant 0 : index
    %get3A_300 = arith.constant 0 : index
    %get3A_301 = arith.constant 30 : index
    %get3A_302 = arith.constant 0 : index
    %get3A_303 = vector.load %arg2[%get3A_299, %get3A_300, %get3A_301, %get3A_302] : memref<1x4x40x256xf32, #tpu.memory_space<vmem>>, vector<1x4x1x256xf32>
    %get3A_304 = vector.shape_cast %get3A_303 : vector<1x4x1x256xf32> to vector<4x256xf32>
    %dot_general3A_305 = arith.constant dense<0.000000e+00> : vector<192x256xf32>
    %dot_general3A_306 = tpu.matmul %get3A_6, %get3A_304, %dot_general3A_305 {dimension_numbers = #tpu.dot_dimension_numbers<[1], [0], [0], [1], [0, 0, 1, 1], [], []>, transpose_lhs_hint = false} : vector<192x4xf32>, vector<4x256xf32>, vector<192x256xf32> -> vector<192x256xf32>
    %max3A_307 = arith.maximumf %max3A_298, %dot_general3A_306 : vector<192x256xf32>
    %get3A_308 = arith.constant 0 : index
    %get3A_309 = arith.constant 0 : index
    %get3A_310 = arith.constant 31 : index
    %get3A_311 = arith.constant 0 : index
    %get3A_312 = vector.load %arg2[%get3A_308, %get3A_309, %get3A_310, %get3A_311] : memref<1x4x40x256xf32, #tpu.memory_space<vmem>>, vector<1x4x1x256xf32>
    %get3A_313 = vector.shape_cast %get3A_312 : vector<1x4x1x256xf32> to vector<4x256xf32>
    %dot_general3A_314 = arith.constant dense<0.000000e+00> : vector<192x256xf32>
    %dot_general3A_315 = tpu.matmul %get3A_6, %get3A_313, %dot_general3A_314 {dimension_numbers = #tpu.dot_dimension_numbers<[1], [0], [0], [1], [0, 0, 1, 1], [], []>, transpose_lhs_hint = false} : vector<192x4xf32>, vector<4x256xf32>, vector<192x256xf32> -> vector<192x256xf32>
    %max3A_316 = arith.maximumf %max3A_307, %dot_general3A_315 : vector<192x256xf32>
    %get3A_317 = arith.constant 0 : index
    %get3A_318 = arith.constant 0 : index
    %get3A_319 = arith.constant 32 : index
    %get3A_320 = arith.constant 0 : index
    %get3A_321 = vector.load %arg2[%get3A_317, %get3A_318, %get3A_319, %get3A_320] : memref<1x4x40x256xf32, #tpu.memory_space<vmem>>, vector<1x4x1x256xf32>
    %get3A_322 = vector.shape_cast %get3A_321 : vector<1x4x1x256xf32> to vector<4x256xf32>
    %dot_general3A_323 = arith.constant dense<0.000000e+00> : vector<192x256xf32>
    %dot_general3A_324 = tpu.matmul %get3A_6, %get3A_322, %dot_general3A_323 {dimension_numbers = #tpu.dot_dimension_numbers<[1], [0], [0], [1], [0, 0, 1, 1], [], []>, transpose_lhs_hint = false} : vector<192x4xf32>, vector<4x256xf32>, vector<192x256xf32> -> vector<192x256xf32>
    %max3A_325 = arith.maximumf %max3A_316, %dot_general3A_324 : vector<192x256xf32>
    %get3A_326 = arith.constant 0 : index
    %get3A_327 = arith.constant 0 : index
    %get3A_328 = arith.constant 33 : index
    %get3A_329 = arith.constant 0 : index
    %get3A_330 = vector.load %arg2[%get3A_326, %get3A_327, %get3A_328, %get3A_329] : memref<1x4x40x256xf32, #tpu.memory_space<vmem>>, vector<1x4x1x256xf32>
    %get3A_331 = vector.shape_cast %get3A_330 : vector<1x4x1x256xf32> to vector<4x256xf32>
    %dot_general3A_332 = arith.constant dense<0.000000e+00> : vector<192x256xf32>
    %dot_general3A_333 = tpu.matmul %get3A_6, %get3A_331, %dot_general3A_332 {dimension_numbers = #tpu.dot_dimension_numbers<[1], [0], [0], [1], [0, 0, 1, 1], [], []>, transpose_lhs_hint = false} : vector<192x4xf32>, vector<4x256xf32>, vector<192x256xf32> -> vector<192x256xf32>
    %max3A_334 = arith.maximumf %max3A_325, %dot_general3A_333 : vector<192x256xf32>
    %get3A_335 = arith.constant 0 : index
    %get3A_336 = arith.constant 0 : index
    %get3A_337 = arith.constant 34 : index
    %get3A_338 = arith.constant 0 : index
    %get3A_339 = vector.load %arg2[%get3A_335, %get3A_336, %get3A_337, %get3A_338] : memref<1x4x40x256xf32, #tpu.memory_space<vmem>>, vector<1x4x1x256xf32>
    %get3A_340 = vector.shape_cast %get3A_339 : vector<1x4x1x256xf32> to vector<4x256xf32>
    %dot_general3A_341 = arith.constant dense<0.000000e+00> : vector<192x256xf32>
    %dot_general3A_342 = tpu.matmul %get3A_6, %get3A_340, %dot_general3A_341 {dimension_numbers = #tpu.dot_dimension_numbers<[1], [0], [0], [1], [0, 0, 1, 1], [], []>, transpose_lhs_hint = false} : vector<192x4xf32>, vector<4x256xf32>, vector<192x256xf32> -> vector<192x256xf32>
    %max3A_343 = arith.maximumf %max3A_334, %dot_general3A_342 : vector<192x256xf32>
    %get3A_344 = arith.constant 0 : index
    %get3A_345 = arith.constant 0 : index
    %get3A_346 = arith.constant 35 : index
    %get3A_347 = arith.constant 0 : index
    %get3A_348 = vector.load %arg2[%get3A_344, %get3A_345, %get3A_346, %get3A_347] : memref<1x4x40x256xf32, #tpu.memory_space<vmem>>, vector<1x4x1x256xf32>
    %get3A_349 = vector.shape_cast %get3A_348 : vector<1x4x1x256xf32> to vector<4x256xf32>
    %dot_general3A_350 = arith.constant dense<0.000000e+00> : vector<192x256xf32>
    %dot_general3A_351 = tpu.matmul %get3A_6, %get3A_349, %dot_general3A_350 {dimension_numbers = #tpu.dot_dimension_numbers<[1], [0], [0], [1], [0, 0, 1, 1], [], []>, transpose_lhs_hint = false} : vector<192x4xf32>, vector<4x256xf32>, vector<192x256xf32> -> vector<192x256xf32>
    %max3A_352 = arith.maximumf %max3A_343, %dot_general3A_351 : vector<192x256xf32>
    %get3A_353 = arith.constant 0 : index
    %get3A_354 = arith.constant 0 : index
    %get3A_355 = arith.constant 36 : index
    %get3A_356 = arith.constant 0 : index
    %get3A_357 = vector.load %arg2[%get3A_353, %get3A_354, %get3A_355, %get3A_356] : memref<1x4x40x256xf32, #tpu.memory_space<vmem>>, vector<1x4x1x256xf32>
    %get3A_358 = vector.shape_cast %get3A_357 : vector<1x4x1x256xf32> to vector<4x256xf32>
    %dot_general3A_359 = arith.constant dense<0.000000e+00> : vector<192x256xf32>
    %dot_general3A_360 = tpu.matmul %get3A_6, %get3A_358, %dot_general3A_359 {dimension_numbers = #tpu.dot_dimension_numbers<[1], [0], [0], [1], [0, 0, 1, 1], [], []>, transpose_lhs_hint = false} : vector<192x4xf32>, vector<4x256xf32>, vector<192x256xf32> -> vector<192x256xf32>
    %max3A_361 = arith.maximumf %max3A_352, %dot_general3A_360 : vector<192x256xf32>
    %get3A_362 = arith.constant 0 : index
    %get3A_363 = arith.constant 0 : index
    %get3A_364 = arith.constant 37 : index
    %get3A_365 = arith.constant 0 : index
    %get3A_366 = vector.load %arg2[%get3A_362, %get3A_363, %get3A_364, %get3A_365] : memref<1x4x40x256xf32, #tpu.memory_space<vmem>>, vector<1x4x1x256xf32>
    %get3A_367 = vector.shape_cast %get3A_366 : vector<1x4x1x256xf32> to vector<4x256xf32>
    %dot_general3A_368 = arith.constant dense<0.000000e+00> : vector<192x256xf32>
    %dot_general3A_369 = tpu.matmul %get3A_6, %get3A_367, %dot_general3A_368 {dimension_numbers = #tpu.dot_dimension_numbers<[1], [0], [0], [1], [0, 0, 1, 1], [], []>, transpose_lhs_hint = false} : vector<192x4xf32>, vector<4x256xf32>, vector<192x256xf32> -> vector<192x256xf32>
    %max3A_370 = arith.maximumf %max3A_361, %dot_general3A_369 : vector<192x256xf32>
    %get3A_371 = arith.constant 0 : index
    %get3A_372 = arith.constant 0 : index
    %get3A_373 = arith.constant 38 : index
    %get3A_374 = arith.constant 0 : index
    %get3A_375 = vector.load %arg2[%get3A_371, %get3A_372, %get3A_373, %get3A_374] : memref<1x4x40x256xf32, #tpu.memory_space<vmem>>, vector<1x4x1x256xf32>
    %get3A_376 = vector.shape_cast %get3A_375 : vector<1x4x1x256xf32> to vector<4x256xf32>
    %dot_general3A_377 = arith.constant dense<0.000000e+00> : vector<192x256xf32>
    %dot_general3A_378 = tpu.matmul %get3A_6, %get3A_376, %dot_general3A_377 {dimension_numbers = #tpu.dot_dimension_numbers<[1], [0], [0], [1], [0, 0, 1, 1], [], []>, transpose_lhs_hint = false} : vector<192x4xf32>, vector<4x256xf32>, vector<192x256xf32> -> vector<192x256xf32>
    %max3A_379 = arith.maximumf %max3A_370, %dot_general3A_378 : vector<192x256xf32>
    %get3A_380 = arith.constant 0 : index
    %get3A_381 = arith.constant 0 : index
    %get3A_382 = arith.constant 39 : index
    %get3A_383 = arith.constant 0 : index
    %get3A_384 = vector.load %arg2[%get3A_380, %get3A_381, %get3A_382, %get3A_383] : memref<1x4x40x256xf32, #tpu.memory_space<vmem>>, vector<1x4x1x256xf32>
    %get3A_385 = vector.shape_cast %get3A_384 : vector<1x4x1x256xf32> to vector<4x256xf32>
    %dot_general3A_386 = arith.constant dense<0.000000e+00> : vector<192x256xf32>
    %dot_general3A_387 = tpu.matmul %get3A_6, %get3A_385, %dot_general3A_386 {dimension_numbers = #tpu.dot_dimension_numbers<[1], [0], [0], [1], [0, 0, 1, 1], [], []>, transpose_lhs_hint = false} : vector<192x4xf32>, vector<4x256xf32>, vector<192x256xf32> -> vector<192x256xf32>
    %max3A_388 = arith.maximumf %max3A_379, %dot_general3A_387 : vector<192x256xf32>
    %slice3A_389 = vector.extract_strided_slice %max3A_388 {offsets = [128, 0], sizes = [64, 256], strides = [1, 1]} : vector<192x256xf32> to vector<64x256xf32>
    %slice3A_390 = vector.extract_strided_slice %add3A_14 {offsets = [128, 0], sizes = [64, 256], strides = [1, 1]} : vector<192x256xf32> to vector<64x256xf32>
    %add3A_391 = arith.addf %slice3A_389, %slice3A_390 : vector<64x256xf32>
    %ge3A_392 = arith.constant 0.000000e+00 : f32
    %ge3A_393 = vector.broadcast %ge3A_392 : f32 to vector<64x256xf32>
    %ge3A_394 = arith.cmpf oge, %add3A_391, %ge3A_393 : vector<64x256xf32>
    %mul3A_395 = arith.constant 2.000000e-01 : f32
    %mul3A_396 = vector.broadcast %mul3A_395 : f32 to vector<64x256xf32>
    %mul3A_397 = arith.mulf %mul3A_396, %add3A_391 : vector<64x256xf32>
    %select_n3A_398 = arith.select %ge3A_394, %add3A_391, %mul3A_397 : vector<64x256xi1>, vector<64x256xf32>
    %concatenate3A = tpu.concatenate %select_n3A, %select_n3A_208, %select_n3A_398 in 0 : vector<64x256xf32>, vector<64x256xf32>, vector<64x256xf32> -> vector<192x256xf32>
    %get3A_399 = arith.constant 0 : index
    %get3A_400 = arith.constant 0 : index
    %get3A_401 = vector.load %arg7[%get3A_399, %get3A_400] : memref<64x192xf32, #tpu.memory_space<vmem>>, vector<64x192xf32>
    %dot_general3A_402 = arith.constant dense<0.000000e+00> : vector<64x256xf32>
    %dot_general3A_403 = tpu.matmul %get3A_401, %concatenate3A, %dot_general3A_402 {dimension_numbers = #tpu.dot_dimension_numbers<[1], [0], [0], [1], [0, 0, 1, 1], [], []>, transpose_lhs_hint = false} : vector<64x192xf32>, vector<192x256xf32>, vector<64x256xf32> -> vector<64x256xf32>
    %get3A_404 = arith.constant 0 : index
    %get3A_405 = arith.constant 0 : index
    %get3A_406 = vector.load %arg8[%get3A_404, %get3A_405] : memref<64x1xf32, #tpu.memory_space<vmem>>, vector<64x1xf32>
    %add3A_407 = vector.broadcast %get3A_406 : vector<64x1xf32> to vector<64x256xf32>
    %add3A_408 = arith.addf %dot_general3A_403, %add3A_407 : vector<64x256xf32>
    %max3A_409 = arith.constant 0.000000e+00 : f32
    %max3A_410 = vector.broadcast %max3A_409 : f32 to vector<64x256xf32>
    %max3A_411 = arith.maximumf %add3A_408, %max3A_410 : vector<64x256xf32>
    %get3A_412 = arith.constant 0 : index
    %get3A_413 = arith.constant 0 : index
    %get3A_414 = vector.load %arg9[%get3A_412, %get3A_413] : memref<3x64xf32, #tpu.memory_space<vmem>>, vector<3x64xf32>
    %dot_general3A_415 = arith.constant dense<0.000000e+00> : vector<3x256xf32>
    %dot_general3A_416 = tpu.matmul %get3A_414, %max3A_411, %dot_general3A_415 {dimension_numbers = #tpu.dot_dimension_numbers<[1], [0], [0], [1], [0, 0, 1, 1], [], []>, transpose_lhs_hint = false} : vector<3x64xf32>, vector<64x256xf32>, vector<3x256xf32> -> vector<3x256xf32>
    %get3A_417 = arith.constant 0 : index
    %get3A_418 = arith.constant 0 : index
    %get3A_419 = vector.load %arg10[%get3A_417, %get3A_418] : memref<3x1xf32, #tpu.memory_space<vmem>>, vector<3x1xf32>
    %add3A_420 = vector.broadcast %get3A_419 : vector<3x1xf32> to vector<3x256xf32>
    %add3A_421 = arith.addf %dot_general3A_416, %add3A_420 : vector<3x256xf32>
    %reduce_max3A = arith.constant dense<0xFF800000> : vector<256xf32>
    %reduce_max3A_422 = vector.multi_reduction <maximumf>, %add3A_421, %reduce_max3A [0] : vector<3x256xf32> to vector<256xf32>
    %broadcast_in_dim3A = vector.shape_cast %reduce_max3A_422 : vector<256xf32> to vector<1x256xf32>
    %sub3A = vector.broadcast %broadcast_in_dim3A : vector<1x256xf32> to vector<3x256xf32>
    %sub3A_423 = arith.subf %add3A_421, %sub3A : vector<3x256xf32>
    %exp3A = math.exp %sub3A_423 : vector<3x256xf32>
    %reduce_sum3A = arith.constant dense<0.000000e+00> : vector<256xf32>
    %reduce_sum3A_424 = vector.multi_reduction <add>, %exp3A, %reduce_sum3A [0] : vector<3x256xf32> to vector<256xf32>
    %broadcast_in_dim3A_425 = vector.shape_cast %reduce_sum3A_424 : vector<256xf32> to vector<1x256xf32>
    %div3A = vector.broadcast %broadcast_in_dim3A_425 : vector<1x256xf32> to vector<3x256xf32>
    %div3A_426 = arith.divf %exp3A, %div3A : vector<3x256xf32>
    %swap3A = arith.constant 0 : index
    %swap3A_427 = arith.constant 0 : index
    %swap3A_428 = arith.constant 0 : index
    %swap3A_429 = vector.load %arg12[%swap3A, %swap3A_427, %swap3A_428] : memref<1x3x256xf32, #tpu.memory_space<vmem>>, vector<1x3x256xf32>
    %swap3A_430 = vector.shape_cast %swap3A_429 : vector<1x3x256xf32> to vector<3x256xf32>
    %swap3A_431 = vector.shape_cast %div3A_426 : vector<3x256xf32> to vector<1x3x256xf32>
    tpu.vector_store %arg12[%swap3A, %swap3A_427, %swap3A_428], %swap3A_431 {strides = array<i32>} : memref<1x3x256xf32, #tpu.memory_space<vmem>>, vector<1x3x256xf32>,
    %slice3A_432 = vector.extract_strided_slice %div3A_426 {offsets = [0, 0], sizes = [1, 256], strides = [1, 1]} : vector<3x256xf32> to vector<1x256xf32>
    %mul3A_433 = vector.broadcast %slice3A_432 : vector<1x256xf32> to vector<64x256xf32>
    %mul3A_434 = arith.mulf %mul3A_433, %select_n3A : vector<64x256xf32>
    %slice3A_435 = vector.extract_strided_slice %div3A_426 {offsets = [1, 0], sizes = [1, 256], strides = [1, 1]} : vector<3x256xf32> to vector<1x256xf32>
    %mul3A_436 = vector.broadcast %slice3A_435 : vector<1x256xf32> to vector<64x256xf32>
    %mul3A_437 = arith.mulf %mul3A_436, %select_n3A_208 : vector<64x256xf32>
    %add3A_438 = arith.addf %mul3A_434, %mul3A_437 : vector<64x256xf32>
    %slice3A_439 = vector.extract_strided_slice %div3A_426 {offsets = [2, 0], sizes = [1, 256], strides = [1, 1]} : vector<3x256xf32> to vector<1x256xf32>
    %mul3A_440 = vector.broadcast %slice3A_439 : vector<1x256xf32> to vector<64x256xf32>
    %mul3A_441 = arith.mulf %mul3A_440, %select_n3A_398 : vector<64x256xf32>
    %add3A_442 = arith.addf %add3A_438, %mul3A_441 : vector<64x256xf32>
    %swap3A_443 = arith.constant 0 : index
    %swap3A_444 = arith.constant 0 : index
    %swap3A_445 = arith.constant 0 : index
    %swap3A_446 = vector.load %arg11[%swap3A_443, %swap3A_444, %swap3A_445] : memref<1x64x256xf32, #tpu.memory_space<vmem>>, vector<1x64x256xf32>
    %swap3A_447 = vector.shape_cast %swap3A_446 : vector<1x64x256xf32> to vector<64x256xf32>
    %swap3A_448 = vector.shape_cast %add3A_442 : vector<64x256xf32> to vector<1x64x256xf32>
    tpu.vector_store %arg11[%swap3A_443, %swap3A_444, %swap3A_445], %swap3A_448 {strides = array<i32>} : memref<1x64x256xf32, #tpu.memory_space<vmem>>, vector<1x64x256xf32>,
    return
  }
  func.func @transform_0(%arg0: i32, %arg1: i32) -> (i32, i32, i32, i32) {
    %c0_i32 = arith.constant 0 : i32
    %c0_i32_0 = arith.constant 0 : i32
    %c0_i32_1 = arith.constant 0 : i32
    return %arg0, %c0_i32, %c0_i32_0, %arg1 : i32, i32, i32, i32
  }
  func.func @transform_1(%arg0: i32, %arg1: i32) -> (i32, i32, i32) {
    %c0_i32 = arith.constant 0 : i32
    %c0_i32_0 = arith.constant 0 : i32
    return %arg0, %c0_i32, %arg1 : i32, i32, i32
  }
  func.func @transform_2(%arg0: i32, %arg1: i32) -> (i32, i32) {
    %c0_i32 = arith.constant 0 : i32
    %c0_i32_0 = arith.constant 0 : i32
    %c0_i32_1 = arith.constant 0 : i32
    return %c0_i32, %c0_i32_0 : i32, i32
  }
  func.func @transform_3(%arg0: i32, %arg1: i32) -> (i32, i32) {
    %c0_i32 = arith.constant 0 : i32
    %c0_i32_0 = arith.constant 0 : i32
    %c0_i32_1 = arith.constant 0 : i32
    return %c0_i32, %c0_i32_0 : i32, i32
  }
  func.func @transform_4(%arg0: i32, %arg1: i32) -> (i32, i32) {
    %c0_i32 = arith.constant 0 : i32
    %c0_i32_0 = arith.constant 0 : i32
    %c0_i32_1 = arith.constant 0 : i32
    return %c0_i32, %c0_i32_0 : i32, i32
  }
  func.func @transform_5(%arg0: i32, %arg1: i32) -> (i32, i32) {
    %c0_i32 = arith.constant 0 : i32
    %c0_i32_0 = arith.constant 0 : i32
    %c0_i32_1 = arith.constant 0 : i32
    return %c0_i32, %c0_i32_0 : i32, i32
  }
  func.func @transform_6(%arg0: i32, %arg1: i32) -> (i32, i32) {
    %c0_i32 = arith.constant 0 : i32
    %c0_i32_0 = arith.constant 0 : i32
    %c0_i32_1 = arith.constant 0 : i32
    return %c0_i32, %c0_i32_0 : i32, i32
  }
  func.func @transform_7(%arg0: i32, %arg1: i32) -> (i32, i32) {
    %c0_i32 = arith.constant 0 : i32
    %c0_i32_0 = arith.constant 0 : i32
    %c0_i32_1 = arith.constant 0 : i32
    return %c0_i32, %c0_i32_0 : i32, i32
  }
  func.func @transform_8(%arg0: i32, %arg1: i32) -> (i32, i32) {
    %c0_i32 = arith.constant 0 : i32
    %c0_i32_0 = arith.constant 0 : i32
    %c0_i32_1 = arith.constant 0 : i32
    return %c0_i32, %c0_i32_0 : i32, i32
  }
  func.func @transform_9(%arg0: i32, %arg1: i32) -> (i32, i32, i32) {
    %c0_i32 = arith.constant 0 : i32
    %c0_i32_0 = arith.constant 0 : i32
    return %arg0, %c0_i32, %arg1 : i32, i32, i32
  }
  func.func @transform_10(%arg0: i32, %arg1: i32) -> (i32, i32, i32) {
    %c0_i32 = arith.constant 0 : i32
    %c0_i32_0 = arith.constant 0 : i32
    return %arg0, %c0_i32, %arg1 : i32, i32, i32
  }
}

</mosaic_0001>

<sc_bundles>
// kernel: kernel.11.cloned.1.call-start
scs
__scs_entry_jumppad:
0x0: {  	(pc) =	sbr.rel $0x88, $3  }
0x1: {  	(tag) =	ssettag $0x0;
	lr =	simm.s32 $0x1  }
0x2: {  	[smem:$0x3F91] =	sst lr;
	_ =	strace $0xD0000000  }
0x3: {  	_ = 	snop  }
0x4: {  	_ = 	snop  }
0x5: {  	_ = 	snop  }
0x6: {  	_ = 	snop  }
0x7: {  	_ = 	snop  }
__scs_overlays_trampoline_lowered:
0x8: {  	[smem:$0x3FA0] =	sst s0  }
0x9: {  	[smem:$0x3FA1] =	sst s1  }
0xa: {  	[smem:$0x3FA2] =	sst s2  }
0xb: {  	[smem:$0x3FA3] =	sst s3  }
0xc: {  	[smem:$0x3FA4] =	sst s4  }
0xd: {  	[smem:$0x3FA5] =	sst s5  }
0xe: {  	[smem:$0x3FA6] =	sst s6  }
0xf: {  	[smem:$0x3FA7] =	sst s7  }
0x10: {  	[smem:$0x3FA8] =	sst s8  }
0x11: {  	[smem:$0x3FA9] =	sst s9;
	s0 =	simm.s32 @!p0 $0x0  }
0x12: {  	s1 =	sld [smem:$0x3F8F];
	s0 =	simm.s32 @p0 $0x1  }
0x13: {  	[smem:$0x3FAA] =	sst s0;
	s0 =	simm.s32 @!p1 $0x0  }
0x14: {  	s2 =	sld [smem:$0x3F8E];
	s0 =	simm.s32 @p1 $0x1  }
0x15: {  	[smem:$0x3FAB] =	sst s0;
	s0 =	simm.s32 @!p2 $0x0  }
0x16: {  	s3 =	sld [smem:$0x3FDB];
	s0 =	simm.s32 @p2 $0x1  }
0x17: {  	s4 =	simm.s32 $0x1BF5;
	[smem:$0x3FAD] =	sst s0  }
0x18: {  	s0 =	sld [smem:$0x3F90];
	_ =	swait.ge [sflag:s4], $0x0  }
0x19: {  	s7 =	sld [smem:$0x3F91]  }
0x1a: {  	s8 =	sadd.s32 $0xFFFFE003, lr  }
0x1b: {  	s9 =	sadd.s32 $0xFFFFFEF7, lr;
	s5 =	simm.s32 $0xFFFFFFFF;
	p2 =	slt.u32 s8, $0xFFFFF086  }
0x1c: {  	p1 =	slt.u32 s9, $0xF7A;
	s5 =	simm.s32 @!p2 $0x0  }
0x1d: {  	s5 =	simm.s32 @p1 $0x1;
	p0 =	seq.s32 s7, s2  }
0x1e: {  	s7 =	smul.u32 @!p0 $0xF7A, s2;
	p2 =	seq.s32 @!p0 s5, $0x0  }
0x1f: {  	s9 =	smul.u32 $0xF7A, s1;
	s8 =	simm.s32 @!p0 $0x1BF5;
	p2 =	por !p2, p0  }
0x20: {  	[sflag:s8] =	ssyncset.s32 @!p0 $0xFFFFF086;
	s6 =	sadd.s32 @!p0 s3, s7;
	s7 =	simm.s32 @!p0 $0x108  }
0x21: {  	s3 =	sadd.s32 s3, s9;
	s6 =	sadd.s32 @!p0 $0x88, s6;
	s7 =	simm.s32 @p2 $0x1082  }
0x22: {  	[simem:s7], [sflag:s8] =	dma.local @!p0 [hbm:s6], $0xF7A  }
0x23: {  	s9 =	sor.u32 $0xD0000000, s2;
	s6 =	simm.s32 $0x108;
	_ =	swait.ge @!p0 [sflag:s8], $0x0  }
0x24: {  	s3 =	sadd.s32 $0x88, s3;
	s6 =	simm.s32 @!p1 $0x1082;
	[sflag:s4] =	ssyncset.s32 $0xFFFFF086  }
0x25: {  	[simem:s6], [sflag:s4] =	dma.local [hbm:s3], $0xF7A  }
0x26: {  	[smem:$0x3F91] =	sst s1;
	(tag) =	ssettag s2;
	_ =	strace s9  }
0x27: {  	s1 =	sld [smem:$0x3FA1]  }
0x28: {  	s2 =	sld [smem:$0x3FA2]  }
0x29: {  	s4 =	sld [smem:$0x3FA4]  }
0x2a: {  	p0 =	seq.s32 s5, $0x0;
	s5 =	sld [smem:$0x3FA5]  }
0x2b: {  	s6 =	sld [smem:$0x3FA6]  }
0x2c: {  	s7 =	sld [smem:$0x3FA7]  }
0x2d: {  	s3 =	simm.s32 $0x108;
	s8 =	sld [smem:$0x3FA8]  }
0x2e: {  	s3 =	simm.s32 @!p0 $0x1082;
	s9 =	sld [smem:$0x3FA9]  }
0x2f: {  	lr =	sadd.s32 s0, s3;
	s0 =	sld [smem:$0x3FA0]  }
0x30: {  	s3 =	sld [smem:$0x3FA3]  }
0x31: {  	[smem:$0x3FAC] =	sst s10  }
0x32: {  	s10 =	sld [smem:$0x3FAA];
	_ =	sdelay $0x3  }
0x33: {  	p0 =	seq.s32 s10, $0x1;
	s10 =	sld [smem:$0x3FAC];
	_ =	sdelay $0x3  }
0x34: {  	[smem:$0x3FAC] =	sst s10  }
0x35: {  	s10 =	sld [smem:$0x3FAB];
	_ =	sdelay $0x3  }
0x36: {  	p1 =	seq.s32 s10, $0x1;
	s10 =	sld [smem:$0x3FAC];
	_ =	sdelay $0x3  }
0x37: {  	[smem:$0x3FAC] =	sst s10  }
0x38: {  	s10 =	sld [smem:$0x3FAD]  }
0x39: {  	_ = 	snop;
	(pc) =	sbr.ind lr, $3  }
0x3a: {  	_ = 	snop  }
0x3b: {  	_ = 	snop  }
0x3c: {  	p2 =	seq.s32 s10, $0x1;
	s10 =	sld [smem:$0x3FAC]  }
0x3d: {  	_ =	shalt  }
0x3e: {  	_ =	shalt  }
0x3f: {  	_ =	shalt  }
0x40: {  	_ =	shalt  }
0x41: {  	_ =	shalt  }
0x42: {  	_ =	shalt  }
0x43: {  	_ =	shalt  }
0x44: {  	_ =	shalt  }
0x45: {  	_ =	shalt  }
0x46: {  	_ =	shalt  }
0x47: {  	_ =	shalt  }
0x48: {  	_ =	shalt  }
0x49: {  	_ =	shalt  }
0x4a: {  	_ =	shalt  }
0x4b: {  	_ =	shalt  }
0x4c: {  	_ =	shalt  }
0x4d: {  	_ =	shalt  }
0x4e: {  	_ =	shalt  }
0x4f: {  	_ =	shalt  }
0x50: {  	_ =	shalt  }
0x51: {  	_ =	shalt  }
0x52: {  	_ =	shalt  }
0x53: {  	_ =	shalt  }
0x54: {  	_ =	shalt  }
0x55: {  	_ =	shalt  }
0x56: {  	_ =	shalt  }
0x57: {  	_ =	shalt  }
0x58: {  	_ =	shalt  }
0x59: {  	_ =	shalt  }
0x5a: {  	_ =	shalt  }
0x5b: {  	_ =	shalt  }
0x5c: {  	_ =	shalt  }
0x5d: {  	_ =	shalt  }
0x5e: {  	_ =	shalt  }
0x5f: {  	_ =	shalt  }
0x60: {  	_ =	shalt  }
0x61: {  	_ =	shalt  }
0x62: {  	_ =	shalt  }
0x63: {  	_ =	shalt  }
0x64: {  	_ =	shalt  }
0x65: {  	_ =	shalt  }
0x66: {  	_ =	shalt  }
0x67: {  	_ =	shalt  }
0x68: {  	_ =	shalt  }
0x69: {  	_ =	shalt  }
0x6a: {  	_ =	shalt  }
0x6b: {  	_ =	shalt  }
0x6c: {  	_ =	shalt  }
0x6d: {  	_ =	shalt  }
0x6e: {  	_ =	shalt  }
0x6f: {  	_ =	shalt  }
0x70: {  	_ =	shalt  }
0x71: {  	_ =	shalt  }
0x72: {  	_ =	shalt  }
0x73: {  	_ =	shalt  }
0x74: {  	_ =	shalt  }
0x75: {  	_ =	shalt  }
0x76: {  	_ =	shalt  }
0x77: {  	_ =	shalt  }
0x78: {  	_ =	shalt  }
0x79: {  	_ =	shalt  }
0x7a: {  	_ =	shalt  }
0x7b: {  	_ =	shalt  }
0x7c: {  	_ =	shalt  }
0x7d: {  	_ =	shalt  }
0x7e: {  	_ =	shalt  }
0x7f: {  	_ =	shalt  }
0x80: {  	_ =	shalt  }
0x81: {  	_ =	shalt  }
0x82: {  	_ =	shalt  }
0x83: {  	_ =	shalt  }
0x84: {  	_ =	shalt  }
0x85: {  	_ =	shalt  }
0x86: {  	_ =	shalt  }
0x87: {  	_ =	shalt  }
.Lfunc_end0:
.L_simem_size_0:
called_computation.1_lowered:
.L_overlay_start_0:
0x88: {  	s2 =	sld [smem:$0x3FD9]  }
0x89: {  	s3 =	sld [smem:$0x3FFE];
	_ =	sdelay $0x1  }
0x8a: {  	s1 =	srdreg.scid  }
0x8b: {  	s0 =	sand.u32 $0x1, s1  }
0x8c: {  	s15 =	sshll.u32 s0, $0xA;
	s2 =	sadd.s32 s3, s2  }
0x8d: {  	s2 =	sadd.s32 s2, s15  }
0x8e: {  	[smem:$0x3FB8] =	sst s2  }
0x8f: {  	_ = 	snop  }
0x90: {  	s2 =	sld [smem:$0x3FD0];
	_ =	sdelay $0x2  }
0x91: {  	s4 =	simm.s32 $0xB;
	s16 =	simm.s32 $0x10  }
0x92: {  	[smem:s16], [sflag:s4] =	dma.local [hbm:s2], $0x1  }
0x93: {  	_ =	swait.eq [sflag:s4], $0x1  }
0x94: {  	[sflag:s4] =	ssyncset.done $0x0  }
0x95: {  	s17 =	sld [smem:$0x10];
	[sflag:s4] =	ssyncadd.s32 $0xFFFFFFFF  }
0x96: {  	s18 =	sld [smem:$0x11];
	(tm) =	ssettm $0x1  }
0x97: {  	s19 =	sld [smem:$0x3FFB];
	_ =	sdelay $0x3  }
0x98: {  	_ =	strace s19  }
0x99: {  	s2 =	sld [smem:$0x3FFC];
	_ =	sdelay $0x3  }
0x9a: {  	_ =	strace s2  }
0x9b: {  	s2 =	sld [smem:$0x3FFD];
	_ =	sdelay $0x3  }
0x9c: {  	_ =	strace s2  }
0x9d: {  	_ =	strace $0x8FFFFFFF  }
0x9e: {  	s20 =	sld [smem:$0x3FDB];
	_ =	sdelay $0x1  }
0x9f: {  	s5 =	simm.s32 $_scs_section_size  }
0xa0: {  	s6 =	simm.s32 $_size__tile_overlayer_lowered;
	s7 =	simm.s32 $_tile_overlayer_lowered  }
0xa1: {  	s8 =	simm.s32 $0x1BFF;
	s21 =	sshll.u32 s7, $0x1;
	s5 =	sadd.s32 s5, s20  }
0xa2: {  	s22 =	simm.s32 $0x0;
	s6 =	sshll.u32 s6, $0x1;
	s7 =	sadd.s32 s21, s5  }
0xa3: {  	[timem:s22], [sflag:s8] =	dma.local [hbm:s7], s6  }
0xa4: {  	_ =	swait.ge [sflag:s8], s6  }
0xa5: {  	s6 =	ssub.s32 $0x0, s6;
	[sflag:s8] =	ssyncset.done $0x0  }
0xa6: {  	[sflag:s8] =	ssyncadd.s32 s6;
	_ =	sdelay $0x1  }
0xa7: {  	s23 =	simm.s32 $0x1B8B  }
0xa8: {  	_ =	swait.ge [sflag:s23], $0x1  }
0xa9: {  	[sflag:s23] =	ssyncset.done $0x0  }
0xaa: {  	[sflag:s23] =	ssyncadd.s32 $0xFFFFFFFF  }
0xab: {  	s6 =	sld [smem:$0x0]  }
0xac: {  	s7 =	sand.u32 $0xFFFFFFFE, s1  }
0xad: {  	p0 =	sne.s32 s1, s7  }
0xae: {  	s7 =	sshll.u32 @p0 s7, $0xE  }
0xaf: {  	s7 =	sadd.s32 @p0 $0x11B8D, s7;
	s8 =	sshll.u32 @p0 s6, $0x11  }
0xb0: {  	s7 =	sor.u32 @p0 s8, s7  }
0xb1: {  	[sflag:s7] =	ssyncadd.remote.s32 @p0 $0x1;
	_ =	sdelay $0x1  }
0xb2: {  	s7 =	simm.s32 @p0 $0x1B8D  }
0xb3: {  	_ =	swait.eq @p0 [sflag:s7], $0x1  }
0xb4: {  	[sflag:s7] =	ssyncadd.s32 @p0 $0xFFFFFFFF  }
0xb5: {  	s8 =	sshll.u32 @!p0 s1, $0xE  }
0xb6: {  	s8 =	sor.u32 @!p0 $0x4000, s8;
	s7 =	simm.s32 @!p0 $0x1B8D  }
0xb7: {  	s6 =	sshll.u32 @!p0 s6, $0x11;
	s8 =	sadd.s32 @!p0 $0x11B8D, s8;
	_ =	swait.eq @!p0 [sflag:s7], $0x1  }
0xb8: {  	s6 =	sor.u32 @!p0 s6, s8;
	[sflag:s7] =	ssyncadd.s32 @!p0 $0xFFFFFFFF  }
0xb9: {  	s25 =	simm.s32 $0x1B8E;
	s24 =	sld [smem:$0x3FFE];
	[sflag:s6] =	ssyncadd.remote.s32 @!p0 $0x1  }
0xba: {  	s26 =	simm.s32 $execute0_lowered;
	[smem:$0x3FD2] =	sst s25  }
0xbb: {  	s7 =	sshll.u32 s26, $0x1;
	_ =	strace $0x80000049;
	[dreg:$0x1] =	wrdreg $0xFFFFFFFF  }
0xbc: {  	s28 =	simm.s32 $_size_execute0_lowered;
	s5 =	sadd.s32 s5, s7;
	[dreg:$0x0] =	wrdreg $0x0  }
0xbd: {  	s7 =	sshll.u32 s28, $0x1;
	[dreg:$0x2] =	wrdreg s5  }
0xbe: {  	[dreg:$0x3] =	wrdreg s7  }
0xbf: {  	[dreg:$0x4] =	wrdreg $0xC0  }
0xc0: {  	_ =	task [dreg:s22], $0x5FFFF  }
0xc1: {  	[dreg:$0x1] =	wrdreg $0xFFFFFFFF  }
0xc2: {  	[dreg:$0x0] =	wrdreg $0x60  }
0xc3: {  	[dreg:$0x2] =	wrdreg s24  }
0xc4: {  	[dreg:$0x3] =	wrdreg s17  }
0xc5: {  	[dreg:$0x4] =	wrdreg s18  }
0xc6: {  	[dreg:$0x5] =	wrdreg $0xA  }
0xc7: {  	_ =	task.clear_ibuf [dreg:s22], $0x6FFFF;
	_ =	strace $0x90000049  }
0xc8: {  	s29 =	simm.s32 $0xA;
	_ =	strace $0x8000004B  }
0xc9: {  	_ =	swait.ge [sflag:s29], $0x1  }
0xca: {  	[sflag:s29] =	ssyncadd.s32 $0xFFFFFFFF  }
0xcb: {  	_ =	strace $0x9000004B  }
0xcc: {  	_ =	sfence  }
0xcd: {  	s30 =	sld [smem:$0x0];
	_ =	sdelay $0x2  }
0xce: {  	s31 =	sshll.u32 s1, $0xD;
	s1 =	sshrl.u32 s1, $0x2  }
0xcf: {  	s4 =	sand.u32 $0x4000, s31;
	s1 =	sadd.s32 s1, s30  }
0xd0: {  	s0 =	sor.u32 s4, s0;
	s1 =	sshll.u32 s1, $0x11  }
0xd1: {  	s0 =	sor.u32 s1, s0  }
0xd2: {  	s0 =	sadd.s32 $0x8F2B, s0  }
0xd3: {  	[sflag:s0] =	ssyncadd.remote.s32 $0x1  }
0xd4: {  	_ =	sfence.sel $0xFFFF  }
0xd5: {  	[dreg:$0x0] =	wrdreg $0xFFFFFFFF;
	(pc) =	sbr.abs _section_cstart, $3  }
0xd6: {  	[dreg:$0x1] =	wrdreg $0xFFFFFFFF  }
0xd7: {  	_ =	task.clear_ibuf [dreg:s22], $0x2FFFF;
	_ =	strace $0x9FFFFFFF  }
0xd8: {  	(tm) =	ssettm $0x7FFFFFFF  }
0xd9: {  	_ =	shalt  }
tec
execute0_lowered:
.L_overlay_start_1:
0x0: {  	(tag) =	ssettag $0x1  }
0x1: {  	s0 =	rddreg [dreg:$0x0]  }
0x2: {  	s15 =	rddreg [dreg:$0x1]  }
0x3: {  	s1 =	srdreg.scid;
	s8 =	rddreg [dreg:$0x2]  }
0x4: {  	s2 =	stileid.u32;
	s6 =	simm.s32 $0x1;
	s28 =	simm.s32 $0x12800  }
0x5: {  	s29 =	simm.s32 $0x13080;
	s30 =	simm.s32 $0x13100;
	s31 =	simm.s32 $0x800  }
0x6: {  	s1 =	sand.u32 $0x1, s1;
	s4 =	sand.u32 $0x7, s2;
	s5 =	sadd.s32 $0x44F200, s0  }
0x7: {  	s10 =	sshll.u32 s2, $0x1;
	s11 =	smov.u32 s15;
	s3 =	sshll.u32 s1, $0x4  }
0x8: {  	p1 =	sne.s32 s4, $0x0;
	s4 =	sadd.s32 $0x24F200, s0;
	s1 =	ssub.s32 $0x2, s1  }
0x9: {  	s21 =	sand.u32 $0xE, s10;
	s9 =	sor.u32 s2, s3;
	s3 =	simm.s32 $0x0  }
0xa: {  	s19 =	sshrl.u32 s1, $0x1;
	s23 =	sshll.u32 s21, $0x12;
	s12 =	sshll.u32 s21, $0xE  }
0xb: {  	s2 =	simm.s32 $0x0;
	p0 =	seq.s32 s9, $0x0;
	[smem:$0x7FF] =	sst s3  }
0xc: {  	s13 =	sshrl.u32 s9, $0x3;
	s9 =	sshll.u32 s9, $0x4;
	p0 =	por !p1, !p0  }
0xd: {  	_ =	strace $0x8000004A;
	s22 =	sshll.u32 s13, $0x16;
	s24 =	sshll.u32 s13, $0x12  }
0xe: {  	s16 =	sand.u32 $0x70, s9;
	s17 =	smul.u32 $0x50000, s13;
	[dreg:$0x5] =	wrdreg s22  }
0xf: {  	v24 =	vlaneseq.u32;
	s18 =	sor.u32 $0x2, s9;
	p0 =	por !p0, !p0;
	[dreg:$0x6] =	wrdreg s24  }
0x10: {  	v1 =	vor.u32 $0x10, v24;
	s14 =	sor.u32 s12, s24;
	s12 =	sshll.u32 s13, $0xE;
	s6 =	simm.s32 @!p0 $0x0  }
0x11: {  	v2 =	vor.u32 $0x20, v24;
	[tilespmem:$0x1FF60] =	vst v1;
	s24 =	simm.s32 $0x12000;
	s14 =	sshrl.u32 s14, $0x3;
	s7 =	ssub.s32 s13, s6  }
0x12: {  	v3 =	vor.u32 $0x30, v24;
	[tilespmem:$0x1FF70] =	vst v2;
	s6 =	sadd.s32 $0x451200, s0;
	s0 =	ssub.s32 s1, s19;
	s26 =	sadd.s32 s15, s14  }
0x13: {  	v4 =	vor.u32 $0x40, v24;
	[tilespmem:$0x1FF80] =	vst v3;
	s7 =	sshll.u32 s7, $0xA;
	[dreg:$0x8] =	wrdreg s26;
	s0 =	smax.u32 s0, $0x1  }
0x14: {  	v5 =	vor.u32 $0x50, v24;
	[tilespmem:$0x1FF90] =	vst v4;
	s26 =	simm.s32 $0x8000;
	s20 =	sand.u32 $0x1FFFFC00, s7;
	s7 =	simm.s32 $0x1  }
0x15: {  	v6 =	vor.u32 $0x60, v24;
	[tilespmem:$0x1FFA0] =	vst v5;
	[dreg:$0xa] =	wrdreg s0;
	s0 =	simm.s32 $0x2;
	s1 =	sadd.s32 s8, s20  }
0x16: {  	v7 =	vor.u32 $0x70, v24;
	[tilespmem:$0x1FFB0] =	vst v6;
	s8 =	sor.u32 s23, s22;
	[dreg:$0x4] =	wrdreg s1;
	s1 =	sshll.u32 s21, $0xA  }
0x17: {  	v9 =	vor.u32 $0x280, v24;
	[tilespmem:$0x1FFC0] =	vst v7;
	s20 =	simm.s32 $0x10000;
	s8 =	sshrl.u32 s8, $0x3;
	s1 =	sor.u32 s1, s12  }
0x18: {  	v11 =	vor.u32 $0x500, v24;
	[tilespmem:$0x1FFD0] =	vst v9;
	s22 =	simm.s32 $0x10;
	s25 =	sadd.s32 s4, s8;
	s1 =	sshrl.u32 s1, $0x3  }
0x19: {  	v12 =	vor.u32 $0x780, v24;
	[tilespmem:$0x1FFE0] =	vst v11;
	s23 =	simm.s32 $0x80;
	[dreg:$0x7] =	wrdreg s25;
	s1 =	sadd.s32 s5, s1  }
0x1a: {  	v8 =	vimm.s32 $0x0;
	[tilespmem:$0x1FFF0] =	vst v12;
	s21 =	simm.s32 $0x3;
	s25 =	simm.s32 $0x13000;
	[dreg:$0x9] =	wrdreg s1  }
.LBB2_1:
0x1b: {  	[dreg:$0xb] =	wrdreg s2  }
0x1c: {  	s1 =	rddreg [dreg:$0x4]  }
0x1d: {  	[tilespmem:s20], [sflag:$0x3] =	stream.linear.gather [hbm4b:s1+s3], $0x2000, $0x38;
	[tilespmem:$0x13B00] =	vst v63  }
0x1e: {  	_ =	swait.ge [sflag:s21], $0x2000  }
0x1f: {  	[sflag:s21] =	ssyncset.done $0x0  }
0x20: {  	s14 =	rddreg [dreg:$0x7];
	[sflag:s21] =	ssyncadd.s32 $0xFFFFE000  }
0x21: {  	[tilespmem:s3], [sflag:$0x1] =	stream.strided.gather [hbm4b:s14+s22], $0x8000, s23, s22, $0x38;
	[tilespmem:$0x13B00] =	vst v63  }
0x22: {  	s15 =	rddreg [dreg:$0x8]  }
0x23: {  	[tilespmem:s24], [sflag:$0x1] =	stream.strided.gather [hbm4b:s15+s22], $0x800, s23, s22, $0x38;
	[tilespmem:$0x13B00] =	vst v63  }
0x24: {  	s8 =	simm.s32 $0x0;
	s19 =	rddreg [dreg:$0x9]  }
0x25: {  	[tilespmem:s25], [sflag:$0x1] =	stream.strided.gather [hbm4b:s19+s22], $0x80, s23, s22, $0x38;
	[tilespmem:$0x13B00] =	vst v63  }
.LBB2_2:
0x26: {  	s14 =	sshll.u32 s8, $0x1  }
0x27: {  	s13 =	sor.u32 s9, s14  }
0x28: {  	s15 =	sshrl.u32 s13, $0x3  }
0x29: {  	s13 =	sshllo.u32 s8, $0x1;
	s15 =	sand.u32 $0xF, s15  }
0x2a: {  	s2 =	rddreg [dreg:$0x5];
	s19 =	sshll.u32 s13, $0x4;
	s1 =	sshll.u32 s15, $0x12  }
0x2b: {  	s19 =	sand.u32 $0x70, s19;
	s1 =	sor.u32 s2, s1  }
0x2c: {  	s1 =	sor.u32 s19, s1  }
0x2d: {  	s1 =	sshrl.u32 s1, $0x3  }
0x2e: {  	s10 =	rddreg [dreg:$0x6];
	s2 =	sshll.u32 s15, $0xE;
	s1 =	sadd.s32 s4, s1  }
0x2f: {  	[tilespmem:s26], [sflag:$0x2] =	stream.strided.gather [hbm4b:s1+s22], $0x8000, s23, s22, $0x38;
	[tilespmem:$0x13B00] =	vst v63  }
0x30: {  	s1 =	sor.u32 s10, s2  }
0x31: {  	s1 =	sor.u32 s19, s1  }
0x32: {  	s1 =	sshrl.u32 s1, $0x3  }
0x33: {  	s15 =	sshll.u32 s15, $0xA;
	s1 =	sadd.s32 s11, s1  }
0x34: {  	[tilespmem:s28], [sflag:$0x2] =	stream.strided.gather [hbm4b:s1+s22], $0x800, s23, s22, $0x38;
	[tilespmem:$0x13B00] =	vst v63  }
0x35: {  	s1 =	sor.u32 s12, s15  }
0x36: {  	s1 =	sor.u32 s19, s1  }
0x37: {  	s1 =	sshrl.u32 s1, $0x3  }
0x38: {  	s1 =	sadd.s32 s5, s1  }
0x39: {  	[tilespmem:s29], [sflag:$0x2] =	stream.strided.gather [hbm4b:s1+s22], $0x80, s23, s22, $0x38;
	[tilespmem:$0x13B00] =	vst v63  }
0x3a: {  	_ =	swait.ge [sflag:s7], $0x8000  }
0x3b: {  	[sflag:s7] =	ssyncset.done $0x0  }
0x3c: {  	[sflag:s7] =	ssyncadd.s32 $0xFFFF8000  }
0x3d: {  	_ =	swait.ge [sflag:s7], $0x800  }
0x3e: {  	[sflag:s7] =	ssyncset.done $0x0  }
0x3f: {  	[sflag:s7] =	ssyncadd.s32 $0xFFFFF800  }
0x40: {  	_ =	swait.ge [sflag:s7], $0x80  }
0x41: {  	[sflag:s7] =	ssyncset.done $0x0  }
0x42: {  	s15 =	simm.s32 $0x0;
	[sflag:s7] =	ssyncadd.s32 $0xFFFFFF80  }
.LBB2_3:
0x43: {  	_ =	sdelay $0x4  }
0x44: {  	v13 =	vld.idx.msk [tilespmem:v24+s25+$0x0], $0xffff  }
0x45: {  	v14 =	vld.idx.msk [tilespmem:v1+s25+$0x0], $0xffff;
	_ =	sdelay $0x1  }
0x46: {  	v15 =	vld.idx.msk [tilespmem:v2+s25+$0x0], $0xffff;
	_ =	sdelay $0x1  }
0x47: {  	v16 =	vld.idx.msk [tilespmem:v3+s25+$0x0], $0xffff  }
0x48: {  	vm0 =	vgt.f32 v14, v13  }
0x49: {  	v33 =	vld.idx.msk [tilespmem:v4+s25+$0x0], $0xffff;
	v13 =	vsel vm0, v14, v13  }
0x4a: {  	vm1 =	vgt.f32 v15, v13  }
0x4b: {  	v34 =	vld.idx.msk [tilespmem:v5+s25+$0x0], $0xffff;
	v13 =	vsel vm1, v15, v13  }
0x4c: {  	vm2 =	vgt.f32 v16, v13  }
0x4d: {  	v35 =	vld.idx.msk [tilespmem:v6+s25+$0x0], $0xffff;
	v13 =	vsel vm2, v16, v13  }
0x4e: {  	vm3 =	vgt.f32 v33, v13  }
0x4f: {  	v36 =	vld.idx.msk [tilespmem:v7+s25+$0x0], $0xffff;
	v17 =	vsel vm0, $0x10, v8;
	v13 =	vsel vm3, v33, v13  }
0x50: {  	v17 =	vsel vm1, $0x20, v17;
	vm6 =	vgt.f32 v34, v13  }
0x51: {  	v37 =	vsel vm2, $0x30, v17;
	v13 =	vsel vm6, v34, v13  }
0x52: {  	v15 =	vsel vm3, $0x40, v37;
	vm7 =	vgt.f32 v35, v13  }
0x53: {  	v15 =	vsel vm6, $0x50, v15;
	v13 =	vsel vm7, v35, v13  }
0x54: {  	v38 =	vsel vm7, $0x60, v15;
	vm8 =	vgt.f32 v36, v13  }
0x55: {  	v13 =	vsel vm8, $0x70, v38  }
0x56: {  	v39 =	vshll.u32 v13, $0x4;
	v3 =	vadd.s32 $0x1, v13  }
0x57: {  	v40 =	vor.u32 v24, v39;
	v41 =	vshll.u32 v3, $0x4  }
0x58: {  	v1 =	vadd.s32 $0x2, v13;
	v18 =	vor.u32 v24, v41  }
0x59: {  	v42 =	vshll.u32 v1, $0x4  }
0x5a: {  	v2 =	vadd.s32 $0x3, v13;
	v20 =	vor.u32 v24, v42  }
0x5b: {  	v43 =	vshll.u32 v2, $0x4  }
0x5c: {  	v17 =	vadd.s32 $0x4, v13;
	v21 =	vor.u32 v24, v43;
	v22 =	vld.idx.msk [tilespmem:v40+s24+$0x0], $0xffff  }
0x5d: {  	v44 =	vshll.u32 v17, $0x4;
	v27 =	vld.idx.msk [tilespmem:v18+s24+$0x0], $0xffff  }
0x5e: {  	v23 =	vor.u32 v24, v44;
	v18 =	vadd.s32 $0x5, v13  }
0x5f: {  	v16 =	vld.idx.msk [tilespmem:v20+s24+$0x0], $0xffff;
	v45 =	vshll.u32 v18, $0x4  }
0x60: {  	v0 =	vadd.s32 $0x6, v13;
	v26 =	vor.u32 v24, v45  }
0x61: {  	v46 =	vshll.u32 v0, $0x4;
	v25 =	vld.idx.msk [tilespmem:v21+s24+$0x0], $0xffff  }
0x62: {  	v29 =	vor.u32 v24, v46;
	v20 =	vadd.s32 $0x7, v13;
	vm9 =	vgt.f32 v27, v22  }
0x63: {  	v28 =	vld.idx.msk [tilespmem:v23+s24+$0x0], $0xffff;
	v47 =	vshll.u32 v20, $0x4;
	v30 =	vsel vm9, v27, v22  }
0x64: {  	v21 =	vadd.s32 $0x8, v13;
	v33 =	vor.u32 v24, v47;
	vm10 =	vgt.f32 v16, v30  }
0x65: {  	v48 =	vshll.u32 v21, $0x4;
	v32 =	vld.idx.msk [tilespmem:v26+s24+$0x0], $0xffff;
	v30 =	vsel vm10, v16, v30  }
0x66: {  	v23 =	vadd.s32 $0x9, v13;
	v35 =	vor.u32 v24, v48;
	vm11 =	vgt.f32 v25, v30  }
0x67: {  	v31 =	vld.idx.msk [tilespmem:v29+s24+$0x0], $0xffff;
	v26 =	vshll.u32 v23, $0x4;
	v30 =	vsel vm11, v25, v30  }
0x68: {  	v37 =	vor.u32 v24, v26;
	v26 =	vadd.s32 $0xA, v13;
	vm12 =	vgt.f32 v28, v30  }
0x69: {  	v34 =	vld.idx.msk [tilespmem:v33+s24+$0x0], $0xffff;
	v50 =	vshll.u32 v26, $0x4;
	v49 =	vsel vm12, v28, v30  }
0x6a: {  	v39 =	vor.u32 v24, v50;
	v30 =	vadd.s32 $0xB, v13;
	vm4 =	vgt.f32 v32, v49  }
0x6b: {  	v36 =	vld.idx.msk [tilespmem:v35+s24+$0x0], $0xffff;
	v52 =	vshll.u32 v30, $0x4;
	v51 =	vsel vm4, v32, v49  }
0x6c: {  	v29 =	vadd.s32 $0xC, v13;
	v40 =	vor.u32 v24, v52;
	vm5 =	vgt.f32 v31, v51  }
0x6d: {  	v54 =	vshll.u32 v29, $0x4;
	v38 =	vld.idx.msk [tilespmem:v37+s24+$0x0], $0xffff;
	v53 =	vsel vm5, v31, v51  }
0x6e: {  	v41 =	vor.u32 v24, v54;
	v33 =	vadd.s32 $0xD, v13;
	vm6 =	vgt.f32 v34, v53  }
0x6f: {  	v55 =	vsel vm9, v3, v13;
	v56 =	vshll.u32 v33, $0x4;
	v39 =	vld.idx.msk [tilespmem:v39+s24+$0x0], $0xffff;
	v42 =	vsel vm6, v34, v53  }
0x70: {  	v35 =	vadd.s32 $0xE, v13;
	v43 =	vor.u32 v24, v56;
	vm13 =	vgt.f32 v36, v42  }
0x71: {  	v44 =	vsel vm10, v1, v55;
	v57 =	vshll.u32 v35, $0x4;
	v40 =	vld.idx.msk [tilespmem:v40+s24+$0x0], $0xffff;
	v42 =	vsel vm13, v36, v42  }
0x72: {  	v45 =	vor.u32 v24, v57;
	v37 =	vadd.s32 $0xF, v13;
	vm14 =	vgt.f32 v38, v42  }
0x73: {  	v41 =	vld.idx.msk [tilespmem:v41+s24+$0x0], $0xffff;
	v44 =	vsel vm11, v2, v44;
	v46 =	vshll.u32 v37, $0x4;
	v42 =	vsel vm14, v38, v42  }
0x74: {  	v44 =	vsel vm12, v17, v44;
	v46 =	vor.u32 v24, v46;
	vm15 =	vgt.f32 v39, v42  }
0x75: {  	v44 =	vsel vm4, v18, v44;
	v47 =	vsel vm15, v39, v42;
	v42 =	vld.idx.msk [tilespmem:v43+s24+$0x0], $0xffff  }
0x76: {  	v58 =	vsel vm5, v0, v44;
	vm7 =	vgt.f32 v40, v47  }
0x77: {  	v44 =	vsel vm6, v20, v58;
	v43 =	vld.idx.msk [tilespmem:v45+s24+$0x0], $0xffff;
	v47 =	vsel vm7, v40, v47  }
0x78: {  	v44 =	vsel vm13, v21, v44;
	vm8 =	vgt.f32 v41, v47  }
0x79: {  	v59 =	vsel vm14, v23, v44;
	v44 =	vld.idx.msk [tilespmem:v46+s24+$0x0], $0xffff;
	v47 =	vsel vm8, v41, v47  }
0x7a: {  	v45 =	vsel vm15, v26, v59;
	vm9 =	vgt.f32 v42, v47  }
0x7b: {  	v45 =	vsel vm7, v30, v45;
	v60 =	vsel vm9, v42, v47  }
0x7c: {  	v45 =	vsel vm8, v29, v45;
	vm10 =	vgt.f32 v43, v60  }
0x7d: {  	v45 =	vsel vm9, v33, v45;
	v46 =	vsel vm10, v43, v60  }
0x7e: {  	v45 =	vsel vm10, v35, v45;
	vm11 =	vgt.f32 v44, v46  }
0x7f: {  	v45 =	vsel vm11, v37, v45  }
0x80: {  	v46 =	vshll.u32 v45, $0x4  }
0x81: {  	v61 =	vshll.u32 v45, $0x8;
	v48 =	vor.u32 $0x1, v46  }
0x82: {  	v47 =	vor.u32 v24, v61;
	v49 =	vshll.u32 v48, $0x4  }
0x83: {  	v50 =	vor.u32 $0x2, v46;
	v49 =	vor.u32 v24, v49  }
0x84: {  	v51 =	vshll.u32 v50, $0x4  }
0x85: {  	v52 =	vor.u32 $0x3, v46;
	v51 =	vor.u32 v24, v51  }
0x86: {  	v53 =	vshll.u32 v52, $0x4  }
0x87: {  	v54 =	vor.u32 $0x4, v46;
	v53 =	vor.u32 v24, v53;
	v47 =	vld.idx.msk [tilespmem:v47+s3+$0x0], $0xffff  }
0x88: {  	v55 =	vshll.u32 v54, $0x4;
	v49 =	vld.idx.msk [tilespmem:v49+s3+$0x0], $0xffff  }
0x89: {  	v56 =	vor.u32 $0x5, v46;
	v55 =	vor.u32 v24, v55  }
0x8a: {  	v57 =	vshll.u32 v56, $0x4;
	v51 =	vld.idx.msk [tilespmem:v51+s3+$0x0], $0xffff  }
0x8b: {  	v58 =	vor.u32 $0x6, v46;
	v57 =	vor.u32 v24, v57  }
0x8c: {  	v59 =	vshll.u32 v58, $0x4;
	v53 =	vld.idx.msk [tilespmem:v53+s3+$0x0], $0xffff  }
0x8d: {  	v60 =	vor.u32 $0x7, v46;
	v59 =	vor.u32 v24, v59;
	vm12 =	vgt.f32 v49, v47  }
0x8e: {  	v62 =	vshll.u32 v60, $0x4;
	v55 =	vld.idx.msk [tilespmem:v55+s3+$0x0], $0xffff;
	v61 =	vsel vm12, v49, v47  }
0x8f: {  	v63 =	vor.u32 $0x8, v46;
	v62 =	vor.u32 v24, v62;
	vm13 =	vgt.f32 v51, v61  }
0x90: {  	v8 =	vshll.u32 v63, $0x4;
	v57 =	vld.idx.msk [tilespmem:v57+s3+$0x0], $0xffff;
	v61 =	vsel vm13, v51, v61  }
0x91: {  	v15 =	vor.u32 $0x9, v46;
	v8 =	vor.u32 v24, v8;
	vm14 =	vgt.f32 v53, v61  }
0x92: {  	[tilespmem:$0x1FF30] =	vst v1;
	v1 =	vshll.u32 v15, $0x4;
	v59 =	vld.idx.msk [tilespmem:v59+s3+$0x0], $0xffff;
	v61 =	vsel vm14, v53, v61  }
0x93: {  	v14 =	vor.u32 $0xA, v46;
	v1 =	vor.u32 v24, v1;
	vm15 =	vgt.f32 v55, v61  }
0x94: {  	[tilespmem:$0x1FF20] =	vst v3;
	v3 =	vshll.u32 v14, $0x4;
	v62 =	vld.idx.msk [tilespmem:v62+s3+$0x0], $0xffff;
	v61 =	vsel vm15, v55, v61  }
0x95: {  	v12 =	vor.u32 $0xB, v46;
	v3 =	vor.u32 v24, v3;
	vm9 =	vgt.f32 v57, v61  }
0x96: {  	v5 =	vshll.u32 v12, $0x4;
	v8 =	vld.idx.msk [tilespmem:v8+s3+$0x0], $0xffff;
	v61 =	vsel vm9, v57, v61  }
0x97: {  	v6 =	vor.u32 $0xC, v46;
	v5 =	vor.u32 v24, v5;
	vm10 =	vgt.f32 v59, v61  }
0x98: {  	v7 =	vshll.u32 v6, $0x4;
	v1 =	vld.idx.msk [tilespmem:v1+s3+$0x0], $0xffff;
	v61 =	vsel vm10, v59, v61  }
0x99: {  	v9 =	vor.u32 $0xD, v46;
	v7 =	vor.u32 v24, v7;
	vm11 =	vgt.f32 v62, v61  }
0x9a: {  	v4 =	vor.u32 $0xE, v46;
	v11 =	vshll.u32 v9, $0x4;
	v3 =	vld.idx.msk [tilespmem:v3+s3+$0x0], $0xffff;
	v61 =	vsel vm11, v62, v61  }
0x9b: {  	[tilespmem:$0x1FF40] =	vst v2;
	v11 =	vor.u32 v24, v11;
	v10 =	vsel vm12, v48, v46;
	vm12 =	vgt.f32 v8, v61  }
0x9c: {  	[tilespmem:$0x1FF50] =	vst v0;
	v2 =	vor.u32 $0xF, v46;
	v0 =	vshll.u32 v4, $0x4;
	v5 =	vld.idx.msk [tilespmem:v5+s3+$0x0], $0xffff;
	v61 =	vsel vm12, v8, v61  }
0x9d: {  	v0 =	vor.u32 v24, v0;
	v10 =	vsel vm13, v50, v10;
	vm13 =	vgt.f32 v1, v61  }
0x9e: {  	v19 =	vshll.u32 v2, $0x4;
	v7 =	vld.idx.msk [tilespmem:v7+s3+$0x0], $0xffff;
	v10 =	vsel vm14, v52, v10;
	v61 =	vsel vm13, v1, v61  }
0x9f: {  	v19 =	vor.u32 v24, v19;
	v10 =	vsel vm15, v54, v10;
	vm14 =	vgt.f32 v3, v61  }
0xa0: {  	v11 =	vld.idx.msk [tilespmem:v11+s3+$0x0], $0xffff;
	v10 =	vsel vm9, v56, v10;
	v61 =	vsel vm14, v3, v61  }
0xa1: {  	v10 =	vsel vm10, v58, v10;
	vm15 =	vgt.f32 v5, v61  }
0xa2: {  	v0 =	vld.idx.msk [tilespmem:v0+s3+$0x0], $0xffff;
	v10 =	vsel vm11, v60, v10;
	v61 =	vsel vm15, v5, v61  }
0xa3: {  	v10 =	vsel vm12, v63, v10;
	vm5 =	vgt.f32 v7, v61  }
0xa4: {  	v19 =	vld.idx.msk [tilespmem:v19+s3+$0x0], $0xffff;
	v10 =	vsel vm13, v15, v10;
	v61 =	vsel vm5, v7, v61  }
0xa5: {  	v10 =	vsel vm14, v14, v10;
	vm6 =	vgt.f32 v11, v61  }
0xa6: {  	v10 =	vsel vm15, v12, v10;
	v61 =	vsel vm6, v11, v61  }
0xa7: {  	v10 =	vsel vm5, v6, v10;
	vm7 =	vgt.f32 v0, v61  }
0xa8: {  	v10 =	vsel vm6, v9, v10;
	v61 =	vsel vm7, v0, v61  }
0xa9: {  	v10 =	vsel vm7, v4, v10;
	vm8 =	vgt.f32 v19, v61  }
0xaa: {  	v10 =	vsel vm8, v2, v10  }
0xab: {  	vm0 =	veq.s32 v48, v10  }
0xac: {  	v48 =	vsel vm0, $0xFF800000, v49  }
0xad: {  	vm9 =	veq.s32 v46, v10;
	v47 =	vmax.f32 v47, v48  }
0xae: {  	v47 =	vsel vm9, v48, v47  }
0xaf: {  	vm10 =	veq.s32 v50, v10;
	v48 =	vmax.f32 v47, v51  }
0xb0: {  	v47 =	vsel vm10, v47, v48  }
0xb1: {  	vm11 =	veq.s32 v52, v10;
	v48 =	vmax.f32 v47, v53  }
0xb2: {  	v47 =	vsel vm11, v47, v48  }
0xb3: {  	vm12 =	veq.s32 v54, v10;
	v48 =	vmax.f32 v47, v55  }
0xb4: {  	v47 =	vsel vm12, v47, v48  }
0xb5: {  	vm13 =	veq.s32 v56, v10;
	v48 =	vmax.f32 v47, v57  }
0xb6: {  	v47 =	vsel vm13, v47, v48  }
0xb7: {  	vm14 =	veq.s32 v58, v10;
	v48 =	vmax.f32 v47, v59  }
0xb8: {  	v47 =	vsel vm14, v47, v48  }
0xb9: {  	vm15 =	veq.s32 v60, v10;
	v48 =	vmax.f32 v47, v62  }
0xba: {  	v47 =	vsel vm15, v47, v48  }
0xbb: {  	vm4 =	veq.s32 v63, v10;
	v8 =	vmax.f32 v47, v8  }
0xbc: {  	v8 =	vsel vm4, v47, v8  }
0xbd: {  	vm5 =	veq.s32 v15, v10;
	v1 =	vmax.f32 v8, v1  }
0xbe: {  	v1 =	vsel vm5, v8, v1  }
0xbf: {  	s1 =	sshll.u32 s15, $0x4;
	vm6 =	veq.s32 v14, v10;
	v3 =	vmax.f32 v1, v3  }
0xc0: {  	v8 =	vld.idx.msk [tilespmem:v10+s20+$0x0], $0xffff;
	v1 =	vsel vm6, v1, v3;
	v3 =	vor.u32 s1, v24  }
0xc1: {  	vm7 =	veq.s32 v12, v10;
	v5 =	vmax.f32 v1, v5  }
0xc2: {  	vm8 =	veq.s32 v6, v10;
	v1 =	vsel vm7, v1, v5  }
0xc3: {  	vm9 =	veq.s32 v9, v10;
	v9 =	vld [tilespmem:$0x1FFD0];
	v62 =	vadd.s32 $0x800, v10;
	v5 =	vmax.f32 v1, v7  }
0xc4: {  	v1 =	vsel vm8, v1, v5  }
0xc5: {  	[tilespmem:v3+s30+$0x0] =	vst.idx.msk $0xffff, v8;
	v3 =	vmax.f32 v1, v11  }
0xc6: {  	v1 =	vsel vm9, v1, v3  }
0xc7: {  	vm10 =	veq.s32 v4, v10;
	v0 =	vmax.f32 v1, v0  }
0xc8: {  	v5 =	vld.idx.msk [tilespmem:v62+s20+$0x0], $0xffff;
	v3 =	vadd.s32 s1, v9;
	v0 =	vsel vm10, v1, v0  }
0xc9: {  	vm11 =	veq.s32 v2, v10;
	v1 =	vmax.f32 v0, v19  }
0xca: {  	v0 =	vsel vm11, v0, v1;
	v1 =	vld [tilespmem:$0x1FF20];
	_ =	sdelay $0x1  }
0xcb: {  	v4 =	vadd.s32 $0x1000, v10;
	v11 =	vld [tilespmem:$0x1FFE0]  }
0xcc: {  	[tilespmem:v3+s30+$0x0] =	vst.idx.msk $0xffff, v5;
	v3 =	vld [tilespmem:$0x1FF30];
	_ =	sdelay $0x1  }
0xcd: {  	vm13 =	veq.s32 v13, v45;
	vm12 =	veq.s32 v1, v45  }
0xce: {  	v1 =	vsel vm13, v0, v22;
	v2 =	vsel vm12, v0, v27  }
0xcf: {  	v1 =	vmax.f32 v1, v2;
	v2 =	vld.idx.msk [tilespmem:v4+s20+$0x0], $0xffff  }
0xd0: {  	vm14 =	veq.s32 v3, v45;
	v3 =	vadd.s32 s1, v11;
	v4 =	vld [tilespmem:$0x1FF40];
	_ =	sdelay $0x3  }
0xd1: {  	v63 =	vld [tilespmem:$0x1FFF0]  }
0xd2: {  	vm15 =	veq.s32 v4, v45;
	v4 =	vadd.s32 $0x1800, v10;
	[tilespmem:v3+s30+$0x0] =	vst.idx.msk $0xffff, v2;
	v2 =	vld [tilespmem:$0x1FF50];
	_ =	sdelay $0x1  }
0xd3: {  	vm4 =	veq.s32 v17, v45;
	vm5 =	veq.s32 v18, v45;
	v5 =	vsel vm14, v0, v16  }
0xd4: {  	vm7 =	veq.s32 v20, v45;
	v1 =	vmax.f32 v1, v5;
	v5 =	vsel vm15, v0, v25  }
0xd5: {  	v3 =	vadd.s32 s1, v63;
	v1 =	vmax.f32 v1, v5;
	v5 =	vsel vm4, v0, v28  }
0xd6: {  	v1 =	vmax.f32 v1, v5;
	v5 =	vsel vm5, v0, v32;
	vm6 =	veq.s32 v2, v45;
	v2 =	vld.idx.msk [tilespmem:v4+s20+$0x0], $0xffff  }
0xd7: {  	vm8 =	veq.s32 v21, v45;
	v1 =	vmax.f32 v1, v5;
	v4 =	vsel vm6, v0, v31  }
0xd8: {  	vm9 =	veq.s32 v23, v45;
	v1 =	vmax.f32 v1, v4;
	v4 =	vsel vm7, v0, v34  }
0xd9: {  	vm10 =	veq.s32 v26, v45;
	v1 =	vmax.f32 v1, v4;
	v4 =	vsel vm8, v0, v36  }
0xda: {  	vm11 =	veq.s32 v30, v45;
	v1 =	vmax.f32 v1, v4;
	v4 =	vsel vm9, v0, v38  }
0xdb: {  	v1 =	vmax.f32 v1, v4;
	[tilespmem:v3+s30+$0x0] =	vst.idx.msk $0xffff, v2;
	v2 =	vshll.u32 v10, $0x4;
	v3 =	vsel vm10, v0, v39  }
0xdc: {  	v1 =	vmax.f32 v1, v3;
	v2 =	vor.u32 v24, v2;
	v3 =	vsel vm11, v0, v40  }
0xdd: {  	vm12 =	veq.s32 v29, v45;
	v1 =	vmax.f32 v1, v3;
	v3 =	vor.u32 v24, v46  }
0xde: {  	vm13 =	veq.s32 v33, v45;
	vm14 =	veq.s32 v35, v45;
	v4 =	vsel vm12, v0, v41  }
0xdf: {  	v6 =	vld [tilespmem:$0x1FFB0];
	v5 =	vadd.s32 v24, v13;
	v1 =	vmax.f32 v1, v4;
	v4 =	vsel vm13, v0, v42  }
0xe0: {  	p0 =	sne.s32 s15, $0x27;
	v7 =	vld [tilespmem:$0x1FFC0];
	v10 =	vimm.f32 $-Inf;
	v1 =	vmax.f32 v1, v4;
	v4 =	vsel vm14, v0, v43  }
.Ltmp0:
0xe1: {  	vm15 =	veq.s32 v37, v45;
	v1 =	vmax.f32 v1, v4;
	v4 =	vld [tilespmem:$0x1FF90];
	[tilespmem:v2+s3+$0x0] =	vst.idx.msk $0xffff, v10;
	(pc) =	sbr.rel @p0 .LBB2_3-.Ltmp0, $4  }
0xe2: {  	v2 =	vsel vm15, v0, v44;
	[tilespmem:v3+s24+$0x0] =	vst.idx.msk $0xffff, v0;
	v3 =	vld [tilespmem:$0x1FF80]  }
0xe3: {  	v0 =	vmax.f32 v1, v2;
	v2 =	vld [tilespmem:$0x1FF70]  }
0xe4: {  	v1 =	vld [tilespmem:$0x1FF60]  }
0xe5: {  	s15 =	sadd.s32 $0x1, s15;
	v8 =	vimm.s32 $0x0;
	[tilespmem:v5+s25+$0x0] =	vst.idx.msk $0xffff, v0;
	v5 =	vld [tilespmem:$0x1FFA0]  }
0xe6: {  	s1 =	sadd.s32 s16, s14  }
0xe7: {  	s1 =	sshll.u32 s1, $0x4  }
0xe8: {  	s1 =	sadd.s32 s17, s1  }
0xe9: {  	s1 =	sshrl.u32 s1, $0x3  }
0xea: {  	s19 =	smin.u32 s14, $0xD;
	s1 =	sadd.s32 s6, s1  }
0xeb: {  	[hbm4b:s1+s22] =	stream.strided.scatter [tilespmem:s30], [sflag:$0x3], $0xA00, s31, s22, $0x38;
	[tilespmem:$0x13B00] =	vst v63  }
0xec: {  	s1 =	sadd.s32 s19, s18  }
0xed: {  	s2 =	sshrl.u32 s1, $0x3  }
0xee: {  	s15 =	sshrl.u32 s1, $0x7;
	s19 =	sand.u32 $0xF, s2  }
0xef: {  	s1 =	sshll.u32 s1, $0x4;
	s10 =	sshll.u32 s15, $0x16;
	s2 =	sshll.u32 s19, $0x12  }
0xf0: {  	s1 =	sand.u32 $0x70, s1;
	s2 =	sor.u32 s10, s2  }
0xf1: {  	_ =	swait.ge [sflag:s21], $0xA00;
	s2 =	sor.u32 s1, s2  }
0xf2: {  	[sflag:s21] =	ssyncset.done $0x0;
	s2 =	sshrl.u32 s2, $0x3  }
0xf3: {  	s14 =	simm.s32 $0x0;
	[sflag:s21] =	ssyncadd.s32 $0xFFFFF600;
	s2 =	sadd.s32 s4, s2  }
0xf4: {  	[tilespmem:s14], [sflag:$0x1] =	stream.strided.gather [hbm4b:s2+s22], $0x8000, s23, s22, $0x38;
	[tilespmem:$0x13B00] =	vst v63  }
0xf5: {  	s10 =	sshll.u32 s19, $0xE;
	s2 =	sshll.u32 s15, $0x12  }
0xf6: {  	s2 =	sor.u32 s2, s10  }
0xf7: {  	s2 =	sor.u32 s1, s2  }
0xf8: {  	s2 =	sshrl.u32 s2, $0x3  }
0xf9: {  	s19 =	sshll.u32 s19, $0xA;
	s15 =	sshll.u32 s15, $0xE;
	s2 =	sadd.s32 s11, s2  }
0xfa: {  	[tilespmem:s24], [sflag:$0x1] =	stream.strided.gather [hbm4b:s2+s22], $0x800, s23, s22, $0x38;
	[tilespmem:$0x13B00] =	vst v63  }
0xfb: {  	s2 =	sor.u32 s15, s19  }
0xfc: {  	s1 =	sor.u32 s1, s2  }
0xfd: {  	s1 =	sshrl.u32 s1, $0x3  }
0xfe: {  	s1 =	sadd.s32 s5, s1  }
0xff: {  	[tilespmem:s25], [sflag:$0x1] =	stream.strided.gather [hbm4b:s1+s22], $0x80, s23, s22, $0x38;
	[tilespmem:$0x13B00] =	vst v63  }
0x100: {  	_ =	swait.ge [sflag:s0], $0x8000  }
0x101: {  	[sflag:s0] =	ssyncset.done $0x0  }
0x102: {  	[sflag:s0] =	ssyncadd.s32 $0xFFFF8000  }
0x103: {  	_ =	swait.ge [sflag:s0], $0x800  }
0x104: {  	[sflag:s0] =	ssyncset.done $0x0  }
0x105: {  	[sflag:s0] =	ssyncadd.s32 $0xFFFFF800  }
0x106: {  	_ =	swait.ge [sflag:s0], $0x80  }
0x107: {  	[sflag:s0] =	ssyncset.done $0x0  }
0x108: {  	[sflag:s0] =	ssyncadd.s32 $0xFFFFFF80  }
.LBB2_5:
0x109: {  	v1 =	vld [tilespmem:$0x1FF60];
	_ =	sdelay $0x1  }
0x10a: {  	v2 =	vld [tilespmem:$0x1FF70];
	_ =	sdelay $0x1  }
0x10b: {  	v3 =	vld [tilespmem:$0x1FF80];
	_ =	sdelay $0x2  }
0x10c: {  	v0 =	vld.idx.msk [tilespmem:v24+s29+$0x0], $0xffff  }
0x10d: {  	v1 =	vld.idx.msk [tilespmem:v1+s29+$0x0], $0xffff;
	_ =	sdelay $0x1  }
0x10e: {  	v2 =	vld.idx.msk [tilespmem:v2+s29+$0x0], $0xffff;
	_ =	sdelay $0x1  }
0x10f: {  	v3 =	vld.idx.msk [tilespmem:v3+s29+$0x0], $0xffff  }
0x110: {  	vm0 =	vgt.f32 v1, v0  }
0x111: {  	v0 =	vsel vm0, v1, v0;
	v1 =	vld.idx.msk [tilespmem:v4+s29+$0x0], $0xffff  }
0x112: {  	vm1 =	vgt.f32 v2, v0  }
0x113: {  	v0 =	vsel vm1, v2, v0;
	v2 =	vld.idx.msk [tilespmem:v5+s29+$0x0], $0xffff  }
0x114: {  	vm2 =	vgt.f32 v3, v0  }
0x115: {  	v0 =	vsel vm2, v3, v0;
	v3 =	vld.idx.msk [tilespmem:v6+s29+$0x0], $0xffff  }
0x116: {  	vm3 =	vgt.f32 v1, v0  }
0x117: {  	v4 =	vsel vm0, $0x10, v8;
	v0 =	vsel vm3, v1, v0;
	v1 =	vld.idx.msk [tilespmem:v7+s29+$0x0], $0xffff  }
0x118: {  	v4 =	vsel vm1, $0x20, v4;
	vm6 =	vgt.f32 v2, v0  }
0x119: {  	v0 =	vsel vm6, v2, v0;
	v2 =	vsel vm2, $0x30, v4  }
0x11a: {  	vm7 =	vgt.f32 v3, v0;
	v2 =	vsel vm3, $0x40, v2  }
0x11b: {  	v0 =	vsel vm7, v3, v0;
	v2 =	vsel vm6, $0x50, v2  }
0x11c: {  	vm8 =	vgt.f32 v1, v0;
	v0 =	vsel vm7, $0x60, v2  }
0x11d: {  	v13 =	vsel vm8, $0x70, v0  }
0x11e: {  	v1 =	vshll.u32 v13, $0x4;
	v17 =	vadd.s32 $0x1, v13  }
0x11f: {  	v1 =	vor.u32 v24, v1;
	v2 =	vshll.u32 v17, $0x4  }
0x120: {  	v7 =	vadd.s32 $0x2, v13;
	v2 =	vor.u32 v24, v2  }
0x121: {  	v3 =	vshll.u32 v7, $0x4  }
0x122: {  	v44 =	vadd.s32 $0x3, v13;
	v3 =	vor.u32 v24, v3  }
0x123: {  	v4 =	vshll.u32 v44, $0x4  }
0x124: {  	v8 =	vadd.s32 $0x4, v13;
	v4 =	vor.u32 v24, v4;
	v15 =	vld.idx.msk [tilespmem:v1+s28+$0x0], $0xffff  }
0x125: {  	v1 =	vshll.u32 v8, $0x4;
	v27 =	vld.idx.msk [tilespmem:v2+s28+$0x0], $0xffff  }
0x126: {  	v18 =	vadd.s32 $0x5, v13;
	v2 =	vor.u32 v24, v1  }
0x127: {  	v16 =	vld.idx.msk [tilespmem:v3+s28+$0x0], $0xffff;
	v3 =	vshll.u32 v18, $0x4  }
0x128: {  	v0 =	vadd.s32 $0x6, v13;
	v3 =	vor.u32 v24, v3  }
0x129: {  	v25 =	vld.idx.msk [tilespmem:v4+s28+$0x0], $0xffff;
	v4 =	vshll.u32 v0, $0x4  }
0x12a: {  	v20 =	vadd.s32 $0x7, v13;
	v4 =	vor.u32 v24, v4;
	vm9 =	vgt.f32 v27, v15  }
0x12b: {  	v28 =	vld.idx.msk [tilespmem:v2+s28+$0x0], $0xffff;
	v2 =	vshll.u32 v20, $0x4;
	v5 =	vsel vm9, v27, v15  }
0x12c: {  	v21 =	vadd.s32 $0x8, v13;
	v2 =	vor.u32 v24, v2;
	vm10 =	vgt.f32 v16, v5  }
0x12d: {  	v32 =	vld.idx.msk [tilespmem:v3+s28+$0x0], $0xffff;
	v3 =	vshll.u32 v21, $0x4;
	v5 =	vsel vm10, v16, v5  }
0x12e: {  	v23 =	vadd.s32 $0x9, v13;
	v3 =	vor.u32 v24, v3;
	vm11 =	vgt.f32 v25, v5  }
0x12f: {  	v31 =	vld.idx.msk [tilespmem:v4+s28+$0x0], $0xffff;
	v4 =	vshll.u32 v23, $0x4;
	v5 =	vsel vm11, v25, v5  }
0x130: {  	v26 =	vadd.s32 $0xA, v13;
	v4 =	vor.u32 v24, v4;
	vm12 =	vgt.f32 v28, v5  }
0x131: {  	v34 =	vld.idx.msk [tilespmem:v2+s28+$0x0], $0xffff;
	v2 =	vshll.u32 v26, $0x4;
	v5 =	vsel vm12, v28, v5  }
0x132: {  	v30 =	vadd.s32 $0xB, v13;
	v2 =	vor.u32 v24, v2;
	vm4 =	vgt.f32 v32, v5  }
0x133: {  	v36 =	vld.idx.msk [tilespmem:v3+s28+$0x0], $0xffff;
	v3 =	vshll.u32 v30, $0x4;
	v5 =	vsel vm4, v32, v5  }
0x134: {  	v29 =	vadd.s32 $0xC, v13;
	v3 =	vor.u32 v24, v3;
	vm5 =	vgt.f32 v31, v5  }
0x135: {  	v38 =	vld.idx.msk [tilespmem:v4+s28+$0x0], $0xffff;
	v4 =	vshll.u32 v29, $0x4;
	v5 =	vsel vm5, v31, v5  }
0x136: {  	v33 =	vadd.s32 $0xD, v13;
	v4 =	vor.u32 v24, v4;
	vm6 =	vgt.f32 v34, v5  }
0x137: {  	v35 =	vadd.s32 $0xE, v13;
	v39 =	vld.idx.msk [tilespmem:v2+s28+$0x0], $0xffff;
	v2 =	vshll.u32 v33, $0x4;
	v5 =	vsel vm6, v34, v5  }
0x138: {  	v37 =	vadd.s32 $0xF, v13;
	v2 =	vor.u32 v24, v2;
	vm13 =	vgt.f32 v36, v5  }
0x139: {  	v6 =	vsel vm9, v17, v13;
	v40 =	vld.idx.msk [tilespmem:v3+s28+$0x0], $0xffff;
	v3 =	vshll.u32 v35, $0x4;
	v5 =	vsel vm13, v36, v5  }
0x13a: {  	v6 =	vsel vm10, v7, v6;
	v3 =	vor.u32 v24, v3;
	vm14 =	vgt.f32 v38, v5  }
0x13b: {  	v6 =	vsel vm11, v44, v6;
	v41 =	vld.idx.msk [tilespmem:v4+s28+$0x0], $0xffff;
	v4 =	vshll.u32 v37, $0x4;
	v5 =	vsel vm14, v38, v5  }
0x13c: {  	v6 =	vsel vm12, v8, v6;
	v4 =	vor.u32 v24, v4;
	vm15 =	vgt.f32 v39, v5  }
0x13d: {  	v6 =	vsel vm4, v18, v6;
	v42 =	vld.idx.msk [tilespmem:v2+s28+$0x0], $0xffff;
	v5 =	vsel vm15, v39, v5  }
0x13e: {  	v2 =	vsel vm5, v0, v6;
	vm7 =	vgt.f32 v40, v5  }
0x13f: {  	v2 =	vsel vm6, v20, v2;
	v43 =	vld.idx.msk [tilespmem:v3+s28+$0x0], $0xffff;
	v5 =	vsel vm7, v40, v5  }
0x140: {  	v2 =	vsel vm13, v21, v2;
	vm8 =	vgt.f32 v41, v5  }
0x141: {  	[tilespmem:$0x1FF00] =	vst v0;
	v0 =	vld.idx.msk [tilespmem:v4+s28+$0x0], $0xffff;
	v2 =	vsel vm14, v23, v2;
	v3 =	vsel vm8, v41, v5  }
0x142: {  	v2 =	vsel vm15, v26, v2;
	vm9 =	vgt.f32 v42, v3  }
0x143: {  	v2 =	vsel vm7, v30, v2;
	v3 =	vsel vm9, v42, v3  }
0x144: {  	v2 =	vsel vm8, v29, v2;
	vm10 =	vgt.f32 v43, v3  }
0x145: {  	v2 =	vsel vm9, v33, v2;
	v3 =	vsel vm10, v43, v3  }
0x146: {  	v2 =	vsel vm10, v35, v2;
	vm11 =	vgt.f32 v0, v3  }
0x147: {  	v45 =	vsel vm11, v37, v2  }
0x148: {  	v46 =	vshll.u32 v45, $0x4  }
0x149: {  	v2 =	vshll.u32 v45, $0x8;
	v5 =	vor.u32 $0x1, v46  }
0x14a: {  	v2 =	vor.u32 v24, v2;
	v4 =	vshll.u32 v5, $0x4  }
0x14b: {  	v14 =	vor.u32 $0x2, v46;
	v4 =	vor.u32 v24, v4  }
0x14c: {  	v6 =	vshll.u32 v14, $0x4  }
0x14d: {  	[tilespmem:$0x1FEE0] =	vst v7;
	v7 =	vor.u32 $0x3, v46;
	v6 =	vor.u32 v24, v6  }
0x14e: {  	[tilespmem:$0x1FEF0] =	vst v8;
	v8 =	vshll.u32 v7, $0x4  }
0x14f: {  	v9 =	vor.u32 $0x4, v46;
	v8 =	vor.u32 v24, v8;
	v3 =	vld.idx.msk [tilespmem:v2+s26+$0x0], $0xffff  }
0x150: {  	v10 =	vshll.u32 v9, $0x4;
	v4 =	vld.idx.msk [tilespmem:v4+s26+$0x0], $0xffff  }
0x151: {  	v11 =	vor.u32 $0x5, v46;
	v10 =	vor.u32 v24, v10  }
0x152: {  	v12 =	vshll.u32 v11, $0x4;
	v6 =	vld.idx.msk [tilespmem:v6+s26+$0x0], $0xffff  }
0x153: {  	v19 =	vor.u32 $0x6, v46;
	v12 =	vor.u32 v24, v12  }
0x154: {  	v47 =	vshll.u32 v19, $0x4;
	v8 =	vld.idx.msk [tilespmem:v8+s26+$0x0], $0xffff  }
0x155: {  	v48 =	vor.u32 $0x7, v46;
	v47 =	vor.u32 v24, v47;
	vm12 =	vgt.f32 v4, v3  }
0x156: {  	v50 =	vshll.u32 v48, $0x4;
	v10 =	vld.idx.msk [tilespmem:v10+s26+$0x0], $0xffff;
	v49 =	vsel vm12, v4, v3  }
0x157: {  	v51 =	vor.u32 $0x8, v46;
	v50 =	vor.u32 v24, v50;
	vm13 =	vgt.f32 v6, v49  }
0x158: {  	v52 =	vshll.u32 v51, $0x4;
	v12 =	vld.idx.msk [tilespmem:v12+s26+$0x0], $0xffff;
	v49 =	vsel vm13, v6, v49  }
0x159: {  	v53 =	vor.u32 $0x9, v46;
	v52 =	vor.u32 v24, v52;
	vm14 =	vgt.f32 v8, v49  }
0x15a: {  	v54 =	vshll.u32 v53, $0x4;
	v47 =	vld.idx.msk [tilespmem:v47+s26+$0x0], $0xffff;
	v49 =	vsel vm14, v8, v49  }
0x15b: {  	v55 =	vor.u32 $0xA, v46;
	v54 =	vor.u32 v24, v54;
	vm15 =	vgt.f32 v10, v49  }
0x15c: {  	v56 =	vshll.u32 v55, $0x4;
	v50 =	vld.idx.msk [tilespmem:v50+s26+$0x0], $0xffff;
	v49 =	vsel vm15, v10, v49  }
0x15d: {  	v57 =	vor.u32 $0xB, v46;
	v56 =	vor.u32 v24, v56;
	vm9 =	vgt.f32 v12, v49  }
0x15e: {  	v58 =	vshll.u32 v57, $0x4;
	v52 =	vld.idx.msk [tilespmem:v52+s26+$0x0], $0xffff;
	v49 =	vsel vm9, v12, v49  }
0x15f: {  	v59 =	vor.u32 $0xC, v46;
	v58 =	vor.u32 v24, v58;
	vm10 =	vgt.f32 v47, v49  }
0x160: {  	v61 =	vor.u32 $0xD, v46;
	v60 =	vshll.u32 v59, $0x4;
	v54 =	vld.idx.msk [tilespmem:v54+s26+$0x0], $0xffff;
	v49 =	vsel vm10, v47, v49  }
0x161: {  	v63 =	vshll.u32 v61, $0x4;
	v60 =	vor.u32 v24, v60;
	vm11 =	vgt.f32 v50, v49  }
0x162: {  	v63 =	vor.u32 v24, v63;
	v56 =	vld.idx.msk [tilespmem:v56+s26+$0x0], $0xffff;
	v49 =	vsel vm11, v50, v49  }
0x163: {  	v2 =	vor.u32 $0xE, v46;
	v62 =	vsel vm12, v5, v46;
	vm12 =	vgt.f32 v52, v49  }
0x164: {  	[tilespmem:$0x1FF10] =	vst v0;
	v1 =	vor.u32 $0xF, v46;
	v0 =	vshll.u32 v2, $0x4;
	v58 =	vld.idx.msk [tilespmem:v58+s26+$0x0], $0xffff;
	v49 =	vsel vm12, v52, v49  }
0x165: {  	v0 =	vor.u32 v24, v0;
	v62 =	vsel vm13, v14, v62;
	vm13 =	vgt.f32 v54, v49  }
0x166: {  	v22 =	vshll.u32 v1, $0x4;
	v60 =	vld.idx.msk [tilespmem:v60+s26+$0x0], $0xffff;
	v62 =	vsel vm14, v7, v62;
	v49 =	vsel vm13, v54, v49  }
0x167: {  	v22 =	vor.u32 v24, v22;
	v62 =	vsel vm15, v9, v62;
	vm14 =	vgt.f32 v56, v49  }
0x168: {  	v63 =	vld.idx.msk [tilespmem:v63+s26+$0x0], $0xffff;
	v62 =	vsel vm9, v11, v62;
	v49 =	vsel vm14, v56, v49  }
0x169: {  	v62 =	vsel vm10, v19, v62;
	vm15 =	vgt.f32 v58, v49  }
0x16a: {  	v0 =	vld.idx.msk [tilespmem:v0+s26+$0x0], $0xffff;
	v62 =	vsel vm11, v48, v62;
	v49 =	vsel vm15, v58, v49  }
0x16b: {  	v62 =	vsel vm12, v51, v62;
	vm5 =	vgt.f32 v60, v49  }
0x16c: {  	v22 =	vld.idx.msk [tilespmem:v22+s26+$0x0], $0xffff;
	v62 =	vsel vm13, v53, v62;
	v49 =	vsel vm5, v60, v49  }
0x16d: {  	v62 =	vsel vm14, v55, v62;
	vm6 =	vgt.f32 v63, v49  }
0x16e: {  	v62 =	vsel vm15, v57, v62;
	v49 =	vsel vm6, v63, v49  }
0x16f: {  	v62 =	vsel vm5, v59, v62;
	vm7 =	vgt.f32 v0, v49  }
0x170: {  	v62 =	vsel vm6, v61, v62;
	v49 =	vsel vm7, v0, v49  }
0x171: {  	v62 =	vsel vm7, v2, v62;
	vm8 =	vgt.f32 v22, v49  }
0x172: {  	v49 =	vsel vm8, v1, v62  }
0x173: {  	vm0 =	veq.s32 v5, v49  }
0x174: {  	v4 =	vsel vm0, $0xFF800000, v4  }
0x175: {  	vm9 =	veq.s32 v46, v49;
	v3 =	vmax.f32 v3, v4  }
0x176: {  	v3 =	vsel vm9, v4, v3  }
0x177: {  	vm10 =	veq.s32 v14, v49;
	v4 =	vmax.f32 v3, v6  }
0x178: {  	v3 =	vsel vm10, v3, v4  }
0x179: {  	vm11 =	veq.s32 v7, v49;
	v4 =	vmax.f32 v3, v8  }
0x17a: {  	v3 =	vsel vm11, v3, v4  }
0x17b: {  	vm12 =	veq.s32 v9, v49;
	v4 =	vmax.f32 v3, v10  }
0x17c: {  	v3 =	vsel vm12, v3, v4  }
0x17d: {  	vm13 =	veq.s32 v11, v49;
	v4 =	vmax.f32 v3, v12  }
0x17e: {  	v3 =	vsel vm13, v3, v4  }
0x17f: {  	vm14 =	veq.s32 v19, v49;
	v4 =	vmax.f32 v3, v47  }
0x180: {  	v3 =	vsel vm14, v3, v4  }
0x181: {  	vm15 =	veq.s32 v48, v49;
	v4 =	vmax.f32 v3, v50  }
0x182: {  	v3 =	vsel vm15, v3, v4  }
0x183: {  	vm4 =	veq.s32 v51, v49;
	v4 =	vmax.f32 v3, v52  }
0x184: {  	v3 =	vsel vm4, v3, v4  }
0x185: {  	vm5 =	veq.s32 v53, v49;
	v4 =	vmax.f32 v3, v54  }
0x186: {  	v3 =	vsel vm5, v3, v4  }
0x187: {  	s1 =	sshll.u32 s14, $0x4;
	vm6 =	veq.s32 v55, v49;
	v4 =	vmax.f32 v3, v56  }
0x188: {  	v5 =	vld.idx.msk [tilespmem:v49+s20+$0x0], $0xffff;
	v3 =	vsel vm6, v3, v4;
	v4 =	vor.u32 s1, v24  }
0x189: {  	vm7 =	veq.s32 v57, v49;
	v7 =	vmax.f32 v3, v58  }
0x18a: {  	v3 =	vsel vm7, v3, v7  }
0x18b: {  	vm8 =	veq.s32 v59, v49;
	v7 =	vmax.f32 v3, v60  }
0x18c: {  	v3 =	vsel vm8, v3, v7  }
0x18d: {  	vm9 =	veq.s32 v61, v49;
	[tilespmem:v4+s30+$0x0] =	vst.idx.msk $0xffff, v5;
	v4 =	vmax.f32 v3, v63  }
0x18e: {  	v9 =	vld [tilespmem:$0x1FFD0];
	v6 =	vadd.s32 $0x800, v49;
	v3 =	vsel vm9, v3, v4  }
0x18f: {  	vm10 =	veq.s32 v2, v49;
	v0 =	vmax.f32 v3, v0  }
0x190: {  	v0 =	vsel vm10, v3, v0  }
0x191: {  	vm11 =	veq.s32 v1, v49;
	v1 =	vmax.f32 v0, v22  }
0x192: {  	v11 =	vld [tilespmem:$0x1FFE0];
	vm12 =	veq.s32 v17, v45;
	vm13 =	veq.s32 v13, v45;
	v0 =	vsel vm11, v0, v1  }
0x193: {  	v5 =	vld.idx.msk [tilespmem:v6+s20+$0x0], $0xffff;
	v4 =	vadd.s32 s1, v9;
	v1 =	vsel vm13, v0, v15;
	v3 =	vsel vm12, v0, v27  }
0x194: {  	v2 =	vadd.s32 $0x1000, v49;
	v1 =	vmax.f32 v1, v3;
	v3 =	vld [tilespmem:$0x1FEE0];
	_ =	sdelay $0x3  }
0x195: {  	[tilespmem:v4+s30+$0x0] =	vst.idx.msk $0xffff, v5  }
0x196: {  	v2 =	vld.idx.msk [tilespmem:v2+s20+$0x0], $0xffff;
	vm14 =	veq.s32 v3, v45;
	v3 =	vadd.s32 s1, v11;
	_ =	sdelay $0x3  }
0x197: {  	v62 =	vld [tilespmem:$0x1FFF0]  }
0x198: {  	v4 =	vadd.s32 $0x1800, v49;
	[tilespmem:v3+s30+$0x0] =	vst.idx.msk $0xffff, v2;
	v2 =	vld [tilespmem:$0x1FF00]  }
0x199: {  	v5 =	vsel vm14, v0, v16  }
0x19a: {  	v1 =	vmax.f32 v1, v5;
	v5 =	vld [tilespmem:$0x1FEF0];
	_ =	sdelay $0x2  }
0x19b: {  	v3 =	vadd.s32 s1, v62;
	vm6 =	veq.s32 v2, v45;
	v2 =	vld.idx.msk [tilespmem:v4+s20+$0x0], $0xffff  }
0x19c: {  	v10 =	vimm.f32 $-Inf;
	vm15 =	veq.s32 v44, v45  }
0x19d: {  	vm5 =	veq.s32 v18, v45;
	vm4 =	veq.s32 v5, v45;
	v5 =	vsel vm15, v0, v25  }
0x19e: {  	vm7 =	veq.s32 v20, v45;
	v1 =	vmax.f32 v1, v5;
	v5 =	vsel vm4, v0, v28  }
0x19f: {  	vm8 =	veq.s32 v21, v45;
	v1 =	vmax.f32 v1, v5;
	v5 =	vsel vm5, v0, v32  }
0x1a0: {  	v1 =	vmax.f32 v1, v5;
	v4 =	vsel vm6, v0, v31;
	[tilespmem:v3+s30+$0x0] =	vst.idx.msk $0xffff, v2;
	v2 =	vshll.u32 v49, $0x4  }
0x1a1: {  	v1 =	vmax.f32 v1, v4;
	v4 =	vsel vm7, v0, v34;
	v2 =	vor.u32 v24, v2  }
0x1a2: {  	vm9 =	veq.s32 v23, v45;
	v1 =	vmax.f32 v1, v4;
	v4 =	vsel vm8, v0, v36  }
0x1a3: {  	vm10 =	veq.s32 v26, v45;
	v1 =	vmax.f32 v1, v4;
	v4 =	vsel vm9, v0, v38  }
0x1a4: {  	vm11 =	veq.s32 v30, v45;
	v1 =	vmax.f32 v1, v4;
	v3 =	vsel vm10, v0, v39  }
0x1a5: {  	vm12 =	veq.s32 v29, v45;
	v1 =	vmax.f32 v1, v3;
	v3 =	vsel vm11, v0, v40  }
0x1a6: {  	v1 =	vmax.f32 v1, v3;
	v3 =	vor.u32 v24, v46;
	[tilespmem:v2+s26+$0x0] =	vst.idx.msk $0xffff, v10;
	v2 =	vld [tilespmem:$0x1FF10]  }
0x1a7: {  	vm13 =	veq.s32 v33, v45;
	v4 =	vsel vm12, v0, v41  }
0x1a8: {  	v7 =	vld [tilespmem:$0x1FFC0];
	vm14 =	veq.s32 v35, v45;
	v1 =	vmax.f32 v1, v4;
	v4 =	vsel vm13, v0, v42  }
0x1a9: {  	p0 =	sne.s32 s14, $0x27;
	v6 =	vld [tilespmem:$0x1FFB0];
	v5 =	vadd.s32 v24, v13;
	v1 =	vmax.f32 v1, v4;
	v4 =	vsel vm14, v0, v43  }
.Ltmp1:
0x1aa: {  	vm15 =	veq.s32 v37, v45;
	v1 =	vmax.f32 v1, v4;
	v4 =	vld [tilespmem:$0x1FF90];
	(pc) =	sbr.rel @p0 .LBB2_5-.Ltmp1, $4  }
0x1ab: {  	[tilespmem:v3+s28+$0x0] =	vst.idx.msk $0xffff, v0;
	v3 =	vld [tilespmem:$0x1FF80];
	v2 =	vsel vm15, v0, v2  }
0x1ac: {  	v0 =	vmax.f32 v1, v2;
	v2 =	vld [tilespmem:$0x1FF70]  }
0x1ad: {  	v1 =	vld [tilespmem:$0x1FF60]  }
0x1ae: {  	s14 =	sadd.s32 $0x1, s14;
	v8 =	vimm.s32 $0x0;
	[tilespmem:v5+s29+$0x0] =	vst.idx.msk $0xffff, v0;
	v5 =	vld [tilespmem:$0x1FFA0]  }
0x1af: {  	s1 =	sadd.s32 s9, s13  }
0x1b0: {  	s1 =	sshll.u32 s1, $0x4  }
0x1b1: {  	s1 =	sand.u32 $0x7F0, s1  }
0x1b2: {  	s8 =	sadd.s32 $0x1, s8;
	s1 =	sor.u32 s17, s1  }
0x1b3: {  	p0 =	sne.s32 s8, $0x8;
	s1 =	sshrl.u32 s1, $0x3  }
.Ltmp2:
0x1b4: {  	s1 =	sadd.s32 s6, s1;
	(pc) =	sbr.rel @p0 .LBB2_2-.Ltmp2, $4  }
0x1b5: {  	[hbm4b:s1+s22] =	stream.strided.scatter [tilespmem:s30], [sflag:$0x3], $0xA00, s31, s22, $0x38;
	[tilespmem:$0x13B00] =	vst v63  }
0x1b6: {  	_ =	swait.ge [sflag:s21], $0xA00  }
0x1b7: {  	[sflag:s21] =	ssyncset.done $0x0  }
0x1b8: {  	[sflag:s21] =	ssyncadd.s32 $0xFFFFF600  }
0x1b9: {  	_ =	swait.ge [sflag:s7], $0x8000  }
0x1ba: {  	[sflag:s7] =	ssyncset.done $0x0  }
0x1bb: {  	[sflag:s7] =	ssyncadd.s32 $0xFFFF8000  }
0x1bc: {  	_ =	swait.ge [sflag:s7], $0x800  }
0x1bd: {  	[sflag:s7] =	ssyncset.done $0x0  }
0x1be: {  	[sflag:s7] =	ssyncadd.s32 $0xFFFFF800  }
0x1bf: {  	_ =	swait.ge [sflag:s7], $0x80  }
0x1c0: {  	s2 =	rddreg [dreg:$0xb]  }
0x1c1: {  	s1 =	rddreg [dreg:$0xa];
	s2 =	sadd.s32 $0x1, s2  }
0x1c2: {  	p0 =	sne.s32 s2, s1  }
.Ltmp3:
0x1c3: {  	_ = 	snop;
	(pc) =	sbr.rel @p0 .LBB2_1-.Ltmp3, $3  }
0x1c4: {  	_ =	sdelay $0x1  }
0x1c5: {  	[sflag:s7] =	ssyncset.done $0x0  }
0x1c6: {  	[sflag:s7] =	ssyncadd.s32 $0xFFFFFF80  }
0x1c7: {  	_ =	sfence.sel $0x180000  }
0x1c8: {  	[bflag:$0x0] =	sbarrier.arrive $0xFFFF  }
0x1c9: {  	_ =	strace $0x9000004A  }
0x1ca: {  	s0 =	stileid.u32;
	[bflag:$0x2] =	sbarrier.arrive $0xFFFF  }
0x1cb: {  	p0 =	sne.s32 s0, $0x0;
	s0 =	rddreg [dreg:$0x3]  }
0x1cc: {  	s0 =	sadd.s32 @!p0 $0x100000, s0  }
0x1cd: {  	[sflag:s0] =	ssyncadd.tile.s32 @!p0 $0x1;
	_ =	shalt  }
.Lfunc_end2:
_tile_overlayer_lowered:
.L_overlay_start_2:
0x1ce: {  	(tag) =	ssettag $0x2  }
0x1cf: {  	s0 =	rddreg [dreg:$0x0];
	s2 =	stileid.u32  }
0x1d0: {  	s1 =	rddreg [dreg:$0x1];
	p0 =	sne.s32 s2, $0x0  }
0x1d1: {  	s3 =	rddreg [dreg:$0x2];
	[bflag:$0x3] =	sbarrier.arrive $0xFFFF;
	s2 =	simm.s32 @!p0 $0x1C03  }
0x1d2: {  	[timem:s3], [sflag:s2] =	dma.local @!p0 [hbm:s0], s1  }
0x1d3: {  	s0 =	simm.s32 @!p0 $0x3  }
0x1d4: {  	_ =	swait.ge @!p0 [sflag:s0], s1  }
0x1d5: {  	s1 =	ssub.s32 @!p0 $0x0, s1;
	[sflag:s0] =	ssyncset.done @!p0 $0x0  }
0x1d6: {  	[sflag:s0] =	ssyncadd.s32 @!p0 s1  }
0x1d7: {  	[bflag:$0x3] =	sbarrier.arrive $0xFFFF  }
0x1d8: {  	_ =	shalt  }

// kernel: kernel.8.cloned.1.call-start
scs
__scs_entry_jumppad:
0x0: {  	(pc) =	sbr.rel $0x88, $3  }
0x1: {  	(tag) =	ssettag $0x0;
	lr =	simm.s32 $0x1  }
0x2: {  	[smem:$0x3F91] =	sst lr;
	_ =	strace $0xD0000000  }
0x3: {  	_ = 	snop  }
0x4: {  	_ = 	snop  }
0x5: {  	_ = 	snop  }
0x6: {  	_ = 	snop  }
0x7: {  	_ = 	snop  }
__scs_overlays_trampoline_lowered:
0x8: {  	[smem:$0x3FA0] =	sst s0  }
0x9: {  	[smem:$0x3FA1] =	sst s1  }
0xa: {  	[smem:$0x3FA2] =	sst s2  }
0xb: {  	[smem:$0x3FA3] =	sst s3  }
0xc: {  	[smem:$0x3FA4] =	sst s4  }
0xd: {  	[smem:$0x3FA5] =	sst s5  }
0xe: {  	[smem:$0x3FA6] =	sst s6  }
0xf: {  	[smem:$0x3FA7] =	sst s7  }
0x10: {  	[smem:$0x3FA8] =	sst s8  }
0x11: {  	[smem:$0x3FA9] =	sst s9;
	s0 =	simm.s32 @!p0 $0x0  }
0x12: {  	s1 =	sld [smem:$0x3F8F];
	s0 =	simm.s32 @p0 $0x1  }
0x13: {  	[smem:$0x3FAA] =	sst s0;
	s0 =	simm.s32 @!p1 $0x0  }
0x14: {  	s2 =	sld [smem:$0x3F8E];
	s0 =	simm.s32 @p1 $0x1  }
0x15: {  	[smem:$0x3FAB] =	sst s0;
	s0 =	simm.s32 @!p2 $0x0  }
0x16: {  	s3 =	sld [smem:$0x3FDB];
	s0 =	simm.s32 @p2 $0x1  }
0x17: {  	s4 =	simm.s32 $0x1BF5;
	[smem:$0x3FAD] =	sst s0  }
0x18: {  	s0 =	sld [smem:$0x3F90];
	_ =	swait.ge [sflag:s4], $0x0  }
0x19: {  	s7 =	sld [smem:$0x3F91]  }
0x1a: {  	s8 =	sadd.s32 $0xFFFFE003, lr  }
0x1b: {  	s9 =	sadd.s32 $0xFFFFFEF7, lr;
	s5 =	simm.s32 $0xFFFFFFFF;
	p2 =	slt.u32 s8, $0xFFFFF086  }
0x1c: {  	p1 =	slt.u32 s9, $0xF7A;
	s5 =	simm.s32 @!p2 $0x0  }
0x1d: {  	s5 =	simm.s32 @p1 $0x1;
	p0 =	seq.s32 s7, s2  }
0x1e: {  	s7 =	smul.u32 @!p0 $0xF7A, s2;
	p2 =	seq.s32 @!p0 s5, $0x0  }
0x1f: {  	s9 =	smul.u32 $0xF7A, s1;
	s8 =	simm.s32 @!p0 $0x1BF5;
	p2 =	por !p2, p0  }
0x20: {  	[sflag:s8] =	ssyncset.s32 @!p0 $0xFFFFF086;
	s6 =	sadd.s32 @!p0 s3, s7;
	s7 =	simm.s32 @!p0 $0x108  }
0x21: {  	s3 =	sadd.s32 s3, s9;
	s6 =	sadd.s32 @!p0 $0x88, s6;
	s7 =	simm.s32 @p2 $0x1082  }
0x22: {  	[simem:s7], [sflag:s8] =	dma.local @!p0 [hbm:s6], $0xF7A  }
0x23: {  	s9 =	sor.u32 $0xD0000000, s2;
	s6 =	simm.s32 $0x108;
	_ =	swait.ge @!p0 [sflag:s8], $0x0  }
0x24: {  	s3 =	sadd.s32 $0x88, s3;
	s6 =	simm.s32 @!p1 $0x1082;
	[sflag:s4] =	ssyncset.s32 $0xFFFFF086  }
0x25: {  	[simem:s6], [sflag:s4] =	dma.local [hbm:s3], $0xF7A  }
0x26: {  	[smem:$0x3F91] =	sst s1;
	(tag) =	ssettag s2;
	_ =	strace s9  }
0x27: {  	s1 =	sld [smem:$0x3FA1]  }
0x28: {  	s2 =	sld [smem:$0x3FA2]  }
0x29: {  	s4 =	sld [smem:$0x3FA4]  }
0x2a: {  	p0 =	seq.s32 s5, $0x0;
	s5 =	sld [smem:$0x3FA5]  }
0x2b: {  	s6 =	sld [smem:$0x3FA6]  }
0x2c: {  	s7 =	sld [smem:$0x3FA7]  }
0x2d: {  	s3 =	simm.s32 $0x108;
	s8 =	sld [smem:$0x3FA8]  }
0x2e: {  	s3 =	simm.s32 @!p0 $0x1082;
	s9 =	sld [smem:$0x3FA9]  }
0x2f: {  	lr =	sadd.s32 s0, s3;
	s0 =	sld [smem:$0x3FA0]  }
0x30: {  	s3 =	sld [smem:$0x3FA3]  }
0x31: {  	[smem:$0x3FAC] =	sst s10  }
0x32: {  	s10 =	sld [smem:$0x3FAA];
	_ =	sdelay $0x3  }
0x33: {  	p0 =	seq.s32 s10, $0x1;
	s10 =	sld [smem:$0x3FAC];
	_ =	sdelay $0x3  }
0x34: {  	[smem:$0x3FAC] =	sst s10  }
0x35: {  	s10 =	sld [smem:$0x3FAB];
	_ =	sdelay $0x3  }
0x36: {  	p1 =	seq.s32 s10, $0x1;
	s10 =	sld [smem:$0x3FAC];
	_ =	sdelay $0x3  }
0x37: {  	[smem:$0x3FAC] =	sst s10  }
0x38: {  	s10 =	sld [smem:$0x3FAD]  }
0x39: {  	_ = 	snop;
	(pc) =	sbr.ind lr, $3  }
0x3a: {  	_ = 	snop  }
0x3b: {  	_ = 	snop  }
0x3c: {  	p2 =	seq.s32 s10, $0x1;
	s10 =	sld [smem:$0x3FAC]  }
0x3d: {  	_ =	shalt  }
0x3e: {  	_ =	shalt  }
0x3f: {  	_ =	shalt  }
0x40: {  	_ =	shalt  }
0x41: {  	_ =	shalt  }
0x42: {  	_ =	shalt  }
0x43: {  	_ =	shalt  }
0x44: {  	_ =	shalt  }
0x45: {  	_ =	shalt  }
0x46: {  	_ =	shalt  }
0x47: {  	_ =	shalt  }
0x48: {  	_ =	shalt  }
0x49: {  	_ =	shalt  }
0x4a: {  	_ =	shalt  }
0x4b: {  	_ =	shalt  }
0x4c: {  	_ =	shalt  }
0x4d: {  	_ =	shalt  }
0x4e: {  	_ =	shalt  }
0x4f: {  	_ =	shalt  }
0x50: {  	_ =	shalt  }
0x51: {  	_ =	shalt  }
0x52: {  	_ =	shalt  }
0x53: {  	_ =	shalt  }
0x54: {  	_ =	shalt  }
0x55: {  	_ =	shalt  }
0x56: {  	_ =	shalt  }
0x57: {  	_ =	shalt  }
0x58: {  	_ =	shalt  }
0x59: {  	_ =	shalt  }
0x5a: {  	_ =	shalt  }
0x5b: {  	_ =	shalt  }
0x5c: {  	_ =	shalt  }
0x5d: {  	_ =	shalt  }
0x5e: {  	_ =	shalt  }
0x5f: {  	_ =	shalt  }
0x60: {  	_ =	shalt  }
0x61: {  	_ =	shalt  }
0x62: {  	_ =	shalt  }
0x63: {  	_ =	shalt  }
0x64: {  	_ =	shalt  }
0x65: {  	_ =	shalt  }
0x66: {  	_ =	shalt  }
0x67: {  	_ =	shalt  }
0x68: {  	_ =	shalt  }
0x69: {  	_ =	shalt  }
0x6a: {  	_ =	shalt  }
0x6b: {  	_ =	shalt  }
0x6c: {  	_ =	shalt  }
0x6d: {  	_ =	shalt  }
0x6e: {  	_ =	shalt  }
0x6f: {  	_ =	shalt  }
0x70: {  	_ =	shalt  }
0x71: {  	_ =	shalt  }
0x72: {  	_ =	shalt  }
0x73: {  	_ =	shalt  }
0x74: {  	_ =	shalt  }
0x75: {  	_ =	shalt  }
0x76: {  	_ =	shalt  }
0x77: {  	_ =	shalt  }
0x78: {  	_ =	shalt  }
0x79: {  	_ =	shalt  }
0x7a: {  	_ =	shalt  }
0x7b: {  	_ =	shalt  }
0x7c: {  	_ =	shalt  }
0x7d: {  	_ =	shalt  }
0x7e: {  	_ =	shalt  }
0x7f: {  	_ =	shalt  }
0x80: {  	_ =	shalt  }
0x81: {  	_ =	shalt  }
0x82: {  	_ =	shalt  }
0x83: {  	_ =	shalt  }
0x84: {  	_ =	shalt  }
0x85: {  	_ =	shalt  }
0x86: {  	_ =	shalt  }
0x87: {  	_ =	shalt  }
.Lfunc_end0:
.L_simem_size_0:
called_computation_lowered:
.L_overlay_start_0:
0x88: {  	s2 =	sld [smem:$0x3FD9]  }
0x89: {  	s3 =	sld [smem:$0x3FFE];
	_ =	sdelay $0x1  }
0x8a: {  	s1 =	srdreg.scid  }
0x8b: {  	s0 =	sand.u32 $0x1, s1  }
0x8c: {  	s16 =	sshll.u32 s0, $0xA;
	s2 =	sadd.s32 s3, s2  }
0x8d: {  	s2 =	sadd.s32 s2, s16  }
0x8e: {  	[smem:$0x3FB8] =	sst s2  }
0x8f: {  	_ = 	snop  }
0x90: {  	(tm) =	ssettm $0x1  }
0x91: {  	s17 =	sld [smem:$0x3FFB];
	_ =	sdelay $0x3  }
0x92: {  	_ =	strace s17  }
0x93: {  	s2 =	sld [smem:$0x3FFC];
	_ =	sdelay $0x3  }
0x94: {  	_ =	strace s2  }
0x95: {  	s2 =	sld [smem:$0x3FFD];
	_ =	sdelay $0x3  }
0x96: {  	_ =	strace s2  }
0x97: {  	_ =	strace $0x8FFFFFFF  }
0x98: {  	s18 =	sld [smem:$0x3FDB];
	_ =	sdelay $0x1  }
0x99: {  	s19 =	simm.s32 $_scs_section_size  }
0x9a: {  	s4 =	simm.s32 $_size__tile_overlayer_lowered;
	s5 =	simm.s32 $_tile_overlayer_lowered  }
0x9b: {  	s22 =	simm.s32 $0x1BFF;
	s21 =	sshll.u32 s5, $0x1;
	s2 =	sadd.s32 s19, s18  }
0x9c: {  	s6 =	simm.s32 $0x0;
	s20 =	sshll.u32 s4, $0x1;
	s4 =	sadd.s32 s21, s2  }
0x9d: {  	[timem:s6], [sflag:s22] =	dma.local [hbm:s4], s20  }
0x9e: {  	_ =	swait.ge [sflag:s22], s20  }
0x9f: {  	s3 =	ssub.s32 $0x0, s20;
	[sflag:s22] =	ssyncset.done $0x0  }
0xa0: {  	[sflag:s22] =	ssyncadd.s32 s3;
	_ =	sdelay $0x1  }
0xa1: {  	s23 =	simm.s32 $0x1B8B  }
0xa2: {  	_ =	swait.ge [sflag:s23], $0x1  }
0xa3: {  	[sflag:s23] =	ssyncset.done $0x0  }
0xa4: {  	s25 =	simm.s32 $0x1B8E;
	s24 =	sld [smem:$0x3FFE];
	[sflag:s23] =	ssyncadd.s32 $0xFFFFFFFF  }
0xa5: {  	s26 =	simm.s32 $execute0_lowered;
	[smem:$0x3FD2] =	sst s25  }
0xa6: {  	s4 =	sshll.u32 s26, $0x1;
	_ =	strace $0x80000046;
	[dreg:$0x1] =	wrdreg $0xFFFFFFFF  }
0xa7: {  	s28 =	simm.s32 $_size_execute0_lowered;
	s2 =	sadd.s32 s2, s4;
	[dreg:$0x0] =	wrdreg $0x0  }
0xa8: {  	s4 =	sshll.u32 s28, $0x1;
	[dreg:$0x2] =	wrdreg s2  }
0xa9: {  	[dreg:$0x3] =	wrdreg s4  }
0xaa: {  	[dreg:$0x4] =	wrdreg $0xC0  }
0xab: {  	_ =	task [dreg:s6], $0x5FFFF  }
0xac: {  	[dreg:$0x1] =	wrdreg $0xFFFFFFFF  }
0xad: {  	[dreg:$0x0] =	wrdreg $0x60  }
0xae: {  	[dreg:$0x2] =	wrdreg s24  }
0xaf: {  	[dreg:$0x3] =	wrdreg $0x9  }
0xb0: {  	_ =	task.clear_ibuf [dreg:s6], $0x4FFFF;
	_ =	strace $0x90000046  }
0xb1: {  	s29 =	simm.s32 $0x9;
	_ =	strace $0x80000048  }
0xb2: {  	_ =	swait.ge [sflag:s29], $0x1  }
0xb3: {  	[sflag:s29] =	ssyncadd.s32 $0xFFFFFFFF  }
0xb4: {  	_ =	strace $0x90000048  }
0xb5: {  	_ =	sfence  }
0xb6: {  	s30 =	sld [smem:$0x0];
	_ =	sdelay $0x2  }
0xb7: {  	s31 =	sshll.u32 s1, $0xD;
	s1 =	sshrl.u32 s1, $0x2  }
0xb8: {  	s3 =	sand.u32 $0x4000, s31;
	s1 =	sadd.s32 s1, s30  }
0xb9: {  	s0 =	sor.u32 s3, s0;
	s1 =	sshll.u32 s1, $0x11  }
0xba: {  	s0 =	sor.u32 s1, s0  }
0xbb: {  	s0 =	sadd.s32 $0x8F2B, s0  }
0xbc: {  	[sflag:s0] =	ssyncadd.remote.s32 $0x1  }
0xbd: {  	_ =	sfence.sel $0xFFFF  }
0xbe: {  	[dreg:$0x0] =	wrdreg $0xFFFFFFFF;
	(pc) =	sbr.abs _section_cstart, $3  }
0xbf: {  	[dreg:$0x1] =	wrdreg $0xFFFFFFFF  }
0xc0: {  	_ =	task.clear_ibuf [dreg:s6], $0x2FFFF;
	_ =	strace $0x9FFFFFFF  }
0xc1: {  	(tm) =	ssettm $0x7FFFFFFF  }
tec
execute0_lowered:
.L_overlay_start_1:
0x0: {  	(tag) =	ssettag $0x1  }
0x1: {  	s0 =	srdreg.scid  }
0x2: {  	s11 =	stileid.u32;
	s7 =	rddreg [dreg:$0x0]  }
0x3: {  	s3 =	simm.s32 $0x1;
	s20 =	simm.s32 $0x10000;
	s21 =	simm.s32 $0x3  }
0x4: {  	s28 =	simm.s32 $0x12800;
	s29 =	simm.s32 $0x13080;
	s30 =	simm.s32 $0x13100  }
0x5: {  	s31 =	simm.s32 $0x800;
	s0 =	sand.u32 $0x1, s0;
	s2 =	sand.u32 $0x7, s11  }
0x6: {  	s5 =	sadd.s32 $0x225200, s7;
	s1 =	sshll.u32 s0, $0x4;
	p1 =	sne.s32 s2, $0x0  }
0x7: {  	s2 =	simm.s32 $0x0;
	s0 =	ssub.s32 $0x2, s0;
	s1 =	sor.u32 s11, s1  }
0x8: {  	[smem:$0x7FF] =	sst s2;
	s10 =	sshrl.u32 s0, $0x1;
	s11 =	sshll.u32 s11, $0x1  }
0x9: {  	p0 =	seq.s32 s1, $0x0;
	s8 =	sshrl.u32 s1, $0x3;
	_ =	strace $0x80000047  }
0xa: {  	s0 =	ssub.s32 s0, s10;
	s13 =	sand.u32 $0xE, s11;
	p0 =	por !p1, !p0  }
0xb: {  	s22 =	sshll.u32 s8, $0x16;
	s23 =	sshll.u32 s13, $0x12;
	s24 =	sshll.u32 s8, $0x12  }
0xc: {  	s12 =	sshll.u32 s13, $0xE;
	s13 =	sshll.u32 s13, $0xA;
	s17 =	smul.u32 $0x50000, s8  }
0xd: {  	s0 =	smax.u32 s0, $0x1;
	p0 =	por !p0, !p0;
	[dreg:$0x3] =	wrdreg s22  }
0xe: {  	v24 =	vlaneseq.u32;
	[dreg:$0x4] =	wrdreg s24;
	s14 =	sor.u32 s12, s24;
	s12 =	sshll.u32 s8, $0xE  }
0xf: {  	v1 =	vor.u32 $0x10, v24;
	[dreg:$0x8] =	wrdreg s0;
	s24 =	simm.s32 $0x12000;
	s3 =	simm.s32 @!p0 $0x0  }
0x10: {  	v2 =	vor.u32 $0x20, v24;
	[tilespmem:$0x1FF60] =	vst v1;
	s14 =	sshrl.u32 s14, $0x3;
	s13 =	sor.u32 s13, s12;
	s4 =	ssub.s32 s8, s3  }
0x11: {  	v3 =	vor.u32 $0x30, v24;
	[tilespmem:$0x1FF70] =	vst v2;
	s3 =	sadd.s32 $0x205200, s7;
	s26 =	sshrl.u32 s13, $0x3;
	s6 =	sshll.u32 s4, $0xA  }
0x12: {  	v4 =	vor.u32 $0x40, v24;
	[tilespmem:$0x1FF80] =	vst v3;
	s8 =	simm.s32 $0x0;
	s4 =	sadd.s32 $0x5200, s7;
	s9 =	sand.u32 $0x1FFFFC00, s6  }
0x13: {  	v5 =	vor.u32 $0x50, v24;
	[tilespmem:$0x1FF90] =	vst v4;
	s25 =	sadd.s32 s3, s14;
	s6 =	simm.s32 $0x1;
	s9 =	sadd.s32 s9, s7  }
0x14: {  	v6 =	vor.u32 $0x60, v24;
	[tilespmem:$0x1FFA0] =	vst v5;
	[dreg:$0x6] =	wrdreg s25;
	s25 =	simm.s32 $0x13000;
	s9 =	sadd.s32 $0x4200, s9  }
0x15: {  	v7 =	vor.u32 $0x70, v24;
	[tilespmem:$0x1FFB0] =	vst v6;
	[dreg:$0x2] =	wrdreg s9;
	s9 =	sshll.u32 s1, $0x4;
	s1 =	sor.u32 s23, s22  }
0x16: {  	v9 =	vor.u32 $0x280, v24;
	[tilespmem:$0x1FFC0] =	vst v7;
	s7 =	sadd.s32 $0x227200, s7;
	s22 =	simm.s32 $0x10;
	s1 =	sshrl.u32 s1, $0x3  }
0x17: {  	v11 =	vor.u32 $0x500, v24;
	[tilespmem:$0x1FFD0] =	vst v9;
	s23 =	simm.s32 $0x80;
	s16 =	sand.u32 $0x70, s9;
	s1 =	sadd.s32 s4, s1  }
0x18: {  	v12 =	vor.u32 $0x780, v24;
	[tilespmem:$0x1FFE0] =	vst v11;
	s18 =	sor.u32 $0x2, s9;
	[dreg:$0x5] =	wrdreg s1;
	s1 =	sadd.s32 s5, s26  }
0x19: {  	v8 =	vimm.s32 $0x0;
	[tilespmem:$0x1FFF0] =	vst v12;
	s26 =	simm.s32 $0x8000;
	[dreg:$0x7] =	wrdreg s1;
	s1 =	simm.s32 $0x2  }
.LBB2_1:
0x1a: {  	[dreg:$0x9] =	wrdreg s8  }
0x1b: {  	s0 =	rddreg [dreg:$0x2]  }
0x1c: {  	[tilespmem:s20], [sflag:$0x3] =	stream.linear.gather [hbm4b:s0+s2], $0x2000, $0x38;
	[tilespmem:$0x13B00] =	vst v63  }
0x1d: {  	_ =	swait.ge [sflag:s21], $0x2000  }
0x1e: {  	[sflag:s21] =	ssyncset.done $0x0  }
0x1f: {  	s14 =	rddreg [dreg:$0x5];
	[sflag:s21] =	ssyncadd.s32 $0xFFFFE000  }
0x20: {  	[tilespmem:s2], [sflag:$0x1] =	stream.strided.gather [hbm4b:s14+s22], $0x8000, s23, s22, $0x38;
	[tilespmem:$0x13B00] =	vst v63  }
0x21: {  	s15 =	rddreg [dreg:$0x6]  }
0x22: {  	[tilespmem:s24], [sflag:$0x1] =	stream.strided.gather [hbm4b:s15+s22], $0x800, s23, s22, $0x38;
	[tilespmem:$0x13B00] =	vst v63  }
0x23: {  	s8 =	simm.s32 $0x0;
	s19 =	rddreg [dreg:$0x7]  }
0x24: {  	[tilespmem:s25], [sflag:$0x1] =	stream.strided.gather [hbm4b:s19+s22], $0x80, s23, s22, $0x38;
	[tilespmem:$0x13B00] =	vst v63  }
.LBB2_2:
0x25: {  	s14 =	sshll.u32 s8, $0x1  }
0x26: {  	s13 =	sor.u32 s9, s14  }
0x27: {  	s15 =	sshrl.u32 s13, $0x3  }
0x28: {  	s13 =	sshllo.u32 s8, $0x1;
	s15 =	sand.u32 $0xF, s15  }
0x29: {  	s10 =	rddreg [dreg:$0x3];
	s19 =	sshll.u32 s13, $0x4;
	s0 =	sshll.u32 s15, $0x12  }
0x2a: {  	s19 =	sand.u32 $0x70, s19;
	s0 =	sor.u32 s10, s0  }
0x2b: {  	s0 =	sor.u32 s19, s0  }
0x2c: {  	s0 =	sshrl.u32 s0, $0x3  }
0x2d: {  	s11 =	rddreg [dreg:$0x4];
	s10 =	sshll.u32 s15, $0xE;
	s0 =	sadd.s32 s4, s0  }
0x2e: {  	[tilespmem:s26], [sflag:$0x2] =	stream.strided.gather [hbm4b:s0+s22], $0x8000, s23, s22, $0x38;
	[tilespmem:$0x13B00] =	vst v63  }
0x2f: {  	s0 =	sor.u32 s11, s10  }
0x30: {  	s0 =	sor.u32 s19, s0  }
0x31: {  	s0 =	sshrl.u32 s0, $0x3  }
0x32: {  	s15 =	sshll.u32 s15, $0xA;
	s0 =	sadd.s32 s3, s0  }
0x33: {  	[tilespmem:s28], [sflag:$0x2] =	stream.strided.gather [hbm4b:s0+s22], $0x800, s23, s22, $0x38;
	[tilespmem:$0x13B00] =	vst v63  }
0x34: {  	s0 =	sor.u32 s12, s15  }
0x35: {  	s0 =	sor.u32 s19, s0  }
0x36: {  	s0 =	sshrl.u32 s0, $0x3  }
0x37: {  	s0 =	sadd.s32 s5, s0  }
0x38: {  	[tilespmem:s29], [sflag:$0x2] =	stream.strided.gather [hbm4b:s0+s22], $0x80, s23, s22, $0x38;
	[tilespmem:$0x13B00] =	vst v63  }
0x39: {  	_ =	swait.ge [sflag:s6], $0x8000  }
0x3a: {  	[sflag:s6] =	ssyncset.done $0x0  }
0x3b: {  	[sflag:s6] =	ssyncadd.s32 $0xFFFF8000  }
0x3c: {  	_ =	swait.ge [sflag:s6], $0x800  }
0x3d: {  	[sflag:s6] =	ssyncset.done $0x0  }
0x3e: {  	[sflag:s6] =	ssyncadd.s32 $0xFFFFF800  }
0x3f: {  	_ =	swait.ge [sflag:s6], $0x80  }
0x40: {  	[sflag:s6] =	ssyncset.done $0x0  }
0x41: {  	s15 =	simm.s32 $0x0;
	[sflag:s6] =	ssyncadd.s32 $0xFFFFFF80  }
.LBB2_3:
0x42: {  	_ =	sdelay $0x4  }
0x43: {  	v13 =	vld.idx.msk [tilespmem:v24+s25+$0x0], $0xffff  }
0x44: {  	v14 =	vld.idx.msk [tilespmem:v1+s25+$0x0], $0xffff;
	_ =	sdelay $0x1  }
0x45: {  	v15 =	vld.idx.msk [tilespmem:v2+s25+$0x0], $0xffff;
	_ =	sdelay $0x1  }
0x46: {  	v16 =	vld.idx.msk [tilespmem:v3+s25+$0x0], $0xffff  }
0x47: {  	vm0 =	vgt.f32 v14, v13  }
0x48: {  	v33 =	vld.idx.msk [tilespmem:v4+s25+$0x0], $0xffff;
	v13 =	vsel vm0, v14, v13  }
0x49: {  	vm1 =	vgt.f32 v15, v13  }
0x4a: {  	v34 =	vld.idx.msk [tilespmem:v5+s25+$0x0], $0xffff;
	v13 =	vsel vm1, v15, v13  }
0x4b: {  	vm2 =	vgt.f32 v16, v13  }
0x4c: {  	v35 =	vld.idx.msk [tilespmem:v6+s25+$0x0], $0xffff;
	v13 =	vsel vm2, v16, v13  }
0x4d: {  	vm3 =	vgt.f32 v33, v13  }
0x4e: {  	v36 =	vld.idx.msk [tilespmem:v7+s25+$0x0], $0xffff;
	v17 =	vsel vm0, $0x10, v8;
	v13 =	vsel vm3, v33, v13  }
0x4f: {  	v17 =	vsel vm1, $0x20, v17;
	vm6 =	vgt.f32 v34, v13  }
0x50: {  	v37 =	vsel vm2, $0x30, v17;
	v13 =	vsel vm6, v34, v13  }
0x51: {  	v15 =	vsel vm3, $0x40, v37;
	vm7 =	vgt.f32 v35, v13  }
0x52: {  	v15 =	vsel vm6, $0x50, v15;
	v13 =	vsel vm7, v35, v13  }
0x53: {  	v38 =	vsel vm7, $0x60, v15;
	vm8 =	vgt.f32 v36, v13  }
0x54: {  	v13 =	vsel vm8, $0x70, v38  }
0x55: {  	v39 =	vshll.u32 v13, $0x4;
	v3 =	vadd.s32 $0x1, v13  }
0x56: {  	v40 =	vor.u32 v24, v39;
	v41 =	vshll.u32 v3, $0x4  }
0x57: {  	v1 =	vadd.s32 $0x2, v13;
	v18 =	vor.u32 v24, v41  }
0x58: {  	v42 =	vshll.u32 v1, $0x4  }
0x59: {  	v2 =	vadd.s32 $0x3, v13;
	v20 =	vor.u32 v24, v42  }
0x5a: {  	v43 =	vshll.u32 v2, $0x4  }
0x5b: {  	v17 =	vadd.s32 $0x4, v13;
	v21 =	vor.u32 v24, v43;
	v22 =	vld.idx.msk [tilespmem:v40+s24+$0x0], $0xffff  }
0x5c: {  	v44 =	vshll.u32 v17, $0x4;
	v27 =	vld.idx.msk [tilespmem:v18+s24+$0x0], $0xffff  }
0x5d: {  	v23 =	vor.u32 v24, v44;
	v18 =	vadd.s32 $0x5, v13  }
0x5e: {  	v16 =	vld.idx.msk [tilespmem:v20+s24+$0x0], $0xffff;
	v45 =	vshll.u32 v18, $0x4  }
0x5f: {  	v0 =	vadd.s32 $0x6, v13;
	v26 =	vor.u32 v24, v45  }
0x60: {  	v46 =	vshll.u32 v0, $0x4;
	v25 =	vld.idx.msk [tilespmem:v21+s24+$0x0], $0xffff  }
0x61: {  	v29 =	vor.u32 v24, v46;
	v20 =	vadd.s32 $0x7, v13;
	vm9 =	vgt.f32 v27, v22  }
0x62: {  	v28 =	vld.idx.msk [tilespmem:v23+s24+$0x0], $0xffff;
	v47 =	vshll.u32 v20, $0x4;
	v30 =	vsel vm9, v27, v22  }
0x63: {  	v21 =	vadd.s32 $0x8, v13;
	v33 =	vor.u32 v24, v47;
	vm10 =	vgt.f32 v16, v30  }
0x64: {  	v48 =	vshll.u32 v21, $0x4;
	v32 =	vld.idx.msk [tilespmem:v26+s24+$0x0], $0xffff;
	v30 =	vsel vm10, v16, v30  }
0x65: {  	v23 =	vadd.s32 $0x9, v13;
	v35 =	vor.u32 v24, v48;
	vm11 =	vgt.f32 v25, v30  }
0x66: {  	v31 =	vld.idx.msk [tilespmem:v29+s24+$0x0], $0xffff;
	v26 =	vshll.u32 v23, $0x4;
	v30 =	vsel vm11, v25, v30  }
0x67: {  	v37 =	vor.u32 v24, v26;
	v26 =	vadd.s32 $0xA, v13;
	vm12 =	vgt.f32 v28, v30  }
0x68: {  	v34 =	vld.idx.msk [tilespmem:v33+s24+$0x0], $0xffff;
	v50 =	vshll.u32 v26, $0x4;
	v49 =	vsel vm12, v28, v30  }
0x69: {  	v39 =	vor.u32 v24, v50;
	v30 =	vadd.s32 $0xB, v13;
	vm4 =	vgt.f32 v32, v49  }
0x6a: {  	v36 =	vld.idx.msk [tilespmem:v35+s24+$0x0], $0xffff;
	v52 =	vshll.u32 v30, $0x4;
	v51 =	vsel vm4, v32, v49  }
0x6b: {  	v29 =	vadd.s32 $0xC, v13;
	v40 =	vor.u32 v24, v52;
	vm5 =	vgt.f32 v31, v51  }
0x6c: {  	v54 =	vshll.u32 v29, $0x4;
	v38 =	vld.idx.msk [tilespmem:v37+s24+$0x0], $0xffff;
	v53 =	vsel vm5, v31, v51  }
0x6d: {  	v41 =	vor.u32 v24, v54;
	v33 =	vadd.s32 $0xD, v13;
	vm6 =	vgt.f32 v34, v53  }
0x6e: {  	v55 =	vsel vm9, v3, v13;
	v56 =	vshll.u32 v33, $0x4;
	v39 =	vld.idx.msk [tilespmem:v39+s24+$0x0], $0xffff;
	v42 =	vsel vm6, v34, v53  }
0x6f: {  	v35 =	vadd.s32 $0xE, v13;
	v43 =	vor.u32 v24, v56;
	vm13 =	vgt.f32 v36, v42  }
0x70: {  	v44 =	vsel vm10, v1, v55;
	v57 =	vshll.u32 v35, $0x4;
	v40 =	vld.idx.msk [tilespmem:v40+s24+$0x0], $0xffff;
	v42 =	vsel vm13, v36, v42  }
0x71: {  	v45 =	vor.u32 v24, v57;
	v37 =	vadd.s32 $0xF, v13;
	vm14 =	vgt.f32 v38, v42  }
0x72: {  	v41 =	vld.idx.msk [tilespmem:v41+s24+$0x0], $0xffff;
	v44 =	vsel vm11, v2, v44;
	v46 =	vshll.u32 v37, $0x4;
	v42 =	vsel vm14, v38, v42  }
0x73: {  	v44 =	vsel vm12, v17, v44;
	v46 =	vor.u32 v24, v46;
	vm15 =	vgt.f32 v39, v42  }
0x74: {  	v44 =	vsel vm4, v18, v44;
	v47 =	vsel vm15, v39, v42;
	v42 =	vld.idx.msk [tilespmem:v43+s24+$0x0], $0xffff  }
0x75: {  	v58 =	vsel vm5, v0, v44;
	vm7 =	vgt.f32 v40, v47  }
0x76: {  	v44 =	vsel vm6, v20, v58;
	v43 =	vld.idx.msk [tilespmem:v45+s24+$0x0], $0xffff;
	v47 =	vsel vm7, v40, v47  }
0x77: {  	v44 =	vsel vm13, v21, v44;
	vm8 =	vgt.f32 v41, v47  }
0x78: {  	v59 =	vsel vm14, v23, v44;
	v44 =	vld.idx.msk [tilespmem:v46+s24+$0x0], $0xffff;
	v47 =	vsel vm8, v41, v47  }
0x79: {  	v45 =	vsel vm15, v26, v59;
	vm9 =	vgt.f32 v42, v47  }
0x7a: {  	v45 =	vsel vm7, v30, v45;
	v60 =	vsel vm9, v42, v47  }
0x7b: {  	v45 =	vsel vm8, v29, v45;
	vm10 =	vgt.f32 v43, v60  }
0x7c: {  	v45 =	vsel vm9, v33, v45;
	v46 =	vsel vm10, v43, v60  }
0x7d: {  	v45 =	vsel vm10, v35, v45;
	vm11 =	vgt.f32 v44, v46  }
0x7e: {  	v45 =	vsel vm11, v37, v45  }
0x7f: {  	v46 =	vshll.u32 v45, $0x4  }
0x80: {  	v61 =	vshll.u32 v45, $0x8;
	v48 =	vor.u32 $0x1, v46  }
0x81: {  	v47 =	vor.u32 v24, v61;
	v49 =	vshll.u32 v48, $0x4  }
0x82: {  	v50 =	vor.u32 $0x2, v46;
	v49 =	vor.u32 v24, v49  }
0x83: {  	v51 =	vshll.u32 v50, $0x4  }
0x84: {  	v52 =	vor.u32 $0x3, v46;
	v51 =	vor.u32 v24, v51  }
0x85: {  	v53 =	vshll.u32 v52, $0x4  }
0x86: {  	v54 =	vor.u32 $0x4, v46;
	v53 =	vor.u32 v24, v53;
	v47 =	vld.idx.msk [tilespmem:v47+s2+$0x0], $0xffff  }
0x87: {  	v55 =	vshll.u32 v54, $0x4;
	v49 =	vld.idx.msk [tilespmem:v49+s2+$0x0], $0xffff  }
0x88: {  	v56 =	vor.u32 $0x5, v46;
	v55 =	vor.u32 v24, v55  }
0x89: {  	v57 =	vshll.u32 v56, $0x4;
	v51 =	vld.idx.msk [tilespmem:v51+s2+$0x0], $0xffff  }
0x8a: {  	v58 =	vor.u32 $0x6, v46;
	v57 =	vor.u32 v24, v57  }
0x8b: {  	v59 =	vshll.u32 v58, $0x4;
	v53 =	vld.idx.msk [tilespmem:v53+s2+$0x0], $0xffff  }
0x8c: {  	v60 =	vor.u32 $0x7, v46;
	v59 =	vor.u32 v24, v59;
	vm12 =	vgt.f32 v49, v47  }
0x8d: {  	v62 =	vshll.u32 v60, $0x4;
	v55 =	vld.idx.msk [tilespmem:v55+s2+$0x0], $0xffff;
	v61 =	vsel vm12, v49, v47  }
0x8e: {  	v63 =	vor.u32 $0x8, v46;
	v62 =	vor.u32 v24, v62;
	vm13 =	vgt.f32 v51, v61  }
0x8f: {  	v8 =	vshll.u32 v63, $0x4;
	v57 =	vld.idx.msk [tilespmem:v57+s2+$0x0], $0xffff;
	v61 =	vsel vm13, v51, v61  }
0x90: {  	v15 =	vor.u32 $0x9, v46;
	v8 =	vor.u32 v24, v8;
	vm14 =	vgt.f32 v53, v61  }
0x91: {  	[tilespmem:$0x1FF30] =	vst v1;
	v1 =	vshll.u32 v15, $0x4;
	v59 =	vld.idx.msk [tilespmem:v59+s2+$0x0], $0xffff;
	v61 =	vsel vm14, v53, v61  }
0x92: {  	v14 =	vor.u32 $0xA, v46;
	v1 =	vor.u32 v24, v1;
	vm15 =	vgt.f32 v55, v61  }
0x93: {  	[tilespmem:$0x1FF20] =	vst v3;
	v3 =	vshll.u32 v14, $0x4;
	v62 =	vld.idx.msk [tilespmem:v62+s2+$0x0], $0xffff;
	v61 =	vsel vm15, v55, v61  }
0x94: {  	v12 =	vor.u32 $0xB, v46;
	v3 =	vor.u32 v24, v3;
	vm9 =	vgt.f32 v57, v61  }
0x95: {  	v5 =	vshll.u32 v12, $0x4;
	v8 =	vld.idx.msk [tilespmem:v8+s2+$0x0], $0xffff;
	v61 =	vsel vm9, v57, v61  }
0x96: {  	v6 =	vor.u32 $0xC, v46;
	v5 =	vor.u32 v24, v5;
	vm10 =	vgt.f32 v59, v61  }
0x97: {  	v7 =	vshll.u32 v6, $0x4;
	v1 =	vld.idx.msk [tilespmem:v1+s2+$0x0], $0xffff;
	v61 =	vsel vm10, v59, v61  }
0x98: {  	v9 =	vor.u32 $0xD, v46;
	v7 =	vor.u32 v24, v7;
	vm11 =	vgt.f32 v62, v61  }
0x99: {  	v4 =	vor.u32 $0xE, v46;
	v11 =	vshll.u32 v9, $0x4;
	v3 =	vld.idx.msk [tilespmem:v3+s2+$0x0], $0xffff;
	v61 =	vsel vm11, v62, v61  }
0x9a: {  	[tilespmem:$0x1FF40] =	vst v2;
	v11 =	vor.u32 v24, v11;
	v10 =	vsel vm12, v48, v46;
	vm12 =	vgt.f32 v8, v61  }
0x9b: {  	[tilespmem:$0x1FF50] =	vst v0;
	v2 =	vor.u32 $0xF, v46;
	v0 =	vshll.u32 v4, $0x4;
	v5 =	vld.idx.msk [tilespmem:v5+s2+$0x0], $0xffff;
	v61 =	vsel vm12, v8, v61  }
0x9c: {  	v0 =	vor.u32 v24, v0;
	v10 =	vsel vm13, v50, v10;
	vm13 =	vgt.f32 v1, v61  }
0x9d: {  	v19 =	vshll.u32 v2, $0x4;
	v7 =	vld.idx.msk [tilespmem:v7+s2+$0x0], $0xffff;
	v10 =	vsel vm14, v52, v10;
	v61 =	vsel vm13, v1, v61  }
0x9e: {  	v19 =	vor.u32 v24, v19;
	v10 =	vsel vm15, v54, v10;
	vm14 =	vgt.f32 v3, v61  }
0x9f: {  	v11 =	vld.idx.msk [tilespmem:v11+s2+$0x0], $0xffff;
	v10 =	vsel vm9, v56, v10;
	v61 =	vsel vm14, v3, v61  }
0xa0: {  	v10 =	vsel vm10, v58, v10;
	vm15 =	vgt.f32 v5, v61  }
0xa1: {  	v0 =	vld.idx.msk [tilespmem:v0+s2+$0x0], $0xffff;
	v10 =	vsel vm11, v60, v10;
	v61 =	vsel vm15, v5, v61  }
0xa2: {  	v10 =	vsel vm12, v63, v10;
	vm5 =	vgt.f32 v7, v61  }
0xa3: {  	v19 =	vld.idx.msk [tilespmem:v19+s2+$0x0], $0xffff;
	v10 =	vsel vm13, v15, v10;
	v61 =	vsel vm5, v7, v61  }
0xa4: {  	v10 =	vsel vm14, v14, v10;
	vm6 =	vgt.f32 v11, v61  }
0xa5: {  	v10 =	vsel vm15, v12, v10;
	v61 =	vsel vm6, v11, v61  }
0xa6: {  	v10 =	vsel vm5, v6, v10;
	vm7 =	vgt.f32 v0, v61  }
0xa7: {  	v10 =	vsel vm6, v9, v10;
	v61 =	vsel vm7, v0, v61  }
0xa8: {  	v10 =	vsel vm7, v4, v10;
	vm8 =	vgt.f32 v19, v61  }
0xa9: {  	v10 =	vsel vm8, v2, v10  }
0xaa: {  	vm0 =	veq.s32 v48, v10  }
0xab: {  	v48 =	vsel vm0, $0xFF800000, v49  }
0xac: {  	vm9 =	veq.s32 v46, v10;
	v47 =	vmax.f32 v47, v48  }
0xad: {  	v47 =	vsel vm9, v48, v47  }
0xae: {  	vm10 =	veq.s32 v50, v10;
	v48 =	vmax.f32 v47, v51  }
0xaf: {  	v47 =	vsel vm10, v47, v48  }
0xb0: {  	vm11 =	veq.s32 v52, v10;
	v48 =	vmax.f32 v47, v53  }
0xb1: {  	v47 =	vsel vm11, v47, v48  }
0xb2: {  	vm12 =	veq.s32 v54, v10;
	v48 =	vmax.f32 v47, v55  }
0xb3: {  	v47 =	vsel vm12, v47, v48  }
0xb4: {  	vm13 =	veq.s32 v56, v10;
	v48 =	vmax.f32 v47, v57  }
0xb5: {  	v47 =	vsel vm13, v47, v48  }
0xb6: {  	vm14 =	veq.s32 v58, v10;
	v48 =	vmax.f32 v47, v59  }
0xb7: {  	v47 =	vsel vm14, v47, v48  }
0xb8: {  	vm15 =	veq.s32 v60, v10;
	v48 =	vmax.f32 v47, v62  }
0xb9: {  	v47 =	vsel vm15, v47, v48  }
0xba: {  	vm4 =	veq.s32 v63, v10;
	v8 =	vmax.f32 v47, v8  }
0xbb: {  	v8 =	vsel vm4, v47, v8  }
0xbc: {  	vm5 =	veq.s32 v15, v10;
	v1 =	vmax.f32 v8, v1  }
0xbd: {  	v1 =	vsel vm5, v8, v1  }
0xbe: {  	s0 =	sshll.u32 s15, $0x4;
	vm6 =	veq.s32 v14, v10;
	v3 =	vmax.f32 v1, v3  }
0xbf: {  	v8 =	vld.idx.msk [tilespmem:v10+s20+$0x0], $0xffff;
	v1 =	vsel vm6, v1, v3;
	v3 =	vor.u32 s0, v24  }
0xc0: {  	vm7 =	veq.s32 v12, v10;
	v5 =	vmax.f32 v1, v5  }
0xc1: {  	vm8 =	veq.s32 v6, v10;
	v1 =	vsel vm7, v1, v5  }
0xc2: {  	vm9 =	veq.s32 v9, v10;
	v9 =	vld [tilespmem:$0x1FFD0];
	v62 =	vadd.s32 $0x800, v10;
	v5 =	vmax.f32 v1, v7  }
0xc3: {  	v1 =	vsel vm8, v1, v5  }
0xc4: {  	[tilespmem:v3+s30+$0x0] =	vst.idx.msk $0xffff, v8;
	v3 =	vmax.f32 v1, v11  }
0xc5: {  	v1 =	vsel vm9, v1, v3  }
0xc6: {  	vm10 =	veq.s32 v4, v10;
	v0 =	vmax.f32 v1, v0  }
0xc7: {  	v5 =	vld.idx.msk [tilespmem:v62+s20+$0x0], $0xffff;
	v3 =	vadd.s32 s0, v9;
	v0 =	vsel vm10, v1, v0  }
0xc8: {  	vm11 =	veq.s32 v2, v10;
	v1 =	vmax.f32 v0, v19  }
0xc9: {  	v0 =	vsel vm11, v0, v1;
	v1 =	vld [tilespmem:$0x1FF20];
	_ =	sdelay $0x1  }
0xca: {  	v4 =	vadd.s32 $0x1000, v10;
	v11 =	vld [tilespmem:$0x1FFE0]  }
0xcb: {  	[tilespmem:v3+s30+$0x0] =	vst.idx.msk $0xffff, v5;
	v3 =	vld [tilespmem:$0x1FF30];
	_ =	sdelay $0x1  }
0xcc: {  	vm13 =	veq.s32 v13, v45;
	vm12 =	veq.s32 v1, v45  }
0xcd: {  	v1 =	vsel vm13, v0, v22;
	v2 =	vsel vm12, v0, v27  }
0xce: {  	v1 =	vmax.f32 v1, v2;
	v2 =	vld.idx.msk [tilespmem:v4+s20+$0x0], $0xffff  }
0xcf: {  	vm14 =	veq.s32 v3, v45;
	v3 =	vadd.s32 s0, v11;
	v4 =	vld [tilespmem:$0x1FF40];
	_ =	sdelay $0x3  }
0xd0: {  	v63 =	vld [tilespmem:$0x1FFF0]  }
0xd1: {  	vm15 =	veq.s32 v4, v45;
	v4 =	vadd.s32 $0x1800, v10;
	[tilespmem:v3+s30+$0x0] =	vst.idx.msk $0xffff, v2;
	v2 =	vld [tilespmem:$0x1FF50];
	_ =	sdelay $0x1  }
0xd2: {  	vm4 =	veq.s32 v17, v45;
	vm5 =	veq.s32 v18, v45;
	v5 =	vsel vm14, v0, v16  }
0xd3: {  	vm7 =	veq.s32 v20, v45;
	v1 =	vmax.f32 v1, v5;
	v5 =	vsel vm15, v0, v25  }
0xd4: {  	v3 =	vadd.s32 s0, v63;
	v1 =	vmax.f32 v1, v5;
	v5 =	vsel vm4, v0, v28  }
0xd5: {  	v1 =	vmax.f32 v1, v5;
	v5 =	vsel vm5, v0, v32;
	vm6 =	veq.s32 v2, v45;
	v2 =	vld.idx.msk [tilespmem:v4+s20+$0x0], $0xffff  }
0xd6: {  	vm8 =	veq.s32 v21, v45;
	v1 =	vmax.f32 v1, v5;
	v4 =	vsel vm6, v0, v31  }
0xd7: {  	vm9 =	veq.s32 v23, v45;
	v1 =	vmax.f32 v1, v4;
	v4 =	vsel vm7, v0, v34  }
0xd8: {  	vm10 =	veq.s32 v26, v45;
	v1 =	vmax.f32 v1, v4;
	v4 =	vsel vm8, v0, v36  }
0xd9: {  	vm11 =	veq.s32 v30, v45;
	v1 =	vmax.f32 v1, v4;
	v4 =	vsel vm9, v0, v38  }
0xda: {  	v1 =	vmax.f32 v1, v4;
	[tilespmem:v3+s30+$0x0] =	vst.idx.msk $0xffff, v2;
	v2 =	vshll.u32 v10, $0x4;
	v3 =	vsel vm10, v0, v39  }
0xdb: {  	v1 =	vmax.f32 v1, v3;
	v2 =	vor.u32 v24, v2;
	v3 =	vsel vm11, v0, v40  }
0xdc: {  	vm12 =	veq.s32 v29, v45;
	v1 =	vmax.f32 v1, v3;
	v3 =	vor.u32 v24, v46  }
0xdd: {  	vm13 =	veq.s32 v33, v45;
	vm14 =	veq.s32 v35, v45;
	v4 =	vsel vm12, v0, v41  }
0xde: {  	v6 =	vld [tilespmem:$0x1FFB0];
	v5 =	vadd.s32 v24, v13;
	v1 =	vmax.f32 v1, v4;
	v4 =	vsel vm13, v0, v42  }
0xdf: {  	p0 =	sne.s32 s15, $0x27;
	v7 =	vld [tilespmem:$0x1FFC0];
	v10 =	vimm.f32 $-Inf;
	v1 =	vmax.f32 v1, v4;
	v4 =	vsel vm14, v0, v43  }
.Ltmp0:
0xe0: {  	vm15 =	veq.s32 v37, v45;
	v1 =	vmax.f32 v1, v4;
	v4 =	vld [tilespmem:$0x1FF90];
	[tilespmem:v2+s2+$0x0] =	vst.idx.msk $0xffff, v10;
	(pc) =	sbr.rel @p0 .LBB2_3-.Ltmp0, $4  }
0xe1: {  	v2 =	vsel vm15, v0, v44;
	[tilespmem:v3+s24+$0x0] =	vst.idx.msk $0xffff, v0;
	v3 =	vld [tilespmem:$0x1FF80]  }
0xe2: {  	v0 =	vmax.f32 v1, v2;
	v2 =	vld [tilespmem:$0x1FF70]  }
0xe3: {  	v1 =	vld [tilespmem:$0x1FF60]  }
0xe4: {  	s15 =	sadd.s32 $0x1, s15;
	v8 =	vimm.s32 $0x0;
	[tilespmem:v5+s25+$0x0] =	vst.idx.msk $0xffff, v0;
	v5 =	vld [tilespmem:$0x1FFA0]  }
0xe5: {  	s0 =	sadd.s32 s16, s14  }
0xe6: {  	s0 =	sshll.u32 s0, $0x4  }
0xe7: {  	s0 =	sadd.s32 s17, s0  }
0xe8: {  	s0 =	sshrl.u32 s0, $0x3  }
0xe9: {  	s19 =	smin.u32 s14, $0xD;
	s0 =	sadd.s32 s7, s0  }
0xea: {  	[hbm4b:s0+s22] =	stream.strided.scatter [tilespmem:s30], [sflag:$0x3], $0xA00, s31, s22, $0x38;
	[tilespmem:$0x13B00] =	vst v63  }
0xeb: {  	s0 =	sadd.s32 s19, s18  }
0xec: {  	s10 =	sshrl.u32 s0, $0x3  }
0xed: {  	s15 =	sshrl.u32 s0, $0x7;
	s19 =	sand.u32 $0xF, s10  }
0xee: {  	s0 =	sshll.u32 s0, $0x4;
	s11 =	sshll.u32 s15, $0x16;
	s10 =	sshll.u32 s19, $0x12  }
0xef: {  	s0 =	sand.u32 $0x70, s0;
	s10 =	sor.u32 s11, s10  }
0xf0: {  	_ =	swait.ge [sflag:s21], $0xA00;
	s10 =	sor.u32 s0, s10  }
0xf1: {  	[sflag:s21] =	ssyncset.done $0x0;
	s10 =	sshrl.u32 s10, $0x3  }
0xf2: {  	s14 =	simm.s32 $0x0;
	[sflag:s21] =	ssyncadd.s32 $0xFFFFF600;
	s10 =	sadd.s32 s4, s10  }
0xf3: {  	[tilespmem:s14], [sflag:$0x1] =	stream.strided.gather [hbm4b:s10+s22], $0x8000, s23, s22, $0x38;
	[tilespmem:$0x13B00] =	vst v63  }
0xf4: {  	s11 =	sshll.u32 s19, $0xE;
	s10 =	sshll.u32 s15, $0x12  }
0xf5: {  	s10 =	sor.u32 s10, s11  }
0xf6: {  	s10 =	sor.u32 s0, s10  }
0xf7: {  	s10 =	sshrl.u32 s10, $0x3  }
0xf8: {  	s19 =	sshll.u32 s19, $0xA;
	s15 =	sshll.u32 s15, $0xE;
	s10 =	sadd.s32 s3, s10  }
0xf9: {  	[tilespmem:s24], [sflag:$0x1] =	stream.strided.gather [hbm4b:s10+s22], $0x800, s23, s22, $0x38;
	[tilespmem:$0x13B00] =	vst v63  }
0xfa: {  	s10 =	sor.u32 s15, s19  }
0xfb: {  	s0 =	sor.u32 s0, s10  }
0xfc: {  	s0 =	sshrl.u32 s0, $0x3  }
0xfd: {  	s0 =	sadd.s32 s5, s0  }
0xfe: {  	[tilespmem:s25], [sflag:$0x1] =	stream.strided.gather [hbm4b:s0+s22], $0x80, s23, s22, $0x38;
	[tilespmem:$0x13B00] =	vst v63  }
0xff: {  	_ =	swait.ge [sflag:s1], $0x8000  }
0x100: {  	[sflag:s1] =	ssyncset.done $0x0  }
0x101: {  	[sflag:s1] =	ssyncadd.s32 $0xFFFF8000  }
0x102: {  	_ =	swait.ge [sflag:s1], $0x800  }
0x103: {  	[sflag:s1] =	ssyncset.done $0x0  }
0x104: {  	[sflag:s1] =	ssyncadd.s32 $0xFFFFF800  }
0x105: {  	_ =	swait.ge [sflag:s1], $0x80  }
0x106: {  	[sflag:s1] =	ssyncset.done $0x0  }
0x107: {  	[sflag:s1] =	ssyncadd.s32 $0xFFFFFF80  }
.LBB2_5:
0x108: {  	v1 =	vld [tilespmem:$0x1FF60];
	_ =	sdelay $0x1  }
0x109: {  	v2 =	vld [tilespmem:$0x1FF70];
	_ =	sdelay $0x1  }
0x10a: {  	v3 =	vld [tilespmem:$0x1FF80];
	_ =	sdelay $0x2  }
0x10b: {  	v0 =	vld.idx.msk [tilespmem:v24+s29+$0x0], $0xffff  }
0x10c: {  	v1 =	vld.idx.msk [tilespmem:v1+s29+$0x0], $0xffff;
	_ =	sdelay $0x1  }
0x10d: {  	v2 =	vld.idx.msk [tilespmem:v2+s29+$0x0], $0xffff;
	_ =	sdelay $0x1  }
0x10e: {  	v3 =	vld.idx.msk [tilespmem:v3+s29+$0x0], $0xffff  }
0x10f: {  	vm0 =	vgt.f32 v1, v0  }
0x110: {  	v0 =	vsel vm0, v1, v0;
	v1 =	vld.idx.msk [tilespmem:v4+s29+$0x0], $0xffff  }
0x111: {  	vm1 =	vgt.f32 v2, v0  }
0x112: {  	v0 =	vsel vm1, v2, v0;
	v2 =	vld.idx.msk [tilespmem:v5+s29+$0x0], $0xffff  }
0x113: {  	vm2 =	vgt.f32 v3, v0  }
0x114: {  	v0 =	vsel vm2, v3, v0;
	v3 =	vld.idx.msk [tilespmem:v6+s29+$0x0], $0xffff  }
0x115: {  	vm3 =	vgt.f32 v1, v0  }
0x116: {  	v4 =	vsel vm0, $0x10, v8;
	v0 =	vsel vm3, v1, v0;
	v1 =	vld.idx.msk [tilespmem:v7+s29+$0x0], $0xffff  }
0x117: {  	v4 =	vsel vm1, $0x20, v4;
	vm6 =	vgt.f32 v2, v0  }
0x118: {  	v0 =	vsel vm6, v2, v0;
	v2 =	vsel vm2, $0x30, v4  }
0x119: {  	vm7 =	vgt.f32 v3, v0;
	v2 =	vsel vm3, $0x40, v2  }
0x11a: {  	v0 =	vsel vm7, v3, v0;
	v2 =	vsel vm6, $0x50, v2  }
0x11b: {  	vm8 =	vgt.f32 v1, v0;
	v0 =	vsel vm7, $0x60, v2  }
0x11c: {  	v13 =	vsel vm8, $0x70, v0  }
0x11d: {  	v1 =	vshll.u32 v13, $0x4;
	v17 =	vadd.s32 $0x1, v13  }
0x11e: {  	v1 =	vor.u32 v24, v1;
	v2 =	vshll.u32 v17, $0x4  }
0x11f: {  	v7 =	vadd.s32 $0x2, v13;
	v2 =	vor.u32 v24, v2  }
0x120: {  	v3 =	vshll.u32 v7, $0x4  }
0x121: {  	v44 =	vadd.s32 $0x3, v13;
	v3 =	vor.u32 v24, v3  }
0x122: {  	v4 =	vshll.u32 v44, $0x4  }
0x123: {  	v8 =	vadd.s32 $0x4, v13;
	v4 =	vor.u32 v24, v4;
	v15 =	vld.idx.msk [tilespmem:v1+s28+$0x0], $0xffff  }
0x124: {  	v1 =	vshll.u32 v8, $0x4;
	v27 =	vld.idx.msk [tilespmem:v2+s28+$0x0], $0xffff  }
0x125: {  	v18 =	vadd.s32 $0x5, v13;
	v2 =	vor.u32 v24, v1  }
0x126: {  	v16 =	vld.idx.msk [tilespmem:v3+s28+$0x0], $0xffff;
	v3 =	vshll.u32 v18, $0x4  }
0x127: {  	v0 =	vadd.s32 $0x6, v13;
	v3 =	vor.u32 v24, v3  }
0x128: {  	v25 =	vld.idx.msk [tilespmem:v4+s28+$0x0], $0xffff;
	v4 =	vshll.u32 v0, $0x4  }
0x129: {  	v20 =	vadd.s32 $0x7, v13;
	v4 =	vor.u32 v24, v4;
	vm9 =	vgt.f32 v27, v15  }
0x12a: {  	v28 =	vld.idx.msk [tilespmem:v2+s28+$0x0], $0xffff;
	v2 =	vshll.u32 v20, $0x4;
	v5 =	vsel vm9, v27, v15  }
0x12b: {  	v21 =	vadd.s32 $0x8, v13;
	v2 =	vor.u32 v24, v2;
	vm10 =	vgt.f32 v16, v5  }
0x12c: {  	v32 =	vld.idx.msk [tilespmem:v3+s28+$0x0], $0xffff;
	v3 =	vshll.u32 v21, $0x4;
	v5 =	vsel vm10, v16, v5  }
0x12d: {  	v23 =	vadd.s32 $0x9, v13;
	v3 =	vor.u32 v24, v3;
	vm11 =	vgt.f32 v25, v5  }
0x12e: {  	v31 =	vld.idx.msk [tilespmem:v4+s28+$0x0], $0xffff;
	v4 =	vshll.u32 v23, $0x4;
	v5 =	vsel vm11, v25, v5  }
0x12f: {  	v26 =	vadd.s32 $0xA, v13;
	v4 =	vor.u32 v24, v4;
	vm12 =	vgt.f32 v28, v5  }
0x130: {  	v34 =	vld.idx.msk [tilespmem:v2+s28+$0x0], $0xffff;
	v2 =	vshll.u32 v26, $0x4;
	v5 =	vsel vm12, v28, v5  }
0x131: {  	v30 =	vadd.s32 $0xB, v13;
	v2 =	vor.u32 v24, v2;
	vm4 =	vgt.f32 v32, v5  }
0x132: {  	v36 =	vld.idx.msk [tilespmem:v3+s28+$0x0], $0xffff;
	v3 =	vshll.u32 v30, $0x4;
	v5 =	vsel vm4, v32, v5  }
0x133: {  	v29 =	vadd.s32 $0xC, v13;
	v3 =	vor.u32 v24, v3;
	vm5 =	vgt.f32 v31, v5  }
0x134: {  	v38 =	vld.idx.msk [tilespmem:v4+s28+$0x0], $0xffff;
	v4 =	vshll.u32 v29, $0x4;
	v5 =	vsel vm5, v31, v5  }
0x135: {  	v33 =	vadd.s32 $0xD, v13;
	v4 =	vor.u32 v24, v4;
	vm6 =	vgt.f32 v34, v5  }
0x136: {  	v35 =	vadd.s32 $0xE, v13;
	v39 =	vld.idx.msk [tilespmem:v2+s28+$0x0], $0xffff;
	v2 =	vshll.u32 v33, $0x4;
	v5 =	vsel vm6, v34, v5  }
0x137: {  	v37 =	vadd.s32 $0xF, v13;
	v2 =	vor.u32 v24, v2;
	vm13 =	vgt.f32 v36, v5  }
0x138: {  	v6 =	vsel vm9, v17, v13;
	v40 =	vld.idx.msk [tilespmem:v3+s28+$0x0], $0xffff;
	v3 =	vshll.u32 v35, $0x4;
	v5 =	vsel vm13, v36, v5  }
0x139: {  	v6 =	vsel vm10, v7, v6;
	v3 =	vor.u32 v24, v3;
	vm14 =	vgt.f32 v38, v5  }
0x13a: {  	v6 =	vsel vm11, v44, v6;
	v41 =	vld.idx.msk [tilespmem:v4+s28+$0x0], $0xffff;
	v4 =	vshll.u32 v37, $0x4;
	v5 =	vsel vm14, v38, v5  }
0x13b: {  	v6 =	vsel vm12, v8, v6;
	v4 =	vor.u32 v24, v4;
	vm15 =	vgt.f32 v39, v5  }
0x13c: {  	v6 =	vsel vm4, v18, v6;
	v42 =	vld.idx.msk [tilespmem:v2+s28+$0x0], $0xffff;
	v5 =	vsel vm15, v39, v5  }
0x13d: {  	v2 =	vsel vm5, v0, v6;
	vm7 =	vgt.f32 v40, v5  }
0x13e: {  	v2 =	vsel vm6, v20, v2;
	v43 =	vld.idx.msk [tilespmem:v3+s28+$0x0], $0xffff;
	v5 =	vsel vm7, v40, v5  }
0x13f: {  	v2 =	vsel vm13, v21, v2;
	vm8 =	vgt.f32 v41, v5  }
0x140: {  	[tilespmem:$0x1FF00] =	vst v0;
	v0 =	vld.idx.msk [tilespmem:v4+s28+$0x0], $0xffff;
	v2 =	vsel vm14, v23, v2;
	v3 =	vsel vm8, v41, v5  }
0x141: {  	v2 =	vsel vm15, v26, v2;
	vm9 =	vgt.f32 v42, v3  }
0x142: {  	v2 =	vsel vm7, v30, v2;
	v3 =	vsel vm9, v42, v3  }
0x143: {  	v2 =	vsel vm8, v29, v2;
	vm10 =	vgt.f32 v43, v3  }
0x144: {  	v2 =	vsel vm9, v33, v2;
	v3 =	vsel vm10, v43, v3  }
0x145: {  	v2 =	vsel vm10, v35, v2;
	vm11 =	vgt.f32 v0, v3  }
0x146: {  	v45 =	vsel vm11, v37, v2  }
0x147: {  	v46 =	vshll.u32 v45, $0x4  }
0x148: {  	v2 =	vshll.u32 v45, $0x8;
	v5 =	vor.u32 $0x1, v46  }
0x149: {  	v2 =	vor.u32 v24, v2;
	v4 =	vshll.u32 v5, $0x4  }
0x14a: {  	v14 =	vor.u32 $0x2, v46;
	v4 =	vor.u32 v24, v4  }
0x14b: {  	v6 =	vshll.u32 v14, $0x4  }
0x14c: {  	[tilespmem:$0x1FEE0] =	vst v7;
	v7 =	vor.u32 $0x3, v46;
	v6 =	vor.u32 v24, v6  }
0x14d: {  	[tilespmem:$0x1FEF0] =	vst v8;
	v8 =	vshll.u32 v7, $0x4  }
0x14e: {  	v9 =	vor.u32 $0x4, v46;
	v8 =	vor.u32 v24, v8;
	v3 =	vld.idx.msk [tilespmem:v2+s26+$0x0], $0xffff  }
0x14f: {  	v10 =	vshll.u32 v9, $0x4;
	v4 =	vld.idx.msk [tilespmem:v4+s26+$0x0], $0xffff  }
0x150: {  	v11 =	vor.u32 $0x5, v46;
	v10 =	vor.u32 v24, v10  }
0x151: {  	v12 =	vshll.u32 v11, $0x4;
	v6 =	vld.idx.msk [tilespmem:v6+s26+$0x0], $0xffff  }
0x152: {  	v19 =	vor.u32 $0x6, v46;
	v12 =	vor.u32 v24, v12  }
0x153: {  	v47 =	vshll.u32 v19, $0x4;
	v8 =	vld.idx.msk [tilespmem:v8+s26+$0x0], $0xffff  }
0x154: {  	v48 =	vor.u32 $0x7, v46;
	v47 =	vor.u32 v24, v47;
	vm12 =	vgt.f32 v4, v3  }
0x155: {  	v50 =	vshll.u32 v48, $0x4;
	v10 =	vld.idx.msk [tilespmem:v10+s26+$0x0], $0xffff;
	v49 =	vsel vm12, v4, v3  }
0x156: {  	v51 =	vor.u32 $0x8, v46;
	v50 =	vor.u32 v24, v50;
	vm13 =	vgt.f32 v6, v49  }
0x157: {  	v52 =	vshll.u32 v51, $0x4;
	v12 =	vld.idx.msk [tilespmem:v12+s26+$0x0], $0xffff;
	v49 =	vsel vm13, v6, v49  }
0x158: {  	v53 =	vor.u32 $0x9, v46;
	v52 =	vor.u32 v24, v52;
	vm14 =	vgt.f32 v8, v49  }
0x159: {  	v54 =	vshll.u32 v53, $0x4;
	v47 =	vld.idx.msk [tilespmem:v47+s26+$0x0], $0xffff;
	v49 =	vsel vm14, v8, v49  }
0x15a: {  	v55 =	vor.u32 $0xA, v46;
	v54 =	vor.u32 v24, v54;
	vm15 =	vgt.f32 v10, v49  }
0x15b: {  	v56 =	vshll.u32 v55, $0x4;
	v50 =	vld.idx.msk [tilespmem:v50+s26+$0x0], $0xffff;
	v49 =	vsel vm15, v10, v49  }
0x15c: {  	v57 =	vor.u32 $0xB, v46;
	v56 =	vor.u32 v24, v56;
	vm9 =	vgt.f32 v12, v49  }
0x15d: {  	v58 =	vshll.u32 v57, $0x4;
	v52 =	vld.idx.msk [tilespmem:v52+s26+$0x0], $0xffff;
	v49 =	vsel vm9, v12, v49  }
0x15e: {  	v59 =	vor.u32 $0xC, v46;
	v58 =	vor.u32 v24, v58;
	vm10 =	vgt.f32 v47, v49  }
0x15f: {  	v61 =	vor.u32 $0xD, v46;
	v60 =	vshll.u32 v59, $0x4;
	v54 =	vld.idx.msk [tilespmem:v54+s26+$0x0], $0xffff;
	v49 =	vsel vm10, v47, v49  }
0x160: {  	v63 =	vshll.u32 v61, $0x4;
	v60 =	vor.u32 v24, v60;
	vm11 =	vgt.f32 v50, v49  }
0x161: {  	v63 =	vor.u32 v24, v63;
	v56 =	vld.idx.msk [tilespmem:v56+s26+$0x0], $0xffff;
	v49 =	vsel vm11, v50, v49  }
0x162: {  	v2 =	vor.u32 $0xE, v46;
	v62 =	vsel vm12, v5, v46;
	vm12 =	vgt.f32 v52, v49  }
0x163: {  	[tilespmem:$0x1FF10] =	vst v0;
	v1 =	vor.u32 $0xF, v46;
	v0 =	vshll.u32 v2, $0x4;
	v58 =	vld.idx.msk [tilespmem:v58+s26+$0x0], $0xffff;
	v49 =	vsel vm12, v52, v49  }
0x164: {  	v0 =	vor.u32 v24, v0;
	v62 =	vsel vm13, v14, v62;
	vm13 =	vgt.f32 v54, v49  }
0x165: {  	v22 =	vshll.u32 v1, $0x4;
	v60 =	vld.idx.msk [tilespmem:v60+s26+$0x0], $0xffff;
	v62 =	vsel vm14, v7, v62;
	v49 =	vsel vm13, v54, v49  }
0x166: {  	v22 =	vor.u32 v24, v22;
	v62 =	vsel vm15, v9, v62;
	vm14 =	vgt.f32 v56, v49  }
0x167: {  	v63 =	vld.idx.msk [tilespmem:v63+s26+$0x0], $0xffff;
	v62 =	vsel vm9, v11, v62;
	v49 =	vsel vm14, v56, v49  }
0x168: {  	v62 =	vsel vm10, v19, v62;
	vm15 =	vgt.f32 v58, v49  }
0x169: {  	v0 =	vld.idx.msk [tilespmem:v0+s26+$0x0], $0xffff;
	v62 =	vsel vm11, v48, v62;
	v49 =	vsel vm15, v58, v49  }
0x16a: {  	v62 =	vsel vm12, v51, v62;
	vm5 =	vgt.f32 v60, v49  }
0x16b: {  	v22 =	vld.idx.msk [tilespmem:v22+s26+$0x0], $0xffff;
	v62 =	vsel vm13, v53, v62;
	v49 =	vsel vm5, v60, v49  }
0x16c: {  	v62 =	vsel vm14, v55, v62;
	vm6 =	vgt.f32 v63, v49  }
0x16d: {  	v62 =	vsel vm15, v57, v62;
	v49 =	vsel vm6, v63, v49  }
0x16e: {  	v62 =	vsel vm5, v59, v62;
	vm7 =	vgt.f32 v0, v49  }
0x16f: {  	v62 =	vsel vm6, v61, v62;
	v49 =	vsel vm7, v0, v49  }
0x170: {  	v62 =	vsel vm7, v2, v62;
	vm8 =	vgt.f32 v22, v49  }
0x171: {  	v49 =	vsel vm8, v1, v62  }
0x172: {  	vm0 =	veq.s32 v5, v49  }
0x173: {  	v4 =	vsel vm0, $0xFF800000, v4  }
0x174: {  	vm9 =	veq.s32 v46, v49;
	v3 =	vmax.f32 v3, v4  }
0x175: {  	v3 =	vsel vm9, v4, v3  }
0x176: {  	vm10 =	veq.s32 v14, v49;
	v4 =	vmax.f32 v3, v6  }
0x177: {  	v3 =	vsel vm10, v3, v4  }
0x178: {  	vm11 =	veq.s32 v7, v49;
	v4 =	vmax.f32 v3, v8  }
0x179: {  	v3 =	vsel vm11, v3, v4  }
0x17a: {  	vm12 =	veq.s32 v9, v49;
	v4 =	vmax.f32 v3, v10  }
0x17b: {  	v3 =	vsel vm12, v3, v4  }
0x17c: {  	vm13 =	veq.s32 v11, v49;
	v4 =	vmax.f32 v3, v12  }
0x17d: {  	v3 =	vsel vm13, v3, v4  }
0x17e: {  	vm14 =	veq.s32 v19, v49;
	v4 =	vmax.f32 v3, v47  }
0x17f: {  	v3 =	vsel vm14, v3, v4  }
0x180: {  	vm15 =	veq.s32 v48, v49;
	v4 =	vmax.f32 v3, v50  }
0x181: {  	v3 =	vsel vm15, v3, v4  }
0x182: {  	vm4 =	veq.s32 v51, v49;
	v4 =	vmax.f32 v3, v52  }
0x183: {  	v3 =	vsel vm4, v3, v4  }
0x184: {  	vm5 =	veq.s32 v53, v49;
	v4 =	vmax.f32 v3, v54  }
0x185: {  	v3 =	vsel vm5, v3, v4  }
0x186: {  	s0 =	sshll.u32 s14, $0x4;
	vm6 =	veq.s32 v55, v49;
	v4 =	vmax.f32 v3, v56  }
0x187: {  	v5 =	vld.idx.msk [tilespmem:v49+s20+$0x0], $0xffff;
	v3 =	vsel vm6, v3, v4;
	v4 =	vor.u32 s0, v24  }
0x188: {  	vm7 =	veq.s32 v57, v49;
	v7 =	vmax.f32 v3, v58  }
0x189: {  	v3 =	vsel vm7, v3, v7  }
0x18a: {  	vm8 =	veq.s32 v59, v49;
	v7 =	vmax.f32 v3, v60  }
0x18b: {  	v3 =	vsel vm8, v3, v7  }
0x18c: {  	vm9 =	veq.s32 v61, v49;
	[tilespmem:v4+s30+$0x0] =	vst.idx.msk $0xffff, v5;
	v4 =	vmax.f32 v3, v63  }
0x18d: {  	v9 =	vld [tilespmem:$0x1FFD0];
	v6 =	vadd.s32 $0x800, v49;
	v3 =	vsel vm9, v3, v4  }
0x18e: {  	vm10 =	veq.s32 v2, v49;
	v0 =	vmax.f32 v3, v0  }
0x18f: {  	v0 =	vsel vm10, v3, v0  }
0x190: {  	vm11 =	veq.s32 v1, v49;
	v1 =	vmax.f32 v0, v22  }
0x191: {  	v11 =	vld [tilespmem:$0x1FFE0];
	vm12 =	veq.s32 v17, v45;
	vm13 =	veq.s32 v13, v45;
	v0 =	vsel vm11, v0, v1  }
0x192: {  	v5 =	vld.idx.msk [tilespmem:v6+s20+$0x0], $0xffff;
	v4 =	vadd.s32 s0, v9;
	v1 =	vsel vm13, v0, v15;
	v3 =	vsel vm12, v0, v27  }
0x193: {  	v2 =	vadd.s32 $0x1000, v49;
	v1 =	vmax.f32 v1, v3;
	v3 =	vld [tilespmem:$0x1FEE0];
	_ =	sdelay $0x3  }
0x194: {  	[tilespmem:v4+s30+$0x0] =	vst.idx.msk $0xffff, v5  }
0x195: {  	v2 =	vld.idx.msk [tilespmem:v2+s20+$0x0], $0xffff;
	vm14 =	veq.s32 v3, v45;
	v3 =	vadd.s32 s0, v11;
	_ =	sdelay $0x3  }
0x196: {  	v62 =	vld [tilespmem:$0x1FFF0]  }
0x197: {  	v4 =	vadd.s32 $0x1800, v49;
	[tilespmem:v3+s30+$0x0] =	vst.idx.msk $0xffff, v2;
	v2 =	vld [tilespmem:$0x1FF00]  }
0x198: {  	v5 =	vsel vm14, v0, v16  }
0x199: {  	v1 =	vmax.f32 v1, v5;
	v5 =	vld [tilespmem:$0x1FEF0];
	_ =	sdelay $0x2  }
0x19a: {  	v3 =	vadd.s32 s0, v62;
	vm6 =	veq.s32 v2, v45;
	v2 =	vld.idx.msk [tilespmem:v4+s20+$0x0], $0xffff  }
0x19b: {  	v10 =	vimm.f32 $-Inf;
	vm15 =	veq.s32 v44, v45  }
0x19c: {  	vm5 =	veq.s32 v18, v45;
	vm4 =	veq.s32 v5, v45;
	v5 =	vsel vm15, v0, v25  }
0x19d: {  	vm7 =	veq.s32 v20, v45;
	v1 =	vmax.f32 v1, v5;
	v5 =	vsel vm4, v0, v28  }
0x19e: {  	vm8 =	veq.s32 v21, v45;
	v1 =	vmax.f32 v1, v5;
	v5 =	vsel vm5, v0, v32  }
0x19f: {  	v1 =	vmax.f32 v1, v5;
	v4 =	vsel vm6, v0, v31;
	[tilespmem:v3+s30+$0x0] =	vst.idx.msk $0xffff, v2;
	v2 =	vshll.u32 v49, $0x4  }
0x1a0: {  	v1 =	vmax.f32 v1, v4;
	v4 =	vsel vm7, v0, v34;
	v2 =	vor.u32 v24, v2  }
0x1a1: {  	vm9 =	veq.s32 v23, v45;
	v1 =	vmax.f32 v1, v4;
	v4 =	vsel vm8, v0, v36  }
0x1a2: {  	vm10 =	veq.s32 v26, v45;
	v1 =	vmax.f32 v1, v4;
	v4 =	vsel vm9, v0, v38  }
0x1a3: {  	vm11 =	veq.s32 v30, v45;
	v1 =	vmax.f32 v1, v4;
	v3 =	vsel vm10, v0, v39  }
0x1a4: {  	vm12 =	veq.s32 v29, v45;
	v1 =	vmax.f32 v1, v3;
	v3 =	vsel vm11, v0, v40  }
0x1a5: {  	v1 =	vmax.f32 v1, v3;
	v3 =	vor.u32 v24, v46;
	[tilespmem:v2+s26+$0x0] =	vst.idx.msk $0xffff, v10;
	v2 =	vld [tilespmem:$0x1FF10]  }
0x1a6: {  	vm13 =	veq.s32 v33, v45;
	v4 =	vsel vm12, v0, v41  }
0x1a7: {  	v7 =	vld [tilespmem:$0x1FFC0];
	vm14 =	veq.s32 v35, v45;
	v1 =	vmax.f32 v1, v4;
	v4 =	vsel vm13, v0, v42  }
0x1a8: {  	p0 =	sne.s32 s14, $0x27;
	v6 =	vld [tilespmem:$0x1FFB0];
	v5 =	vadd.s32 v24, v13;
	v1 =	vmax.f32 v1, v4;
	v4 =	vsel vm14, v0, v43  }
.Ltmp1:
0x1a9: {  	vm15 =	veq.s32 v37, v45;
	v1 =	vmax.f32 v1, v4;
	v4 =	vld [tilespmem:$0x1FF90];
	(pc) =	sbr.rel @p0 .LBB2_5-.Ltmp1, $4  }
0x1aa: {  	[tilespmem:v3+s28+$0x0] =	vst.idx.msk $0xffff, v0;
	v3 =	vld [tilespmem:$0x1FF80];
	v2 =	vsel vm15, v0, v2  }
0x1ab: {  	v0 =	vmax.f32 v1, v2;
	v2 =	vld [tilespmem:$0x1FF70]  }
0x1ac: {  	v1 =	vld [tilespmem:$0x1FF60]  }
0x1ad: {  	s14 =	sadd.s32 $0x1, s14;
	v8 =	vimm.s32 $0x0;
	[tilespmem:v5+s29+$0x0] =	vst.idx.msk $0xffff, v0;
	v5 =	vld [tilespmem:$0x1FFA0]  }
0x1ae: {  	s0 =	sadd.s32 s9, s13  }
0x1af: {  	s0 =	sshll.u32 s0, $0x4  }
0x1b0: {  	s0 =	sand.u32 $0x7F0, s0  }
0x1b1: {  	s8 =	sadd.s32 $0x1, s8;
	s0 =	sor.u32 s17, s0  }
0x1b2: {  	p0 =	sne.s32 s8, $0x8;
	s0 =	sshrl.u32 s0, $0x3  }
.Ltmp2:
0x1b3: {  	s0 =	sadd.s32 s7, s0;
	(pc) =	sbr.rel @p0 .LBB2_2-.Ltmp2, $4  }
0x1b4: {  	[hbm4b:s0+s22] =	stream.strided.scatter [tilespmem:s30], [sflag:$0x3], $0xA00, s31, s22, $0x38;
	[tilespmem:$0x13B00] =	vst v63  }
0x1b5: {  	_ =	swait.ge [sflag:s21], $0xA00  }
0x1b6: {  	[sflag:s21] =	ssyncset.done $0x0  }
0x1b7: {  	[sflag:s21] =	ssyncadd.s32 $0xFFFFF600  }
0x1b8: {  	_ =	swait.ge [sflag:s6], $0x8000  }
0x1b9: {  	[sflag:s6] =	ssyncset.done $0x0  }
0x1ba: {  	[sflag:s6] =	ssyncadd.s32 $0xFFFF8000  }
0x1bb: {  	_ =	swait.ge [sflag:s6], $0x800  }
0x1bc: {  	[sflag:s6] =	ssyncset.done $0x0  }
0x1bd: {  	[sflag:s6] =	ssyncadd.s32 $0xFFFFF800  }
0x1be: {  	_ =	swait.ge [sflag:s6], $0x80  }
0x1bf: {  	s8 =	rddreg [dreg:$0x9]  }
0x1c0: {  	s0 =	rddreg [dreg:$0x8];
	s8 =	sadd.s32 $0x1, s8  }
0x1c1: {  	p0 =	sne.s32 s8, s0  }
.Ltmp3:
0x1c2: {  	_ = 	snop;
	(pc) =	sbr.rel @p0 .LBB2_1-.Ltmp3, $3  }
0x1c3: {  	_ =	sdelay $0x1  }
0x1c4: {  	[sflag:s6] =	ssyncset.done $0x0  }
0x1c5: {  	[sflag:s6] =	ssyncadd.s32 $0xFFFFFF80  }
0x1c6: {  	_ =	sfence.sel $0x180000  }
0x1c7: {  	[bflag:$0x0] =	sbarrier.arrive $0xFFFF  }
0x1c8: {  	_ =	strace $0x90000047  }
0x1c9: {  	s0 =	stileid.u32;
	[bflag:$0x2] =	sbarrier.arrive $0xFFFF  }
0x1ca: {  	p0 =	sne.s32 s0, $0x0;
	s0 =	rddreg [dreg:$0x1]  }
0x1cb: {  	s0 =	sadd.s32 @!p0 $0x100000, s0  }
0x1cc: {  	[sflag:s0] =	ssyncadd.tile.s32 @!p0 $0x1;
	_ =	shalt  }
.Lfunc_end2:
_tile_overlayer_lowered:
.L_overlay_start_2:
0x1cd: {  	(tag) =	ssettag $0x2  }
0x1ce: {  	s0 =	rddreg [dreg:$0x0];
	s2 =	stileid.u32  }
0x1cf: {  	s1 =	rddreg [dreg:$0x1];
	p0 =	sne.s32 s2, $0x0  }
0x1d0: {  	s3 =	rddreg [dreg:$0x2];
	[bflag:$0x3] =	sbarrier.arrive $0xFFFF;
	s2 =	simm.s32 @!p0 $0x1C03  }
0x1d1: {  	[timem:s3], [sflag:s2] =	dma.local @!p0 [hbm:s0], s1  }
0x1d2: {  	s0 =	simm.s32 @!p0 $0x3  }
0x1d3: {  	_ =	swait.ge @!p0 [sflag:s0], s1  }
0x1d4: {  	s1 =	ssub.s32 @!p0 $0x0, s1;
	[sflag:s0] =	ssyncset.done @!p0 $0x0  }
0x1d5: {  	[sflag:s0] =	ssyncadd.s32 @!p0 s1  }
0x1d6: {  	[bflag:$0x3] =	sbarrier.arrive $0xFFFF  }
0x1d7: {  	_ =	shalt  }

</sc_bundles>
